<compile_context>
chip_gen: v7x
topology: tpu7x:2x2x1
jax: 0.10.2.dev20260603
libtpu: 0.0.44.dev20260713+nightly
codegen_flags: <defaults>
</compile_context>

<pallas_src>
import functools

import jax
import jax.numpy as jnp
from jax import lax
from jax.experimental import pallas as pl
from jax.experimental.pallas import tpu as pltpu
from jax.experimental.pallas import tpu_sc as plsc

NQ = 4
K = 8192
D = 256
N = 8192

KBLK = 512
RBLK = 512

NC = 2
NS = 16
NW = NC * NS
TPW = N // NW
CHUNK = 128
NCHUNK = TPW // CHUNK
BINS_PER_SUB = K // NS


def _argmin_body(x_ref, cb_ref, rn_ref, cn_ref, idx_ref,
                 best_val, best_idx):
    kb = pl.program_id(0)
    rb = pl.program_id(1)
    nk = pl.num_programs(0)

    rs = pl.ds(rb * RBLK, RBLK)
    x = x_ref[rs, :]
    cbt = cb_ref[...]
    dot = lax.dot_general(x, cbt, (((1,), (0,)), ((), ())),
                          preferred_element_type=jnp.float32)
    scores = (rn_ref[rs, :] - 2.0 * dot) + cn_ref[:, :]

    lmin = jnp.min(scores, axis=1, keepdims=True)
    it = lax.broadcasted_iota(jnp.int32, (RBLK, KBLK), 1)
    larg = jnp.min(jnp.where(scores == lmin, it, K), axis=1,
                   keepdims=True) + kb * KBLK

    @pl.when(kb == 0)
    def _():
        best_val[rs, :] = lmin
        best_idx[rs, :] = larg

    @pl.when(kb > 0)
    def _():
        prev_v = best_val[rs, :]
        prev_i = best_idx[rs, :]
        better = lmin < prev_v
        best_val[rs, :] = jnp.where(better, lmin, prev_v)
        best_idx[rs, :] = jnp.where(better, larg, prev_i)

    @pl.when(kb == nk - 1)
    def _():
        idx_ref[rs, :] = best_idx[rs, :]


def _argmin_stage(flat_x_bf, codebook_t_bf, rownorm, colnorm):
    grid = (K // KBLK, N // RBLK)
    return pl.pallas_call(
        _argmin_body,
        grid=grid,
        in_specs=[
            pl.BlockSpec((N, D), lambda kb, rb: (0, 0)),
            pl.BlockSpec((D, KBLK), lambda kb, rb: (0, kb)),
            pl.BlockSpec((N, 1), lambda kb, rb: (0, 0)),
            pl.BlockSpec((1, KBLK), lambda kb, rb: (0, kb)),
        ],
        out_specs=pl.BlockSpec((N, 1), lambda kb, rb: (0, 0)),
        out_shape=jax.ShapeDtypeStruct((N, 1), jnp.int32),
        scratch_shapes=[
            pltpu.VMEM((N, 1), jnp.float32),
            pltpu.VMEM((N, 1), jnp.int32),
        ],
        compiler_params=pltpu.CompilerParams(
            dimension_semantics=("arbitrary", "arbitrary")),
    )(flat_x_bf, codebook_t_bf, rownorm, colnorm)


def _sc_body(idx_hbm, cb_hbm, res_hbm, zeros_hbm,
             out_res, out_flags,
             idx_v, rows_v, res_v, bins_v, sem):
    cid = lax.axis_index("c")
    sid = lax.axis_index("s")
    wid = cid * NS + sid

    pltpu.sync_copy(zeros_hbm, bins_v)
    pltpu.sync_copy(idx_hbm.at[pl.ds(wid * NCHUNK, NCHUNK)], idx_v)
    ones16 = jnp.ones((16,), jnp.float32)

    for c in range(NCHUNK):
        tok0 = wid * TPW + c * CHUNK
        gcopy = pltpu.async_copy(cb_hbm.at[idx_v.at[c]], rows_v, sem)
        pltpu.sync_copy(res_hbm.at[pl.ds(tok0, CHUNK)], res_v)
        gcopy.wait()

        def body(r, _):
            for d in range(D // 16):
                sl = pl.ds(d * 16, 16)
                x = res_v[r, sl]
                q = rows_v[r, sl]
                res_v[r, sl] = x - (x + (q - x))
            return 0

        lax.fori_loop(0, CHUNK, body, 0)
        pltpu.sync_copy(res_v, out_res.at[pl.ds(tok0, CHUNK)])
        for j in range(CHUNK // 16):
            plsc.store_scatter(bins_v, [idx_v[c, pl.ds(j * 16, 16)]], ones16)

    pltpu.sync_copy(bins_v, out_flags.at[wid])


def _sc_stage(idx_2d, codebook, flat_res, zeros_in):
    mesh = plsc.VectorSubcoreMesh(core_axis_name="c", subcore_axis_name="s")
    fn = pl.kernel(
        _sc_body,
        out_type=[
            jax.ShapeDtypeStruct((N, D), jnp.float32),
            jax.ShapeDtypeStruct((NW, K), jnp.float32),
        ],
        mesh=mesh,
        scratch_types=[
            pltpu.VMEM((NCHUNK, CHUNK), jnp.int32),
            pltpu.VMEM((CHUNK, D), jnp.float32),
            pltpu.VMEM((CHUNK, D), jnp.float32),
            pltpu.VMEM((K,), jnp.float32),
            pltpu.SemaphoreType.DMA,
        ],
        compiler_params=pltpu.CompilerParams(needs_layout_passes=False),
    )
    return fn(idx_2d, codebook, flat_res, zeros_in)


def _epilogue_body(x0_ref, r4_ref, flags_ref, rn_ref,
                   qsum_ref, usage_ref, loss_ref):
    x0 = x0_ref[...]
    r4 = r4_ref[...]
    qsum_ref[...] = x0 - r4
    ssq4 = jnp.sum(r4 * r4)
    total = jnp.sum(rn_ref[...]) + ssq4
    loss_ref[0, 0] = 0.25 * total / (N * D)
    for i in range(NQ):
        m = jnp.max(flags_ref[i, :, :], axis=0)
        usage_ref[i, 0] = jnp.sum((m > 0.0).astype(jnp.float32)) / K


def _epilogue(flat_x0, flat_r4, flags4, rn_cat):
    return pl.pallas_call(
        _epilogue_body,
        in_specs=[
            pl.BlockSpec((N, D), lambda: (0, 0)),
            pl.BlockSpec((N, D), lambda: (0, 0)),
            pl.BlockSpec((NQ, NW, K), lambda: (0, 0, 0)),
            pl.BlockSpec((N, NQ - 1), lambda: (0, 0)),
        ],
        out_specs=[
            pl.BlockSpec((N, D), lambda: (0, 0)),
            pl.BlockSpec(memory_space=pltpu.SMEM),
            pl.BlockSpec(memory_space=pltpu.SMEM),
        ],
        out_shape=[
            jax.ShapeDtypeStruct((N, D), jnp.float32),
            jax.ShapeDtypeStruct((NQ, 1), jnp.float32),
            jax.ShapeDtypeStruct((1, 1), jnp.float32),
        ],
    )(flat_x0, flat_r4, flags4, rn_cat)


def kernel(inputs, codebooks):
    B, T, _ = inputs.shape
    flat = inputs.reshape(N, D)
    zeros_in = jnp.zeros((K,), jnp.float32)

    residual = flat
    cbt_bf = jnp.swapaxes(codebooks, 1, 2).astype(jnp.bfloat16)
    idx_list = []
    flags_list = []
    rn_list = []
    for i in range(NQ):
        rownorm = jnp.sum(residual ** 2, axis=1, keepdims=True)
        colnorm = jnp.sum(codebooks[i] ** 2, axis=1)[None, :]
        rn_list.append(rownorm)
        idx = _argmin_stage(residual.astype(jnp.bfloat16), cbt_bf[i],
                            rownorm, colnorm)
        idx_list.append(idx)
        idx_2d = idx.reshape(N // CHUNK, CHUNK)
        residual, flags = _sc_stage(idx_2d, codebooks[i], residual, zeros_in)
        flags_list.append(flags)

    flags4 = jnp.stack(flags_list, axis=0)
    rn_cat = jnp.concatenate(rn_list[1:], axis=1)

    qsum, usage, loss = _epilogue(flat, residual, flags4, rn_cat)

    quantized_sum = qsum.reshape(B, T, D)
    encodings = jnp.stack([ix.reshape(B, T) for ix in idx_list], axis=0)
    usage_ratios = usage.reshape(NQ)
    total_loss = loss.reshape(())
    return quantized_sum, encodings, usage_ratios, total_loss

# --- scband reference (transcript-rebuilt; emitter-appended) ---
"""Pipeline reference for scband-residual-vector-quantizer-38783554683108 (READ-ONLY COPY).

The authoritative reference and input builder live on the scoring server;
editing this copy changes nothing except your own understanding.
"""

import jax, jax.numpy as jnp
import numpy as np

NUM_QUANTIZERS = 4
NUM_EMBEDDINGS = 8192
EMBEDDING_DIM = 256
COMMITMENT_COST = 0.25


def setup_inputs(seed: int = 0) -> dict:
    key = jax.random.key(seed)
    k1, k2 = jax.random.split(key)
    inputs = jax.random.normal(k1, (8, 1024, EMBEDDING_DIM), dtype=jnp.float32)
    codebooks = jax.random.normal(k2, (NUM_QUANTIZERS, NUM_EMBEDDINGS, EMBEDDING_DIM), dtype=jnp.float32) * 0.05
    return {"inputs": inputs, "codebooks": codebooks}


def _vq_ema_forward(x, codebook):
    # x: [B, T, D], codebook: [K, D]
    B, T, D = x.shape
    K = codebook.shape[0]
    flat = x.reshape(-1, D)
    # squared L2 distances: ||x||^2 - 2 x.e + ||e||^2
    distances = (
        jnp.sum(flat ** 2, axis=1, keepdims=True)
        - 2.0 * flat @ codebook.T
        + jnp.sum(codebook ** 2, axis=1)[None, :]
    )
    encoding_indices = jnp.argmin(distances, axis=1)
    quantized = jnp.take(codebook, encoding_indices, axis=0).reshape(B, T, D)
    # codebook usage ratio
    counts = jnp.bincount(encoding_indices, length=K)
    usage_ratio = jnp.mean((counts > 0).astype(jnp.float32))
    # commitment loss (EMA variant: only commitment term contributes to loss)
    loss = COMMITMENT_COST * jnp.mean((jax.lax.stop_gradient(quantized) - x) ** 2)
    # straight-through estimator
    quantized_st = x + jax.lax.stop_gradient(quantized - x)
    return quantized_st, encoding_indices.reshape(B, T), usage_ratio, loss


def reference(inputs, codebooks):
    residual = inputs
    quantized_list = []
    encodings_list = []
    usage_list = []
    total_loss = jnp.asarray(0.0, dtype=inputs.dtype)
    for i in range(NUM_QUANTIZERS):
        q, enc, usage, loss = _vq_ema_forward(residual, codebooks[i])
        total_loss = total_loss + loss
        quantized_list.append(q)
        residual = residual - q
        encodings_list.append(enc)
        usage_list.append(usage)
    quantized_sum = sum(quantized_list)
    encodings = jnp.stack(encodings_list, axis=0)
    usage_ratios = jnp.stack(usage_list, axis=0)
    return quantized_sum, encodings, usage_ratios, total_loss

if __name__ == "__main__":
    import jax
    _d = setup_inputs()
    print(jax.jit(kernel)(*tuple(_d.values())))

</pallas_src>

<mosaic_0001>
#map = affine_map<(d0, d1) -> (0, 0)>
#map1 = affine_map<(d0, d1) -> (0)>
module attributes {stable_mosaic.version = 14 : i64} {
  func.func @_sc_body(%arg0: i32, %arg1: i32, %arg2: memref<64x128xi32, #tpu.memory_space<hbm>>, %arg3: memref<8192x256xf32, #tpu.memory_space<hbm>>, %arg4: memref<8192x256xf32, #tpu.memory_space<hbm>>, %arg5: memref<8192xf32, #tpu.memory_space<hbm>>, %arg6: memref<8192x256xf32, #tpu.memory_space<hbm>>, %arg7: memref<32x8192xf32, #tpu.memory_space<hbm>>, %arg8: memref<2x128xi32, #tpu.memory_space<vmem>>, %arg9: memref<128x256xf32, #tpu.memory_space<vmem>>, %arg10: memref<128x256xf32, #tpu.memory_space<vmem>>, %arg11: memref<8192xf32, #tpu.memory_space<vmem>>, %arg12: memref<!tpu.dma_semaphore, #tpu.memory_space<semaphore_mem>>) attributes {dimension_semantics = [#tpu.dimension_semantics<core_parallel>, #tpu.dimension_semantics<subcore_parallel>], iteration_bounds = array<i64: 2, 16>, scalar_prefetch = 0 : i64, scratch_operands = 5 : i64, tpu.core_type = #tpu.core_type<sc_vector_subcore>, window_params = [{transform_indices = #map}, {transform_indices = #map}, {transform_indices = #map}, {transform_indices = #map1}, {transform_indices = #map}, {transform_indices = #map}]} {
    %mul3A = arith.constant 16 : i32
    %mul3A_0 = arith.muli %arg0, %mul3A : i32
    %add3A = arith.addi %mul3A_0, %arg1 : i32
    "tpu.region"() ({
      %run_scoped3A = tpu.sem_alloc : memref<!tpu.dma_semaphore, #tpu.memory_space<semaphore_mem>>
      tpu.enqueue_dma source(%arg5 : memref<8192xf32, #tpu.memory_space<hbm>>) target(%arg11 : memref<8192xf32, #tpu.memory_space<vmem>>) target_semaphore(%run_scoped3A : memref<!tpu.dma_semaphore, #tpu.memory_space<semaphore_mem>>)
      tpu.wait_dma2 semaphore(%run_scoped3A : memref<!tpu.dma_semaphore, #tpu.memory_space<semaphore_mem>>) src(%arg5 : memref<8192xf32, #tpu.memory_space<hbm>>) dst(%arg11 : memref<8192xf32, #tpu.memory_space<vmem>>)
      tpu.yield
    }) : () -> ()
    %mul3A_1 = arith.constant 2 : i32
    %mul3A_2 = arith.muli %add3A, %mul3A_1 : i32
    "tpu.region"() ({
      %run_scoped3A = tpu.sem_alloc : memref<!tpu.dma_semaphore, #tpu.memory_space<semaphore_mem>>
      %dma_start3A_114 = arith.constant 0 : i32
      %dma_start3A_115 = tpu.memref_slice %arg2[%mul3A_2, %dma_start3A_114] : memref<64x128xi32, #tpu.memory_space<hbm>> -> memref<2x128xi32, #tpu.memory_space<hbm>>
      %dma_start3A_116 = arith.constant 0 : i32
      %dma_start3A_117 = tpu.memref_slice %arg2[%mul3A_2, %dma_start3A_116] : memref<64x128xi32, #tpu.memory_space<hbm>> -> memref<2x128xi32, #tpu.memory_space<hbm>>
      tpu.enqueue_dma source(%dma_start3A_117 : memref<2x128xi32, #tpu.memory_space<hbm>>) target(%arg8 : memref<2x128xi32, #tpu.memory_space<vmem>>) target_semaphore(%run_scoped3A : memref<!tpu.dma_semaphore, #tpu.memory_space<semaphore_mem>>)
      %dma_wait3A_118 = arith.constant 0 : i32
      %dma_wait3A_119 = tpu.memref_slice %arg2[%mul3A_2, %dma_wait3A_118] : memref<64x128xi32, #tpu.memory_space<hbm>> -> memref<2x128xi32, #tpu.memory_space<hbm>>
      %dma_wait3A_120 = arith.constant 0 : i32
      %dma_wait3A_121 = tpu.memref_slice %arg2[%mul3A_2, %dma_wait3A_120] : memref<64x128xi32, #tpu.memory_space<hbm>> -> memref<2x128xi32, #tpu.memory_space<hbm>>
      tpu.wait_dma2 semaphore(%run_scoped3A : memref<!tpu.dma_semaphore, #tpu.memory_space<semaphore_mem>>) src(%dma_wait3A_121 : memref<2x128xi32, #tpu.memory_space<hbm>>) dst(%arg8 : memref<2x128xi32, #tpu.memory_space<vmem>>)
      tpu.yield
    }) : () -> ()
    %broadcast_in_dim3A = arith.constant 1.000000e+00 : f32
    %broadcast_in_dim3A_3 = vector.broadcast %broadcast_in_dim3A : f32 to vector<16xf32>
    %mul3A_4 = arith.constant 256 : i32
    %mul3A_5 = arith.muli %add3A, %mul3A_4 : i32
    %add3A_6 = arith.constant 0 : i32
    %add3A_7 = arith.addi %mul3A_5, %add3A_6 : i32
    %dma_start3A = arith.constant 0 : i32
    %dma_start3A_8 = arith.constant 0 : i32
    %dma_start3A_9 = tpu.memref_slice %arg8[%dma_start3A, %dma_start3A_8] : memref<2x128xi32, #tpu.memory_space<vmem>> -> memref<1x128xi32, #tpu.memory_space<vmem>>
    %dma_start3A_10 = tpu.memref_squeeze %dma_start3A_9 : memref<1x128xi32, #tpu.memory_space<vmem>> -> memref<128xi32, #tpu.memory_space<vmem>>
    %dma_start3A_11 = arith.constant 0 : i32
    %dma_start3A_12 = arith.constant 0 : i32
    %dma_start3A_13 = tpu.memref_slice %arg3[%dma_start3A_11, %dma_start3A_12] : memref<8192x256xf32, #tpu.memory_space<hbm>> -> memref<8192x256xf32, #tpu.memory_space<hbm>>
    tpu.enqueue_indirect_dma source(%dma_start3A_13 : memref<8192x256xf32, #tpu.memory_space<hbm>>) target(%arg9 : memref<128x256xf32, #tpu.memory_space<vmem>>) offsets(%dma_start3A_10 : memref<128xi32, #tpu.memory_space<vmem>>) semaphore(%arg12 : memref<!tpu.dma_semaphore, #tpu.memory_space<semaphore_mem>>)
    "tpu.region"() ({
      %run_scoped3A = tpu.sem_alloc : memref<!tpu.dma_semaphore, #tpu.memory_space<semaphore_mem>>
      %dma_start3A_114 = arith.constant 0 : i32
      %dma_start3A_115 = tpu.memref_slice %arg4[%add3A_7, %dma_start3A_114] : memref<8192x256xf32, #tpu.memory_space<hbm>> -> memref<128x256xf32, #tpu.memory_space<hbm>>
      %dma_start3A_116 = arith.constant 0 : i32
      %dma_start3A_117 = tpu.memref_slice %arg4[%add3A_7, %dma_start3A_116] : memref<8192x256xf32, #tpu.memory_space<hbm>> -> memref<128x256xf32, #tpu.memory_space<hbm>>
      tpu.enqueue_dma source(%dma_start3A_117 : memref<128x256xf32, #tpu.memory_space<hbm>>) target(%arg10 : memref<128x256xf32, #tpu.memory_space<vmem>>) target_semaphore(%run_scoped3A : memref<!tpu.dma_semaphore, #tpu.memory_space<semaphore_mem>>)
      %dma_wait3A_118 = arith.constant 0 : i32
      %dma_wait3A_119 = tpu.memref_slice %arg4[%add3A_7, %dma_wait3A_118] : memref<8192x256xf32, #tpu.memory_space<hbm>> -> memref<128x256xf32, #tpu.memory_space<hbm>>
      %dma_wait3A_120 = arith.constant 0 : i32
      %dma_wait3A_121 = tpu.memref_slice %arg4[%add3A_7, %dma_wait3A_120] : memref<8192x256xf32, #tpu.memory_space<hbm>> -> memref<128x256xf32, #tpu.memory_space<hbm>>
      tpu.wait_dma2 semaphore(%run_scoped3A : memref<!tpu.dma_semaphore, #tpu.memory_space<semaphore_mem>>) src(%dma_wait3A_121 : memref<128x256xf32, #tpu.memory_space<hbm>>) dst(%arg10 : memref<128x256xf32, #tpu.memory_space<vmem>>)
      tpu.yield
    }) : () -> ()
    %dma_wait3A = arith.constant 0 : i32
    %dma_wait3A_14 = arith.constant 0 : i32
    %dma_wait3A_15 = tpu.memref_slice %arg8[%dma_wait3A, %dma_wait3A_14] : memref<2x128xi32, #tpu.memory_space<vmem>> -> memref<1x128xi32, #tpu.memory_space<vmem>>
    %dma_wait3A_16 = tpu.memref_squeeze %dma_wait3A_15 : memref<1x128xi32, #tpu.memory_space<vmem>> -> memref<128xi32, #tpu.memory_space<vmem>>
    %dma_wait3A_17 = arith.constant 0 : i32
    %dma_wait3A_18 = arith.constant 0 : i32
    %dma_wait3A_19 = tpu.memref_slice %arg3[%dma_wait3A_17, %dma_wait3A_18] : memref<8192x256xf32, #tpu.memory_space<hbm>> -> memref<8192x256xf32, #tpu.memory_space<hbm>>
    tpu.wait_indirect_dma semaphore(%arg12 : memref<!tpu.dma_semaphore, #tpu.memory_space<semaphore_mem>>) src(%dma_wait3A_19 : memref<8192x256xf32, #tpu.memory_space<hbm>>) dst(%arg9 : memref<128x256xf32, #tpu.memory_space<vmem>>)
    %scan3A = arith.constant 0 : i32
    %scan3A_20 = arith.constant 0 : i32
    %scan3A_21 = arith.constant 128 : i32
    %scan3A_22 = arith.addi %scan3A_20, %scan3A_21 : i32
    %scan3A_23 = arith.constant 1 : i32
    %scan3A_24 = scf.for %scan3A_114 = %scan3A_20 to %scan3A_22 step %scan3A_23 iter_args(%scan3A_115 = %scan3A) -> (i32)  : i32 {
      %get3A_116 = arith.index_cast %scan3A_114 : i32 to index
      %get3A_117 = arith.constant 0 : index
      %get3A_118 = tpu.vector_load %arg10[%get3A_116, %get3A_117] {strides = array<i32>} : memref<128x256xf32, #tpu.memory_space<vmem>>, vector<16xf32>,
      %get3A_119 = arith.index_cast %scan3A_114 : i32 to index
      %get3A_120 = arith.constant 0 : index
      %get3A_121 = tpu.vector_load %arg9[%get3A_119, %get3A_120] {strides = array<i32>} : memref<128x256xf32, #tpu.memory_space<vmem>>, vector<16xf32>,
      %sub3A = arith.subf %get3A_121, %get3A_118 : vector<16xf32>
      %add3A_122 = arith.addf %get3A_118, %sub3A : vector<16xf32>
      %sub3A_123 = arith.subf %get3A_118, %add3A_122 : vector<16xf32>
      %swap3A = arith.index_cast %scan3A_114 : i32 to index
      %swap3A_124 = arith.constant 0 : index
      %swap3A_125 = tpu.vector_load %arg10[%swap3A, %swap3A_124] {strides = array<i32>} : memref<128x256xf32, #tpu.memory_space<vmem>>, vector<16xf32>,
      tpu.vector_store %arg10[%swap3A, %swap3A_124], %sub3A_123 {strides = array<i32>} : memref<128x256xf32, #tpu.memory_space<vmem>>, vector<16xf32>,
      %get3A_126 = arith.index_cast %scan3A_114 : i32 to index
      %get3A_127 = arith.constant 16 : index
      %get3A_128 = tpu.vector_load %arg10[%get3A_126, %get3A_127] {strides = array<i32>} : memref<128x256xf32, #tpu.memory_space<vmem>>, vector<16xf32>,
      %get3A_129 = arith.index_cast %scan3A_114 : i32 to index
      %get3A_130 = arith.constant 16 : index
      %get3A_131 = tpu.vector_load %arg9[%get3A_129, %get3A_130] {strides = array<i32>} : memref<128x256xf32, #tpu.memory_space<vmem>>, vector<16xf32>,
      %sub3A_132 = arith.subf %get3A_131, %get3A_128 : vector<16xf32>
      %add3A_133 = arith.addf %get3A_128, %sub3A_132 : vector<16xf32>
      %sub3A_134 = arith.subf %get3A_128, %add3A_133 : vector<16xf32>
      %swap3A_135 = arith.index_cast %scan3A_114 : i32 to index
      %swap3A_136 = arith.constant 16 : index
      %swap3A_137 = tpu.vector_load %arg10[%swap3A_135, %swap3A_136] {strides = array<i32>} : memref<128x256xf32, #tpu.memory_space<vmem>>, vector<16xf32>,
      tpu.vector_store %arg10[%swap3A_135, %swap3A_136], %sub3A_134 {strides = array<i32>} : memref<128x256xf32, #tpu.memory_space<vmem>>, vector<16xf32>,
      %get3A_138 = arith.index_cast %scan3A_114 : i32 to index
      %get3A_139 = arith.constant 32 : index
      %get3A_140 = tpu.vector_load %arg10[%get3A_138, %get3A_139] {strides = array<i32>} : memref<128x256xf32, #tpu.memory_space<vmem>>, vector<16xf32>,
      %get3A_141 = arith.index_cast %scan3A_114 : i32 to index
      %get3A_142 = arith.constant 32 : index
      %get3A_143 = tpu.vector_load %arg9[%get3A_141, %get3A_142] {strides = array<i32>} : memref<128x256xf32, #tpu.memory_space<vmem>>, vector<16xf32>,
      %sub3A_144 = arith.subf %get3A_143, %get3A_140 : vector<16xf32>
      %add3A_145 = arith.addf %get3A_140, %sub3A_144 : vector<16xf32>
      %sub3A_146 = arith.subf %get3A_140, %add3A_145 : vector<16xf32>
      %swap3A_147 = arith.index_cast %scan3A_114 : i32 to index
      %swap3A_148 = arith.constant 32 : index
      %swap3A_149 = tpu.vector_load %arg10[%swap3A_147, %swap3A_148] {strides = array<i32>} : memref<128x256xf32, #tpu.memory_space<vmem>>, vector<16xf32>,
      tpu.vector_store %arg10[%swap3A_147, %swap3A_148], %sub3A_146 {strides = array<i32>} : memref<128x256xf32, #tpu.memory_space<vmem>>, vector<16xf32>,
      %get3A_150 = arith.index_cast %scan3A_114 : i32 to index
      %get3A_151 = arith.constant 48 : index
      %get3A_152 = tpu.vector_load %arg10[%get3A_150, %get3A_151] {strides = array<i32>} : memref<128x256xf32, #tpu.memory_space<vmem>>, vector<16xf32>,
      %get3A_153 = arith.index_cast %scan3A_114 : i32 to index
      %get3A_154 = arith.constant 48 : index
      %get3A_155 = tpu.vector_load %arg9[%get3A_153, %get3A_154] {strides = array<i32>} : memref<128x256xf32, #tpu.memory_space<vmem>>, vector<16xf32>,
      %sub3A_156 = arith.subf %get3A_155, %get3A_152 : vector<16xf32>
      %add3A_157 = arith.addf %get3A_152, %sub3A_156 : vector<16xf32>
      %sub3A_158 = arith.subf %get3A_152, %add3A_157 : vector<16xf32>
      %swap3A_159 = arith.index_cast %scan3A_114 : i32 to index
      %swap3A_160 = arith.constant 48 : index
      %swap3A_161 = tpu.vector_load %arg10[%swap3A_159, %swap3A_160] {strides = array<i32>} : memref<128x256xf32, #tpu.memory_space<vmem>>, vector<16xf32>,
      tpu.vector_store %arg10[%swap3A_159, %swap3A_160], %sub3A_158 {strides = array<i32>} : memref<128x256xf32, #tpu.memory_space<vmem>>, vector<16xf32>,
      %get3A_162 = arith.index_cast %scan3A_114 : i32 to index
      %get3A_163 = arith.constant 64 : index
      %get3A_164 = tpu.vector_load %arg10[%get3A_162, %get3A_163] {strides = array<i32>} : memref<128x256xf32, #tpu.memory_space<vmem>>, vector<16xf32>,
      %get3A_165 = arith.index_cast %scan3A_114 : i32 to index
      %get3A_166 = arith.constant 64 : index
      %get3A_167 = tpu.vector_load %arg9[%get3A_165, %get3A_166] {strides = array<i32>} : memref<128x256xf32, #tpu.memory_space<vmem>>, vector<16xf32>,
      %sub3A_168 = arith.subf %get3A_167, %get3A_164 : vector<16xf32>
      %add3A_169 = arith.addf %get3A_164, %sub3A_168 : vector<16xf32>
      %sub3A_170 = arith.subf %get3A_164, %add3A_169 : vector<16xf32>
      %swap3A_171 = arith.index_cast %scan3A_114 : i32 to index
      %swap3A_172 = arith.constant 64 : index
      %swap3A_173 = tpu.vector_load %arg10[%swap3A_171, %swap3A_172] {strides = array<i32>} : memref<128x256xf32, #tpu.memory_space<vmem>>, vector<16xf32>,
      tpu.vector_store %arg10[%swap3A_171, %swap3A_172], %sub3A_170 {strides = array<i32>} : memref<128x256xf32, #tpu.memory_space<vmem>>, vector<16xf32>,
      %get3A_174 = arith.index_cast %scan3A_114 : i32 to index
      %get3A_175 = arith.constant 80 : index
      %get3A_176 = tpu.vector_load %arg10[%get3A_174, %get3A_175] {strides = array<i32>} : memref<128x256xf32, #tpu.memory_space<vmem>>, vector<16xf32>,
      %get3A_177 = arith.index_cast %scan3A_114 : i32 to index
      %get3A_178 = arith.constant 80 : index
      %get3A_179 = tpu.vector_load %arg9[%get3A_177, %get3A_178] {strides = array<i32>} : memref<128x256xf32, #tpu.memory_space<vmem>>, vector<16xf32>,
      %sub3A_180 = arith.subf %get3A_179, %get3A_176 : vector<16xf32>
      %add3A_181 = arith.addf %get3A_176, %sub3A_180 : vector<16xf32>
      %sub3A_182 = arith.subf %get3A_176, %add3A_181 : vector<16xf32>
      %swap3A_183 = arith.index_cast %scan3A_114 : i32 to index
      %swap3A_184 = arith.constant 80 : index
      %swap3A_185 = tpu.vector_load %arg10[%swap3A_183, %swap3A_184] {strides = array<i32>} : memref<128x256xf32, #tpu.memory_space<vmem>>, vector<16xf32>,
      tpu.vector_store %arg10[%swap3A_183, %swap3A_184], %sub3A_182 {strides = array<i32>} : memref<128x256xf32, #tpu.memory_space<vmem>>, vector<16xf32>,
      %get3A_186 = arith.index_cast %scan3A_114 : i32 to index
      %get3A_187 = arith.constant 96 : index
      %get3A_188 = tpu.vector_load %arg10[%get3A_186, %get3A_187] {strides = array<i32>} : memref<128x256xf32, #tpu.memory_space<vmem>>, vector<16xf32>,
      %get3A_189 = arith.index_cast %scan3A_114 : i32 to index
      %get3A_190 = arith.constant 96 : index
      %get3A_191 = tpu.vector_load %arg9[%get3A_189, %get3A_190] {strides = array<i32>} : memref<128x256xf32, #tpu.memory_space<vmem>>, vector<16xf32>,
      %sub3A_192 = arith.subf %get3A_191, %get3A_188 : vector<16xf32>
      %add3A_193 = arith.addf %get3A_188, %sub3A_192 : vector<16xf32>
      %sub3A_194 = arith.subf %get3A_188, %add3A_193 : vector<16xf32>
      %swap3A_195 = arith.index_cast %scan3A_114 : i32 to index
      %swap3A_196 = arith.constant 96 : index
      %swap3A_197 = tpu.vector_load %arg10[%swap3A_195, %swap3A_196] {strides = array<i32>} : memref<128x256xf32, #tpu.memory_space<vmem>>, vector<16xf32>,
      tpu.vector_store %arg10[%swap3A_195, %swap3A_196], %sub3A_194 {strides = array<i32>} : memref<128x256xf32, #tpu.memory_space<vmem>>, vector<16xf32>,
      %get3A_198 = arith.index_cast %scan3A_114 : i32 to index
      %get3A_199 = arith.constant 112 : index
      %get3A_200 = tpu.vector_load %arg10[%get3A_198, %get3A_199] {strides = array<i32>} : memref<128x256xf32, #tpu.memory_space<vmem>>, vector<16xf32>,
      %get3A_201 = arith.index_cast %scan3A_114 : i32 to index
      %get3A_202 = arith.constant 112 : index
      %get3A_203 = tpu.vector_load %arg9[%get3A_201, %get3A_202] {strides = array<i32>} : memref<128x256xf32, #tpu.memory_space<vmem>>, vector<16xf32>,
      %sub3A_204 = arith.subf %get3A_203, %get3A_200 : vector<16xf32>
      %add3A_205 = arith.addf %get3A_200, %sub3A_204 : vector<16xf32>
      %sub3A_206 = arith.subf %get3A_200, %add3A_205 : vector<16xf32>
      %swap3A_207 = arith.index_cast %scan3A_114 : i32 to index
      %swap3A_208 = arith.constant 112 : index
      %swap3A_209 = tpu.vector_load %arg10[%swap3A_207, %swap3A_208] {strides = array<i32>} : memref<128x256xf32, #tpu.memory_space<vmem>>, vector<16xf32>,
      tpu.vector_store %arg10[%swap3A_207, %swap3A_208], %sub3A_206 {strides = array<i32>} : memref<128x256xf32, #tpu.memory_space<vmem>>, vector<16xf32>,
      %get3A_210 = arith.index_cast %scan3A_114 : i32 to index
      %get3A_211 = arith.constant 128 : index
      %get3A_212 = tpu.vector_load %arg10[%get3A_210, %get3A_211] {strides = array<i32>} : memref<128x256xf32, #tpu.memory_space<vmem>>, vector<16xf32>,
      %get3A_213 = arith.index_cast %scan3A_114 : i32 to index
      %get3A_214 = arith.constant 128 : index
      %get3A_215 = tpu.vector_load %arg9[%get3A_213, %get3A_214] {strides = array<i32>} : memref<128x256xf32, #tpu.memory_space<vmem>>, vector<16xf32>,
      %sub3A_216 = arith.subf %get3A_215, %get3A_212 : vector<16xf32>
      %add3A_217 = arith.addf %get3A_212, %sub3A_216 : vector<16xf32>
      %sub3A_218 = arith.subf %get3A_212, %add3A_217 : vector<16xf32>
      %swap3A_219 = arith.index_cast %scan3A_114 : i32 to index
      %swap3A_220 = arith.constant 128 : index
      %swap3A_221 = tpu.vector_load %arg10[%swap3A_219, %swap3A_220] {strides = array<i32>} : memref<128x256xf32, #tpu.memory_space<vmem>>, vector<16xf32>,
      tpu.vector_store %arg10[%swap3A_219, %swap3A_220], %sub3A_218 {strides = array<i32>} : memref<128x256xf32, #tpu.memory_space<vmem>>, vector<16xf32>,
      %get3A_222 = arith.index_cast %scan3A_114 : i32 to index
      %get3A_223 = arith.constant 144 : index
      %get3A_224 = tpu.vector_load %arg10[%get3A_222, %get3A_223] {strides = array<i32>} : memref<128x256xf32, #tpu.memory_space<vmem>>, vector<16xf32>,
      %get3A_225 = arith.index_cast %scan3A_114 : i32 to index
      %get3A_226 = arith.constant 144 : index
      %get3A_227 = tpu.vector_load %arg9[%get3A_225, %get3A_226] {strides = array<i32>} : memref<128x256xf32, #tpu.memory_space<vmem>>, vector<16xf32>,
      %sub3A_228 = arith.subf %get3A_227, %get3A_224 : vector<16xf32>
      %add3A_229 = arith.addf %get3A_224, %sub3A_228 : vector<16xf32>
      %sub3A_230 = arith.subf %get3A_224, %add3A_229 : vector<16xf32>
      %swap3A_231 = arith.index_cast %scan3A_114 : i32 to index
      %swap3A_232 = arith.constant 144 : index
      %swap3A_233 = tpu.vector_load %arg10[%swap3A_231, %swap3A_232] {strides = array<i32>} : memref<128x256xf32, #tpu.memory_space<vmem>>, vector<16xf32>,
      tpu.vector_store %arg10[%swap3A_231, %swap3A_232], %sub3A_230 {strides = array<i32>} : memref<128x256xf32, #tpu.memory_space<vmem>>, vector<16xf32>,
      %get3A_234 = arith.index_cast %scan3A_114 : i32 to index
      %get3A_235 = arith.constant 160 : index
      %get3A_236 = tpu.vector_load %arg10[%get3A_234, %get3A_235] {strides = array<i32>} : memref<128x256xf32, #tpu.memory_space<vmem>>, vector<16xf32>,
      %get3A_237 = arith.index_cast %scan3A_114 : i32 to index
      %get3A_238 = arith.constant 160 : index
      %get3A_239 = tpu.vector_load %arg9[%get3A_237, %get3A_238] {strides = array<i32>} : memref<128x256xf32, #tpu.memory_space<vmem>>, vector<16xf32>,
      %sub3A_240 = arith.subf %get3A_239, %get3A_236 : vector<16xf32>
      %add3A_241 = arith.addf %get3A_236, %sub3A_240 : vector<16xf32>
      %sub3A_242 = arith.subf %get3A_236, %add3A_241 : vector<16xf32>
      %swap3A_243 = arith.index_cast %scan3A_114 : i32 to index
      %swap3A_244 = arith.constant 160 : index
      %swap3A_245 = tpu.vector_load %arg10[%swap3A_243, %swap3A_244] {strides = array<i32>} : memref<128x256xf32, #tpu.memory_space<vmem>>, vector<16xf32>,
      tpu.vector_store %arg10[%swap3A_243, %swap3A_244], %sub3A_242 {strides = array<i32>} : memref<128x256xf32, #tpu.memory_space<vmem>>, vector<16xf32>,
      %get3A_246 = arith.index_cast %scan3A_114 : i32 to index
      %get3A_247 = arith.constant 176 : index
      %get3A_248 = tpu.vector_load %arg10[%get3A_246, %get3A_247] {strides = array<i32>} : memref<128x256xf32, #tpu.memory_space<vmem>>, vector<16xf32>,
      %get3A_249 = arith.index_cast %scan3A_114 : i32 to index
      %get3A_250 = arith.constant 176 : index
      %get3A_251 = tpu.vector_load %arg9[%get3A_249, %get3A_250] {strides = array<i32>} : memref<128x256xf32, #tpu.memory_space<vmem>>, vector<16xf32>,
      %sub3A_252 = arith.subf %get3A_251, %get3A_248 : vector<16xf32>
      %add3A_253 = arith.addf %get3A_248, %sub3A_252 : vector<16xf32>
      %sub3A_254 = arith.subf %get3A_248, %add3A_253 : vector<16xf32>
      %swap3A_255 = arith.index_cast %scan3A_114 : i32 to index
      %swap3A_256 = arith.constant 176 : index
      %swap3A_257 = tpu.vector_load %arg10[%swap3A_255, %swap3A_256] {strides = array<i32>} : memref<128x256xf32, #tpu.memory_space<vmem>>, vector<16xf32>,
      tpu.vector_store %arg10[%swap3A_255, %swap3A_256], %sub3A_254 {strides = array<i32>} : memref<128x256xf32, #tpu.memory_space<vmem>>, vector<16xf32>,
      %get3A_258 = arith.index_cast %scan3A_114 : i32 to index
      %get3A_259 = arith.constant 192 : index
      %get3A_260 = tpu.vector_load %arg10[%get3A_258, %get3A_259] {strides = array<i32>} : memref<128x256xf32, #tpu.memory_space<vmem>>, vector<16xf32>,
      %get3A_261 = arith.index_cast %scan3A_114 : i32 to index
      %get3A_262 = arith.constant 192 : index
      %get3A_263 = tpu.vector_load %arg9[%get3A_261, %get3A_262] {strides = array<i32>} : memref<128x256xf32, #tpu.memory_space<vmem>>, vector<16xf32>,
      %sub3A_264 = arith.subf %get3A_263, %get3A_260 : vector<16xf32>
      %add3A_265 = arith.addf %get3A_260, %sub3A_264 : vector<16xf32>
      %sub3A_266 = arith.subf %get3A_260, %add3A_265 : vector<16xf32>
      %swap3A_267 = arith.index_cast %scan3A_114 : i32 to index
      %swap3A_268 = arith.constant 192 : index
      %swap3A_269 = tpu.vector_load %arg10[%swap3A_267, %swap3A_268] {strides = array<i32>} : memref<128x256xf32, #tpu.memory_space<vmem>>, vector<16xf32>,
      tpu.vector_store %arg10[%swap3A_267, %swap3A_268], %sub3A_266 {strides = array<i32>} : memref<128x256xf32, #tpu.memory_space<vmem>>, vector<16xf32>,
      %get3A_270 = arith.index_cast %scan3A_114 : i32 to index
      %get3A_271 = arith.constant 208 : index
      %get3A_272 = tpu.vector_load %arg10[%get3A_270, %get3A_271] {strides = array<i32>} : memref<128x256xf32, #tpu.memory_space<vmem>>, vector<16xf32>,
      %get3A_273 = arith.index_cast %scan3A_114 : i32 to index
      %get3A_274 = arith.constant 208 : index
      %get3A_275 = tpu.vector_load %arg9[%get3A_273, %get3A_274] {strides = array<i32>} : memref<128x256xf32, #tpu.memory_space<vmem>>, vector<16xf32>,
      %sub3A_276 = arith.subf %get3A_275, %get3A_272 : vector<16xf32>
      %add3A_277 = arith.addf %get3A_272, %sub3A_276 : vector<16xf32>
      %sub3A_278 = arith.subf %get3A_272, %add3A_277 : vector<16xf32>
      %swap3A_279 = arith.index_cast %scan3A_114 : i32 to index
      %swap3A_280 = arith.constant 208 : index
      %swap3A_281 = tpu.vector_load %arg10[%swap3A_279, %swap3A_280] {strides = array<i32>} : memref<128x256xf32, #tpu.memory_space<vmem>>, vector<16xf32>,
      tpu.vector_store %arg10[%swap3A_279, %swap3A_280], %sub3A_278 {strides = array<i32>} : memref<128x256xf32, #tpu.memory_space<vmem>>, vector<16xf32>,
      %get3A_282 = arith.index_cast %scan3A_114 : i32 to index
      %get3A_283 = arith.constant 224 : index
      %get3A_284 = tpu.vector_load %arg10[%get3A_282, %get3A_283] {strides = array<i32>} : memref<128x256xf32, #tpu.memory_space<vmem>>, vector<16xf32>,
      %get3A_285 = arith.index_cast %scan3A_114 : i32 to index
      %get3A_286 = arith.constant 224 : index
      %get3A_287 = tpu.vector_load %arg9[%get3A_285, %get3A_286] {strides = array<i32>} : memref<128x256xf32, #tpu.memory_space<vmem>>, vector<16xf32>,
      %sub3A_288 = arith.subf %get3A_287, %get3A_284 : vector<16xf32>
      %add3A_289 = arith.addf %get3A_284, %sub3A_288 : vector<16xf32>
      %sub3A_290 = arith.subf %get3A_284, %add3A_289 : vector<16xf32>
      %swap3A_291 = arith.index_cast %scan3A_114 : i32 to index
      %swap3A_292 = arith.constant 224 : index
      %swap3A_293 = tpu.vector_load %arg10[%swap3A_291, %swap3A_292] {strides = array<i32>} : memref<128x256xf32, #tpu.memory_space<vmem>>, vector<16xf32>,
      tpu.vector_store %arg10[%swap3A_291, %swap3A_292], %sub3A_290 {strides = array<i32>} : memref<128x256xf32, #tpu.memory_space<vmem>>, vector<16xf32>,
      %get3A_294 = arith.index_cast %scan3A_114 : i32 to index
      %get3A_295 = arith.constant 240 : index
      %get3A_296 = tpu.vector_load %arg10[%get3A_294, %get3A_295] {strides = array<i32>} : memref<128x256xf32, #tpu.memory_space<vmem>>, vector<16xf32>,
      %get3A_297 = arith.index_cast %scan3A_114 : i32 to index
      %get3A_298 = arith.constant 240 : index
      %get3A_299 = tpu.vector_load %arg9[%get3A_297, %get3A_298] {strides = array<i32>} : memref<128x256xf32, #tpu.memory_space<vmem>>, vector<16xf32>,
      %sub3A_300 = arith.subf %get3A_299, %get3A_296 : vector<16xf32>
      %add3A_301 = arith.addf %get3A_296, %sub3A_300 : vector<16xf32>
      %sub3A_302 = arith.subf %get3A_296, %add3A_301 : vector<16xf32>
      %swap3A_303 = arith.index_cast %scan3A_114 : i32 to index
      %swap3A_304 = arith.constant 240 : index
      %swap3A_305 = tpu.vector_load %arg10[%swap3A_303, %swap3A_304] {strides = array<i32>} : memref<128x256xf32, #tpu.memory_space<vmem>>, vector<16xf32>,
      tpu.vector_store %arg10[%swap3A_303, %swap3A_304], %sub3A_302 {strides = array<i32>} : memref<128x256xf32, #tpu.memory_space<vmem>>, vector<16xf32>,
      %scan3A_306 = arith.constant 0 : i32
      scf.yield %scan3A_306 : i32
    }
    %scan3A_25 = arith.constant 128 : i32
    "tpu.region"() ({
      %run_scoped3A = tpu.sem_alloc : memref<!tpu.dma_semaphore, #tpu.memory_space<semaphore_mem>>
      %dma_start3A_114 = arith.constant 0 : i32
      %dma_start3A_115 = tpu.memref_slice %arg6[%add3A_7, %dma_start3A_114] : memref<8192x256xf32, #tpu.memory_space<hbm>> -> memref<128x256xf32, #tpu.memory_space<hbm>>
      %dma_start3A_116 = arith.constant 0 : i32
      %dma_start3A_117 = tpu.memref_slice %arg6[%add3A_7, %dma_start3A_116] : memref<8192x256xf32, #tpu.memory_space<hbm>> -> memref<128x256xf32, #tpu.memory_space<hbm>>
      tpu.enqueue_dma source(%arg10 : memref<128x256xf32, #tpu.memory_space<vmem>>) target(%dma_start3A_117 : memref<128x256xf32, #tpu.memory_space<hbm>>) target_semaphore(%run_scoped3A : memref<!tpu.dma_semaphore, #tpu.memory_space<semaphore_mem>>)
      %dma_wait3A_118 = arith.constant 0 : i32
      %dma_wait3A_119 = tpu.memref_slice %arg6[%add3A_7, %dma_wait3A_118] : memref<8192x256xf32, #tpu.memory_space<hbm>> -> memref<128x256xf32, #tpu.memory_space<hbm>>
      %dma_wait3A_120 = arith.constant 0 : i32
      %dma_wait3A_121 = tpu.memref_slice %arg6[%add3A_7, %dma_wait3A_120] : memref<8192x256xf32, #tpu.memory_space<hbm>> -> memref<128x256xf32, #tpu.memory_space<hbm>>
      tpu.wait_dma2 semaphore(%run_scoped3A : memref<!tpu.dma_semaphore, #tpu.memory_space<semaphore_mem>>) src(%arg10 : memref<128x256xf32, #tpu.memory_space<vmem>>) dst(%dma_wait3A_121 : memref<128x256xf32, #tpu.memory_space<hbm>>)
      tpu.yield
    }) : () -> ()
    %get3A = arith.constant 0 : i32
    %get3A_26 = arith.index_cast %get3A : i32 to index
    %get3A_27 = arith.constant 0 : index
    %get3A_28 = tpu.vector_load %arg8[%get3A_26, %get3A_27] {strides = array<i32>} : memref<2x128xi32, #tpu.memory_space<vmem>>, vector<16xi32>,
    tpu.vector_store_idx %arg11[%get3A_28], %broadcast_in_dim3A_3 : memref<8192xf32, #tpu.memory_space<vmem>>[vector<16xi32>], vector<16xf32>,
    %get3A_29 = arith.constant 0 : i32
    %get3A_30 = arith.index_cast %get3A_29 : i32 to index
    %get3A_31 = arith.constant 16 : index
    %get3A_32 = tpu.vector_load %arg8[%get3A_30, %get3A_31] {strides = array<i32>} : memref<2x128xi32, #tpu.memory_space<vmem>>, vector<16xi32>,
    tpu.vector_store_idx %arg11[%get3A_32], %broadcast_in_dim3A_3 : memref<8192xf32, #tpu.memory_space<vmem>>[vector<16xi32>], vector<16xf32>,
    %get3A_33 = arith.constant 0 : i32
    %get3A_34 = arith.index_cast %get3A_33 : i32 to index
    %get3A_35 = arith.constant 32 : index
    %get3A_36 = tpu.vector_load %arg8[%get3A_34, %get3A_35] {strides = array<i32>} : memref<2x128xi32, #tpu.memory_space<vmem>>, vector<16xi32>,
    tpu.vector_store_idx %arg11[%get3A_36], %broadcast_in_dim3A_3 : memref<8192xf32, #tpu.memory_space<vmem>>[vector<16xi32>], vector<16xf32>,
    %get3A_37 = arith.constant 0 : i32
    %get3A_38 = arith.index_cast %get3A_37 : i32 to index
    %get3A_39 = arith.constant 48 : index
    %get3A_40 = tpu.vector_load %arg8[%get3A_38, %get3A_39] {strides = array<i32>} : memref<2x128xi32, #tpu.memory_space<vmem>>, vector<16xi32>,
    tpu.vector_store_idx %arg11[%get3A_40], %broadcast_in_dim3A_3 : memref<8192xf32, #tpu.memory_space<vmem>>[vector<16xi32>], vector<16xf32>,
    %get3A_41 = arith.constant 0 : i32
    %get3A_42 = arith.index_cast %get3A_41 : i32 to index
    %get3A_43 = arith.constant 64 : index
    %get3A_44 = tpu.vector_load %arg8[%get3A_42, %get3A_43] {strides = array<i32>} : memref<2x128xi32, #tpu.memory_space<vmem>>, vector<16xi32>,
    tpu.vector_store_idx %arg11[%get3A_44], %broadcast_in_dim3A_3 : memref<8192xf32, #tpu.memory_space<vmem>>[vector<16xi32>], vector<16xf32>,
    %get3A_45 = arith.constant 0 : i32
    %get3A_46 = arith.index_cast %get3A_45 : i32 to index
    %get3A_47 = arith.constant 80 : index
    %get3A_48 = tpu.vector_load %arg8[%get3A_46, %get3A_47] {strides = array<i32>} : memref<2x128xi32, #tpu.memory_space<vmem>>, vector<16xi32>,
    tpu.vector_store_idx %arg11[%get3A_48], %broadcast_in_dim3A_3 : memref<8192xf32, #tpu.memory_space<vmem>>[vector<16xi32>], vector<16xf32>,
    %get3A_49 = arith.constant 0 : i32
    %get3A_50 = arith.index_cast %get3A_49 : i32 to index
    %get3A_51 = arith.constant 96 : index
    %get3A_52 = tpu.vector_load %arg8[%get3A_50, %get3A_51] {strides = array<i32>} : memref<2x128xi32, #tpu.memory_space<vmem>>, vector<16xi32>,
    tpu.vector_store_idx %arg11[%get3A_52], %broadcast_in_dim3A_3 : memref<8192xf32, #tpu.memory_space<vmem>>[vector<16xi32>], vector<16xf32>,
    %get3A_53 = arith.constant 0 : i32
    %get3A_54 = arith.index_cast %get3A_53 : i32 to index
    %get3A_55 = arith.constant 112 : index
    %get3A_56 = tpu.vector_load %arg8[%get3A_54, %get3A_55] {strides = array<i32>} : memref<2x128xi32, #tpu.memory_space<vmem>>, vector<16xi32>,
    tpu.vector_store_idx %arg11[%get3A_56], %broadcast_in_dim3A_3 : memref<8192xf32, #tpu.memory_space<vmem>>[vector<16xi32>], vector<16xf32>,
    %mul3A_57 = arith.constant 256 : i32
    %mul3A_58 = arith.muli %add3A, %mul3A_57 : i32
    %add3A_59 = arith.constant 128 : i32
    %add3A_60 = arith.addi %mul3A_58, %add3A_59 : i32
    %dma_start3A_61 = arith.constant 1 : i32
    %dma_start3A_62 = arith.constant 0 : i32
    %dma_start3A_63 = tpu.memref_slice %arg8[%dma_start3A_61, %dma_start3A_62] : memref<2x128xi32, #tpu.memory_space<vmem>> -> memref<1x128xi32, #tpu.memory_space<vmem>>
    %dma_start3A_64 = tpu.memref_squeeze %dma_start3A_63 : memref<1x128xi32, #tpu.memory_space<vmem>> -> memref<128xi32, #tpu.memory_space<vmem>>
    %dma_start3A_65 = arith.constant 0 : i32
    %dma_start3A_66 = arith.constant 0 : i32
    %dma_start3A_67 = tpu.memref_slice %arg3[%dma_start3A_65, %dma_start3A_66] : memref<8192x256xf32, #tpu.memory_space<hbm>> -> memref<8192x256xf32, #tpu.memory_space<hbm>>
    tpu.enqueue_indirect_dma source(%dma_start3A_67 : memref<8192x256xf32, #tpu.memory_space<hbm>>) target(%arg9 : memref<128x256xf32, #tpu.memory_space<vmem>>) offsets(%dma_start3A_64 : memref<128xi32, #tpu.memory_space<vmem>>) semaphore(%arg12 : memref<!tpu.dma_semaphore, #tpu.memory_space<semaphore_mem>>)
    "tpu.region"() ({
      %run_scoped3A = tpu.sem_alloc : memref<!tpu.dma_semaphore, #tpu.memory_space<semaphore_mem>>
      %dma_start3A_114 = arith.constant 0 : i32
      %dma_start3A_115 = tpu.memref_slice %arg4[%add3A_60, %dma_start3A_114] : memref<8192x256xf32, #tpu.memory_space<hbm>> -> memref<128x256xf32, #tpu.memory_space<hbm>>
      %dma_start3A_116 = arith.constant 0 : i32
      %dma_start3A_117 = tpu.memref_slice %arg4[%add3A_60, %dma_start3A_116] : memref<8192x256xf32, #tpu.memory_space<hbm>> -> memref<128x256xf32, #tpu.memory_space<hbm>>
      tpu.enqueue_dma source(%dma_start3A_117 : memref<128x256xf32, #tpu.memory_space<hbm>>) target(%arg10 : memref<128x256xf32, #tpu.memory_space<vmem>>) target_semaphore(%run_scoped3A : memref<!tpu.dma_semaphore, #tpu.memory_space<semaphore_mem>>)
      %dma_wait3A_118 = arith.constant 0 : i32
      %dma_wait3A_119 = tpu.memref_slice %arg4[%add3A_60, %dma_wait3A_118] : memref<8192x256xf32, #tpu.memory_space<hbm>> -> memref<128x256xf32, #tpu.memory_space<hbm>>
      %dma_wait3A_120 = arith.constant 0 : i32
      %dma_wait3A_121 = tpu.memref_slice %arg4[%add3A_60, %dma_wait3A_120] : memref<8192x256xf32, #tpu.memory_space<hbm>> -> memref<128x256xf32, #tpu.memory_space<hbm>>
      tpu.wait_dma2 semaphore(%run_scoped3A : memref<!tpu.dma_semaphore, #tpu.memory_space<semaphore_mem>>) src(%dma_wait3A_121 : memref<128x256xf32, #tpu.memory_space<hbm>>) dst(%arg10 : memref<128x256xf32, #tpu.memory_space<vmem>>)
      tpu.yield
    }) : () -> ()
    %dma_wait3A_68 = arith.constant 1 : i32
    %dma_wait3A_69 = arith.constant 0 : i32
    %dma_wait3A_70 = tpu.memref_slice %arg8[%dma_wait3A_68, %dma_wait3A_69] : memref<2x128xi32, #tpu.memory_space<vmem>> -> memref<1x128xi32, #tpu.memory_space<vmem>>
    %dma_wait3A_71 = tpu.memref_squeeze %dma_wait3A_70 : memref<1x128xi32, #tpu.memory_space<vmem>> -> memref<128xi32, #tpu.memory_space<vmem>>
    %dma_wait3A_72 = arith.constant 0 : i32
    %dma_wait3A_73 = arith.constant 0 : i32
    %dma_wait3A_74 = tpu.memref_slice %arg3[%dma_wait3A_72, %dma_wait3A_73] : memref<8192x256xf32, #tpu.memory_space<hbm>> -> memref<8192x256xf32, #tpu.memory_space<hbm>>
    tpu.wait_indirect_dma semaphore(%arg12 : memref<!tpu.dma_semaphore, #tpu.memory_space<semaphore_mem>>) src(%dma_wait3A_74 : memref<8192x256xf32, #tpu.memory_space<hbm>>) dst(%arg9 : memref<128x256xf32, #tpu.memory_space<vmem>>)
    %scan3A_75 = arith.constant 0 : i32
    %scan3A_76 = arith.constant 0 : i32
    %scan3A_77 = arith.constant 128 : i32
    %scan3A_78 = arith.addi %scan3A_76, %scan3A_77 : i32
    %scan3A_79 = arith.constant 1 : i32
    %scan3A_80 = scf.for %scan3A_114 = %scan3A_76 to %scan3A_78 step %scan3A_79 iter_args(%scan3A_115 = %scan3A_75) -> (i32)  : i32 {
      %get3A_116 = arith.index_cast %scan3A_114 : i32 to index
      %get3A_117 = arith.constant 0 : index
      %get3A_118 = tpu.vector_load %arg10[%get3A_116, %get3A_117] {strides = array<i32>} : memref<128x256xf32, #tpu.memory_space<vmem>>, vector<16xf32>,
      %get3A_119 = arith.index_cast %scan3A_114 : i32 to index
      %get3A_120 = arith.constant 0 : index
      %get3A_121 = tpu.vector_load %arg9[%get3A_119, %get3A_120] {strides = array<i32>} : memref<128x256xf32, #tpu.memory_space<vmem>>, vector<16xf32>,
      %sub3A = arith.subf %get3A_121, %get3A_118 : vector<16xf32>
      %add3A_122 = arith.addf %get3A_118, %sub3A : vector<16xf32>
      %sub3A_123 = arith.subf %get3A_118, %add3A_122 : vector<16xf32>
      %swap3A = arith.index_cast %scan3A_114 : i32 to index
      %swap3A_124 = arith.constant 0 : index
      %swap3A_125 = tpu.vector_load %arg10[%swap3A, %swap3A_124] {strides = array<i32>} : memref<128x256xf32, #tpu.memory_space<vmem>>, vector<16xf32>,
      tpu.vector_store %arg10[%swap3A, %swap3A_124], %sub3A_123 {strides = array<i32>} : memref<128x256xf32, #tpu.memory_space<vmem>>, vector<16xf32>,
      %get3A_126 = arith.index_cast %scan3A_114 : i32 to index
      %get3A_127 = arith.constant 16 : index
      %get3A_128 = tpu.vector_load %arg10[%get3A_126, %get3A_127] {strides = array<i32>} : memref<128x256xf32, #tpu.memory_space<vmem>>, vector<16xf32>,
      %get3A_129 = arith.index_cast %scan3A_114 : i32 to index
      %get3A_130 = arith.constant 16 : index
      %get3A_131 = tpu.vector_load %arg9[%get3A_129, %get3A_130] {strides = array<i32>} : memref<128x256xf32, #tpu.memory_space<vmem>>, vector<16xf32>,
      %sub3A_132 = arith.subf %get3A_131, %get3A_128 : vector<16xf32>
      %add3A_133 = arith.addf %get3A_128, %sub3A_132 : vector<16xf32>
      %sub3A_134 = arith.subf %get3A_128, %add3A_133 : vector<16xf32>
      %swap3A_135 = arith.index_cast %scan3A_114 : i32 to index
      %swap3A_136 = arith.constant 16 : index
      %swap3A_137 = tpu.vector_load %arg10[%swap3A_135, %swap3A_136] {strides = array<i32>} : memref<128x256xf32, #tpu.memory_space<vmem>>, vector<16xf32>,
      tpu.vector_store %arg10[%swap3A_135, %swap3A_136], %sub3A_134 {strides = array<i32>} : memref<128x256xf32, #tpu.memory_space<vmem>>, vector<16xf32>,
      %get3A_138 = arith.index_cast %scan3A_114 : i32 to index
      %get3A_139 = arith.constant 32 : index
      %get3A_140 = tpu.vector_load %arg10[%get3A_138, %get3A_139] {strides = array<i32>} : memref<128x256xf32, #tpu.memory_space<vmem>>, vector<16xf32>,
      %get3A_141 = arith.index_cast %scan3A_114 : i32 to index
      %get3A_142 = arith.constant 32 : index
      %get3A_143 = tpu.vector_load %arg9[%get3A_141, %get3A_142] {strides = array<i32>} : memref<128x256xf32, #tpu.memory_space<vmem>>, vector<16xf32>,
      %sub3A_144 = arith.subf %get3A_143, %get3A_140 : vector<16xf32>
      %add3A_145 = arith.addf %get3A_140, %sub3A_144 : vector<16xf32>
      %sub3A_146 = arith.subf %get3A_140, %add3A_145 : vector<16xf32>
      %swap3A_147 = arith.index_cast %scan3A_114 : i32 to index
      %swap3A_148 = arith.constant 32 : index
      %swap3A_149 = tpu.vector_load %arg10[%swap3A_147, %swap3A_148] {strides = array<i32>} : memref<128x256xf32, #tpu.memory_space<vmem>>, vector<16xf32>,
      tpu.vector_store %arg10[%swap3A_147, %swap3A_148], %sub3A_146 {strides = array<i32>} : memref<128x256xf32, #tpu.memory_space<vmem>>, vector<16xf32>,
      %get3A_150 = arith.index_cast %scan3A_114 : i32 to index
      %get3A_151 = arith.constant 48 : index
      %get3A_152 = tpu.vector_load %arg10[%get3A_150, %get3A_151] {strides = array<i32>} : memref<128x256xf32, #tpu.memory_space<vmem>>, vector<16xf32>,
      %get3A_153 = arith.index_cast %scan3A_114 : i32 to index
      %get3A_154 = arith.constant 48 : index
      %get3A_155 = tpu.vector_load %arg9[%get3A_153, %get3A_154] {strides = array<i32>} : memref<128x256xf32, #tpu.memory_space<vmem>>, vector<16xf32>,
      %sub3A_156 = arith.subf %get3A_155, %get3A_152 : vector<16xf32>
      %add3A_157 = arith.addf %get3A_152, %sub3A_156 : vector<16xf32>
      %sub3A_158 = arith.subf %get3A_152, %add3A_157 : vector<16xf32>
      %swap3A_159 = arith.index_cast %scan3A_114 : i32 to index
      %swap3A_160 = arith.constant 48 : index
      %swap3A_161 = tpu.vector_load %arg10[%swap3A_159, %swap3A_160] {strides = array<i32>} : memref<128x256xf32, #tpu.memory_space<vmem>>, vector<16xf32>,
      tpu.vector_store %arg10[%swap3A_159, %swap3A_160], %sub3A_158 {strides = array<i32>} : memref<128x256xf32, #tpu.memory_space<vmem>>, vector<16xf32>,
      %get3A_162 = arith.index_cast %scan3A_114 : i32 to index
      %get3A_163 = arith.constant 64 : index
      %get3A_164 = tpu.vector_load %arg10[%get3A_162, %get3A_163] {strides = array<i32>} : memref<128x256xf32, #tpu.memory_space<vmem>>, vector<16xf32>,
      %get3A_165 = arith.index_cast %scan3A_114 : i32 to index
      %get3A_166 = arith.constant 64 : index
      %get3A_167 = tpu.vector_load %arg9[%get3A_165, %get3A_166] {strides = array<i32>} : memref<128x256xf32, #tpu.memory_space<vmem>>, vector<16xf32>,
      %sub3A_168 = arith.subf %get3A_167, %get3A_164 : vector<16xf32>
      %add3A_169 = arith.addf %get3A_164, %sub3A_168 : vector<16xf32>
      %sub3A_170 = arith.subf %get3A_164, %add3A_169 : vector<16xf32>
      %swap3A_171 = arith.index_cast %scan3A_114 : i32 to index
      %swap3A_172 = arith.constant 64 : index
      %swap3A_173 = tpu.vector_load %arg10[%swap3A_171, %swap3A_172] {strides = array<i32>} : memref<128x256xf32, #tpu.memory_space<vmem>>, vector<16xf32>,
      tpu.vector_store %arg10[%swap3A_171, %swap3A_172], %sub3A_170 {strides = array<i32>} : memref<128x256xf32, #tpu.memory_space<vmem>>, vector<16xf32>,
      %get3A_174 = arith.index_cast %scan3A_114 : i32 to index
      %get3A_175 = arith.constant 80 : index
      %get3A_176 = tpu.vector_load %arg10[%get3A_174, %get3A_175] {strides = array<i32>} : memref<128x256xf32, #tpu.memory_space<vmem>>, vector<16xf32>,
      %get3A_177 = arith.index_cast %scan3A_114 : i32 to index
      %get3A_178 = arith.constant 80 : index
      %get3A_179 = tpu.vector_load %arg9[%get3A_177, %get3A_178] {strides = array<i32>} : memref<128x256xf32, #tpu.memory_space<vmem>>, vector<16xf32>,
      %sub3A_180 = arith.subf %get3A_179, %get3A_176 : vector<16xf32>
      %add3A_181 = arith.addf %get3A_176, %sub3A_180 : vector<16xf32>
      %sub3A_182 = arith.subf %get3A_176, %add3A_181 : vector<16xf32>
      %swap3A_183 = arith.index_cast %scan3A_114 : i32 to index
      %swap3A_184 = arith.constant 80 : index
      %swap3A_185 = tpu.vector_load %arg10[%swap3A_183, %swap3A_184] {strides = array<i32>} : memref<128x256xf32, #tpu.memory_space<vmem>>, vector<16xf32>,
      tpu.vector_store %arg10[%swap3A_183, %swap3A_184], %sub3A_182 {strides = array<i32>} : memref<128x256xf32, #tpu.memory_space<vmem>>, vector<16xf32>,
      %get3A_186 = arith.index_cast %scan3A_114 : i32 to index
      %get3A_187 = arith.constant 96 : index
      %get3A_188 = tpu.vector_load %arg10[%get3A_186, %get3A_187] {strides = array<i32>} : memref<128x256xf32, #tpu.memory_space<vmem>>, vector<16xf32>,
      %get3A_189 = arith.index_cast %scan3A_114 : i32 to index
      %get3A_190 = arith.constant 96 : index
      %get3A_191 = tpu.vector_load %arg9[%get3A_189, %get3A_190] {strides = array<i32>} : memref<128x256xf32, #tpu.memory_space<vmem>>, vector<16xf32>,
      %sub3A_192 = arith.subf %get3A_191, %get3A_188 : vector<16xf32>
      %add3A_193 = arith.addf %get3A_188, %sub3A_192 : vector<16xf32>
      %sub3A_194 = arith.subf %get3A_188, %add3A_193 : vector<16xf32>
      %swap3A_195 = arith.index_cast %scan3A_114 : i32 to index
      %swap3A_196 = arith.constant 96 : index
      %swap3A_197 = tpu.vector_load %arg10[%swap3A_195, %swap3A_196] {strides = array<i32>} : memref<128x256xf32, #tpu.memory_space<vmem>>, vector<16xf32>,
      tpu.vector_store %arg10[%swap3A_195, %swap3A_196], %sub3A_194 {strides = array<i32>} : memref<128x256xf32, #tpu.memory_space<vmem>>, vector<16xf32>,
      %get3A_198 = arith.index_cast %scan3A_114 : i32 to index
      %get3A_199 = arith.constant 112 : index
      %get3A_200 = tpu.vector_load %arg10[%get3A_198, %get3A_199] {strides = array<i32>} : memref<128x256xf32, #tpu.memory_space<vmem>>, vector<16xf32>,
      %get3A_201 = arith.index_cast %scan3A_114 : i32 to index
      %get3A_202 = arith.constant 112 : index
      %get3A_203 = tpu.vector_load %arg9[%get3A_201, %get3A_202] {strides = array<i32>} : memref<128x256xf32, #tpu.memory_space<vmem>>, vector<16xf32>,
      %sub3A_204 = arith.subf %get3A_203, %get3A_200 : vector<16xf32>
      %add3A_205 = arith.addf %get3A_200, %sub3A_204 : vector<16xf32>
      %sub3A_206 = arith.subf %get3A_200, %add3A_205 : vector<16xf32>
      %swap3A_207 = arith.index_cast %scan3A_114 : i32 to index
      %swap3A_208 = arith.constant 112 : index
      %swap3A_209 = tpu.vector_load %arg10[%swap3A_207, %swap3A_208] {strides = array<i32>} : memref<128x256xf32, #tpu.memory_space<vmem>>, vector<16xf32>,
      tpu.vector_store %arg10[%swap3A_207, %swap3A_208], %sub3A_206 {strides = array<i32>} : memref<128x256xf32, #tpu.memory_space<vmem>>, vector<16xf32>,
      %get3A_210 = arith.index_cast %scan3A_114 : i32 to index
      %get3A_211 = arith.constant 128 : index
      %get3A_212 = tpu.vector_load %arg10[%get3A_210, %get3A_211] {strides = array<i32>} : memref<128x256xf32, #tpu.memory_space<vmem>>, vector<16xf32>,
      %get3A_213 = arith.index_cast %scan3A_114 : i32 to index
      %get3A_214 = arith.constant 128 : index
      %get3A_215 = tpu.vector_load %arg9[%get3A_213, %get3A_214] {strides = array<i32>} : memref<128x256xf32, #tpu.memory_space<vmem>>, vector<16xf32>,
      %sub3A_216 = arith.subf %get3A_215, %get3A_212 : vector<16xf32>
      %add3A_217 = arith.addf %get3A_212, %sub3A_216 : vector<16xf32>
      %sub3A_218 = arith.subf %get3A_212, %add3A_217 : vector<16xf32>
      %swap3A_219 = arith.index_cast %scan3A_114 : i32 to index
      %swap3A_220 = arith.constant 128 : index
      %swap3A_221 = tpu.vector_load %arg10[%swap3A_219, %swap3A_220] {strides = array<i32>} : memref<128x256xf32, #tpu.memory_space<vmem>>, vector<16xf32>,
      tpu.vector_store %arg10[%swap3A_219, %swap3A_220], %sub3A_218 {strides = array<i32>} : memref<128x256xf32, #tpu.memory_space<vmem>>, vector<16xf32>,
      %get3A_222 = arith.index_cast %scan3A_114 : i32 to index
      %get3A_223 = arith.constant 144 : index
      %get3A_224 = tpu.vector_load %arg10[%get3A_222, %get3A_223] {strides = array<i32>} : memref<128x256xf32, #tpu.memory_space<vmem>>, vector<16xf32>,
      %get3A_225 = arith.index_cast %scan3A_114 : i32 to index
      %get3A_226 = arith.constant 144 : index
      %get3A_227 = tpu.vector_load %arg9[%get3A_225, %get3A_226] {strides = array<i32>} : memref<128x256xf32, #tpu.memory_space<vmem>>, vector<16xf32>,
      %sub3A_228 = arith.subf %get3A_227, %get3A_224 : vector<16xf32>
      %add3A_229 = arith.addf %get3A_224, %sub3A_228 : vector<16xf32>
      %sub3A_230 = arith.subf %get3A_224, %add3A_229 : vector<16xf32>
      %swap3A_231 = arith.index_cast %scan3A_114 : i32 to index
      %swap3A_232 = arith.constant 144 : index
      %swap3A_233 = tpu.vector_load %arg10[%swap3A_231, %swap3A_232] {strides = array<i32>} : memref<128x256xf32, #tpu.memory_space<vmem>>, vector<16xf32>,
      tpu.vector_store %arg10[%swap3A_231, %swap3A_232], %sub3A_230 {strides = array<i32>} : memref<128x256xf32, #tpu.memory_space<vmem>>, vector<16xf32>,
      %get3A_234 = arith.index_cast %scan3A_114 : i32 to index
      %get3A_235 = arith.constant 160 : index
      %get3A_236 = tpu.vector_load %arg10[%get3A_234, %get3A_235] {strides = array<i32>} : memref<128x256xf32, #tpu.memory_space<vmem>>, vector<16xf32>,
      %get3A_237 = arith.index_cast %scan3A_114 : i32 to index
      %get3A_238 = arith.constant 160 : index
      %get3A_239 = tpu.vector_load %arg9[%get3A_237, %get3A_238] {strides = array<i32>} : memref<128x256xf32, #tpu.memory_space<vmem>>, vector<16xf32>,
      %sub3A_240 = arith.subf %get3A_239, %get3A_236 : vector<16xf32>
      %add3A_241 = arith.addf %get3A_236, %sub3A_240 : vector<16xf32>
      %sub3A_242 = arith.subf %get3A_236, %add3A_241 : vector<16xf32>
      %swap3A_243 = arith.index_cast %scan3A_114 : i32 to index
      %swap3A_244 = arith.constant 160 : index
      %swap3A_245 = tpu.vector_load %arg10[%swap3A_243, %swap3A_244] {strides = array<i32>} : memref<128x256xf32, #tpu.memory_space<vmem>>, vector<16xf32>,
      tpu.vector_store %arg10[%swap3A_243, %swap3A_244], %sub3A_242 {strides = array<i32>} : memref<128x256xf32, #tpu.memory_space<vmem>>, vector<16xf32>,
      %get3A_246 = arith.index_cast %scan3A_114 : i32 to index
      %get3A_247 = arith.constant 176 : index
      %get3A_248 = tpu.vector_load %arg10[%get3A_246, %get3A_247] {strides = array<i32>} : memref<128x256xf32, #tpu.memory_space<vmem>>, vector<16xf32>,
      %get3A_249 = arith.index_cast %scan3A_114 : i32 to index
      %get3A_250 = arith.constant 176 : index
      %get3A_251 = tpu.vector_load %arg9[%get3A_249, %get3A_250] {strides = array<i32>} : memref<128x256xf32, #tpu.memory_space<vmem>>, vector<16xf32>,
      %sub3A_252 = arith.subf %get3A_251, %get3A_248 : vector<16xf32>
      %add3A_253 = arith.addf %get3A_248, %sub3A_252 : vector<16xf32>
      %sub3A_254 = arith.subf %get3A_248, %add3A_253 : vector<16xf32>
      %swap3A_255 = arith.index_cast %scan3A_114 : i32 to index
      %swap3A_256 = arith.constant 176 : index
      %swap3A_257 = tpu.vector_load %arg10[%swap3A_255, %swap3A_256] {strides = array<i32>} : memref<128x256xf32, #tpu.memory_space<vmem>>, vector<16xf32>,
      tpu.vector_store %arg10[%swap3A_255, %swap3A_256], %sub3A_254 {strides = array<i32>} : memref<128x256xf32, #tpu.memory_space<vmem>>, vector<16xf32>,
      %get3A_258 = arith.index_cast %scan3A_114 : i32 to index
      %get3A_259 = arith.constant 192 : index
      %get3A_260 = tpu.vector_load %arg10[%get3A_258, %get3A_259] {strides = array<i32>} : memref<128x256xf32, #tpu.memory_space<vmem>>, vector<16xf32>,
      %get3A_261 = arith.index_cast %scan3A_114 : i32 to index
      %get3A_262 = arith.constant 192 : index
      %get3A_263 = tpu.vector_load %arg9[%get3A_261, %get3A_262] {strides = array<i32>} : memref<128x256xf32, #tpu.memory_space<vmem>>, vector<16xf32>,
      %sub3A_264 = arith.subf %get3A_263, %get3A_260 : vector<16xf32>
      %add3A_265 = arith.addf %get3A_260, %sub3A_264 : vector<16xf32>
      %sub3A_266 = arith.subf %get3A_260, %add3A_265 : vector<16xf32>
      %swap3A_267 = arith.index_cast %scan3A_114 : i32 to index
      %swap3A_268 = arith.constant 192 : index
      %swap3A_269 = tpu.vector_load %arg10[%swap3A_267, %swap3A_268] {strides = array<i32>} : memref<128x256xf32, #tpu.memory_space<vmem>>, vector<16xf32>,
      tpu.vector_store %arg10[%swap3A_267, %swap3A_268], %sub3A_266 {strides = array<i32>} : memref<128x256xf32, #tpu.memory_space<vmem>>, vector<16xf32>,
      %get3A_270 = arith.index_cast %scan3A_114 : i32 to index
      %get3A_271 = arith.constant 208 : index
      %get3A_272 = tpu.vector_load %arg10[%get3A_270, %get3A_271] {strides = array<i32>} : memref<128x256xf32, #tpu.memory_space<vmem>>, vector<16xf32>,
      %get3A_273 = arith.index_cast %scan3A_114 : i32 to index
      %get3A_274 = arith.constant 208 : index
      %get3A_275 = tpu.vector_load %arg9[%get3A_273, %get3A_274] {strides = array<i32>} : memref<128x256xf32, #tpu.memory_space<vmem>>, vector<16xf32>,
      %sub3A_276 = arith.subf %get3A_275, %get3A_272 : vector<16xf32>
      %add3A_277 = arith.addf %get3A_272, %sub3A_276 : vector<16xf32>
      %sub3A_278 = arith.subf %get3A_272, %add3A_277 : vector<16xf32>
      %swap3A_279 = arith.index_cast %scan3A_114 : i32 to index
      %swap3A_280 = arith.constant 208 : index
      %swap3A_281 = tpu.vector_load %arg10[%swap3A_279, %swap3A_280] {strides = array<i32>} : memref<128x256xf32, #tpu.memory_space<vmem>>, vector<16xf32>,
      tpu.vector_store %arg10[%swap3A_279, %swap3A_280], %sub3A_278 {strides = array<i32>} : memref<128x256xf32, #tpu.memory_space<vmem>>, vector<16xf32>,
      %get3A_282 = arith.index_cast %scan3A_114 : i32 to index
      %get3A_283 = arith.constant 224 : index
      %get3A_284 = tpu.vector_load %arg10[%get3A_282, %get3A_283] {strides = array<i32>} : memref<128x256xf32, #tpu.memory_space<vmem>>, vector<16xf32>,
      %get3A_285 = arith.index_cast %scan3A_114 : i32 to index
      %get3A_286 = arith.constant 224 : index
      %get3A_287 = tpu.vector_load %arg9[%get3A_285, %get3A_286] {strides = array<i32>} : memref<128x256xf32, #tpu.memory_space<vmem>>, vector<16xf32>,
      %sub3A_288 = arith.subf %get3A_287, %get3A_284 : vector<16xf32>
      %add3A_289 = arith.addf %get3A_284, %sub3A_288 : vector<16xf32>
      %sub3A_290 = arith.subf %get3A_284, %add3A_289 : vector<16xf32>
      %swap3A_291 = arith.index_cast %scan3A_114 : i32 to index
      %swap3A_292 = arith.constant 224 : index
      %swap3A_293 = tpu.vector_load %arg10[%swap3A_291, %swap3A_292] {strides = array<i32>} : memref<128x256xf32, #tpu.memory_space<vmem>>, vector<16xf32>,
      tpu.vector_store %arg10[%swap3A_291, %swap3A_292], %sub3A_290 {strides = array<i32>} : memref<128x256xf32, #tpu.memory_space<vmem>>, vector<16xf32>,
      %get3A_294 = arith.index_cast %scan3A_114 : i32 to index
      %get3A_295 = arith.constant 240 : index
      %get3A_296 = tpu.vector_load %arg10[%get3A_294, %get3A_295] {strides = array<i32>} : memref<128x256xf32, #tpu.memory_space<vmem>>, vector<16xf32>,
      %get3A_297 = arith.index_cast %scan3A_114 : i32 to index
      %get3A_298 = arith.constant 240 : index
      %get3A_299 = tpu.vector_load %arg9[%get3A_297, %get3A_298] {strides = array<i32>} : memref<128x256xf32, #tpu.memory_space<vmem>>, vector<16xf32>,
      %sub3A_300 = arith.subf %get3A_299, %get3A_296 : vector<16xf32>
      %add3A_301 = arith.addf %get3A_296, %sub3A_300 : vector<16xf32>
      %sub3A_302 = arith.subf %get3A_296, %add3A_301 : vector<16xf32>
      %swap3A_303 = arith.index_cast %scan3A_114 : i32 to index
      %swap3A_304 = arith.constant 240 : index
      %swap3A_305 = tpu.vector_load %arg10[%swap3A_303, %swap3A_304] {strides = array<i32>} : memref<128x256xf32, #tpu.memory_space<vmem>>, vector<16xf32>,
      tpu.vector_store %arg10[%swap3A_303, %swap3A_304], %sub3A_302 {strides = array<i32>} : memref<128x256xf32, #tpu.memory_space<vmem>>, vector<16xf32>,
      %scan3A_306 = arith.constant 0 : i32
      scf.yield %scan3A_306 : i32
    }
    %scan3A_81 = arith.constant 128 : i32
    "tpu.region"() ({
      %run_scoped3A = tpu.sem_alloc : memref<!tpu.dma_semaphore, #tpu.memory_space<semaphore_mem>>
      %dma_start3A_114 = arith.constant 0 : i32
      %dma_start3A_115 = tpu.memref_slice %arg6[%add3A_60, %dma_start3A_114] : memref<8192x256xf32, #tpu.memory_space<hbm>> -> memref<128x256xf32, #tpu.memory_space<hbm>>
      %dma_start3A_116 = arith.constant 0 : i32
      %dma_start3A_117 = tpu.memref_slice %arg6[%add3A_60, %dma_start3A_116] : memref<8192x256xf32, #tpu.memory_space<hbm>> -> memref<128x256xf32, #tpu.memory_space<hbm>>
      tpu.enqueue_dma source(%arg10 : memref<128x256xf32, #tpu.memory_space<vmem>>) target(%dma_start3A_117 : memref<128x256xf32, #tpu.memory_space<hbm>>) target_semaphore(%run_scoped3A : memref<!tpu.dma_semaphore, #tpu.memory_space<semaphore_mem>>)
      %dma_wait3A_118 = arith.constant 0 : i32
      %dma_wait3A_119 = tpu.memref_slice %arg6[%add3A_60, %dma_wait3A_118] : memref<8192x256xf32, #tpu.memory_space<hbm>> -> memref<128x256xf32, #tpu.memory_space<hbm>>
      %dma_wait3A_120 = arith.constant 0 : i32
      %dma_wait3A_121 = tpu.memref_slice %arg6[%add3A_60, %dma_wait3A_120] : memref<8192x256xf32, #tpu.memory_space<hbm>> -> memref<128x256xf32, #tpu.memory_space<hbm>>
      tpu.wait_dma2 semaphore(%run_scoped3A : memref<!tpu.dma_semaphore, #tpu.memory_space<semaphore_mem>>) src(%arg10 : memref<128x256xf32, #tpu.memory_space<vmem>>) dst(%dma_wait3A_121 : memref<128x256xf32, #tpu.memory_space<hbm>>)
      tpu.yield
    }) : () -> ()
    %get3A_82 = arith.constant 1 : i32
    %get3A_83 = arith.index_cast %get3A_82 : i32 to index
    %get3A_84 = arith.constant 0 : index
    %get3A_85 = tpu.vector_load %arg8[%get3A_83, %get3A_84] {strides = array<i32>} : memref<2x128xi32, #tpu.memory_space<vmem>>, vector<16xi32>,
    tpu.vector_store_idx %arg11[%get3A_85], %broadcast_in_dim3A_3 : memref<8192xf32, #tpu.memory_space<vmem>>[vector<16xi32>], vector<16xf32>,
    %get3A_86 = arith.constant 1 : i32
    %get3A_87 = arith.index_cast %get3A_86 : i32 to index
    %get3A_88 = arith.constant 16 : index
    %get3A_89 = tpu.vector_load %arg8[%get3A_87, %get3A_88] {strides = array<i32>} : memref<2x128xi32, #tpu.memory_space<vmem>>, vector<16xi32>,
    tpu.vector_store_idx %arg11[%get3A_89], %broadcast_in_dim3A_3 : memref<8192xf32, #tpu.memory_space<vmem>>[vector<16xi32>], vector<16xf32>,
    %get3A_90 = arith.constant 1 : i32
    %get3A_91 = arith.index_cast %get3A_90 : i32 to index
    %get3A_92 = arith.constant 32 : index
    %get3A_93 = tpu.vector_load %arg8[%get3A_91, %get3A_92] {strides = array<i32>} : memref<2x128xi32, #tpu.memory_space<vmem>>, vector<16xi32>,
    tpu.vector_store_idx %arg11[%get3A_93], %broadcast_in_dim3A_3 : memref<8192xf32, #tpu.memory_space<vmem>>[vector<16xi32>], vector<16xf32>,
    %get3A_94 = arith.constant 1 : i32
    %get3A_95 = arith.index_cast %get3A_94 : i32 to index
    %get3A_96 = arith.constant 48 : index
    %get3A_97 = tpu.vector_load %arg8[%get3A_95, %get3A_96] {strides = array<i32>} : memref<2x128xi32, #tpu.memory_space<vmem>>, vector<16xi32>,
    tpu.vector_store_idx %arg11[%get3A_97], %broadcast_in_dim3A_3 : memref<8192xf32, #tpu.memory_space<vmem>>[vector<16xi32>], vector<16xf32>,
    %get3A_98 = arith.constant 1 : i32
    %get3A_99 = arith.index_cast %get3A_98 : i32 to index
    %get3A_100 = arith.constant 64 : index
    %get3A_101 = tpu.vector_load %arg8[%get3A_99, %get3A_100] {strides = array<i32>} : memref<2x128xi32, #tpu.memory_space<vmem>>, vector<16xi32>,
    tpu.vector_store_idx %arg11[%get3A_101], %broadcast_in_dim3A_3 : memref<8192xf32, #tpu.memory_space<vmem>>[vector<16xi32>], vector<16xf32>,
    %get3A_102 = arith.constant 1 : i32
    %get3A_103 = arith.index_cast %get3A_102 : i32 to index
    %get3A_104 = arith.constant 80 : index
    %get3A_105 = tpu.vector_load %arg8[%get3A_103, %get3A_104] {strides = array<i32>} : memref<2x128xi32, #tpu.memory_space<vmem>>, vector<16xi32>,
    tpu.vector_store_idx %arg11[%get3A_105], %broadcast_in_dim3A_3 : memref<8192xf32, #tpu.memory_space<vmem>>[vector<16xi32>], vector<16xf32>,
    %get3A_106 = arith.constant 1 : i32
    %get3A_107 = arith.index_cast %get3A_106 : i32 to index
    %get3A_108 = arith.constant 96 : index
    %get3A_109 = tpu.vector_load %arg8[%get3A_107, %get3A_108] {strides = array<i32>} : memref<2x128xi32, #tpu.memory_space<vmem>>, vector<16xi32>,
    tpu.vector_store_idx %arg11[%get3A_109], %broadcast_in_dim3A_3 : memref<8192xf32, #tpu.memory_space<vmem>>[vector<16xi32>], vector<16xf32>,
    %get3A_110 = arith.constant 1 : i32
    %get3A_111 = arith.index_cast %get3A_110 : i32 to index
    %get3A_112 = arith.constant 112 : index
    %get3A_113 = tpu.vector_load %arg8[%get3A_111, %get3A_112] {strides = array<i32>} : memref<2x128xi32, #tpu.memory_space<vmem>>, vector<16xi32>,
    tpu.vector_store_idx %arg11[%get3A_113], %broadcast_in_dim3A_3 : memref<8192xf32, #tpu.memory_space<vmem>>[vector<16xi32>], vector<16xf32>,
    "tpu.region"() ({
      %run_scoped3A = tpu.sem_alloc : memref<!tpu.dma_semaphore, #tpu.memory_space<semaphore_mem>>
      %dma_start3A_114 = arith.constant 0 : i32
      %dma_start3A_115 = tpu.memref_slice %arg7[%add3A, %dma_start3A_114] : memref<32x8192xf32, #tpu.memory_space<hbm>> -> memref<1x8192xf32, #tpu.memory_space<hbm>>
      %dma_start3A_116 = tpu.memref_squeeze %dma_start3A_115 : memref<1x8192xf32, #tpu.memory_space<hbm>> -> memref<8192xf32, #tpu.memory_space<hbm>>
      %dma_start3A_117 = arith.constant 0 : i32
      %dma_start3A_118 = tpu.memref_slice %arg7[%add3A, %dma_start3A_117] : memref<32x8192xf32, #tpu.memory_space<hbm>> -> memref<1x8192xf32, #tpu.memory_space<hbm>>
      %dma_start3A_119 = tpu.memref_squeeze %dma_start3A_118 : memref<1x8192xf32, #tpu.memory_space<hbm>> -> memref<8192xf32, #tpu.memory_space<hbm>>
      tpu.enqueue_dma source(%arg11 : memref<8192xf32, #tpu.memory_space<vmem>>) target(%dma_start3A_119 : memref<8192xf32, #tpu.memory_space<hbm>>) target_semaphore(%run_scoped3A : memref<!tpu.dma_semaphore, #tpu.memory_space<semaphore_mem>>)
      %dma_wait3A_120 = arith.constant 0 : i32
      %dma_wait3A_121 = tpu.memref_slice %arg7[%add3A, %dma_wait3A_120] : memref<32x8192xf32, #tpu.memory_space<hbm>> -> memref<1x8192xf32, #tpu.memory_space<hbm>>
      %dma_wait3A_122 = tpu.memref_squeeze %dma_wait3A_121 : memref<1x8192xf32, #tpu.memory_space<hbm>> -> memref<8192xf32, #tpu.memory_space<hbm>>
      %dma_wait3A_123 = arith.constant 0 : i32
      %dma_wait3A_124 = tpu.memref_slice %arg7[%add3A, %dma_wait3A_123] : memref<32x8192xf32, #tpu.memory_space<hbm>> -> memref<1x8192xf32, #tpu.memory_space<hbm>>
      %dma_wait3A_125 = tpu.memref_squeeze %dma_wait3A_124 : memref<1x8192xf32, #tpu.memory_space<hbm>> -> memref<8192xf32, #tpu.memory_space<hbm>>
      tpu.wait_dma2 semaphore(%run_scoped3A : memref<!tpu.dma_semaphore, #tpu.memory_space<semaphore_mem>>) src(%arg11 : memref<8192xf32, #tpu.memory_space<vmem>>) dst(%dma_wait3A_125 : memref<8192xf32, #tpu.memory_space<hbm>>)
      tpu.yield
    }) : () -> ()
    return
  }
}

#map = affine_map<(d0, d1) -> (0, 0)>
#map1 = affine_map<(d0, d1) -> (0)>
module attributes {stable_mosaic.version = 14 : i64} {
  func.func @_sc_body(%arg0: i32, %arg1: i32, %arg2: memref<64x128xi32, #tpu.memory_space<hbm>>, %arg3: memref<8192x256xf32, #tpu.memory_space<hbm>>, %arg4: memref<8192x256xf32, #tpu.memory_space<hbm>>, %arg5: memref<8192xf32, #tpu.memory_space<hbm>>, %arg6: memref<8192x256xf32, #tpu.memory_space<hbm>>, %arg7: memref<32x8192xf32, #tpu.memory_space<hbm>>, %arg8: memref<2x128xi32, #tpu.memory_space<vmem>>, %arg9: memref<128x256xf32, #tpu.memory_space<vmem>>, %arg10: memref<128x256xf32, #tpu.memory_space<vmem>>, %arg11: memref<8192xf32, #tpu.memory_space<vmem>>, %arg12: memref<!tpu.dma_semaphore, #tpu.memory_space<semaphore_mem>>) attributes {dimension_semantics = [#tpu.dimension_semantics<core_parallel>, #tpu.dimension_semantics<subcore_parallel>], iteration_bounds = array<i64: 2, 16>, scalar_prefetch = 0 : i64, scratch_operands = 5 : i64, tpu.core_type = #tpu.core_type<sc_vector_subcore>, window_params = [{transform_indices = #map}, {transform_indices = #map}, {transform_indices = #map}, {transform_indices = #map1}, {transform_indices = #map}, {transform_indices = #map}]} {
    %mul3A = arith.constant 16 : i32
    %mul3A_0 = arith.muli %arg0, %mul3A : i32
    %add3A = arith.addi %mul3A_0, %arg1 : i32
    "tpu.region"() ({
      %run_scoped3A = tpu.sem_alloc : memref<!tpu.dma_semaphore, #tpu.memory_space<semaphore_mem>>
      tpu.enqueue_dma source(%arg5 : memref<8192xf32, #tpu.memory_space<hbm>>) target(%arg11 : memref<8192xf32, #tpu.memory_space<vmem>>) target_semaphore(%run_scoped3A : memref<!tpu.dma_semaphore, #tpu.memory_space<semaphore_mem>>)
      tpu.wait_dma2 semaphore(%run_scoped3A : memref<!tpu.dma_semaphore, #tpu.memory_space<semaphore_mem>>) src(%arg5 : memref<8192xf32, #tpu.memory_space<hbm>>) dst(%arg11 : memref<8192xf32, #tpu.memory_space<vmem>>)
      tpu.yield
    }) : () -> ()
    %mul3A_1 = arith.constant 2 : i32
    %mul3A_2 = arith.muli %add3A, %mul3A_1 : i32
    "tpu.region"() ({
      %run_scoped3A = tpu.sem_alloc : memref<!tpu.dma_semaphore, #tpu.memory_space<semaphore_mem>>
      %dma_start3A_114 = arith.constant 0 : i32
      %dma_start3A_115 = tpu.memref_slice %arg2[%mul3A_2, %dma_start3A_114] : memref<64x128xi32, #tpu.memory_space<hbm>> -> memref<2x128xi32, #tpu.memory_space<hbm>>
      %dma_start3A_116 = arith.constant 0 : i32
      %dma_start3A_117 = tpu.memref_slice %arg2[%mul3A_2, %dma_start3A_116] : memref<64x128xi32, #tpu.memory_space<hbm>> -> memref<2x128xi32, #tpu.memory_space<hbm>>
      tpu.enqueue_dma source(%dma_start3A_117 : memref<2x128xi32, #tpu.memory_space<hbm>>) target(%arg8 : memref<2x128xi32, #tpu.memory_space<vmem>>) target_semaphore(%run_scoped3A : memref<!tpu.dma_semaphore, #tpu.memory_space<semaphore_mem>>)
      %dma_wait3A_118 = arith.constant 0 : i32
      %dma_wait3A_119 = tpu.memref_slice %arg2[%mul3A_2, %dma_wait3A_118] : memref<64x128xi32, #tpu.memory_space<hbm>> -> memref<2x128xi32, #tpu.memory_space<hbm>>
      %dma_wait3A_120 = arith.constant 0 : i32
      %dma_wait3A_121 = tpu.memref_slice %arg2[%mul3A_2, %dma_wait3A_120] : memref<64x128xi32, #tpu.memory_space<hbm>> -> memref<2x128xi32, #tpu.memory_space<hbm>>
      tpu.wait_dma2 semaphore(%run_scoped3A : memref<!tpu.dma_semaphore, #tpu.memory_space<semaphore_mem>>) src(%dma_wait3A_121 : memref<2x128xi32, #tpu.memory_space<hbm>>) dst(%arg8 : memref<2x128xi32, #tpu.memory_space<vmem>>)
      tpu.yield
    }) : () -> ()
    %broadcast_in_dim3A = arith.constant 1.000000e+00 : f32
    %broadcast_in_dim3A_3 = vector.broadcast %broadcast_in_dim3A : f32 to vector<16xf32>
    %mul3A_4 = arith.constant 256 : i32
    %mul3A_5 = arith.muli %add3A, %mul3A_4 : i32
    %add3A_6 = arith.constant 0 : i32
    %add3A_7 = arith.addi %mul3A_5, %add3A_6 : i32
    %dma_start3A = arith.constant 0 : i32
    %dma_start3A_8 = arith.constant 0 : i32
    %dma_start3A_9 = tpu.memref_slice %arg8[%dma_start3A, %dma_start3A_8] : memref<2x128xi32, #tpu.memory_space<vmem>> -> memref<1x128xi32, #tpu.memory_space<vmem>>
    %dma_start3A_10 = tpu.memref_squeeze %dma_start3A_9 : memref<1x128xi32, #tpu.memory_space<vmem>> -> memref<128xi32, #tpu.memory_space<vmem>>
    %dma_start3A_11 = arith.constant 0 : i32
    %dma_start3A_12 = arith.constant 0 : i32
    %dma_start3A_13 = tpu.memref_slice %arg3[%dma_start3A_11, %dma_start3A_12] : memref<8192x256xf32, #tpu.memory_space<hbm>> -> memref<8192x256xf32, #tpu.memory_space<hbm>>
    tpu.enqueue_indirect_dma source(%dma_start3A_13 : memref<8192x256xf32, #tpu.memory_space<hbm>>) target(%arg9 : memref<128x256xf32, #tpu.memory_space<vmem>>) offsets(%dma_start3A_10 : memref<128xi32, #tpu.memory_space<vmem>>) semaphore(%arg12 : memref<!tpu.dma_semaphore, #tpu.memory_space<semaphore_mem>>)
    "tpu.region"() ({
      %run_scoped3A = tpu.sem_alloc : memref<!tpu.dma_semaphore, #tpu.memory_space<semaphore_mem>>
      %dma_start3A_114 = arith.constant 0 : i32
      %dma_start3A_115 = tpu.memref_slice %arg4[%add3A_7, %dma_start3A_114] : memref<8192x256xf32, #tpu.memory_space<hbm>> -> memref<128x256xf32, #tpu.memory_space<hbm>>
      %dma_start3A_116 = arith.constant 0 : i32
      %dma_start3A_117 = tpu.memref_slice %arg4[%add3A_7, %dma_start3A_116] : memref<8192x256xf32, #tpu.memory_space<hbm>> -> memref<128x256xf32, #tpu.memory_space<hbm>>
      tpu.enqueue_dma source(%dma_start3A_117 : memref<128x256xf32, #tpu.memory_space<hbm>>) target(%arg10 : memref<128x256xf32, #tpu.memory_space<vmem>>) target_semaphore(%run_scoped3A : memref<!tpu.dma_semaphore, #tpu.memory_space<semaphore_mem>>)
      %dma_wait3A_118 = arith.constant 0 : i32
      %dma_wait3A_119 = tpu.memref_slice %arg4[%add3A_7, %dma_wait3A_118] : memref<8192x256xf32, #tpu.memory_space<hbm>> -> memref<128x256xf32, #tpu.memory_space<hbm>>
      %dma_wait3A_120 = arith.constant 0 : i32
      %dma_wait3A_121 = tpu.memref_slice %arg4[%add3A_7, %dma_wait3A_120] : memref<8192x256xf32, #tpu.memory_space<hbm>> -> memref<128x256xf32, #tpu.memory_space<hbm>>
      tpu.wait_dma2 semaphore(%run_scoped3A : memref<!tpu.dma_semaphore, #tpu.memory_space<semaphore_mem>>) src(%dma_wait3A_121 : memref<128x256xf32, #tpu.memory_space<hbm>>) dst(%arg10 : memref<128x256xf32, #tpu.memory_space<vmem>>)
      tpu.yield
    }) : () -> ()
    %dma_wait3A = arith.constant 0 : i32
    %dma_wait3A_14 = arith.constant 0 : i32
    %dma_wait3A_15 = tpu.memref_slice %arg8[%dma_wait3A, %dma_wait3A_14] : memref<2x128xi32, #tpu.memory_space<vmem>> -> memref<1x128xi32, #tpu.memory_space<vmem>>
    %dma_wait3A_16 = tpu.memref_squeeze %dma_wait3A_15 : memref<1x128xi32, #tpu.memory_space<vmem>> -> memref<128xi32, #tpu.memory_space<vmem>>
    %dma_wait3A_17 = arith.constant 0 : i32
    %dma_wait3A_18 = arith.constant 0 : i32
    %dma_wait3A_19 = tpu.memref_slice %arg3[%dma_wait3A_17, %dma_wait3A_18] : memref<8192x256xf32, #tpu.memory_space<hbm>> -> memref<8192x256xf32, #tpu.memory_space<hbm>>
    tpu.wait_indirect_dma semaphore(%arg12 : memref<!tpu.dma_semaphore, #tpu.memory_space<semaphore_mem>>) src(%dma_wait3A_19 : memref<8192x256xf32, #tpu.memory_space<hbm>>) dst(%arg9 : memref<128x256xf32, #tpu.memory_space<vmem>>)
    %scan3A = arith.constant 0 : i32
    %scan3A_20 = arith.constant 0 : i32
    %scan3A_21 = arith.constant 128 : i32
    %scan3A_22 = arith.addi %scan3A_20, %scan3A_21 : i32
    %scan3A_23 = arith.constant 1 : i32
    %scan3A_24 = scf.for %scan3A_114 = %scan3A_20 to %scan3A_22 step %scan3A_23 iter_args(%scan3A_115 = %scan3A) -> (i32)  : i32 {
      %get3A_116 = arith.index_cast %scan3A_114 : i32 to index
      %get3A_117 = arith.constant 0 : index
      %get3A_118 = tpu.vector_load %arg10[%get3A_116, %get3A_117] {strides = array<i32>} : memref<128x256xf32, #tpu.memory_space<vmem>>, vector<16xf32>,
      %get3A_119 = arith.index_cast %scan3A_114 : i32 to index
      %get3A_120 = arith.constant 0 : index
      %get3A_121 = tpu.vector_load %arg9[%get3A_119, %get3A_120] {strides = array<i32>} : memref<128x256xf32, #tpu.memory_space<vmem>>, vector<16xf32>,
      %sub3A = arith.subf %get3A_121, %get3A_118 : vector<16xf32>
      %add3A_122 = arith.addf %get3A_118, %sub3A : vector<16xf32>
      %sub3A_123 = arith.subf %get3A_118, %add3A_122 : vector<16xf32>
      %swap3A = arith.index_cast %scan3A_114 : i32 to index
      %swap3A_124 = arith.constant 0 : index
      %swap3A_125 = tpu.vector_load %arg10[%swap3A, %swap3A_124] {strides = array<i32>} : memref<128x256xf32, #tpu.memory_space<vmem>>, vector<16xf32>,
      tpu.vector_store %arg10[%swap3A, %swap3A_124], %sub3A_123 {strides = array<i32>} : memref<128x256xf32, #tpu.memory_space<vmem>>, vector<16xf32>,
      %get3A_126 = arith.index_cast %scan3A_114 : i32 to index
      %get3A_127 = arith.constant 16 : index
      %get3A_128 = tpu.vector_load %arg10[%get3A_126, %get3A_127] {strides = array<i32>} : memref<128x256xf32, #tpu.memory_space<vmem>>, vector<16xf32>,
      %get3A_129 = arith.index_cast %scan3A_114 : i32 to index
      %get3A_130 = arith.constant 16 : index
      %get3A_131 = tpu.vector_load %arg9[%get3A_129, %get3A_130] {strides = array<i32>} : memref<128x256xf32, #tpu.memory_space<vmem>>, vector<16xf32>,
      %sub3A_132 = arith.subf %get3A_131, %get3A_128 : vector<16xf32>
      %add3A_133 = arith.addf %get3A_128, %sub3A_132 : vector<16xf32>
      %sub3A_134 = arith.subf %get3A_128, %add3A_133 : vector<16xf32>
      %swap3A_135 = arith.index_cast %scan3A_114 : i32 to index
      %swap3A_136 = arith.constant 16 : index
      %swap3A_137 = tpu.vector_load %arg10[%swap3A_135, %swap3A_136] {strides = array<i32>} : memref<128x256xf32, #tpu.memory_space<vmem>>, vector<16xf32>,
      tpu.vector_store %arg10[%swap3A_135, %swap3A_136], %sub3A_134 {strides = array<i32>} : memref<128x256xf32, #tpu.memory_space<vmem>>, vector<16xf32>,
      %get3A_138 = arith.index_cast %scan3A_114 : i32 to index
      %get3A_139 = arith.constant 32 : index
      %get3A_140 = tpu.vector_load %arg10[%get3A_138, %get3A_139] {strides = array<i32>} : memref<128x256xf32, #tpu.memory_space<vmem>>, vector<16xf32>,
      %get3A_141 = arith.index_cast %scan3A_114 : i32 to index
      %get3A_142 = arith.constant 32 : index
      %get3A_143 = tpu.vector_load %arg9[%get3A_141, %get3A_142] {strides = array<i32>} : memref<128x256xf32, #tpu.memory_space<vmem>>, vector<16xf32>,
      %sub3A_144 = arith.subf %get3A_143, %get3A_140 : vector<16xf32>
      %add3A_145 = arith.addf %get3A_140, %sub3A_144 : vector<16xf32>
      %sub3A_146 = arith.subf %get3A_140, %add3A_145 : vector<16xf32>
      %swap3A_147 = arith.index_cast %scan3A_114 : i32 to index
      %swap3A_148 = arith.constant 32 : index
      %swap3A_149 = tpu.vector_load %arg10[%swap3A_147, %swap3A_148] {strides = array<i32>} : memref<128x256xf32, #tpu.memory_space<vmem>>, vector<16xf32>,
      tpu.vector_store %arg10[%swap3A_147, %swap3A_148], %sub3A_146 {strides = array<i32>} : memref<128x256xf32, #tpu.memory_space<vmem>>, vector<16xf32>,
      %get3A_150 = arith.index_cast %scan3A_114 : i32 to index
      %get3A_151 = arith.constant 48 : index
      %get3A_152 = tpu.vector_load %arg10[%get3A_150, %get3A_151] {strides = array<i32>} : memref<128x256xf32, #tpu.memory_space<vmem>>, vector<16xf32>,
      %get3A_153 = arith.index_cast %scan3A_114 : i32 to index
      %get3A_154 = arith.constant 48 : index
      %get3A_155 = tpu.vector_load %arg9[%get3A_153, %get3A_154] {strides = array<i32>} : memref<128x256xf32, #tpu.memory_space<vmem>>, vector<16xf32>,
      %sub3A_156 = arith.subf %get3A_155, %get3A_152 : vector<16xf32>
      %add3A_157 = arith.addf %get3A_152, %sub3A_156 : vector<16xf32>
      %sub3A_158 = arith.subf %get3A_152, %add3A_157 : vector<16xf32>
      %swap3A_159 = arith.index_cast %scan3A_114 : i32 to index
      %swap3A_160 = arith.constant 48 : index
      %swap3A_161 = tpu.vector_load %arg10[%swap3A_159, %swap3A_160] {strides = array<i32>} : memref<128x256xf32, #tpu.memory_space<vmem>>, vector<16xf32>,
      tpu.vector_store %arg10[%swap3A_159, %swap3A_160], %sub3A_158 {strides = array<i32>} : memref<128x256xf32, #tpu.memory_space<vmem>>, vector<16xf32>,
      %get3A_162 = arith.index_cast %scan3A_114 : i32 to index
      %get3A_163 = arith.constant 64 : index
      %get3A_164 = tpu.vector_load %arg10[%get3A_162, %get3A_163] {strides = array<i32>} : memref<128x256xf32, #tpu.memory_space<vmem>>, vector<16xf32>,
      %get3A_165 = arith.index_cast %scan3A_114 : i32 to index
      %get3A_166 = arith.constant 64 : index
      %get3A_167 = tpu.vector_load %arg9[%get3A_165, %get3A_166] {strides = array<i32>} : memref<128x256xf32, #tpu.memory_space<vmem>>, vector<16xf32>,
      %sub3A_168 = arith.subf %get3A_167, %get3A_164 : vector<16xf32>
      %add3A_169 = arith.addf %get3A_164, %sub3A_168 : vector<16xf32>
      %sub3A_170 = arith.subf %get3A_164, %add3A_169 : vector<16xf32>
      %swap3A_171 = arith.index_cast %scan3A_114 : i32 to index
      %swap3A_172 = arith.constant 64 : index
      %swap3A_173 = tpu.vector_load %arg10[%swap3A_171, %swap3A_172] {strides = array<i32>} : memref<128x256xf32, #tpu.memory_space<vmem>>, vector<16xf32>,
      tpu.vector_store %arg10[%swap3A_171, %swap3A_172], %sub3A_170 {strides = array<i32>} : memref<128x256xf32, #tpu.memory_space<vmem>>, vector<16xf32>,
      %get3A_174 = arith.index_cast %scan3A_114 : i32 to index
      %get3A_175 = arith.constant 80 : index
      %get3A_176 = tpu.vector_load %arg10[%get3A_174, %get3A_175] {strides = array<i32>} : memref<128x256xf32, #tpu.memory_space<vmem>>, vector<16xf32>,
      %get3A_177 = arith.index_cast %scan3A_114 : i32 to index
      %get3A_178 = arith.constant 80 : index
      %get3A_179 = tpu.vector_load %arg9[%get3A_177, %get3A_178] {strides = array<i32>} : memref<128x256xf32, #tpu.memory_space<vmem>>, vector<16xf32>,
      %sub3A_180 = arith.subf %get3A_179, %get3A_176 : vector<16xf32>
      %add3A_181 = arith.addf %get3A_176, %sub3A_180 : vector<16xf32>
      %sub3A_182 = arith.subf %get3A_176, %add3A_181 : vector<16xf32>
      %swap3A_183 = arith.index_cast %scan3A_114 : i32 to index
      %swap3A_184 = arith.constant 80 : index
      %swap3A_185 = tpu.vector_load %arg10[%swap3A_183, %swap3A_184] {strides = array<i32>} : memref<128x256xf32, #tpu.memory_space<vmem>>, vector<16xf32>,
      tpu.vector_store %arg10[%swap3A_183, %swap3A_184], %sub3A_182 {strides = array<i32>} : memref<128x256xf32, #tpu.memory_space<vmem>>, vector<16xf32>,
      %get3A_186 = arith.index_cast %scan3A_114 : i32 to index
      %get3A_187 = arith.constant 96 : index
      %get3A_188 = tpu.vector_load %arg10[%get3A_186, %get3A_187] {strides = array<i32>} : memref<128x256xf32, #tpu.memory_space<vmem>>, vector<16xf32>,
      %get3A_189 = arith.index_cast %scan3A_114 : i32 to index
      %get3A_190 = arith.constant 96 : index
      %get3A_191 = tpu.vector_load %arg9[%get3A_189, %get3A_190] {strides = array<i32>} : memref<128x256xf32, #tpu.memory_space<vmem>>, vector<16xf32>,
      %sub3A_192 = arith.subf %get3A_191, %get3A_188 : vector<16xf32>
      %add3A_193 = arith.addf %get3A_188, %sub3A_192 : vector<16xf32>
      %sub3A_194 = arith.subf %get3A_188, %add3A_193 : vector<16xf32>
      %swap3A_195 = arith.index_cast %scan3A_114 : i32 to index
      %swap3A_196 = arith.constant 96 : index
      %swap3A_197 = tpu.vector_load %arg10[%swap3A_195, %swap3A_196] {strides = array<i32>} : memref<128x256xf32, #tpu.memory_space<vmem>>, vector<16xf32>,
      tpu.vector_store %arg10[%swap3A_195, %swap3A_196], %sub3A_194 {strides = array<i32>} : memref<128x256xf32, #tpu.memory_space<vmem>>, vector<16xf32>,
      %get3A_198 = arith.index_cast %scan3A_114 : i32 to index
      %get3A_199 = arith.constant 112 : index
      %get3A_200 = tpu.vector_load %arg10[%get3A_198, %get3A_199] {strides = array<i32>} : memref<128x256xf32, #tpu.memory_space<vmem>>, vector<16xf32>,
      %get3A_201 = arith.index_cast %scan3A_114 : i32 to index
      %get3A_202 = arith.constant 112 : index
      %get3A_203 = tpu.vector_load %arg9[%get3A_201, %get3A_202] {strides = array<i32>} : memref<128x256xf32, #tpu.memory_space<vmem>>, vector<16xf32>,
      %sub3A_204 = arith.subf %get3A_203, %get3A_200 : vector<16xf32>
      %add3A_205 = arith.addf %get3A_200, %sub3A_204 : vector<16xf32>
      %sub3A_206 = arith.subf %get3A_200, %add3A_205 : vector<16xf32>
      %swap3A_207 = arith.index_cast %scan3A_114 : i32 to index
      %swap3A_208 = arith.constant 112 : index
      %swap3A_209 = tpu.vector_load %arg10[%swap3A_207, %swap3A_208] {strides = array<i32>} : memref<128x256xf32, #tpu.memory_space<vmem>>, vector<16xf32>,
      tpu.vector_store %arg10[%swap3A_207, %swap3A_208], %sub3A_206 {strides = array<i32>} : memref<128x256xf32, #tpu.memory_space<vmem>>, vector<16xf32>,
      %get3A_210 = arith.index_cast %scan3A_114 : i32 to index
      %get3A_211 = arith.constant 128 : index
      %get3A_212 = tpu.vector_load %arg10[%get3A_210, %get3A_211] {strides = array<i32>} : memref<128x256xf32, #tpu.memory_space<vmem>>, vector<16xf32>,
      %get3A_213 = arith.index_cast %scan3A_114 : i32 to index
      %get3A_214 = arith.constant 128 : index
      %get3A_215 = tpu.vector_load %arg9[%get3A_213, %get3A_214] {strides = array<i32>} : memref<128x256xf32, #tpu.memory_space<vmem>>, vector<16xf32>,
      %sub3A_216 = arith.subf %get3A_215, %get3A_212 : vector<16xf32>
      %add3A_217 = arith.addf %get3A_212, %sub3A_216 : vector<16xf32>
      %sub3A_218 = arith.subf %get3A_212, %add3A_217 : vector<16xf32>
      %swap3A_219 = arith.index_cast %scan3A_114 : i32 to index
      %swap3A_220 = arith.constant 128 : index
      %swap3A_221 = tpu.vector_load %arg10[%swap3A_219, %swap3A_220] {strides = array<i32>} : memref<128x256xf32, #tpu.memory_space<vmem>>, vector<16xf32>,
      tpu.vector_store %arg10[%swap3A_219, %swap3A_220], %sub3A_218 {strides = array<i32>} : memref<128x256xf32, #tpu.memory_space<vmem>>, vector<16xf32>,
      %get3A_222 = arith.index_cast %scan3A_114 : i32 to index
      %get3A_223 = arith.constant 144 : index
      %get3A_224 = tpu.vector_load %arg10[%get3A_222, %get3A_223] {strides = array<i32>} : memref<128x256xf32, #tpu.memory_space<vmem>>, vector<16xf32>,
      %get3A_225 = arith.index_cast %scan3A_114 : i32 to index
      %get3A_226 = arith.constant 144 : index
      %get3A_227 = tpu.vector_load %arg9[%get3A_225, %get3A_226] {strides = array<i32>} : memref<128x256xf32, #tpu.memory_space<vmem>>, vector<16xf32>,
      %sub3A_228 = arith.subf %get3A_227, %get3A_224 : vector<16xf32>
      %add3A_229 = arith.addf %get3A_224, %sub3A_228 : vector<16xf32>
      %sub3A_230 = arith.subf %get3A_224, %add3A_229 : vector<16xf32>
      %swap3A_231 = arith.index_cast %scan3A_114 : i32 to index
      %swap3A_232 = arith.constant 144 : index
      %swap3A_233 = tpu.vector_load %arg10[%swap3A_231, %swap3A_232] {strides = array<i32>} : memref<128x256xf32, #tpu.memory_space<vmem>>, vector<16xf32>,
      tpu.vector_store %arg10[%swap3A_231, %swap3A_232], %sub3A_230 {strides = array<i32>} : memref<128x256xf32, #tpu.memory_space<vmem>>, vector<16xf32>,
      %get3A_234 = arith.index_cast %scan3A_114 : i32 to index
      %get3A_235 = arith.constant 160 : index
      %get3A_236 = tpu.vector_load %arg10[%get3A_234, %get3A_235] {strides = array<i32>} : memref<128x256xf32, #tpu.memory_space<vmem>>, vector<16xf32>,
      %get3A_237 = arith.index_cast %scan3A_114 : i32 to index
      %get3A_238 = arith.constant 160 : index
      %get3A_239 = tpu.vector_load %arg9[%get3A_237, %get3A_238] {strides = array<i32>} : memref<128x256xf32, #tpu.memory_space<vmem>>, vector<16xf32>,
      %sub3A_240 = arith.subf %get3A_239, %get3A_236 : vector<16xf32>
      %add3A_241 = arith.addf %get3A_236, %sub3A_240 : vector<16xf32>
      %sub3A_242 = arith.subf %get3A_236, %add3A_241 : vector<16xf32>
      %swap3A_243 = arith.index_cast %scan3A_114 : i32 to index
      %swap3A_244 = arith.constant 160 : index
      %swap3A_245 = tpu.vector_load %arg10[%swap3A_243, %swap3A_244] {strides = array<i32>} : memref<128x256xf32, #tpu.memory_space<vmem>>, vector<16xf32>,
      tpu.vector_store %arg10[%swap3A_243, %swap3A_244], %sub3A_242 {strides = array<i32>} : memref<128x256xf32, #tpu.memory_space<vmem>>, vector<16xf32>,
      %get3A_246 = arith.index_cast %scan3A_114 : i32 to index
      %get3A_247 = arith.constant 176 : index
      %get3A_248 = tpu.vector_load %arg10[%get3A_246, %get3A_247] {strides = array<i32>} : memref<128x256xf32, #tpu.memory_space<vmem>>, vector<16xf32>,
      %get3A_249 = arith.index_cast %scan3A_114 : i32 to index
      %get3A_250 = arith.constant 176 : index
      %get3A_251 = tpu.vector_load %arg9[%get3A_249, %get3A_250] {strides = array<i32>} : memref<128x256xf32, #tpu.memory_space<vmem>>, vector<16xf32>,
      %sub3A_252 = arith.subf %get3A_251, %get3A_248 : vector<16xf32>
      %add3A_253 = arith.addf %get3A_248, %sub3A_252 : vector<16xf32>
      %sub3A_254 = arith.subf %get3A_248, %add3A_253 : vector<16xf32>
      %swap3A_255 = arith.index_cast %scan3A_114 : i32 to index
      %swap3A_256 = arith.constant 176 : index
      %swap3A_257 = tpu.vector_load %arg10[%swap3A_255, %swap3A_256] {strides = array<i32>} : memref<128x256xf32, #tpu.memory_space<vmem>>, vector<16xf32>,
      tpu.vector_store %arg10[%swap3A_255, %swap3A_256], %sub3A_254 {strides = array<i32>} : memref<128x256xf32, #tpu.memory_space<vmem>>, vector<16xf32>,
      %get3A_258 = arith.index_cast %scan3A_114 : i32 to index
      %get3A_259 = arith.constant 192 : index
      %get3A_260 = tpu.vector_load %arg10[%get3A_258, %get3A_259] {strides = array<i32>} : memref<128x256xf32, #tpu.memory_space<vmem>>, vector<16xf32>,
      %get3A_261 = arith.index_cast %scan3A_114 : i32 to index
      %get3A_262 = arith.constant 192 : index
      %get3A_263 = tpu.vector_load %arg9[%get3A_261, %get3A_262] {strides = array<i32>} : memref<128x256xf32, #tpu.memory_space<vmem>>, vector<16xf32>,
      %sub3A_264 = arith.subf %get3A_263, %get3A_260 : vector<16xf32>
      %add3A_265 = arith.addf %get3A_260, %sub3A_264 : vector<16xf32>
      %sub3A_266 = arith.subf %get3A_260, %add3A_265 : vector<16xf32>
      %swap3A_267 = arith.index_cast %scan3A_114 : i32 to index
      %swap3A_268 = arith.constant 192 : index
      %swap3A_269 = tpu.vector_load %arg10[%swap3A_267, %swap3A_268] {strides = array<i32>} : memref<128x256xf32, #tpu.memory_space<vmem>>, vector<16xf32>,
      tpu.vector_store %arg10[%swap3A_267, %swap3A_268], %sub3A_266 {strides = array<i32>} : memref<128x256xf32, #tpu.memory_space<vmem>>, vector<16xf32>,
      %get3A_270 = arith.index_cast %scan3A_114 : i32 to index
      %get3A_271 = arith.constant 208 : index
      %get3A_272 = tpu.vector_load %arg10[%get3A_270, %get3A_271] {strides = array<i32>} : memref<128x256xf32, #tpu.memory_space<vmem>>, vector<16xf32>,
      %get3A_273 = arith.index_cast %scan3A_114 : i32 to index
      %get3A_274 = arith.constant 208 : index
      %get3A_275 = tpu.vector_load %arg9[%get3A_273, %get3A_274] {strides = array<i32>} : memref<128x256xf32, #tpu.memory_space<vmem>>, vector<16xf32>,
      %sub3A_276 = arith.subf %get3A_275, %get3A_272 : vector<16xf32>
      %add3A_277 = arith.addf %get3A_272, %sub3A_276 : vector<16xf32>
      %sub3A_278 = arith.subf %get3A_272, %add3A_277 : vector<16xf32>
      %swap3A_279 = arith.index_cast %scan3A_114 : i32 to index
      %swap3A_280 = arith.constant 208 : index
      %swap3A_281 = tpu.vector_load %arg10[%swap3A_279, %swap3A_280] {strides = array<i32>} : memref<128x256xf32, #tpu.memory_space<vmem>>, vector<16xf32>,
      tpu.vector_store %arg10[%swap3A_279, %swap3A_280], %sub3A_278 {strides = array<i32>} : memref<128x256xf32, #tpu.memory_space<vmem>>, vector<16xf32>,
      %get3A_282 = arith.index_cast %scan3A_114 : i32 to index
      %get3A_283 = arith.constant 224 : index
      %get3A_284 = tpu.vector_load %arg10[%get3A_282, %get3A_283] {strides = array<i32>} : memref<128x256xf32, #tpu.memory_space<vmem>>, vector<16xf32>,
      %get3A_285 = arith.index_cast %scan3A_114 : i32 to index
      %get3A_286 = arith.constant 224 : index
      %get3A_287 = tpu.vector_load %arg9[%get3A_285, %get3A_286] {strides = array<i32>} : memref<128x256xf32, #tpu.memory_space<vmem>>, vector<16xf32>,
      %sub3A_288 = arith.subf %get3A_287, %get3A_284 : vector<16xf32>
      %add3A_289 = arith.addf %get3A_284, %sub3A_288 : vector<16xf32>
      %sub3A_290 = arith.subf %get3A_284, %add3A_289 : vector<16xf32>
      %swap3A_291 = arith.index_cast %scan3A_114 : i32 to index
      %swap3A_292 = arith.constant 224 : index
      %swap3A_293 = tpu.vector_load %arg10[%swap3A_291, %swap3A_292] {strides = array<i32>} : memref<128x256xf32, #tpu.memory_space<vmem>>, vector<16xf32>,
      tpu.vector_store %arg10[%swap3A_291, %swap3A_292], %sub3A_290 {strides = array<i32>} : memref<128x256xf32, #tpu.memory_space<vmem>>, vector<16xf32>,
      %get3A_294 = arith.index_cast %scan3A_114 : i32 to index
      %get3A_295 = arith.constant 240 : index
      %get3A_296 = tpu.vector_load %arg10[%get3A_294, %get3A_295] {strides = array<i32>} : memref<128x256xf32, #tpu.memory_space<vmem>>, vector<16xf32>,
      %get3A_297 = arith.index_cast %scan3A_114 : i32 to index
      %get3A_298 = arith.constant 240 : index
      %get3A_299 = tpu.vector_load %arg9[%get3A_297, %get3A_298] {strides = array<i32>} : memref<128x256xf32, #tpu.memory_space<vmem>>, vector<16xf32>,
      %sub3A_300 = arith.subf %get3A_299, %get3A_296 : vector<16xf32>
      %add3A_301 = arith.addf %get3A_296, %sub3A_300 : vector<16xf32>
      %sub3A_302 = arith.subf %get3A_296, %add3A_301 : vector<16xf32>
      %swap3A_303 = arith.index_cast %scan3A_114 : i32 to index
      %swap3A_304 = arith.constant 240 : index
      %swap3A_305 = tpu.vector_load %arg10[%swap3A_303, %swap3A_304] {strides = array<i32>} : memref<128x256xf32, #tpu.memory_space<vmem>>, vector<16xf32>,
      tpu.vector_store %arg10[%swap3A_303, %swap3A_304], %sub3A_302 {strides = array<i32>} : memref<128x256xf32, #tpu.memory_space<vmem>>, vector<16xf32>,
      %scan3A_306 = arith.constant 0 : i32
      scf.yield %scan3A_306 : i32
    }
    %scan3A_25 = arith.constant 128 : i32
    "tpu.region"() ({
      %run_scoped3A = tpu.sem_alloc : memref<!tpu.dma_semaphore, #tpu.memory_space<semaphore_mem>>
      %dma_start3A_114 = arith.constant 0 : i32
      %dma_start3A_115 = tpu.memref_slice %arg6[%add3A_7, %dma_start3A_114] : memref<8192x256xf32, #tpu.memory_space<hbm>> -> memref<128x256xf32, #tpu.memory_space<hbm>>
      %dma_start3A_116 = arith.constant 0 : i32
      %dma_start3A_117 = tpu.memref_slice %arg6[%add3A_7, %dma_start3A_116] : memref<8192x256xf32, #tpu.memory_space<hbm>> -> memref<128x256xf32, #tpu.memory_space<hbm>>
      tpu.enqueue_dma source(%arg10 : memref<128x256xf32, #tpu.memory_space<vmem>>) target(%dma_start3A_117 : memref<128x256xf32, #tpu.memory_space<hbm>>) target_semaphore(%run_scoped3A : memref<!tpu.dma_semaphore, #tpu.memory_space<semaphore_mem>>)
      %dma_wait3A_118 = arith.constant 0 : i32
      %dma_wait3A_119 = tpu.memref_slice %arg6[%add3A_7, %dma_wait3A_118] : memref<8192x256xf32, #tpu.memory_space<hbm>> -> memref<128x256xf32, #tpu.memory_space<hbm>>
      %dma_wait3A_120 = arith.constant 0 : i32
      %dma_wait3A_121 = tpu.memref_slice %arg6[%add3A_7, %dma_wait3A_120] : memref<8192x256xf32, #tpu.memory_space<hbm>> -> memref<128x256xf32, #tpu.memory_space<hbm>>
      tpu.wait_dma2 semaphore(%run_scoped3A : memref<!tpu.dma_semaphore, #tpu.memory_space<semaphore_mem>>) src(%arg10 : memref<128x256xf32, #tpu.memory_space<vmem>>) dst(%dma_wait3A_121 : memref<128x256xf32, #tpu.memory_space<hbm>>)
      tpu.yield
    }) : () -> ()
    %get3A = arith.constant 0 : i32
    %get3A_26 = arith.index_cast %get3A : i32 to index
    %get3A_27 = arith.constant 0 : index
    %get3A_28 = tpu.vector_load %arg8[%get3A_26, %get3A_27] {strides = array<i32>} : memref<2x128xi32, #tpu.memory_space<vmem>>, vector<16xi32>,
    tpu.vector_store_idx %arg11[%get3A_28], %broadcast_in_dim3A_3 : memref<8192xf32, #tpu.memory_space<vmem>>[vector<16xi32>], vector<16xf32>,
    %get3A_29 = arith.constant 0 : i32
    %get3A_30 = arith.index_cast %get3A_29 : i32 to index
    %get3A_31 = arith.constant 16 : index
    %get3A_32 = tpu.vector_load %arg8[%get3A_30, %get3A_31] {strides = array<i32>} : memref<2x128xi32, #tpu.memory_space<vmem>>, vector<16xi32>,
    tpu.vector_store_idx %arg11[%get3A_32], %broadcast_in_dim3A_3 : memref<8192xf32, #tpu.memory_space<vmem>>[vector<16xi32>], vector<16xf32>,
    %get3A_33 = arith.constant 0 : i32
    %get3A_34 = arith.index_cast %get3A_33 : i32 to index
    %get3A_35 = arith.constant 32 : index
    %get3A_36 = tpu.vector_load %arg8[%get3A_34, %get3A_35] {strides = array<i32>} : memref<2x128xi32, #tpu.memory_space<vmem>>, vector<16xi32>,
    tpu.vector_store_idx %arg11[%get3A_36], %broadcast_in_dim3A_3 : memref<8192xf32, #tpu.memory_space<vmem>>[vector<16xi32>], vector<16xf32>,
    %get3A_37 = arith.constant 0 : i32
    %get3A_38 = arith.index_cast %get3A_37 : i32 to index
    %get3A_39 = arith.constant 48 : index
    %get3A_40 = tpu.vector_load %arg8[%get3A_38, %get3A_39] {strides = array<i32>} : memref<2x128xi32, #tpu.memory_space<vmem>>, vector<16xi32>,
    tpu.vector_store_idx %arg11[%get3A_40], %broadcast_in_dim3A_3 : memref<8192xf32, #tpu.memory_space<vmem>>[vector<16xi32>], vector<16xf32>,
    %get3A_41 = arith.constant 0 : i32
    %get3A_42 = arith.index_cast %get3A_41 : i32 to index
    %get3A_43 = arith.constant 64 : index
    %get3A_44 = tpu.vector_load %arg8[%get3A_42, %get3A_43] {strides = array<i32>} : memref<2x128xi32, #tpu.memory_space<vmem>>, vector<16xi32>,
    tpu.vector_store_idx %arg11[%get3A_44], %broadcast_in_dim3A_3 : memref<8192xf32, #tpu.memory_space<vmem>>[vector<16xi32>], vector<16xf32>,
    %get3A_45 = arith.constant 0 : i32
    %get3A_46 = arith.index_cast %get3A_45 : i32 to index
    %get3A_47 = arith.constant 80 : index
    %get3A_48 = tpu.vector_load %arg8[%get3A_46, %get3A_47] {strides = array<i32>} : memref<2x128xi32, #tpu.memory_space<vmem>>, vector<16xi32>,
    tpu.vector_store_idx %arg11[%get3A_48], %broadcast_in_dim3A_3 : memref<8192xf32, #tpu.memory_space<vmem>>[vector<16xi32>], vector<16xf32>,
    %get3A_49 = arith.constant 0 : i32
    %get3A_50 = arith.index_cast %get3A_49 : i32 to index
    %get3A_51 = arith.constant 96 : index
    %get3A_52 = tpu.vector_load %arg8[%get3A_50, %get3A_51] {strides = array<i32>} : memref<2x128xi32, #tpu.memory_space<vmem>>, vector<16xi32>,
    tpu.vector_store_idx %arg11[%get3A_52], %broadcast_in_dim3A_3 : memref<8192xf32, #tpu.memory_space<vmem>>[vector<16xi32>], vector<16xf32>,
    %get3A_53 = arith.constant 0 : i32
    %get3A_54 = arith.index_cast %get3A_53 : i32 to index
    %get3A_55 = arith.constant 112 : index
    %get3A_56 = tpu.vector_load %arg8[%get3A_54, %get3A_55] {strides = array<i32>} : memref<2x128xi32, #tpu.memory_space<vmem>>, vector<16xi32>,
    tpu.vector_store_idx %arg11[%get3A_56], %broadcast_in_dim3A_3 : memref<8192xf32, #tpu.memory_space<vmem>>[vector<16xi32>], vector<16xf32>,
    %mul3A_57 = arith.constant 256 : i32
    %mul3A_58 = arith.muli %add3A, %mul3A_57 : i32
    %add3A_59 = arith.constant 128 : i32
    %add3A_60 = arith.addi %mul3A_58, %add3A_59 : i32
    %dma_start3A_61 = arith.constant 1 : i32
    %dma_start3A_62 = arith.constant 0 : i32
    %dma_start3A_63 = tpu.memref_slice %arg8[%dma_start3A_61, %dma_start3A_62] : memref<2x128xi32, #tpu.memory_space<vmem>> -> memref<1x128xi32, #tpu.memory_space<vmem>>
    %dma_start3A_64 = tpu.memref_squeeze %dma_start3A_63 : memref<1x128xi32, #tpu.memory_space<vmem>> -> memref<128xi32, #tpu.memory_space<vmem>>
    %dma_start3A_65 = arith.constant 0 : i32
    %dma_start3A_66 = arith.constant 0 : i32
    %dma_start3A_67 = tpu.memref_slice %arg3[%dma_start3A_65, %dma_start3A_66] : memref<8192x256xf32, #tpu.memory_space<hbm>> -> memref<8192x256xf32, #tpu.memory_space<hbm>>
    tpu.enqueue_indirect_dma source(%dma_start3A_67 : memref<8192x256xf32, #tpu.memory_space<hbm>>) target(%arg9 : memref<128x256xf32, #tpu.memory_space<vmem>>) offsets(%dma_start3A_64 : memref<128xi32, #tpu.memory_space<vmem>>) semaphore(%arg12 : memref<!tpu.dma_semaphore, #tpu.memory_space<semaphore_mem>>)
    "tpu.region"() ({
      %run_scoped3A = tpu.sem_alloc : memref<!tpu.dma_semaphore, #tpu.memory_space<semaphore_mem>>
      %dma_start3A_114 = arith.constant 0 : i32
      %dma_start3A_115 = tpu.memref_slice %arg4[%add3A_60, %dma_start3A_114] : memref<8192x256xf32, #tpu.memory_space<hbm>> -> memref<128x256xf32, #tpu.memory_space<hbm>>
      %dma_start3A_116 = arith.constant 0 : i32
      %dma_start3A_117 = tpu.memref_slice %arg4[%add3A_60, %dma_start3A_116] : memref<8192x256xf32, #tpu.memory_space<hbm>> -> memref<128x256xf32, #tpu.memory_space<hbm>>
      tpu.enqueue_dma source(%dma_start3A_117 : memref<128x256xf32, #tpu.memory_space<hbm>>) target(%arg10 : memref<128x256xf32, #tpu.memory_space<vmem>>) target_semaphore(%run_scoped3A : memref<!tpu.dma_semaphore, #tpu.memory_space<semaphore_mem>>)
      %dma_wait3A_118 = arith.constant 0 : i32
      %dma_wait3A_119 = tpu.memref_slice %arg4[%add3A_60, %dma_wait3A_118] : memref<8192x256xf32, #tpu.memory_space<hbm>> -> memref<128x256xf32, #tpu.memory_space<hbm>>
      %dma_wait3A_120 = arith.constant 0 : i32
      %dma_wait3A_121 = tpu.memref_slice %arg4[%add3A_60, %dma_wait3A_120] : memref<8192x256xf32, #tpu.memory_space<hbm>> -> memref<128x256xf32, #tpu.memory_space<hbm>>
      tpu.wait_dma2 semaphore(%run_scoped3A : memref<!tpu.dma_semaphore, #tpu.memory_space<semaphore_mem>>) src(%dma_wait3A_121 : memref<128x256xf32, #tpu.memory_space<hbm>>) dst(%arg10 : memref<128x256xf32, #tpu.memory_space<vmem>>)
      tpu.yield
    }) : () -> ()
    %dma_wait3A_68 = arith.constant 1 : i32
    %dma_wait3A_69 = arith.constant 0 : i32
    %dma_wait3A_70 = tpu.memref_slice %arg8[%dma_wait3A_68, %dma_wait3A_69] : memref<2x128xi32, #tpu.memory_space<vmem>> -> memref<1x128xi32, #tpu.memory_space<vmem>>
    %dma_wait3A_71 = tpu.memref_squeeze %dma_wait3A_70 : memref<1x128xi32, #tpu.memory_space<vmem>> -> memref<128xi32, #tpu.memory_space<vmem>>
    %dma_wait3A_72 = arith.constant 0 : i32
    %dma_wait3A_73 = arith.constant 0 : i32
    %dma_wait3A_74 = tpu.memref_slice %arg3[%dma_wait3A_72, %dma_wait3A_73] : memref<8192x256xf32, #tpu.memory_space<hbm>> -> memref<8192x256xf32, #tpu.memory_space<hbm>>
    tpu.wait_indirect_dma semaphore(%arg12 : memref<!tpu.dma_semaphore, #tpu.memory_space<semaphore_mem>>) src(%dma_wait3A_74 : memref<8192x256xf32, #tpu.memory_space<hbm>>) dst(%arg9 : memref<128x256xf32, #tpu.memory_space<vmem>>)
    %scan3A_75 = arith.constant 0 : i32
    %scan3A_76 = arith.constant 0 : i32
    %scan3A_77 = arith.constant 128 : i32
    %scan3A_78 = arith.addi %scan3A_76, %scan3A_77 : i32
    %scan3A_79 = arith.constant 1 : i32
    %scan3A_80 = scf.for %scan3A_114 = %scan3A_76 to %scan3A_78 step %scan3A_79 iter_args(%scan3A_115 = %scan3A_75) -> (i32)  : i32 {
      %get3A_116 = arith.index_cast %scan3A_114 : i32 to index
      %get3A_117 = arith.constant 0 : index
      %get3A_118 = tpu.vector_load %arg10[%get3A_116, %get3A_117] {strides = array<i32>} : memref<128x256xf32, #tpu.memory_space<vmem>>, vector<16xf32>,
      %get3A_119 = arith.index_cast %scan3A_114 : i32 to index
      %get3A_120 = arith.constant 0 : index
      %get3A_121 = tpu.vector_load %arg9[%get3A_119, %get3A_120] {strides = array<i32>} : memref<128x256xf32, #tpu.memory_space<vmem>>, vector<16xf32>,
      %sub3A = arith.subf %get3A_121, %get3A_118 : vector<16xf32>
      %add3A_122 = arith.addf %get3A_118, %sub3A : vector<16xf32>
      %sub3A_123 = arith.subf %get3A_118, %add3A_122 : vector<16xf32>
      %swap3A = arith.index_cast %scan3A_114 : i32 to index
      %swap3A_124 = arith.constant 0 : index
      %swap3A_125 = tpu.vector_load %arg10[%swap3A, %swap3A_124] {strides = array<i32>} : memref<128x256xf32, #tpu.memory_space<vmem>>, vector<16xf32>,
      tpu.vector_store %arg10[%swap3A, %swap3A_124], %sub3A_123 {strides = array<i32>} : memref<128x256xf32, #tpu.memory_space<vmem>>, vector<16xf32>,
      %get3A_126 = arith.index_cast %scan3A_114 : i32 to index
      %get3A_127 = arith.constant 16 : index
      %get3A_128 = tpu.vector_load %arg10[%get3A_126, %get3A_127] {strides = array<i32>} : memref<128x256xf32, #tpu.memory_space<vmem>>, vector<16xf32>,
      %get3A_129 = arith.index_cast %scan3A_114 : i32 to index
      %get3A_130 = arith.constant 16 : index
      %get3A_131 = tpu.vector_load %arg9[%get3A_129, %get3A_130] {strides = array<i32>} : memref<128x256xf32, #tpu.memory_space<vmem>>, vector<16xf32>,
      %sub3A_132 = arith.subf %get3A_131, %get3A_128 : vector<16xf32>
      %add3A_133 = arith.addf %get3A_128, %sub3A_132 : vector<16xf32>
      %sub3A_134 = arith.subf %get3A_128, %add3A_133 : vector<16xf32>
      %swap3A_135 = arith.index_cast %scan3A_114 : i32 to index
      %swap3A_136 = arith.constant 16 : index
      %swap3A_137 = tpu.vector_load %arg10[%swap3A_135, %swap3A_136] {strides = array<i32>} : memref<128x256xf32, #tpu.memory_space<vmem>>, vector<16xf32>,
      tpu.vector_store %arg10[%swap3A_135, %swap3A_136], %sub3A_134 {strides = array<i32>} : memref<128x256xf32, #tpu.memory_space<vmem>>, vector<16xf32>,
      %get3A_138 = arith.index_cast %scan3A_114 : i32 to index
      %get3A_139 = arith.constant 32 : index
      %get3A_140 = tpu.vector_load %arg10[%get3A_138, %get3A_139] {strides = array<i32>} : memref<128x256xf32, #tpu.memory_space<vmem>>, vector<16xf32>,
      %get3A_141 = arith.index_cast %scan3A_114 : i32 to index
      %get3A_142 = arith.constant 32 : index
      %get3A_143 = tpu.vector_load %arg9[%get3A_141, %get3A_142] {strides = array<i32>} : memref<128x256xf32, #tpu.memory_space<vmem>>, vector<16xf32>,
      %sub3A_144 = arith.subf %get3A_143, %get3A_140 : vector<16xf32>
      %add3A_145 = arith.addf %get3A_140, %sub3A_144 : vector<16xf32>
      %sub3A_146 = arith.subf %get3A_140, %add3A_145 : vector<16xf32>
      %swap3A_147 = arith.index_cast %scan3A_114 : i32 to index
      %swap3A_148 = arith.constant 32 : index
      %swap3A_149 = tpu.vector_load %arg10[%swap3A_147, %swap3A_148] {strides = array<i32>} : memref<128x256xf32, #tpu.memory_space<vmem>>, vector<16xf32>,
      tpu.vector_store %arg10[%swap3A_147, %swap3A_148], %sub3A_146 {strides = array<i32>} : memref<128x256xf32, #tpu.memory_space<vmem>>, vector<16xf32>,
      %get3A_150 = arith.index_cast %scan3A_114 : i32 to index
      %get3A_151 = arith.constant 48 : index
      %get3A_152 = tpu.vector_load %arg10[%get3A_150, %get3A_151] {strides = array<i32>} : memref<128x256xf32, #tpu.memory_space<vmem>>, vector<16xf32>,
      %get3A_153 = arith.index_cast %scan3A_114 : i32 to index
      %get3A_154 = arith.constant 48 : index
      %get3A_155 = tpu.vector_load %arg9[%get3A_153, %get3A_154] {strides = array<i32>} : memref<128x256xf32, #tpu.memory_space<vmem>>, vector<16xf32>,
      %sub3A_156 = arith.subf %get3A_155, %get3A_152 : vector<16xf32>
      %add3A_157 = arith.addf %get3A_152, %sub3A_156 : vector<16xf32>
      %sub3A_158 = arith.subf %get3A_152, %add3A_157 : vector<16xf32>
      %swap3A_159 = arith.index_cast %scan3A_114 : i32 to index
      %swap3A_160 = arith.constant 48 : index
      %swap3A_161 = tpu.vector_load %arg10[%swap3A_159, %swap3A_160] {strides = array<i32>} : memref<128x256xf32, #tpu.memory_space<vmem>>, vector<16xf32>,
      tpu.vector_store %arg10[%swap3A_159, %swap3A_160], %sub3A_158 {strides = array<i32>} : memref<128x256xf32, #tpu.memory_space<vmem>>, vector<16xf32>,
      %get3A_162 = arith.index_cast %scan3A_114 : i32 to index
      %get3A_163 = arith.constant 64 : index
      %get3A_164 = tpu.vector_load %arg10[%get3A_162, %get3A_163] {strides = array<i32>} : memref<128x256xf32, #tpu.memory_space<vmem>>, vector<16xf32>,
      %get3A_165 = arith.index_cast %scan3A_114 : i32 to index
      %get3A_166 = arith.constant 64 : index
      %get3A_167 = tpu.vector_load %arg9[%get3A_165, %get3A_166] {strides = array<i32>} : memref<128x256xf32, #tpu.memory_space<vmem>>, vector<16xf32>,
      %sub3A_168 = arith.subf %get3A_167, %get3A_164 : vector<16xf32>
      %add3A_169 = arith.addf %get3A_164, %sub3A_168 : vector<16xf32>
      %sub3A_170 = arith.subf %get3A_164, %add3A_169 : vector<16xf32>
      %swap3A_171 = arith.index_cast %scan3A_114 : i32 to index
      %swap3A_172 = arith.constant 64 : index
      %swap3A_173 = tpu.vector_load %arg10[%swap3A_171, %swap3A_172] {strides = array<i32>} : memref<128x256xf32, #tpu.memory_space<vmem>>, vector<16xf32>,
      tpu.vector_store %arg10[%swap3A_171, %swap3A_172], %sub3A_170 {strides = array<i32>} : memref<128x256xf32, #tpu.memory_space<vmem>>, vector<16xf32>,
      %get3A_174 = arith.index_cast %scan3A_114 : i32 to index
      %get3A_175 = arith.constant 80 : index
      %get3A_176 = tpu.vector_load %arg10[%get3A_174, %get3A_175] {strides = array<i32>} : memref<128x256xf32, #tpu.memory_space<vmem>>, vector<16xf32>,
      %get3A_177 = arith.index_cast %scan3A_114 : i32 to index
      %get3A_178 = arith.constant 80 : index
      %get3A_179 = tpu.vector_load %arg9[%get3A_177, %get3A_178] {strides = array<i32>} : memref<128x256xf32, #tpu.memory_space<vmem>>, vector<16xf32>,
      %sub3A_180 = arith.subf %get3A_179, %get3A_176 : vector<16xf32>
      %add3A_181 = arith.addf %get3A_176, %sub3A_180 : vector<16xf32>
      %sub3A_182 = arith.subf %get3A_176, %add3A_181 : vector<16xf32>
      %swap3A_183 = arith.index_cast %scan3A_114 : i32 to index
      %swap3A_184 = arith.constant 80 : index
      %swap3A_185 = tpu.vector_load %arg10[%swap3A_183, %swap3A_184] {strides = array<i32>} : memref<128x256xf32, #tpu.memory_space<vmem>>, vector<16xf32>,
      tpu.vector_store %arg10[%swap3A_183, %swap3A_184], %sub3A_182 {strides = array<i32>} : memref<128x256xf32, #tpu.memory_space<vmem>>, vector<16xf32>,
      %get3A_186 = arith.index_cast %scan3A_114 : i32 to index
      %get3A_187 = arith.constant 96 : index
      %get3A_188 = tpu.vector_load %arg10[%get3A_186, %get3A_187] {strides = array<i32>} : memref<128x256xf32, #tpu.memory_space<vmem>>, vector<16xf32>,
      %get3A_189 = arith.index_cast %scan3A_114 : i32 to index
      %get3A_190 = arith.constant 96 : index
      %get3A_191 = tpu.vector_load %arg9[%get3A_189, %get3A_190] {strides = array<i32>} : memref<128x256xf32, #tpu.memory_space<vmem>>, vector<16xf32>,
      %sub3A_192 = arith.subf %get3A_191, %get3A_188 : vector<16xf32>
      %add3A_193 = arith.addf %get3A_188, %sub3A_192 : vector<16xf32>
      %sub3A_194 = arith.subf %get3A_188, %add3A_193 : vector<16xf32>
      %swap3A_195 = arith.index_cast %scan3A_114 : i32 to index
      %swap3A_196 = arith.constant 96 : index
      %swap3A_197 = tpu.vector_load %arg10[%swap3A_195, %swap3A_196] {strides = array<i32>} : memref<128x256xf32, #tpu.memory_space<vmem>>, vector<16xf32>,
      tpu.vector_store %arg10[%swap3A_195, %swap3A_196], %sub3A_194 {strides = array<i32>} : memref<128x256xf32, #tpu.memory_space<vmem>>, vector<16xf32>,
      %get3A_198 = arith.index_cast %scan3A_114 : i32 to index
      %get3A_199 = arith.constant 112 : index
      %get3A_200 = tpu.vector_load %arg10[%get3A_198, %get3A_199] {strides = array<i32>} : memref<128x256xf32, #tpu.memory_space<vmem>>, vector<16xf32>,
      %get3A_201 = arith.index_cast %scan3A_114 : i32 to index
      %get3A_202 = arith.constant 112 : index
      %get3A_203 = tpu.vector_load %arg9[%get3A_201, %get3A_202] {strides = array<i32>} : memref<128x256xf32, #tpu.memory_space<vmem>>, vector<16xf32>,
      %sub3A_204 = arith.subf %get3A_203, %get3A_200 : vector<16xf32>
      %add3A_205 = arith.addf %get3A_200, %sub3A_204 : vector<16xf32>
      %sub3A_206 = arith.subf %get3A_200, %add3A_205 : vector<16xf32>
      %swap3A_207 = arith.index_cast %scan3A_114 : i32 to index
      %swap3A_208 = arith.constant 112 : index
      %swap3A_209 = tpu.vector_load %arg10[%swap3A_207, %swap3A_208] {strides = array<i32>} : memref<128x256xf32, #tpu.memory_space<vmem>>, vector<16xf32>,
      tpu.vector_store %arg10[%swap3A_207, %swap3A_208], %sub3A_206 {strides = array<i32>} : memref<128x256xf32, #tpu.memory_space<vmem>>, vector<16xf32>,
      %get3A_210 = arith.index_cast %scan3A_114 : i32 to index
      %get3A_211 = arith.constant 128 : index
      %get3A_212 = tpu.vector_load %arg10[%get3A_210, %get3A_211] {strides = array<i32>} : memref<128x256xf32, #tpu.memory_space<vmem>>, vector<16xf32>,
      %get3A_213 = arith.index_cast %scan3A_114 : i32 to index
      %get3A_214 = arith.constant 128 : index
      %get3A_215 = tpu.vector_load %arg9[%get3A_213, %get3A_214] {strides = array<i32>} : memref<128x256xf32, #tpu.memory_space<vmem>>, vector<16xf32>,
      %sub3A_216 = arith.subf %get3A_215, %get3A_212 : vector<16xf32>
      %add3A_217 = arith.addf %get3A_212, %sub3A_216 : vector<16xf32>
      %sub3A_218 = arith.subf %get3A_212, %add3A_217 : vector<16xf32>
      %swap3A_219 = arith.index_cast %scan3A_114 : i32 to index
      %swap3A_220 = arith.constant 128 : index
      %swap3A_221 = tpu.vector_load %arg10[%swap3A_219, %swap3A_220] {strides = array<i32>} : memref<128x256xf32, #tpu.memory_space<vmem>>, vector<16xf32>,
      tpu.vector_store %arg10[%swap3A_219, %swap3A_220], %sub3A_218 {strides = array<i32>} : memref<128x256xf32, #tpu.memory_space<vmem>>, vector<16xf32>,
      %get3A_222 = arith.index_cast %scan3A_114 : i32 to index
      %get3A_223 = arith.constant 144 : index
      %get3A_224 = tpu.vector_load %arg10[%get3A_222, %get3A_223] {strides = array<i32>} : memref<128x256xf32, #tpu.memory_space<vmem>>, vector<16xf32>,
      %get3A_225 = arith.index_cast %scan3A_114 : i32 to index
      %get3A_226 = arith.constant 144 : index
      %get3A_227 = tpu.vector_load %arg9[%get3A_225, %get3A_226] {strides = array<i32>} : memref<128x256xf32, #tpu.memory_space<vmem>>, vector<16xf32>,
      %sub3A_228 = arith.subf %get3A_227, %get3A_224 : vector<16xf32>
      %add3A_229 = arith.addf %get3A_224, %sub3A_228 : vector<16xf32>
      %sub3A_230 = arith.subf %get3A_224, %add3A_229 : vector<16xf32>
      %swap3A_231 = arith.index_cast %scan3A_114 : i32 to index
      %swap3A_232 = arith.constant 144 : index
      %swap3A_233 = tpu.vector_load %arg10[%swap3A_231, %swap3A_232] {strides = array<i32>} : memref<128x256xf32, #tpu.memory_space<vmem>>, vector<16xf32>,
      tpu.vector_store %arg10[%swap3A_231, %swap3A_232], %sub3A_230 {strides = array<i32>} : memref<128x256xf32, #tpu.memory_space<vmem>>, vector<16xf32>,
      %get3A_234 = arith.index_cast %scan3A_114 : i32 to index
      %get3A_235 = arith.constant 160 : index
      %get3A_236 = tpu.vector_load %arg10[%get3A_234, %get3A_235] {strides = array<i32>} : memref<128x256xf32, #tpu.memory_space<vmem>>, vector<16xf32>,
      %get3A_237 = arith.index_cast %scan3A_114 : i32 to index
      %get3A_238 = arith.constant 160 : index
      %get3A_239 = tpu.vector_load %arg9[%get3A_237, %get3A_238] {strides = array<i32>} : memref<128x256xf32, #tpu.memory_space<vmem>>, vector<16xf32>,
      %sub3A_240 = arith.subf %get3A_239, %get3A_236 : vector<16xf32>
      %add3A_241 = arith.addf %get3A_236, %sub3A_240 : vector<16xf32>
      %sub3A_242 = arith.subf %get3A_236, %add3A_241 : vector<16xf32>
      %swap3A_243 = arith.index_cast %scan3A_114 : i32 to index
      %swap3A_244 = arith.constant 160 : index
      %swap3A_245 = tpu.vector_load %arg10[%swap3A_243, %swap3A_244] {strides = array<i32>} : memref<128x256xf32, #tpu.memory_space<vmem>>, vector<16xf32>,
      tpu.vector_store %arg10[%swap3A_243, %swap3A_244], %sub3A_242 {strides = array<i32>} : memref<128x256xf32, #tpu.memory_space<vmem>>, vector<16xf32>,
      %get3A_246 = arith.index_cast %scan3A_114 : i32 to index
      %get3A_247 = arith.constant 176 : index
      %get3A_248 = tpu.vector_load %arg10[%get3A_246, %get3A_247] {strides = array<i32>} : memref<128x256xf32, #tpu.memory_space<vmem>>, vector<16xf32>,
      %get3A_249 = arith.index_cast %scan3A_114 : i32 to index
      %get3A_250 = arith.constant 176 : index
      %get3A_251 = tpu.vector_load %arg9[%get3A_249, %get3A_250] {strides = array<i32>} : memref<128x256xf32, #tpu.memory_space<vmem>>, vector<16xf32>,
      %sub3A_252 = arith.subf %get3A_251, %get3A_248 : vector<16xf32>
      %add3A_253 = arith.addf %get3A_248, %sub3A_252 : vector<16xf32>
      %sub3A_254 = arith.subf %get3A_248, %add3A_253 : vector<16xf32>
      %swap3A_255 = arith.index_cast %scan3A_114 : i32 to index
      %swap3A_256 = arith.constant 176 : index
      %swap3A_257 = tpu.vector_load %arg10[%swap3A_255, %swap3A_256] {strides = array<i32>} : memref<128x256xf32, #tpu.memory_space<vmem>>, vector<16xf32>,
      tpu.vector_store %arg10[%swap3A_255, %swap3A_256], %sub3A_254 {strides = array<i32>} : memref<128x256xf32, #tpu.memory_space<vmem>>, vector<16xf32>,
      %get3A_258 = arith.index_cast %scan3A_114 : i32 to index
      %get3A_259 = arith.constant 192 : index
      %get3A_260 = tpu.vector_load %arg10[%get3A_258, %get3A_259] {strides = array<i32>} : memref<128x256xf32, #tpu.memory_space<vmem>>, vector<16xf32>,
      %get3A_261 = arith.index_cast %scan3A_114 : i32 to index
      %get3A_262 = arith.constant 192 : index
      %get3A_263 = tpu.vector_load %arg9[%get3A_261, %get3A_262] {strides = array<i32>} : memref<128x256xf32, #tpu.memory_space<vmem>>, vector<16xf32>,
      %sub3A_264 = arith.subf %get3A_263, %get3A_260 : vector<16xf32>
      %add3A_265 = arith.addf %get3A_260, %sub3A_264 : vector<16xf32>
      %sub3A_266 = arith.subf %get3A_260, %add3A_265 : vector<16xf32>
      %swap3A_267 = arith.index_cast %scan3A_114 : i32 to index
      %swap3A_268 = arith.constant 192 : index
      %swap3A_269 = tpu.vector_load %arg10[%swap3A_267, %swap3A_268] {strides = array<i32>} : memref<128x256xf32, #tpu.memory_space<vmem>>, vector<16xf32>,
      tpu.vector_store %arg10[%swap3A_267, %swap3A_268], %sub3A_266 {strides = array<i32>} : memref<128x256xf32, #tpu.memory_space<vmem>>, vector<16xf32>,
      %get3A_270 = arith.index_cast %scan3A_114 : i32 to index
      %get3A_271 = arith.constant 208 : index
      %get3A_272 = tpu.vector_load %arg10[%get3A_270, %get3A_271] {strides = array<i32>} : memref<128x256xf32, #tpu.memory_space<vmem>>, vector<16xf32>,
      %get3A_273 = arith.index_cast %scan3A_114 : i32 to index
      %get3A_274 = arith.constant 208 : index
      %get3A_275 = tpu.vector_load %arg9[%get3A_273, %get3A_274] {strides = array<i32>} : memref<128x256xf32, #tpu.memory_space<vmem>>, vector<16xf32>,
      %sub3A_276 = arith.subf %get3A_275, %get3A_272 : vector<16xf32>
      %add3A_277 = arith.addf %get3A_272, %sub3A_276 : vector<16xf32>
      %sub3A_278 = arith.subf %get3A_272, %add3A_277 : vector<16xf32>
      %swap3A_279 = arith.index_cast %scan3A_114 : i32 to index
      %swap3A_280 = arith.constant 208 : index
      %swap3A_281 = tpu.vector_load %arg10[%swap3A_279, %swap3A_280] {strides = array<i32>} : memref<128x256xf32, #tpu.memory_space<vmem>>, vector<16xf32>,
      tpu.vector_store %arg10[%swap3A_279, %swap3A_280], %sub3A_278 {strides = array<i32>} : memref<128x256xf32, #tpu.memory_space<vmem>>, vector<16xf32>,
      %get3A_282 = arith.index_cast %scan3A_114 : i32 to index
      %get3A_283 = arith.constant 224 : index
      %get3A_284 = tpu.vector_load %arg10[%get3A_282, %get3A_283] {strides = array<i32>} : memref<128x256xf32, #tpu.memory_space<vmem>>, vector<16xf32>,
      %get3A_285 = arith.index_cast %scan3A_114 : i32 to index
      %get3A_286 = arith.constant 224 : index
      %get3A_287 = tpu.vector_load %arg9[%get3A_285, %get3A_286] {strides = array<i32>} : memref<128x256xf32, #tpu.memory_space<vmem>>, vector<16xf32>,
      %sub3A_288 = arith.subf %get3A_287, %get3A_284 : vector<16xf32>
      %add3A_289 = arith.addf %get3A_284, %sub3A_288 : vector<16xf32>
      %sub3A_290 = arith.subf %get3A_284, %add3A_289 : vector<16xf32>
      %swap3A_291 = arith.index_cast %scan3A_114 : i32 to index
      %swap3A_292 = arith.constant 224 : index
      %swap3A_293 = tpu.vector_load %arg10[%swap3A_291, %swap3A_292] {strides = array<i32>} : memref<128x256xf32, #tpu.memory_space<vmem>>, vector<16xf32>,
      tpu.vector_store %arg10[%swap3A_291, %swap3A_292], %sub3A_290 {strides = array<i32>} : memref<128x256xf32, #tpu.memory_space<vmem>>, vector<16xf32>,
      %get3A_294 = arith.index_cast %scan3A_114 : i32 to index
      %get3A_295 = arith.constant 240 : index
      %get3A_296 = tpu.vector_load %arg10[%get3A_294, %get3A_295] {strides = array<i32>} : memref<128x256xf32, #tpu.memory_space<vmem>>, vector<16xf32>,
      %get3A_297 = arith.index_cast %scan3A_114 : i32 to index
      %get3A_298 = arith.constant 240 : index
      %get3A_299 = tpu.vector_load %arg9[%get3A_297, %get3A_298] {strides = array<i32>} : memref<128x256xf32, #tpu.memory_space<vmem>>, vector<16xf32>,
      %sub3A_300 = arith.subf %get3A_299, %get3A_296 : vector<16xf32>
      %add3A_301 = arith.addf %get3A_296, %sub3A_300 : vector<16xf32>
      %sub3A_302 = arith.subf %get3A_296, %add3A_301 : vector<16xf32>
      %swap3A_303 = arith.index_cast %scan3A_114 : i32 to index
      %swap3A_304 = arith.constant 240 : index
      %swap3A_305 = tpu.vector_load %arg10[%swap3A_303, %swap3A_304] {strides = array<i32>} : memref<128x256xf32, #tpu.memory_space<vmem>>, vector<16xf32>,
      tpu.vector_store %arg10[%swap3A_303, %swap3A_304], %sub3A_302 {strides = array<i32>} : memref<128x256xf32, #tpu.memory_space<vmem>>, vector<16xf32>,
      %scan3A_306 = arith.constant 0 : i32
      scf.yield %scan3A_306 : i32
    }
    %scan3A_81 = arith.constant 128 : i32
    "tpu.region"() ({
      %run_scoped3A = tpu.sem_alloc : memref<!tpu.dma_semaphore, #tpu.memory_space<semaphore_mem>>
      %dma_start3A_114 = arith.constant 0 : i32
      %dma_start3A_115 = tpu.memref_slice %arg6[%add3A_60, %dma_start3A_114] : memref<8192x256xf32, #tpu.memory_space<hbm>> -> memref<128x256xf32, #tpu.memory_space<hbm>>
      %dma_start3A_116 = arith.constant 0 : i32
      %dma_start3A_117 = tpu.memref_slice %arg6[%add3A_60, %dma_start3A_116] : memref<8192x256xf32, #tpu.memory_space<hbm>> -> memref<128x256xf32, #tpu.memory_space<hbm>>
      tpu.enqueue_dma source(%arg10 : memref<128x256xf32, #tpu.memory_space<vmem>>) target(%dma_start3A_117 : memref<128x256xf32, #tpu.memory_space<hbm>>) target_semaphore(%run_scoped3A : memref<!tpu.dma_semaphore, #tpu.memory_space<semaphore_mem>>)
      %dma_wait3A_118 = arith.constant 0 : i32
      %dma_wait3A_119 = tpu.memref_slice %arg6[%add3A_60, %dma_wait3A_118] : memref<8192x256xf32, #tpu.memory_space<hbm>> -> memref<128x256xf32, #tpu.memory_space<hbm>>
      %dma_wait3A_120 = arith.constant 0 : i32
      %dma_wait3A_121 = tpu.memref_slice %arg6[%add3A_60, %dma_wait3A_120] : memref<8192x256xf32, #tpu.memory_space<hbm>> -> memref<128x256xf32, #tpu.memory_space<hbm>>
      tpu.wait_dma2 semaphore(%run_scoped3A : memref<!tpu.dma_semaphore, #tpu.memory_space<semaphore_mem>>) src(%arg10 : memref<128x256xf32, #tpu.memory_space<vmem>>) dst(%dma_wait3A_121 : memref<128x256xf32, #tpu.memory_space<hbm>>)
      tpu.yield
    }) : () -> ()
    %get3A_82 = arith.constant 1 : i32
    %get3A_83 = arith.index_cast %get3A_82 : i32 to index
    %get3A_84 = arith.constant 0 : index
    %get3A_85 = tpu.vector_load %arg8[%get3A_83, %get3A_84] {strides = array<i32>} : memref<2x128xi32, #tpu.memory_space<vmem>>, vector<16xi32>,
    tpu.vector_store_idx %arg11[%get3A_85], %broadcast_in_dim3A_3 : memref<8192xf32, #tpu.memory_space<vmem>>[vector<16xi32>], vector<16xf32>,
    %get3A_86 = arith.constant 1 : i32
    %get3A_87 = arith.index_cast %get3A_86 : i32 to index
    %get3A_88 = arith.constant 16 : index
    %get3A_89 = tpu.vector_load %arg8[%get3A_87, %get3A_88] {strides = array<i32>} : memref<2x128xi32, #tpu.memory_space<vmem>>, vector<16xi32>,
    tpu.vector_store_idx %arg11[%get3A_89], %broadcast_in_dim3A_3 : memref<8192xf32, #tpu.memory_space<vmem>>[vector<16xi32>], vector<16xf32>,
    %get3A_90 = arith.constant 1 : i32
    %get3A_91 = arith.index_cast %get3A_90 : i32 to index
    %get3A_92 = arith.constant 32 : index
    %get3A_93 = tpu.vector_load %arg8[%get3A_91, %get3A_92] {strides = array<i32>} : memref<2x128xi32, #tpu.memory_space<vmem>>, vector<16xi32>,
    tpu.vector_store_idx %arg11[%get3A_93], %broadcast_in_dim3A_3 : memref<8192xf32, #tpu.memory_space<vmem>>[vector<16xi32>], vector<16xf32>,
    %get3A_94 = arith.constant 1 : i32
    %get3A_95 = arith.index_cast %get3A_94 : i32 to index
    %get3A_96 = arith.constant 48 : index
    %get3A_97 = tpu.vector_load %arg8[%get3A_95, %get3A_96] {strides = array<i32>} : memref<2x128xi32, #tpu.memory_space<vmem>>, vector<16xi32>,
    tpu.vector_store_idx %arg11[%get3A_97], %broadcast_in_dim3A_3 : memref<8192xf32, #tpu.memory_space<vmem>>[vector<16xi32>], vector<16xf32>,
    %get3A_98 = arith.constant 1 : i32
    %get3A_99 = arith.index_cast %get3A_98 : i32 to index
    %get3A_100 = arith.constant 64 : index
    %get3A_101 = tpu.vector_load %arg8[%get3A_99, %get3A_100] {strides = array<i32>} : memref<2x128xi32, #tpu.memory_space<vmem>>, vector<16xi32>,
    tpu.vector_store_idx %arg11[%get3A_101], %broadcast_in_dim3A_3 : memref<8192xf32, #tpu.memory_space<vmem>>[vector<16xi32>], vector<16xf32>,
    %get3A_102 = arith.constant 1 : i32
    %get3A_103 = arith.index_cast %get3A_102 : i32 to index
    %get3A_104 = arith.constant 80 : index
    %get3A_105 = tpu.vector_load %arg8[%get3A_103, %get3A_104] {strides = array<i32>} : memref<2x128xi32, #tpu.memory_space<vmem>>, vector<16xi32>,
    tpu.vector_store_idx %arg11[%get3A_105], %broadcast_in_dim3A_3 : memref<8192xf32, #tpu.memory_space<vmem>>[vector<16xi32>], vector<16xf32>,
    %get3A_106 = arith.constant 1 : i32
    %get3A_107 = arith.index_cast %get3A_106 : i32 to index
    %get3A_108 = arith.constant 96 : index
    %get3A_109 = tpu.vector_load %arg8[%get3A_107, %get3A_108] {strides = array<i32>} : memref<2x128xi32, #tpu.memory_space<vmem>>, vector<16xi32>,
    tpu.vector_store_idx %arg11[%get3A_109], %broadcast_in_dim3A_3 : memref<8192xf32, #tpu.memory_space<vmem>>[vector<16xi32>], vector<16xf32>,
    %get3A_110 = arith.constant 1 : i32
    %get3A_111 = arith.index_cast %get3A_110 : i32 to index
    %get3A_112 = arith.constant 112 : index
    %get3A_113 = tpu.vector_load %arg8[%get3A_111, %get3A_112] {strides = array<i32>} : memref<2x128xi32, #tpu.memory_space<vmem>>, vector<16xi32>,
    tpu.vector_store_idx %arg11[%get3A_113], %broadcast_in_dim3A_3 : memref<8192xf32, #tpu.memory_space<vmem>>[vector<16xi32>], vector<16xf32>,
    "tpu.region"() ({
      %run_scoped3A = tpu.sem_alloc : memref<!tpu.dma_semaphore, #tpu.memory_space<semaphore_mem>>
      %dma_start3A_114 = arith.constant 0 : i32
      %dma_start3A_115 = tpu.memref_slice %arg7[%add3A, %dma_start3A_114] : memref<32x8192xf32, #tpu.memory_space<hbm>> -> memref<1x8192xf32, #tpu.memory_space<hbm>>
      %dma_start3A_116 = tpu.memref_squeeze %dma_start3A_115 : memref<1x8192xf32, #tpu.memory_space<hbm>> -> memref<8192xf32, #tpu.memory_space<hbm>>
      %dma_start3A_117 = arith.constant 0 : i32
      %dma_start3A_118 = tpu.memref_slice %arg7[%add3A, %dma_start3A_117] : memref<32x8192xf32, #tpu.memory_space<hbm>> -> memref<1x8192xf32, #tpu.memory_space<hbm>>
      %dma_start3A_119 = tpu.memref_squeeze %dma_start3A_118 : memref<1x8192xf32, #tpu.memory_space<hbm>> -> memref<8192xf32, #tpu.memory_space<hbm>>
      tpu.enqueue_dma source(%arg11 : memref<8192xf32, #tpu.memory_space<vmem>>) target(%dma_start3A_119 : memref<8192xf32, #tpu.memory_space<hbm>>) target_semaphore(%run_scoped3A : memref<!tpu.dma_semaphore, #tpu.memory_space<semaphore_mem>>)
      %dma_wait3A_120 = arith.constant 0 : i32
      %dma_wait3A_121 = tpu.memref_slice %arg7[%add3A, %dma_wait3A_120] : memref<32x8192xf32, #tpu.memory_space<hbm>> -> memref<1x8192xf32, #tpu.memory_space<hbm>>
      %dma_wait3A_122 = tpu.memref_squeeze %dma_wait3A_121 : memref<1x8192xf32, #tpu.memory_space<hbm>> -> memref<8192xf32, #tpu.memory_space<hbm>>
      %dma_wait3A_123 = arith.constant 0 : i32
      %dma_wait3A_124 = tpu.memref_slice %arg7[%add3A, %dma_wait3A_123] : memref<32x8192xf32, #tpu.memory_space<hbm>> -> memref<1x8192xf32, #tpu.memory_space<hbm>>
      %dma_wait3A_125 = tpu.memref_squeeze %dma_wait3A_124 : memref<1x8192xf32, #tpu.memory_space<hbm>> -> memref<8192xf32, #tpu.memory_space<hbm>>
      tpu.wait_dma2 semaphore(%run_scoped3A : memref<!tpu.dma_semaphore, #tpu.memory_space<semaphore_mem>>) src(%arg11 : memref<8192xf32, #tpu.memory_space<vmem>>) dst(%dma_wait3A_125 : memref<8192xf32, #tpu.memory_space<hbm>>)
      tpu.yield
    }) : () -> ()
    return
  }
}

#map = affine_map<(d0, d1) -> (0, 0)>
#map1 = affine_map<(d0, d1) -> (0)>
module attributes {stable_mosaic.version = 14 : i64} {
  func.func @_sc_body(%arg0: i32, %arg1: i32, %arg2: memref<64x128xi32, #tpu.memory_space<hbm>>, %arg3: memref<8192x256xf32, #tpu.memory_space<hbm>>, %arg4: memref<8192x256xf32, #tpu.memory_space<hbm>>, %arg5: memref<8192xf32, #tpu.memory_space<hbm>>, %arg6: memref<8192x256xf32, #tpu.memory_space<hbm>>, %arg7: memref<32x8192xf32, #tpu.memory_space<hbm>>, %arg8: memref<2x128xi32, #tpu.memory_space<vmem>>, %arg9: memref<128x256xf32, #tpu.memory_space<vmem>>, %arg10: memref<128x256xf32, #tpu.memory_space<vmem>>, %arg11: memref<8192xf32, #tpu.memory_space<vmem>>, %arg12: memref<!tpu.dma_semaphore, #tpu.memory_space<semaphore_mem>>) attributes {dimension_semantics = [#tpu.dimension_semantics<core_parallel>, #tpu.dimension_semantics<subcore_parallel>], iteration_bounds = array<i64: 2, 16>, scalar_prefetch = 0 : i64, scratch_operands = 5 : i64, tpu.core_type = #tpu.core_type<sc_vector_subcore>, window_params = [{transform_indices = #map}, {transform_indices = #map}, {transform_indices = #map}, {transform_indices = #map1}, {transform_indices = #map}, {transform_indices = #map}]} {
    %mul3A = arith.constant 16 : i32
    %mul3A_0 = arith.muli %arg0, %mul3A : i32
    %add3A = arith.addi %mul3A_0, %arg1 : i32
    "tpu.region"() ({
      %run_scoped3A = tpu.sem_alloc : memref<!tpu.dma_semaphore, #tpu.memory_space<semaphore_mem>>
      tpu.enqueue_dma source(%arg5 : memref<8192xf32, #tpu.memory_space<hbm>>) target(%arg11 : memref<8192xf32, #tpu.memory_space<vmem>>) target_semaphore(%run_scoped3A : memref<!tpu.dma_semaphore, #tpu.memory_space<semaphore_mem>>)
      tpu.wait_dma2 semaphore(%run_scoped3A : memref<!tpu.dma_semaphore, #tpu.memory_space<semaphore_mem>>) src(%arg5 : memref<8192xf32, #tpu.memory_space<hbm>>) dst(%arg11 : memref<8192xf32, #tpu.memory_space<vmem>>)
      tpu.yield
    }) : () -> ()
    %mul3A_1 = arith.constant 2 : i32
    %mul3A_2 = arith.muli %add3A, %mul3A_1 : i32
    "tpu.region"() ({
      %run_scoped3A = tpu.sem_alloc : memref<!tpu.dma_semaphore, #tpu.memory_space<semaphore_mem>>
      %dma_start3A_114 = arith.constant 0 : i32
      %dma_start3A_115 = tpu.memref_slice %arg2[%mul3A_2, %dma_start3A_114] : memref<64x128xi32, #tpu.memory_space<hbm>> -> memref<2x128xi32, #tpu.memory_space<hbm>>
      %dma_start3A_116 = arith.constant 0 : i32
      %dma_start3A_117 = tpu.memref_slice %arg2[%mul3A_2, %dma_start3A_116] : memref<64x128xi32, #tpu.memory_space<hbm>> -> memref<2x128xi32, #tpu.memory_space<hbm>>
      tpu.enqueue_dma source(%dma_start3A_117 : memref<2x128xi32, #tpu.memory_space<hbm>>) target(%arg8 : memref<2x128xi32, #tpu.memory_space<vmem>>) target_semaphore(%run_scoped3A : memref<!tpu.dma_semaphore, #tpu.memory_space<semaphore_mem>>)
      %dma_wait3A_118 = arith.constant 0 : i32
      %dma_wait3A_119 = tpu.memref_slice %arg2[%mul3A_2, %dma_wait3A_118] : memref<64x128xi32, #tpu.memory_space<hbm>> -> memref<2x128xi32, #tpu.memory_space<hbm>>
      %dma_wait3A_120 = arith.constant 0 : i32
      %dma_wait3A_121 = tpu.memref_slice %arg2[%mul3A_2, %dma_wait3A_120] : memref<64x128xi32, #tpu.memory_space<hbm>> -> memref<2x128xi32, #tpu.memory_space<hbm>>
      tpu.wait_dma2 semaphore(%run_scoped3A : memref<!tpu.dma_semaphore, #tpu.memory_space<semaphore_mem>>) src(%dma_wait3A_121 : memref<2x128xi32, #tpu.memory_space<hbm>>) dst(%arg8 : memref<2x128xi32, #tpu.memory_space<vmem>>)
      tpu.yield
    }) : () -> ()
    %broadcast_in_dim3A = arith.constant 1.000000e+00 : f32
    %broadcast_in_dim3A_3 = vector.broadcast %broadcast_in_dim3A : f32 to vector<16xf32>
    %mul3A_4 = arith.constant 256 : i32
    %mul3A_5 = arith.muli %add3A, %mul3A_4 : i32
    %add3A_6 = arith.constant 0 : i32
    %add3A_7 = arith.addi %mul3A_5, %add3A_6 : i32
    %dma_start3A = arith.constant 0 : i32
    %dma_start3A_8 = arith.constant 0 : i32
    %dma_start3A_9 = tpu.memref_slice %arg8[%dma_start3A, %dma_start3A_8] : memref<2x128xi32, #tpu.memory_space<vmem>> -> memref<1x128xi32, #tpu.memory_space<vmem>>
    %dma_start3A_10 = tpu.memref_squeeze %dma_start3A_9 : memref<1x128xi32, #tpu.memory_space<vmem>> -> memref<128xi32, #tpu.memory_space<vmem>>
    %dma_start3A_11 = arith.constant 0 : i32
    %dma_start3A_12 = arith.constant 0 : i32
    %dma_start3A_13 = tpu.memref_slice %arg3[%dma_start3A_11, %dma_start3A_12] : memref<8192x256xf32, #tpu.memory_space<hbm>> -> memref<8192x256xf32, #tpu.memory_space<hbm>>
    tpu.enqueue_indirect_dma source(%dma_start3A_13 : memref<8192x256xf32, #tpu.memory_space<hbm>>) target(%arg9 : memref<128x256xf32, #tpu.memory_space<vmem>>) offsets(%dma_start3A_10 : memref<128xi32, #tpu.memory_space<vmem>>) semaphore(%arg12 : memref<!tpu.dma_semaphore, #tpu.memory_space<semaphore_mem>>)
    "tpu.region"() ({
      %run_scoped3A = tpu.sem_alloc : memref<!tpu.dma_semaphore, #tpu.memory_space<semaphore_mem>>
      %dma_start3A_114 = arith.constant 0 : i32
      %dma_start3A_115 = tpu.memref_slice %arg4[%add3A_7, %dma_start3A_114] : memref<8192x256xf32, #tpu.memory_space<hbm>> -> memref<128x256xf32, #tpu.memory_space<hbm>>
      %dma_start3A_116 = arith.constant 0 : i32
      %dma_start3A_117 = tpu.memref_slice %arg4[%add3A_7, %dma_start3A_116] : memref<8192x256xf32, #tpu.memory_space<hbm>> -> memref<128x256xf32, #tpu.memory_space<hbm>>
      tpu.enqueue_dma source(%dma_start3A_117 : memref<128x256xf32, #tpu.memory_space<hbm>>) target(%arg10 : memref<128x256xf32, #tpu.memory_space<vmem>>) target_semaphore(%run_scoped3A : memref<!tpu.dma_semaphore, #tpu.memory_space<semaphore_mem>>)
      %dma_wait3A_118 = arith.constant 0 : i32
      %dma_wait3A_119 = tpu.memref_slice %arg4[%add3A_7, %dma_wait3A_118] : memref<8192x256xf32, #tpu.memory_space<hbm>> -> memref<128x256xf32, #tpu.memory_space<hbm>>
      %dma_wait3A_120 = arith.constant 0 : i32
      %dma_wait3A_121 = tpu.memref_slice %arg4[%add3A_7, %dma_wait3A_120] : memref<8192x256xf32, #tpu.memory_space<hbm>> -> memref<128x256xf32, #tpu.memory_space<hbm>>
      tpu.wait_dma2 semaphore(%run_scoped3A : memref<!tpu.dma_semaphore, #tpu.memory_space<semaphore_mem>>) src(%dma_wait3A_121 : memref<128x256xf32, #tpu.memory_space<hbm>>) dst(%arg10 : memref<128x256xf32, #tpu.memory_space<vmem>>)
      tpu.yield
    }) : () -> ()
    %dma_wait3A = arith.constant 0 : i32
    %dma_wait3A_14 = arith.constant 0 : i32
    %dma_wait3A_15 = tpu.memref_slice %arg8[%dma_wait3A, %dma_wait3A_14] : memref<2x128xi32, #tpu.memory_space<vmem>> -> memref<1x128xi32, #tpu.memory_space<vmem>>
    %dma_wait3A_16 = tpu.memref_squeeze %dma_wait3A_15 : memref<1x128xi32, #tpu.memory_space<vmem>> -> memref<128xi32, #tpu.memory_space<vmem>>
    %dma_wait3A_17 = arith.constant 0 : i32
    %dma_wait3A_18 = arith.constant 0 : i32
    %dma_wait3A_19 = tpu.memref_slice %arg3[%dma_wait3A_17, %dma_wait3A_18] : memref<8192x256xf32, #tpu.memory_space<hbm>> -> memref<8192x256xf32, #tpu.memory_space<hbm>>
    tpu.wait_indirect_dma semaphore(%arg12 : memref<!tpu.dma_semaphore, #tpu.memory_space<semaphore_mem>>) src(%dma_wait3A_19 : memref<8192x256xf32, #tpu.memory_space<hbm>>) dst(%arg9 : memref<128x256xf32, #tpu.memory_space<vmem>>)
    %scan3A = arith.constant 0 : i32
    %scan3A_20 = arith.constant 0 : i32
    %scan3A_21 = arith.constant 128 : i32
    %scan3A_22 = arith.addi %scan3A_20, %scan3A_21 : i32
    %scan3A_23 = arith.constant 1 : i32
    %scan3A_24 = scf.for %scan3A_114 = %scan3A_20 to %scan3A_22 step %scan3A_23 iter_args(%scan3A_115 = %scan3A) -> (i32)  : i32 {
      %get3A_116 = arith.index_cast %scan3A_114 : i32 to index
      %get3A_117 = arith.constant 0 : index
      %get3A_118 = tpu.vector_load %arg10[%get3A_116, %get3A_117] {strides = array<i32>} : memref<128x256xf32, #tpu.memory_space<vmem>>, vector<16xf32>,
      %get3A_119 = arith.index_cast %scan3A_114 : i32 to index
      %get3A_120 = arith.constant 0 : index
      %get3A_121 = tpu.vector_load %arg9[%get3A_119, %get3A_120] {strides = array<i32>} : memref<128x256xf32, #tpu.memory_space<vmem>>, vector<16xf32>,
      %sub3A = arith.subf %get3A_121, %get3A_118 : vector<16xf32>
      %add3A_122 = arith.addf %get3A_118, %sub3A : vector<16xf32>
      %sub3A_123 = arith.subf %get3A_118, %add3A_122 : vector<16xf32>
      %swap3A = arith.index_cast %scan3A_114 : i32 to index
      %swap3A_124 = arith.constant 0 : index
      %swap3A_125 = tpu.vector_load %arg10[%swap3A, %swap3A_124] {strides = array<i32>} : memref<128x256xf32, #tpu.memory_space<vmem>>, vector<16xf32>,
      tpu.vector_store %arg10[%swap3A, %swap3A_124], %sub3A_123 {strides = array<i32>} : memref<128x256xf32, #tpu.memory_space<vmem>>, vector<16xf32>,
      %get3A_126 = arith.index_cast %scan3A_114 : i32 to index
      %get3A_127 = arith.constant 16 : index
      %get3A_128 = tpu.vector_load %arg10[%get3A_126, %get3A_127] {strides = array<i32>} : memref<128x256xf32, #tpu.memory_space<vmem>>, vector<16xf32>,
      %get3A_129 = arith.index_cast %scan3A_114 : i32 to index
      %get3A_130 = arith.constant 16 : index
      %get3A_131 = tpu.vector_load %arg9[%get3A_129, %get3A_130] {strides = array<i32>} : memref<128x256xf32, #tpu.memory_space<vmem>>, vector<16xf32>,
      %sub3A_132 = arith.subf %get3A_131, %get3A_128 : vector<16xf32>
      %add3A_133 = arith.addf %get3A_128, %sub3A_132 : vector<16xf32>
      %sub3A_134 = arith.subf %get3A_128, %add3A_133 : vector<16xf32>
      %swap3A_135 = arith.index_cast %scan3A_114 : i32 to index
      %swap3A_136 = arith.constant 16 : index
      %swap3A_137 = tpu.vector_load %arg10[%swap3A_135, %swap3A_136] {strides = array<i32>} : memref<128x256xf32, #tpu.memory_space<vmem>>, vector<16xf32>,
      tpu.vector_store %arg10[%swap3A_135, %swap3A_136], %sub3A_134 {strides = array<i32>} : memref<128x256xf32, #tpu.memory_space<vmem>>, vector<16xf32>,
      %get3A_138 = arith.index_cast %scan3A_114 : i32 to index
      %get3A_139 = arith.constant 32 : index
      %get3A_140 = tpu.vector_load %arg10[%get3A_138, %get3A_139] {strides = array<i32>} : memref<128x256xf32, #tpu.memory_space<vmem>>, vector<16xf32>,
      %get3A_141 = arith.index_cast %scan3A_114 : i32 to index
      %get3A_142 = arith.constant 32 : index
      %get3A_143 = tpu.vector_load %arg9[%get3A_141, %get3A_142] {strides = array<i32>} : memref<128x256xf32, #tpu.memory_space<vmem>>, vector<16xf32>,
      %sub3A_144 = arith.subf %get3A_143, %get3A_140 : vector<16xf32>
      %add3A_145 = arith.addf %get3A_140, %sub3A_144 : vector<16xf32>
      %sub3A_146 = arith.subf %get3A_140, %add3A_145 : vector<16xf32>
      %swap3A_147 = arith.index_cast %scan3A_114 : i32 to index
      %swap3A_148 = arith.constant 32 : index
      %swap3A_149 = tpu.vector_load %arg10[%swap3A_147, %swap3A_148] {strides = array<i32>} : memref<128x256xf32, #tpu.memory_space<vmem>>, vector<16xf32>,
      tpu.vector_store %arg10[%swap3A_147, %swap3A_148], %sub3A_146 {strides = array<i32>} : memref<128x256xf32, #tpu.memory_space<vmem>>, vector<16xf32>,
      %get3A_150 = arith.index_cast %scan3A_114 : i32 to index
      %get3A_151 = arith.constant 48 : index
      %get3A_152 = tpu.vector_load %arg10[%get3A_150, %get3A_151] {strides = array<i32>} : memref<128x256xf32, #tpu.memory_space<vmem>>, vector<16xf32>,
      %get3A_153 = arith.index_cast %scan3A_114 : i32 to index
      %get3A_154 = arith.constant 48 : index
      %get3A_155 = tpu.vector_load %arg9[%get3A_153, %get3A_154] {strides = array<i32>} : memref<128x256xf32, #tpu.memory_space<vmem>>, vector<16xf32>,
      %sub3A_156 = arith.subf %get3A_155, %get3A_152 : vector<16xf32>
      %add3A_157 = arith.addf %get3A_152, %sub3A_156 : vector<16xf32>
      %sub3A_158 = arith.subf %get3A_152, %add3A_157 : vector<16xf32>
      %swap3A_159 = arith.index_cast %scan3A_114 : i32 to index
      %swap3A_160 = arith.constant 48 : index
      %swap3A_161 = tpu.vector_load %arg10[%swap3A_159, %swap3A_160] {strides = array<i32>} : memref<128x256xf32, #tpu.memory_space<vmem>>, vector<16xf32>,
      tpu.vector_store %arg10[%swap3A_159, %swap3A_160], %sub3A_158 {strides = array<i32>} : memref<128x256xf32, #tpu.memory_space<vmem>>, vector<16xf32>,
      %get3A_162 = arith.index_cast %scan3A_114 : i32 to index
      %get3A_163 = arith.constant 64 : index
      %get3A_164 = tpu.vector_load %arg10[%get3A_162, %get3A_163] {strides = array<i32>} : memref<128x256xf32, #tpu.memory_space<vmem>>, vector<16xf32>,
      %get3A_165 = arith.index_cast %scan3A_114 : i32 to index
      %get3A_166 = arith.constant 64 : index
      %get3A_167 = tpu.vector_load %arg9[%get3A_165, %get3A_166] {strides = array<i32>} : memref<128x256xf32, #tpu.memory_space<vmem>>, vector<16xf32>,
      %sub3A_168 = arith.subf %get3A_167, %get3A_164 : vector<16xf32>
      %add3A_169 = arith.addf %get3A_164, %sub3A_168 : vector<16xf32>
      %sub3A_170 = arith.subf %get3A_164, %add3A_169 : vector<16xf32>
      %swap3A_171 = arith.index_cast %scan3A_114 : i32 to index
      %swap3A_172 = arith.constant 64 : index
      %swap3A_173 = tpu.vector_load %arg10[%swap3A_171, %swap3A_172] {strides = array<i32>} : memref<128x256xf32, #tpu.memory_space<vmem>>, vector<16xf32>,
      tpu.vector_store %arg10[%swap3A_171, %swap3A_172], %sub3A_170 {strides = array<i32>} : memref<128x256xf32, #tpu.memory_space<vmem>>, vector<16xf32>,
      %get3A_174 = arith.index_cast %scan3A_114 : i32 to index
      %get3A_175 = arith.constant 80 : index
      %get3A_176 = tpu.vector_load %arg10[%get3A_174, %get3A_175] {strides = array<i32>} : memref<128x256xf32, #tpu.memory_space<vmem>>, vector<16xf32>,
      %get3A_177 = arith.index_cast %scan3A_114 : i32 to index
      %get3A_178 = arith.constant 80 : index
      %get3A_179 = tpu.vector_load %arg9[%get3A_177, %get3A_178] {strides = array<i32>} : memref<128x256xf32, #tpu.memory_space<vmem>>, vector<16xf32>,
      %sub3A_180 = arith.subf %get3A_179, %get3A_176 : vector<16xf32>
      %add3A_181 = arith.addf %get3A_176, %sub3A_180 : vector<16xf32>
      %sub3A_182 = arith.subf %get3A_176, %add3A_181 : vector<16xf32>
      %swap3A_183 = arith.index_cast %scan3A_114 : i32 to index
      %swap3A_184 = arith.constant 80 : index
      %swap3A_185 = tpu.vector_load %arg10[%swap3A_183, %swap3A_184] {strides = array<i32>} : memref<128x256xf32, #tpu.memory_space<vmem>>, vector<16xf32>,
      tpu.vector_store %arg10[%swap3A_183, %swap3A_184], %sub3A_182 {strides = array<i32>} : memref<128x256xf32, #tpu.memory_space<vmem>>, vector<16xf32>,
      %get3A_186 = arith.index_cast %scan3A_114 : i32 to index
      %get3A_187 = arith.constant 96 : index
      %get3A_188 = tpu.vector_load %arg10[%get3A_186, %get3A_187] {strides = array<i32>} : memref<128x256xf32, #tpu.memory_space<vmem>>, vector<16xf32>,
      %get3A_189 = arith.index_cast %scan3A_114 : i32 to index
      %get3A_190 = arith.constant 96 : index
      %get3A_191 = tpu.vector_load %arg9[%get3A_189, %get3A_190] {strides = array<i32>} : memref<128x256xf32, #tpu.memory_space<vmem>>, vector<16xf32>,
      %sub3A_192 = arith.subf %get3A_191, %get3A_188 : vector<16xf32>
      %add3A_193 = arith.addf %get3A_188, %sub3A_192 : vector<16xf32>
      %sub3A_194 = arith.subf %get3A_188, %add3A_193 : vector<16xf32>
      %swap3A_195 = arith.index_cast %scan3A_114 : i32 to index
      %swap3A_196 = arith.constant 96 : index
      %swap3A_197 = tpu.vector_load %arg10[%swap3A_195, %swap3A_196] {strides = array<i32>} : memref<128x256xf32, #tpu.memory_space<vmem>>, vector<16xf32>,
      tpu.vector_store %arg10[%swap3A_195, %swap3A_196], %sub3A_194 {strides = array<i32>} : memref<128x256xf32, #tpu.memory_space<vmem>>, vector<16xf32>,
      %get3A_198 = arith.index_cast %scan3A_114 : i32 to index
      %get3A_199 = arith.constant 112 : index
      %get3A_200 = tpu.vector_load %arg10[%get3A_198, %get3A_199] {strides = array<i32>} : memref<128x256xf32, #tpu.memory_space<vmem>>, vector<16xf32>,
      %get3A_201 = arith.index_cast %scan3A_114 : i32 to index
      %get3A_202 = arith.constant 112 : index
      %get3A_203 = tpu.vector_load %arg9[%get3A_201, %get3A_202] {strides = array<i32>} : memref<128x256xf32, #tpu.memory_space<vmem>>, vector<16xf32>,
      %sub3A_204 = arith.subf %get3A_203, %get3A_200 : vector<16xf32>
      %add3A_205 = arith.addf %get3A_200, %sub3A_204 : vector<16xf32>
      %sub3A_206 = arith.subf %get3A_200, %add3A_205 : vector<16xf32>
      %swap3A_207 = arith.index_cast %scan3A_114 : i32 to index
      %swap3A_208 = arith.constant 112 : index
      %swap3A_209 = tpu.vector_load %arg10[%swap3A_207, %swap3A_208] {strides = array<i32>} : memref<128x256xf32, #tpu.memory_space<vmem>>, vector<16xf32>,
      tpu.vector_store %arg10[%swap3A_207, %swap3A_208], %sub3A_206 {strides = array<i32>} : memref<128x256xf32, #tpu.memory_space<vmem>>, vector<16xf32>,
      %get3A_210 = arith.index_cast %scan3A_114 : i32 to index
      %get3A_211 = arith.constant 128 : index
      %get3A_212 = tpu.vector_load %arg10[%get3A_210, %get3A_211] {strides = array<i32>} : memref<128x256xf32, #tpu.memory_space<vmem>>, vector<16xf32>,
      %get3A_213 = arith.index_cast %scan3A_114 : i32 to index
      %get3A_214 = arith.constant 128 : index
      %get3A_215 = tpu.vector_load %arg9[%get3A_213, %get3A_214] {strides = array<i32>} : memref<128x256xf32, #tpu.memory_space<vmem>>, vector<16xf32>,
      %sub3A_216 = arith.subf %get3A_215, %get3A_212 : vector<16xf32>
      %add3A_217 = arith.addf %get3A_212, %sub3A_216 : vector<16xf32>
      %sub3A_218 = arith.subf %get3A_212, %add3A_217 : vector<16xf32>
      %swap3A_219 = arith.index_cast %scan3A_114 : i32 to index
      %swap3A_220 = arith.constant 128 : index
      %swap3A_221 = tpu.vector_load %arg10[%swap3A_219, %swap3A_220] {strides = array<i32>} : memref<128x256xf32, #tpu.memory_space<vmem>>, vector<16xf32>,
      tpu.vector_store %arg10[%swap3A_219, %swap3A_220], %sub3A_218 {strides = array<i32>} : memref<128x256xf32, #tpu.memory_space<vmem>>, vector<16xf32>,
      %get3A_222 = arith.index_cast %scan3A_114 : i32 to index
      %get3A_223 = arith.constant 144 : index
      %get3A_224 = tpu.vector_load %arg10[%get3A_222, %get3A_223] {strides = array<i32>} : memref<128x256xf32, #tpu.memory_space<vmem>>, vector<16xf32>,
      %get3A_225 = arith.index_cast %scan3A_114 : i32 to index
      %get3A_226 = arith.constant 144 : index
      %get3A_227 = tpu.vector_load %arg9[%get3A_225, %get3A_226] {strides = array<i32>} : memref<128x256xf32, #tpu.memory_space<vmem>>, vector<16xf32>,
      %sub3A_228 = arith.subf %get3A_227, %get3A_224 : vector<16xf32>
      %add3A_229 = arith.addf %get3A_224, %sub3A_228 : vector<16xf32>
      %sub3A_230 = arith.subf %get3A_224, %add3A_229 : vector<16xf32>
      %swap3A_231 = arith.index_cast %scan3A_114 : i32 to index
      %swap3A_232 = arith.constant 144 : index
      %swap3A_233 = tpu.vector_load %arg10[%swap3A_231, %swap3A_232] {strides = array<i32>} : memref<128x256xf32, #tpu.memory_space<vmem>>, vector<16xf32>,
      tpu.vector_store %arg10[%swap3A_231, %swap3A_232], %sub3A_230 {strides = array<i32>} : memref<128x256xf32, #tpu.memory_space<vmem>>, vector<16xf32>,
      %get3A_234 = arith.index_cast %scan3A_114 : i32 to index
      %get3A_235 = arith.constant 160 : index
      %get3A_236 = tpu.vector_load %arg10[%get3A_234, %get3A_235] {strides = array<i32>} : memref<128x256xf32, #tpu.memory_space<vmem>>, vector<16xf32>,
      %get3A_237 = arith.index_cast %scan3A_114 : i32 to index
      %get3A_238 = arith.constant 160 : index
      %get3A_239 = tpu.vector_load %arg9[%get3A_237, %get3A_238] {strides = array<i32>} : memref<128x256xf32, #tpu.memory_space<vmem>>, vector<16xf32>,
      %sub3A_240 = arith.subf %get3A_239, %get3A_236 : vector<16xf32>
      %add3A_241 = arith.addf %get3A_236, %sub3A_240 : vector<16xf32>
      %sub3A_242 = arith.subf %get3A_236, %add3A_241 : vector<16xf32>
      %swap3A_243 = arith.index_cast %scan3A_114 : i32 to index
      %swap3A_244 = arith.constant 160 : index
      %swap3A_245 = tpu.vector_load %arg10[%swap3A_243, %swap3A_244] {strides = array<i32>} : memref<128x256xf32, #tpu.memory_space<vmem>>, vector<16xf32>,
      tpu.vector_store %arg10[%swap3A_243, %swap3A_244], %sub3A_242 {strides = array<i32>} : memref<128x256xf32, #tpu.memory_space<vmem>>, vector<16xf32>,
      %get3A_246 = arith.index_cast %scan3A_114 : i32 to index
      %get3A_247 = arith.constant 176 : index
      %get3A_248 = tpu.vector_load %arg10[%get3A_246, %get3A_247] {strides = array<i32>} : memref<128x256xf32, #tpu.memory_space<vmem>>, vector<16xf32>,
      %get3A_249 = arith.index_cast %scan3A_114 : i32 to index
      %get3A_250 = arith.constant 176 : index
      %get3A_251 = tpu.vector_load %arg9[%get3A_249, %get3A_250] {strides = array<i32>} : memref<128x256xf32, #tpu.memory_space<vmem>>, vector<16xf32>,
      %sub3A_252 = arith.subf %get3A_251, %get3A_248 : vector<16xf32>
      %add3A_253 = arith.addf %get3A_248, %sub3A_252 : vector<16xf32>
      %sub3A_254 = arith.subf %get3A_248, %add3A_253 : vector<16xf32>
      %swap3A_255 = arith.index_cast %scan3A_114 : i32 to index
      %swap3A_256 = arith.constant 176 : index
      %swap3A_257 = tpu.vector_load %arg10[%swap3A_255, %swap3A_256] {strides = array<i32>} : memref<128x256xf32, #tpu.memory_space<vmem>>, vector<16xf32>,
      tpu.vector_store %arg10[%swap3A_255, %swap3A_256], %sub3A_254 {strides = array<i32>} : memref<128x256xf32, #tpu.memory_space<vmem>>, vector<16xf32>,
      %get3A_258 = arith.index_cast %scan3A_114 : i32 to index
      %get3A_259 = arith.constant 192 : index
      %get3A_260 = tpu.vector_load %arg10[%get3A_258, %get3A_259] {strides = array<i32>} : memref<128x256xf32, #tpu.memory_space<vmem>>, vector<16xf32>,
      %get3A_261 = arith.index_cast %scan3A_114 : i32 to index
      %get3A_262 = arith.constant 192 : index
      %get3A_263 = tpu.vector_load %arg9[%get3A_261, %get3A_262] {strides = array<i32>} : memref<128x256xf32, #tpu.memory_space<vmem>>, vector<16xf32>,
      %sub3A_264 = arith.subf %get3A_263, %get3A_260 : vector<16xf32>
      %add3A_265 = arith.addf %get3A_260, %sub3A_264 : vector<16xf32>
      %sub3A_266 = arith.subf %get3A_260, %add3A_265 : vector<16xf32>
      %swap3A_267 = arith.index_cast %scan3A_114 : i32 to index
      %swap3A_268 = arith.constant 192 : index
      %swap3A_269 = tpu.vector_load %arg10[%swap3A_267, %swap3A_268] {strides = array<i32>} : memref<128x256xf32, #tpu.memory_space<vmem>>, vector<16xf32>,
      tpu.vector_store %arg10[%swap3A_267, %swap3A_268], %sub3A_266 {strides = array<i32>} : memref<128x256xf32, #tpu.memory_space<vmem>>, vector<16xf32>,
      %get3A_270 = arith.index_cast %scan3A_114 : i32 to index
      %get3A_271 = arith.constant 208 : index
      %get3A_272 = tpu.vector_load %arg10[%get3A_270, %get3A_271] {strides = array<i32>} : memref<128x256xf32, #tpu.memory_space<vmem>>, vector<16xf32>,
      %get3A_273 = arith.index_cast %scan3A_114 : i32 to index
      %get3A_274 = arith.constant 208 : index
      %get3A_275 = tpu.vector_load %arg9[%get3A_273, %get3A_274] {strides = array<i32>} : memref<128x256xf32, #tpu.memory_space<vmem>>, vector<16xf32>,
      %sub3A_276 = arith.subf %get3A_275, %get3A_272 : vector<16xf32>
      %add3A_277 = arith.addf %get3A_272, %sub3A_276 : vector<16xf32>
      %sub3A_278 = arith.subf %get3A_272, %add3A_277 : vector<16xf32>
      %swap3A_279 = arith.index_cast %scan3A_114 : i32 to index
      %swap3A_280 = arith.constant 208 : index
      %swap3A_281 = tpu.vector_load %arg10[%swap3A_279, %swap3A_280] {strides = array<i32>} : memref<128x256xf32, #tpu.memory_space<vmem>>, vector<16xf32>,
      tpu.vector_store %arg10[%swap3A_279, %swap3A_280], %sub3A_278 {strides = array<i32>} : memref<128x256xf32, #tpu.memory_space<vmem>>, vector<16xf32>,
      %get3A_282 = arith.index_cast %scan3A_114 : i32 to index
      %get3A_283 = arith.constant 224 : index
      %get3A_284 = tpu.vector_load %arg10[%get3A_282, %get3A_283] {strides = array<i32>} : memref<128x256xf32, #tpu.memory_space<vmem>>, vector<16xf32>,
      %get3A_285 = arith.index_cast %scan3A_114 : i32 to index
      %get3A_286 = arith.constant 224 : index
      %get3A_287 = tpu.vector_load %arg9[%get3A_285, %get3A_286] {strides = array<i32>} : memref<128x256xf32, #tpu.memory_space<vmem>>, vector<16xf32>,
      %sub3A_288 = arith.subf %get3A_287, %get3A_284 : vector<16xf32>
      %add3A_289 = arith.addf %get3A_284, %sub3A_288 : vector<16xf32>
      %sub3A_290 = arith.subf %get3A_284, %add3A_289 : vector<16xf32>
      %swap3A_291 = arith.index_cast %scan3A_114 : i32 to index
      %swap3A_292 = arith.constant 224 : index
      %swap3A_293 = tpu.vector_load %arg10[%swap3A_291, %swap3A_292] {strides = array<i32>} : memref<128x256xf32, #tpu.memory_space<vmem>>, vector<16xf32>,
      tpu.vector_store %arg10[%swap3A_291, %swap3A_292], %sub3A_290 {strides = array<i32>} : memref<128x256xf32, #tpu.memory_space<vmem>>, vector<16xf32>,
      %get3A_294 = arith.index_cast %scan3A_114 : i32 to index
      %get3A_295 = arith.constant 240 : index
      %get3A_296 = tpu.vector_load %arg10[%get3A_294, %get3A_295] {strides = array<i32>} : memref<128x256xf32, #tpu.memory_space<vmem>>, vector<16xf32>,
      %get3A_297 = arith.index_cast %scan3A_114 : i32 to index
      %get3A_298 = arith.constant 240 : index
      %get3A_299 = tpu.vector_load %arg9[%get3A_297, %get3A_298] {strides = array<i32>} : memref<128x256xf32, #tpu.memory_space<vmem>>, vector<16xf32>,
      %sub3A_300 = arith.subf %get3A_299, %get3A_296 : vector<16xf32>
      %add3A_301 = arith.addf %get3A_296, %sub3A_300 : vector<16xf32>
      %sub3A_302 = arith.subf %get3A_296, %add3A_301 : vector<16xf32>
      %swap3A_303 = arith.index_cast %scan3A_114 : i32 to index
      %swap3A_304 = arith.constant 240 : index
      %swap3A_305 = tpu.vector_load %arg10[%swap3A_303, %swap3A_304] {strides = array<i32>} : memref<128x256xf32, #tpu.memory_space<vmem>>, vector<16xf32>,
      tpu.vector_store %arg10[%swap3A_303, %swap3A_304], %sub3A_302 {strides = array<i32>} : memref<128x256xf32, #tpu.memory_space<vmem>>, vector<16xf32>,
      %scan3A_306 = arith.constant 0 : i32
      scf.yield %scan3A_306 : i32
    }
    %scan3A_25 = arith.constant 128 : i32
    "tpu.region"() ({
      %run_scoped3A = tpu.sem_alloc : memref<!tpu.dma_semaphore, #tpu.memory_space<semaphore_mem>>
      %dma_start3A_114 = arith.constant 0 : i32
      %dma_start3A_115 = tpu.memref_slice %arg6[%add3A_7, %dma_start3A_114] : memref<8192x256xf32, #tpu.memory_space<hbm>> -> memref<128x256xf32, #tpu.memory_space<hbm>>
      %dma_start3A_116 = arith.constant 0 : i32
      %dma_start3A_117 = tpu.memref_slice %arg6[%add3A_7, %dma_start3A_116] : memref<8192x256xf32, #tpu.memory_space<hbm>> -> memref<128x256xf32, #tpu.memory_space<hbm>>
      tpu.enqueue_dma source(%arg10 : memref<128x256xf32, #tpu.memory_space<vmem>>) target(%dma_start3A_117 : memref<128x256xf32, #tpu.memory_space<hbm>>) target_semaphore(%run_scoped3A : memref<!tpu.dma_semaphore, #tpu.memory_space<semaphore_mem>>)
      %dma_wait3A_118 = arith.constant 0 : i32
      %dma_wait3A_119 = tpu.memref_slice %arg6[%add3A_7, %dma_wait3A_118] : memref<8192x256xf32, #tpu.memory_space<hbm>> -> memref<128x256xf32, #tpu.memory_space<hbm>>
      %dma_wait3A_120 = arith.constant 0 : i32
      %dma_wait3A_121 = tpu.memref_slice %arg6[%add3A_7, %dma_wait3A_120] : memref<8192x256xf32, #tpu.memory_space<hbm>> -> memref<128x256xf32, #tpu.memory_space<hbm>>
      tpu.wait_dma2 semaphore(%run_scoped3A : memref<!tpu.dma_semaphore, #tpu.memory_space<semaphore_mem>>) src(%arg10 : memref<128x256xf32, #tpu.memory_space<vmem>>) dst(%dma_wait3A_121 : memref<128x256xf32, #tpu.memory_space<hbm>>)
      tpu.yield
    }) : () -> ()
    %get3A = arith.constant 0 : i32
    %get3A_26 = arith.index_cast %get3A : i32 to index
    %get3A_27 = arith.constant 0 : index
    %get3A_28 = tpu.vector_load %arg8[%get3A_26, %get3A_27] {strides = array<i32>} : memref<2x128xi32, #tpu.memory_space<vmem>>, vector<16xi32>,
    tpu.vector_store_idx %arg11[%get3A_28], %broadcast_in_dim3A_3 : memref<8192xf32, #tpu.memory_space<vmem>>[vector<16xi32>], vector<16xf32>,
    %get3A_29 = arith.constant 0 : i32
    %get3A_30 = arith.index_cast %get3A_29 : i32 to index
    %get3A_31 = arith.constant 16 : index
    %get3A_32 = tpu.vector_load %arg8[%get3A_30, %get3A_31] {strides = array<i32>} : memref<2x128xi32, #tpu.memory_space<vmem>>, vector<16xi32>,
    tpu.vector_store_idx %arg11[%get3A_32], %broadcast_in_dim3A_3 : memref<8192xf32, #tpu.memory_space<vmem>>[vector<16xi32>], vector<16xf32>,
    %get3A_33 = arith.constant 0 : i32
    %get3A_34 = arith.index_cast %get3A_33 : i32 to index
    %get3A_35 = arith.constant 32 : index
    %get3A_36 = tpu.vector_load %arg8[%get3A_34, %get3A_35] {strides = array<i32>} : memref<2x128xi32, #tpu.memory_space<vmem>>, vector<16xi32>,
    tpu.vector_store_idx %arg11[%get3A_36], %broadcast_in_dim3A_3 : memref<8192xf32, #tpu.memory_space<vmem>>[vector<16xi32>], vector<16xf32>,
    %get3A_37 = arith.constant 0 : i32
    %get3A_38 = arith.index_cast %get3A_37 : i32 to index
    %get3A_39 = arith.constant 48 : index
    %get3A_40 = tpu.vector_load %arg8[%get3A_38, %get3A_39] {strides = array<i32>} : memref<2x128xi32, #tpu.memory_space<vmem>>, vector<16xi32>,
    tpu.vector_store_idx %arg11[%get3A_40], %broadcast_in_dim3A_3 : memref<8192xf32, #tpu.memory_space<vmem>>[vector<16xi32>], vector<16xf32>,
    %get3A_41 = arith.constant 0 : i32
    %get3A_42 = arith.index_cast %get3A_41 : i32 to index
    %get3A_43 = arith.constant 64 : index
    %get3A_44 = tpu.vector_load %arg8[%get3A_42, %get3A_43] {strides = array<i32>} : memref<2x128xi32, #tpu.memory_space<vmem>>, vector<16xi32>,
    tpu.vector_store_idx %arg11[%get3A_44], %broadcast_in_dim3A_3 : memref<8192xf32, #tpu.memory_space<vmem>>[vector<16xi32>], vector<16xf32>,
    %get3A_45 = arith.constant 0 : i32
    %get3A_46 = arith.index_cast %get3A_45 : i32 to index
    %get3A_47 = arith.constant 80 : index
    %get3A_48 = tpu.vector_load %arg8[%get3A_46, %get3A_47] {strides = array<i32>} : memref<2x128xi32, #tpu.memory_space<vmem>>, vector<16xi32>,
    tpu.vector_store_idx %arg11[%get3A_48], %broadcast_in_dim3A_3 : memref<8192xf32, #tpu.memory_space<vmem>>[vector<16xi32>], vector<16xf32>,
    %get3A_49 = arith.constant 0 : i32
    %get3A_50 = arith.index_cast %get3A_49 : i32 to index
    %get3A_51 = arith.constant 96 : index
    %get3A_52 = tpu.vector_load %arg8[%get3A_50, %get3A_51] {strides = array<i32>} : memref<2x128xi32, #tpu.memory_space<vmem>>, vector<16xi32>,
    tpu.vector_store_idx %arg11[%get3A_52], %broadcast_in_dim3A_3 : memref<8192xf32, #tpu.memory_space<vmem>>[vector<16xi32>], vector<16xf32>,
    %get3A_53 = arith.constant 0 : i32
    %get3A_54 = arith.index_cast %get3A_53 : i32 to index
    %get3A_55 = arith.constant 112 : index
    %get3A_56 = tpu.vector_load %arg8[%get3A_54, %get3A_55] {strides = array<i32>} : memref<2x128xi32, #tpu.memory_space<vmem>>, vector<16xi32>,
    tpu.vector_store_idx %arg11[%get3A_56], %broadcast_in_dim3A_3 : memref<8192xf32, #tpu.memory_space<vmem>>[vector<16xi32>], vector<16xf32>,
    %mul3A_57 = arith.constant 256 : i32
    %mul3A_58 = arith.muli %add3A, %mul3A_57 : i32
    %add3A_59 = arith.constant 128 : i32
    %add3A_60 = arith.addi %mul3A_58, %add3A_59 : i32
    %dma_start3A_61 = arith.constant 1 : i32
    %dma_start3A_62 = arith.constant 0 : i32
    %dma_start3A_63 = tpu.memref_slice %arg8[%dma_start3A_61, %dma_start3A_62] : memref<2x128xi32, #tpu.memory_space<vmem>> -> memref<1x128xi32, #tpu.memory_space<vmem>>
    %dma_start3A_64 = tpu.memref_squeeze %dma_start3A_63 : memref<1x128xi32, #tpu.memory_space<vmem>> -> memref<128xi32, #tpu.memory_space<vmem>>
    %dma_start3A_65 = arith.constant 0 : i32
    %dma_start3A_66 = arith.constant 0 : i32
    %dma_start3A_67 = tpu.memref_slice %arg3[%dma_start3A_65, %dma_start3A_66] : memref<8192x256xf32, #tpu.memory_space<hbm>> -> memref<8192x256xf32, #tpu.memory_space<hbm>>
    tpu.enqueue_indirect_dma source(%dma_start3A_67 : memref<8192x256xf32, #tpu.memory_space<hbm>>) target(%arg9 : memref<128x256xf32, #tpu.memory_space<vmem>>) offsets(%dma_start3A_64 : memref<128xi32, #tpu.memory_space<vmem>>) semaphore(%arg12 : memref<!tpu.dma_semaphore, #tpu.memory_space<semaphore_mem>>)
    "tpu.region"() ({
      %run_scoped3A = tpu.sem_alloc : memref<!tpu.dma_semaphore, #tpu.memory_space<semaphore_mem>>
      %dma_start3A_114 = arith.constant 0 : i32
      %dma_start3A_115 = tpu.memref_slice %arg4[%add3A_60, %dma_start3A_114] : memref<8192x256xf32, #tpu.memory_space<hbm>> -> memref<128x256xf32, #tpu.memory_space<hbm>>
      %dma_start3A_116 = arith.constant 0 : i32
      %dma_start3A_117 = tpu.memref_slice %arg4[%add3A_60, %dma_start3A_116] : memref<8192x256xf32, #tpu.memory_space<hbm>> -> memref<128x256xf32, #tpu.memory_space<hbm>>
      tpu.enqueue_dma source(%dma_start3A_117 : memref<128x256xf32, #tpu.memory_space<hbm>>) target(%arg10 : memref<128x256xf32, #tpu.memory_space<vmem>>) target_semaphore(%run_scoped3A : memref<!tpu.dma_semaphore, #tpu.memory_space<semaphore_mem>>)
      %dma_wait3A_118 = arith.constant 0 : i32
      %dma_wait3A_119 = tpu.memref_slice %arg4[%add3A_60, %dma_wait3A_118] : memref<8192x256xf32, #tpu.memory_space<hbm>> -> memref<128x256xf32, #tpu.memory_space<hbm>>
      %dma_wait3A_120 = arith.constant 0 : i32
      %dma_wait3A_121 = tpu.memref_slice %arg4[%add3A_60, %dma_wait3A_120] : memref<8192x256xf32, #tpu.memory_space<hbm>> -> memref<128x256xf32, #tpu.memory_space<hbm>>
      tpu.wait_dma2 semaphore(%run_scoped3A : memref<!tpu.dma_semaphore, #tpu.memory_space<semaphore_mem>>) src(%dma_wait3A_121 : memref<128x256xf32, #tpu.memory_space<hbm>>) dst(%arg10 : memref<128x256xf32, #tpu.memory_space<vmem>>)
      tpu.yield
    }) : () -> ()
    %dma_wait3A_68 = arith.constant 1 : i32
    %dma_wait3A_69 = arith.constant 0 : i32
    %dma_wait3A_70 = tpu.memref_slice %arg8[%dma_wait3A_68, %dma_wait3A_69] : memref<2x128xi32, #tpu.memory_space<vmem>> -> memref<1x128xi32, #tpu.memory_space<vmem>>
    %dma_wait3A_71 = tpu.memref_squeeze %dma_wait3A_70 : memref<1x128xi32, #tpu.memory_space<vmem>> -> memref<128xi32, #tpu.memory_space<vmem>>
    %dma_wait3A_72 = arith.constant 0 : i32
    %dma_wait3A_73 = arith.constant 0 : i32
    %dma_wait3A_74 = tpu.memref_slice %arg3[%dma_wait3A_72, %dma_wait3A_73] : memref<8192x256xf32, #tpu.memory_space<hbm>> -> memref<8192x256xf32, #tpu.memory_space<hbm>>
    tpu.wait_indirect_dma semaphore(%arg12 : memref<!tpu.dma_semaphore, #tpu.memory_space<semaphore_mem>>) src(%dma_wait3A_74 : memref<8192x256xf32, #tpu.memory_space<hbm>>) dst(%arg9 : memref<128x256xf32, #tpu.memory_space<vmem>>)
    %scan3A_75 = arith.constant 0 : i32
    %scan3A_76 = arith.constant 0 : i32
    %scan3A_77 = arith.constant 128 : i32
    %scan3A_78 = arith.addi %scan3A_76, %scan3A_77 : i32
    %scan3A_79 = arith.constant 1 : i32
    %scan3A_80 = scf.for %scan3A_114 = %scan3A_76 to %scan3A_78 step %scan3A_79 iter_args(%scan3A_115 = %scan3A_75) -> (i32)  : i32 {
      %get3A_116 = arith.index_cast %scan3A_114 : i32 to index
      %get3A_117 = arith.constant 0 : index
      %get3A_118 = tpu.vector_load %arg10[%get3A_116, %get3A_117] {strides = array<i32>} : memref<128x256xf32, #tpu.memory_space<vmem>>, vector<16xf32>,
      %get3A_119 = arith.index_cast %scan3A_114 : i32 to index
      %get3A_120 = arith.constant 0 : index
      %get3A_121 = tpu.vector_load %arg9[%get3A_119, %get3A_120] {strides = array<i32>} : memref<128x256xf32, #tpu.memory_space<vmem>>, vector<16xf32>,
      %sub3A = arith.subf %get3A_121, %get3A_118 : vector<16xf32>
      %add3A_122 = arith.addf %get3A_118, %sub3A : vector<16xf32>
      %sub3A_123 = arith.subf %get3A_118, %add3A_122 : vector<16xf32>
      %swap3A = arith.index_cast %scan3A_114 : i32 to index
      %swap3A_124 = arith.constant 0 : index
      %swap3A_125 = tpu.vector_load %arg10[%swap3A, %swap3A_124] {strides = array<i32>} : memref<128x256xf32, #tpu.memory_space<vmem>>, vector<16xf32>,
      tpu.vector_store %arg10[%swap3A, %swap3A_124], %sub3A_123 {strides = array<i32>} : memref<128x256xf32, #tpu.memory_space<vmem>>, vector<16xf32>,
      %get3A_126 = arith.index_cast %scan3A_114 : i32 to index
      %get3A_127 = arith.constant 16 : index
      %get3A_128 = tpu.vector_load %arg10[%get3A_126, %get3A_127] {strides = array<i32>} : memref<128x256xf32, #tpu.memory_space<vmem>>, vector<16xf32>,
      %get3A_129 = arith.index_cast %scan3A_114 : i32 to index
      %get3A_130 = arith.constant 16 : index
      %get3A_131 = tpu.vector_load %arg9[%get3A_129, %get3A_130] {strides = array<i32>} : memref<128x256xf32, #tpu.memory_space<vmem>>, vector<16xf32>,
      %sub3A_132 = arith.subf %get3A_131, %get3A_128 : vector<16xf32>
      %add3A_133 = arith.addf %get3A_128, %sub3A_132 : vector<16xf32>
      %sub3A_134 = arith.subf %get3A_128, %add3A_133 : vector<16xf32>
      %swap3A_135 = arith.index_cast %scan3A_114 : i32 to index
      %swap3A_136 = arith.constant 16 : index
      %swap3A_137 = tpu.vector_load %arg10[%swap3A_135, %swap3A_136] {strides = array<i32>} : memref<128x256xf32, #tpu.memory_space<vmem>>, vector<16xf32>,
      tpu.vector_store %arg10[%swap3A_135, %swap3A_136], %sub3A_134 {strides = array<i32>} : memref<128x256xf32, #tpu.memory_space<vmem>>, vector<16xf32>,
      %get3A_138 = arith.index_cast %scan3A_114 : i32 to index
      %get3A_139 = arith.constant 32 : index
      %get3A_140 = tpu.vector_load %arg10[%get3A_138, %get3A_139] {strides = array<i32>} : memref<128x256xf32, #tpu.memory_space<vmem>>, vector<16xf32>,
      %get3A_141 = arith.index_cast %scan3A_114 : i32 to index
      %get3A_142 = arith.constant 32 : index
      %get3A_143 = tpu.vector_load %arg9[%get3A_141, %get3A_142] {strides = array<i32>} : memref<128x256xf32, #tpu.memory_space<vmem>>, vector<16xf32>,
      %sub3A_144 = arith.subf %get3A_143, %get3A_140 : vector<16xf32>
      %add3A_145 = arith.addf %get3A_140, %sub3A_144 : vector<16xf32>
      %sub3A_146 = arith.subf %get3A_140, %add3A_145 : vector<16xf32>
      %swap3A_147 = arith.index_cast %scan3A_114 : i32 to index
      %swap3A_148 = arith.constant 32 : index
      %swap3A_149 = tpu.vector_load %arg10[%swap3A_147, %swap3A_148] {strides = array<i32>} : memref<128x256xf32, #tpu.memory_space<vmem>>, vector<16xf32>,
      tpu.vector_store %arg10[%swap3A_147, %swap3A_148], %sub3A_146 {strides = array<i32>} : memref<128x256xf32, #tpu.memory_space<vmem>>, vector<16xf32>,
      %get3A_150 = arith.index_cast %scan3A_114 : i32 to index
      %get3A_151 = arith.constant 48 : index
      %get3A_152 = tpu.vector_load %arg10[%get3A_150, %get3A_151] {strides = array<i32>} : memref<128x256xf32, #tpu.memory_space<vmem>>, vector<16xf32>,
      %get3A_153 = arith.index_cast %scan3A_114 : i32 to index
      %get3A_154 = arith.constant 48 : index
      %get3A_155 = tpu.vector_load %arg9[%get3A_153, %get3A_154] {strides = array<i32>} : memref<128x256xf32, #tpu.memory_space<vmem>>, vector<16xf32>,
      %sub3A_156 = arith.subf %get3A_155, %get3A_152 : vector<16xf32>
      %add3A_157 = arith.addf %get3A_152, %sub3A_156 : vector<16xf32>
      %sub3A_158 = arith.subf %get3A_152, %add3A_157 : vector<16xf32>
      %swap3A_159 = arith.index_cast %scan3A_114 : i32 to index
      %swap3A_160 = arith.constant 48 : index
      %swap3A_161 = tpu.vector_load %arg10[%swap3A_159, %swap3A_160] {strides = array<i32>} : memref<128x256xf32, #tpu.memory_space<vmem>>, vector<16xf32>,
      tpu.vector_store %arg10[%swap3A_159, %swap3A_160], %sub3A_158 {strides = array<i32>} : memref<128x256xf32, #tpu.memory_space<vmem>>, vector<16xf32>,
      %get3A_162 = arith.index_cast %scan3A_114 : i32 to index
      %get3A_163 = arith.constant 64 : index
      %get3A_164 = tpu.vector_load %arg10[%get3A_162, %get3A_163] {strides = array<i32>} : memref<128x256xf32, #tpu.memory_space<vmem>>, vector<16xf32>,
      %get3A_165 = arith.index_cast %scan3A_114 : i32 to index
      %get3A_166 = arith.constant 64 : index
      %get3A_167 = tpu.vector_load %arg9[%get3A_165, %get3A_166] {strides = array<i32>} : memref<128x256xf32, #tpu.memory_space<vmem>>, vector<16xf32>,
      %sub3A_168 = arith.subf %get3A_167, %get3A_164 : vector<16xf32>
      %add3A_169 = arith.addf %get3A_164, %sub3A_168 : vector<16xf32>
      %sub3A_170 = arith.subf %get3A_164, %add3A_169 : vector<16xf32>
      %swap3A_171 = arith.index_cast %scan3A_114 : i32 to index
      %swap3A_172 = arith.constant 64 : index
      %swap3A_173 = tpu.vector_load %arg10[%swap3A_171, %swap3A_172] {strides = array<i32>} : memref<128x256xf32, #tpu.memory_space<vmem>>, vector<16xf32>,
      tpu.vector_store %arg10[%swap3A_171, %swap3A_172], %sub3A_170 {strides = array<i32>} : memref<128x256xf32, #tpu.memory_space<vmem>>, vector<16xf32>,
      %get3A_174 = arith.index_cast %scan3A_114 : i32 to index
      %get3A_175 = arith.constant 80 : index
      %get3A_176 = tpu.vector_load %arg10[%get3A_174, %get3A_175] {strides = array<i32>} : memref<128x256xf32, #tpu.memory_space<vmem>>, vector<16xf32>,
      %get3A_177 = arith.index_cast %scan3A_114 : i32 to index
      %get3A_178 = arith.constant 80 : index
      %get3A_179 = tpu.vector_load %arg9[%get3A_177, %get3A_178] {strides = array<i32>} : memref<128x256xf32, #tpu.memory_space<vmem>>, vector<16xf32>,
      %sub3A_180 = arith.subf %get3A_179, %get3A_176 : vector<16xf32>
      %add3A_181 = arith.addf %get3A_176, %sub3A_180 : vector<16xf32>
      %sub3A_182 = arith.subf %get3A_176, %add3A_181 : vector<16xf32>
      %swap3A_183 = arith.index_cast %scan3A_114 : i32 to index
      %swap3A_184 = arith.constant 80 : index
      %swap3A_185 = tpu.vector_load %arg10[%swap3A_183, %swap3A_184] {strides = array<i32>} : memref<128x256xf32, #tpu.memory_space<vmem>>, vector<16xf32>,
      tpu.vector_store %arg10[%swap3A_183, %swap3A_184], %sub3A_182 {strides = array<i32>} : memref<128x256xf32, #tpu.memory_space<vmem>>, vector<16xf32>,
      %get3A_186 = arith.index_cast %scan3A_114 : i32 to index
      %get3A_187 = arith.constant 96 : index
      %get3A_188 = tpu.vector_load %arg10[%get3A_186, %get3A_187] {strides = array<i32>} : memref<128x256xf32, #tpu.memory_space<vmem>>, vector<16xf32>,
      %get3A_189 = arith.index_cast %scan3A_114 : i32 to index
      %get3A_190 = arith.constant 96 : index
      %get3A_191 = tpu.vector_load %arg9[%get3A_189, %get3A_190] {strides = array<i32>} : memref<128x256xf32, #tpu.memory_space<vmem>>, vector<16xf32>,
      %sub3A_192 = arith.subf %get3A_191, %get3A_188 : vector<16xf32>
      %add3A_193 = arith.addf %get3A_188, %sub3A_192 : vector<16xf32>
      %sub3A_194 = arith.subf %get3A_188, %add3A_193 : vector<16xf32>
      %swap3A_195 = arith.index_cast %scan3A_114 : i32 to index
      %swap3A_196 = arith.constant 96 : index
      %swap3A_197 = tpu.vector_load %arg10[%swap3A_195, %swap3A_196] {strides = array<i32>} : memref<128x256xf32, #tpu.memory_space<vmem>>, vector<16xf32>,
      tpu.vector_store %arg10[%swap3A_195, %swap3A_196], %sub3A_194 {strides = array<i32>} : memref<128x256xf32, #tpu.memory_space<vmem>>, vector<16xf32>,
      %get3A_198 = arith.index_cast %scan3A_114 : i32 to index
      %get3A_199 = arith.constant 112 : index
      %get3A_200 = tpu.vector_load %arg10[%get3A_198, %get3A_199] {strides = array<i32>} : memref<128x256xf32, #tpu.memory_space<vmem>>, vector<16xf32>,
      %get3A_201 = arith.index_cast %scan3A_114 : i32 to index
      %get3A_202 = arith.constant 112 : index
      %get3A_203 = tpu.vector_load %arg9[%get3A_201, %get3A_202] {strides = array<i32>} : memref<128x256xf32, #tpu.memory_space<vmem>>, vector<16xf32>,
      %sub3A_204 = arith.subf %get3A_203, %get3A_200 : vector<16xf32>
      %add3A_205 = arith.addf %get3A_200, %sub3A_204 : vector<16xf32>
      %sub3A_206 = arith.subf %get3A_200, %add3A_205 : vector<16xf32>
      %swap3A_207 = arith.index_cast %scan3A_114 : i32 to index
      %swap3A_208 = arith.constant 112 : index
      %swap3A_209 = tpu.vector_load %arg10[%swap3A_207, %swap3A_208] {strides = array<i32>} : memref<128x256xf32, #tpu.memory_space<vmem>>, vector<16xf32>,
      tpu.vector_store %arg10[%swap3A_207, %swap3A_208], %sub3A_206 {strides = array<i32>} : memref<128x256xf32, #tpu.memory_space<vmem>>, vector<16xf32>,
      %get3A_210 = arith.index_cast %scan3A_114 : i32 to index
      %get3A_211 = arith.constant 128 : index
      %get3A_212 = tpu.vector_load %arg10[%get3A_210, %get3A_211] {strides = array<i32>} : memref<128x256xf32, #tpu.memory_space<vmem>>, vector<16xf32>,
      %get3A_213 = arith.index_cast %scan3A_114 : i32 to index
      %get3A_214 = arith.constant 128 : index
      %get3A_215 = tpu.vector_load %arg9[%get3A_213, %get3A_214] {strides = array<i32>} : memref<128x256xf32, #tpu.memory_space<vmem>>, vector<16xf32>,
      %sub3A_216 = arith.subf %get3A_215, %get3A_212 : vector<16xf32>
      %add3A_217 = arith.addf %get3A_212, %sub3A_216 : vector<16xf32>
      %sub3A_218 = arith.subf %get3A_212, %add3A_217 : vector<16xf32>
      %swap3A_219 = arith.index_cast %scan3A_114 : i32 to index
      %swap3A_220 = arith.constant 128 : index
      %swap3A_221 = tpu.vector_load %arg10[%swap3A_219, %swap3A_220] {strides = array<i32>} : memref<128x256xf32, #tpu.memory_space<vmem>>, vector<16xf32>,
      tpu.vector_store %arg10[%swap3A_219, %swap3A_220], %sub3A_218 {strides = array<i32>} : memref<128x256xf32, #tpu.memory_space<vmem>>, vector<16xf32>,
      %get3A_222 = arith.index_cast %scan3A_114 : i32 to index
      %get3A_223 = arith.constant 144 : index
      %get3A_224 = tpu.vector_load %arg10[%get3A_222, %get3A_223] {strides = array<i32>} : memref<128x256xf32, #tpu.memory_space<vmem>>, vector<16xf32>,
      %get3A_225 = arith.index_cast %scan3A_114 : i32 to index
      %get3A_226 = arith.constant 144 : index
      %get3A_227 = tpu.vector_load %arg9[%get3A_225, %get3A_226] {strides = array<i32>} : memref<128x256xf32, #tpu.memory_space<vmem>>, vector<16xf32>,
      %sub3A_228 = arith.subf %get3A_227, %get3A_224 : vector<16xf32>
      %add3A_229 = arith.addf %get3A_224, %sub3A_228 : vector<16xf32>
      %sub3A_230 = arith.subf %get3A_224, %add3A_229 : vector<16xf32>
      %swap3A_231 = arith.index_cast %scan3A_114 : i32 to index
      %swap3A_232 = arith.constant 144 : index
      %swap3A_233 = tpu.vector_load %arg10[%swap3A_231, %swap3A_232] {strides = array<i32>} : memref<128x256xf32, #tpu.memory_space<vmem>>, vector<16xf32>,
      tpu.vector_store %arg10[%swap3A_231, %swap3A_232], %sub3A_230 {strides = array<i32>} : memref<128x256xf32, #tpu.memory_space<vmem>>, vector<16xf32>,
      %get3A_234 = arith.index_cast %scan3A_114 : i32 to index
      %get3A_235 = arith.constant 160 : index
      %get3A_236 = tpu.vector_load %arg10[%get3A_234, %get3A_235] {strides = array<i32>} : memref<128x256xf32, #tpu.memory_space<vmem>>, vector<16xf32>,
      %get3A_237 = arith.index_cast %scan3A_114 : i32 to index
      %get3A_238 = arith.constant 160 : index
      %get3A_239 = tpu.vector_load %arg9[%get3A_237, %get3A_238] {strides = array<i32>} : memref<128x256xf32, #tpu.memory_space<vmem>>, vector<16xf32>,
      %sub3A_240 = arith.subf %get3A_239, %get3A_236 : vector<16xf32>
      %add3A_241 = arith.addf %get3A_236, %sub3A_240 : vector<16xf32>
      %sub3A_242 = arith.subf %get3A_236, %add3A_241 : vector<16xf32>
      %swap3A_243 = arith.index_cast %scan3A_114 : i32 to index
      %swap3A_244 = arith.constant 160 : index
      %swap3A_245 = tpu.vector_load %arg10[%swap3A_243, %swap3A_244] {strides = array<i32>} : memref<128x256xf32, #tpu.memory_space<vmem>>, vector<16xf32>,
      tpu.vector_store %arg10[%swap3A_243, %swap3A_244], %sub3A_242 {strides = array<i32>} : memref<128x256xf32, #tpu.memory_space<vmem>>, vector<16xf32>,
      %get3A_246 = arith.index_cast %scan3A_114 : i32 to index
      %get3A_247 = arith.constant 176 : index
      %get3A_248 = tpu.vector_load %arg10[%get3A_246, %get3A_247] {strides = array<i32>} : memref<128x256xf32, #tpu.memory_space<vmem>>, vector<16xf32>,
      %get3A_249 = arith.index_cast %scan3A_114 : i32 to index
      %get3A_250 = arith.constant 176 : index
      %get3A_251 = tpu.vector_load %arg9[%get3A_249, %get3A_250] {strides = array<i32>} : memref<128x256xf32, #tpu.memory_space<vmem>>, vector<16xf32>,
      %sub3A_252 = arith.subf %get3A_251, %get3A_248 : vector<16xf32>
      %add3A_253 = arith.addf %get3A_248, %sub3A_252 : vector<16xf32>
      %sub3A_254 = arith.subf %get3A_248, %add3A_253 : vector<16xf32>
      %swap3A_255 = arith.index_cast %scan3A_114 : i32 to index
      %swap3A_256 = arith.constant 176 : index
      %swap3A_257 = tpu.vector_load %arg10[%swap3A_255, %swap3A_256] {strides = array<i32>} : memref<128x256xf32, #tpu.memory_space<vmem>>, vector<16xf32>,
      tpu.vector_store %arg10[%swap3A_255, %swap3A_256], %sub3A_254 {strides = array<i32>} : memref<128x256xf32, #tpu.memory_space<vmem>>, vector<16xf32>,
      %get3A_258 = arith.index_cast %scan3A_114 : i32 to index
      %get3A_259 = arith.constant 192 : index
      %get3A_260 = tpu.vector_load %arg10[%get3A_258, %get3A_259] {strides = array<i32>} : memref<128x256xf32, #tpu.memory_space<vmem>>, vector<16xf32>,
      %get3A_261 = arith.index_cast %scan3A_114 : i32 to index
      %get3A_262 = arith.constant 192 : index
      %get3A_263 = tpu.vector_load %arg9[%get3A_261, %get3A_262] {strides = array<i32>} : memref<128x256xf32, #tpu.memory_space<vmem>>, vector<16xf32>,
      %sub3A_264 = arith.subf %get3A_263, %get3A_260 : vector<16xf32>
      %add3A_265 = arith.addf %get3A_260, %sub3A_264 : vector<16xf32>
      %sub3A_266 = arith.subf %get3A_260, %add3A_265 : vector<16xf32>
      %swap3A_267 = arith.index_cast %scan3A_114 : i32 to index
      %swap3A_268 = arith.constant 192 : index
      %swap3A_269 = tpu.vector_load %arg10[%swap3A_267, %swap3A_268] {strides = array<i32>} : memref<128x256xf32, #tpu.memory_space<vmem>>, vector<16xf32>,
      tpu.vector_store %arg10[%swap3A_267, %swap3A_268], %sub3A_266 {strides = array<i32>} : memref<128x256xf32, #tpu.memory_space<vmem>>, vector<16xf32>,
      %get3A_270 = arith.index_cast %scan3A_114 : i32 to index
      %get3A_271 = arith.constant 208 : index
      %get3A_272 = tpu.vector_load %arg10[%get3A_270, %get3A_271] {strides = array<i32>} : memref<128x256xf32, #tpu.memory_space<vmem>>, vector<16xf32>,
      %get3A_273 = arith.index_cast %scan3A_114 : i32 to index
      %get3A_274 = arith.constant 208 : index
      %get3A_275 = tpu.vector_load %arg9[%get3A_273, %get3A_274] {strides = array<i32>} : memref<128x256xf32, #tpu.memory_space<vmem>>, vector<16xf32>,
      %sub3A_276 = arith.subf %get3A_275, %get3A_272 : vector<16xf32>
      %add3A_277 = arith.addf %get3A_272, %sub3A_276 : vector<16xf32>
      %sub3A_278 = arith.subf %get3A_272, %add3A_277 : vector<16xf32>
      %swap3A_279 = arith.index_cast %scan3A_114 : i32 to index
      %swap3A_280 = arith.constant 208 : index
      %swap3A_281 = tpu.vector_load %arg10[%swap3A_279, %swap3A_280] {strides = array<i32>} : memref<128x256xf32, #tpu.memory_space<vmem>>, vector<16xf32>,
      tpu.vector_store %arg10[%swap3A_279, %swap3A_280], %sub3A_278 {strides = array<i32>} : memref<128x256xf32, #tpu.memory_space<vmem>>, vector<16xf32>,
      %get3A_282 = arith.index_cast %scan3A_114 : i32 to index
      %get3A_283 = arith.constant 224 : index
      %get3A_284 = tpu.vector_load %arg10[%get3A_282, %get3A_283] {strides = array<i32>} : memref<128x256xf32, #tpu.memory_space<vmem>>, vector<16xf32>,
      %get3A_285 = arith.index_cast %scan3A_114 : i32 to index
      %get3A_286 = arith.constant 224 : index
      %get3A_287 = tpu.vector_load %arg9[%get3A_285, %get3A_286] {strides = array<i32>} : memref<128x256xf32, #tpu.memory_space<vmem>>, vector<16xf32>,
      %sub3A_288 = arith.subf %get3A_287, %get3A_284 : vector<16xf32>
      %add3A_289 = arith.addf %get3A_284, %sub3A_288 : vector<16xf32>
      %sub3A_290 = arith.subf %get3A_284, %add3A_289 : vector<16xf32>
      %swap3A_291 = arith.index_cast %scan3A_114 : i32 to index
      %swap3A_292 = arith.constant 224 : index
      %swap3A_293 = tpu.vector_load %arg10[%swap3A_291, %swap3A_292] {strides = array<i32>} : memref<128x256xf32, #tpu.memory_space<vmem>>, vector<16xf32>,
      tpu.vector_store %arg10[%swap3A_291, %swap3A_292], %sub3A_290 {strides = array<i32>} : memref<128x256xf32, #tpu.memory_space<vmem>>, vector<16xf32>,
      %get3A_294 = arith.index_cast %scan3A_114 : i32 to index
      %get3A_295 = arith.constant 240 : index
      %get3A_296 = tpu.vector_load %arg10[%get3A_294, %get3A_295] {strides = array<i32>} : memref<128x256xf32, #tpu.memory_space<vmem>>, vector<16xf32>,
      %get3A_297 = arith.index_cast %scan3A_114 : i32 to index
      %get3A_298 = arith.constant 240 : index
      %get3A_299 = tpu.vector_load %arg9[%get3A_297, %get3A_298] {strides = array<i32>} : memref<128x256xf32, #tpu.memory_space<vmem>>, vector<16xf32>,
      %sub3A_300 = arith.subf %get3A_299, %get3A_296 : vector<16xf32>
      %add3A_301 = arith.addf %get3A_296, %sub3A_300 : vector<16xf32>
      %sub3A_302 = arith.subf %get3A_296, %add3A_301 : vector<16xf32>
      %swap3A_303 = arith.index_cast %scan3A_114 : i32 to index
      %swap3A_304 = arith.constant 240 : index
      %swap3A_305 = tpu.vector_load %arg10[%swap3A_303, %swap3A_304] {strides = array<i32>} : memref<128x256xf32, #tpu.memory_space<vmem>>, vector<16xf32>,
      tpu.vector_store %arg10[%swap3A_303, %swap3A_304], %sub3A_302 {strides = array<i32>} : memref<128x256xf32, #tpu.memory_space<vmem>>, vector<16xf32>,
      %scan3A_306 = arith.constant 0 : i32
      scf.yield %scan3A_306 : i32
    }
    %scan3A_81 = arith.constant 128 : i32
    "tpu.region"() ({
      %run_scoped3A = tpu.sem_alloc : memref<!tpu.dma_semaphore, #tpu.memory_space<semaphore_mem>>
      %dma_start3A_114 = arith.constant 0 : i32
      %dma_start3A_115 = tpu.memref_slice %arg6[%add3A_60, %dma_start3A_114] : memref<8192x256xf32, #tpu.memory_space<hbm>> -> memref<128x256xf32, #tpu.memory_space<hbm>>
      %dma_start3A_116 = arith.constant 0 : i32
      %dma_start3A_117 = tpu.memref_slice %arg6[%add3A_60, %dma_start3A_116] : memref<8192x256xf32, #tpu.memory_space<hbm>> -> memref<128x256xf32, #tpu.memory_space<hbm>>
      tpu.enqueue_dma source(%arg10 : memref<128x256xf32, #tpu.memory_space<vmem>>) target(%dma_start3A_117 : memref<128x256xf32, #tpu.memory_space<hbm>>) target_semaphore(%run_scoped3A : memref<!tpu.dma_semaphore, #tpu.memory_space<semaphore_mem>>)
      %dma_wait3A_118 = arith.constant 0 : i32
      %dma_wait3A_119 = tpu.memref_slice %arg6[%add3A_60, %dma_wait3A_118] : memref<8192x256xf32, #tpu.memory_space<hbm>> -> memref<128x256xf32, #tpu.memory_space<hbm>>
      %dma_wait3A_120 = arith.constant 0 : i32
      %dma_wait3A_121 = tpu.memref_slice %arg6[%add3A_60, %dma_wait3A_120] : memref<8192x256xf32, #tpu.memory_space<hbm>> -> memref<128x256xf32, #tpu.memory_space<hbm>>
      tpu.wait_dma2 semaphore(%run_scoped3A : memref<!tpu.dma_semaphore, #tpu.memory_space<semaphore_mem>>) src(%arg10 : memref<128x256xf32, #tpu.memory_space<vmem>>) dst(%dma_wait3A_121 : memref<128x256xf32, #tpu.memory_space<hbm>>)
      tpu.yield
    }) : () -> ()
    %get3A_82 = arith.constant 1 : i32
    %get3A_83 = arith.index_cast %get3A_82 : i32 to index
    %get3A_84 = arith.constant 0 : index
    %get3A_85 = tpu.vector_load %arg8[%get3A_83, %get3A_84] {strides = array<i32>} : memref<2x128xi32, #tpu.memory_space<vmem>>, vector<16xi32>,
    tpu.vector_store_idx %arg11[%get3A_85], %broadcast_in_dim3A_3 : memref<8192xf32, #tpu.memory_space<vmem>>[vector<16xi32>], vector<16xf32>,
    %get3A_86 = arith.constant 1 : i32
    %get3A_87 = arith.index_cast %get3A_86 : i32 to index
    %get3A_88 = arith.constant 16 : index
    %get3A_89 = tpu.vector_load %arg8[%get3A_87, %get3A_88] {strides = array<i32>} : memref<2x128xi32, #tpu.memory_space<vmem>>, vector<16xi32>,
    tpu.vector_store_idx %arg11[%get3A_89], %broadcast_in_dim3A_3 : memref<8192xf32, #tpu.memory_space<vmem>>[vector<16xi32>], vector<16xf32>,
    %get3A_90 = arith.constant 1 : i32
    %get3A_91 = arith.index_cast %get3A_90 : i32 to index
    %get3A_92 = arith.constant 32 : index
    %get3A_93 = tpu.vector_load %arg8[%get3A_91, %get3A_92] {strides = array<i32>} : memref<2x128xi32, #tpu.memory_space<vmem>>, vector<16xi32>,
    tpu.vector_store_idx %arg11[%get3A_93], %broadcast_in_dim3A_3 : memref<8192xf32, #tpu.memory_space<vmem>>[vector<16xi32>], vector<16xf32>,
    %get3A_94 = arith.constant 1 : i32
    %get3A_95 = arith.index_cast %get3A_94 : i32 to index
    %get3A_96 = arith.constant 48 : index
    %get3A_97 = tpu.vector_load %arg8[%get3A_95, %get3A_96] {strides = array<i32>} : memref<2x128xi32, #tpu.memory_space<vmem>>, vector<16xi32>,
    tpu.vector_store_idx %arg11[%get3A_97], %broadcast_in_dim3A_3 : memref<8192xf32, #tpu.memory_space<vmem>>[vector<16xi32>], vector<16xf32>,
    %get3A_98 = arith.constant 1 : i32
    %get3A_99 = arith.index_cast %get3A_98 : i32 to index
    %get3A_100 = arith.constant 64 : index
    %get3A_101 = tpu.vector_load %arg8[%get3A_99, %get3A_100] {strides = array<i32>} : memref<2x128xi32, #tpu.memory_space<vmem>>, vector<16xi32>,
    tpu.vector_store_idx %arg11[%get3A_101], %broadcast_in_dim3A_3 : memref<8192xf32, #tpu.memory_space<vmem>>[vector<16xi32>], vector<16xf32>,
    %get3A_102 = arith.constant 1 : i32
    %get3A_103 = arith.index_cast %get3A_102 : i32 to index
    %get3A_104 = arith.constant 80 : index
    %get3A_105 = tpu.vector_load %arg8[%get3A_103, %get3A_104] {strides = array<i32>} : memref<2x128xi32, #tpu.memory_space<vmem>>, vector<16xi32>,
    tpu.vector_store_idx %arg11[%get3A_105], %broadcast_in_dim3A_3 : memref<8192xf32, #tpu.memory_space<vmem>>[vector<16xi32>], vector<16xf32>,
    %get3A_106 = arith.constant 1 : i32
    %get3A_107 = arith.index_cast %get3A_106 : i32 to index
    %get3A_108 = arith.constant 96 : index
    %get3A_109 = tpu.vector_load %arg8[%get3A_107, %get3A_108] {strides = array<i32>} : memref<2x128xi32, #tpu.memory_space<vmem>>, vector<16xi32>,
    tpu.vector_store_idx %arg11[%get3A_109], %broadcast_in_dim3A_3 : memref<8192xf32, #tpu.memory_space<vmem>>[vector<16xi32>], vector<16xf32>,
    %get3A_110 = arith.constant 1 : i32
    %get3A_111 = arith.index_cast %get3A_110 : i32 to index
    %get3A_112 = arith.constant 112 : index
    %get3A_113 = tpu.vector_load %arg8[%get3A_111, %get3A_112] {strides = array<i32>} : memref<2x128xi32, #tpu.memory_space<vmem>>, vector<16xi32>,
    tpu.vector_store_idx %arg11[%get3A_113], %broadcast_in_dim3A_3 : memref<8192xf32, #tpu.memory_space<vmem>>[vector<16xi32>], vector<16xf32>,
    "tpu.region"() ({
      %run_scoped3A = tpu.sem_alloc : memref<!tpu.dma_semaphore, #tpu.memory_space<semaphore_mem>>
      %dma_start3A_114 = arith.constant 0 : i32
      %dma_start3A_115 = tpu.memref_slice %arg7[%add3A, %dma_start3A_114] : memref<32x8192xf32, #tpu.memory_space<hbm>> -> memref<1x8192xf32, #tpu.memory_space<hbm>>
      %dma_start3A_116 = tpu.memref_squeeze %dma_start3A_115 : memref<1x8192xf32, #tpu.memory_space<hbm>> -> memref<8192xf32, #tpu.memory_space<hbm>>
      %dma_start3A_117 = arith.constant 0 : i32
      %dma_start3A_118 = tpu.memref_slice %arg7[%add3A, %dma_start3A_117] : memref<32x8192xf32, #tpu.memory_space<hbm>> -> memref<1x8192xf32, #tpu.memory_space<hbm>>
      %dma_start3A_119 = tpu.memref_squeeze %dma_start3A_118 : memref<1x8192xf32, #tpu.memory_space<hbm>> -> memref<8192xf32, #tpu.memory_space<hbm>>
      tpu.enqueue_dma source(%arg11 : memref<8192xf32, #tpu.memory_space<vmem>>) target(%dma_start3A_119 : memref<8192xf32, #tpu.memory_space<hbm>>) target_semaphore(%run_scoped3A : memref<!tpu.dma_semaphore, #tpu.memory_space<semaphore_mem>>)
      %dma_wait3A_120 = arith.constant 0 : i32
      %dma_wait3A_121 = tpu.memref_slice %arg7[%add3A, %dma_wait3A_120] : memref<32x8192xf32, #tpu.memory_space<hbm>> -> memref<1x8192xf32, #tpu.memory_space<hbm>>
      %dma_wait3A_122 = tpu.memref_squeeze %dma_wait3A_121 : memref<1x8192xf32, #tpu.memory_space<hbm>> -> memref<8192xf32, #tpu.memory_space<hbm>>
      %dma_wait3A_123 = arith.constant 0 : i32
      %dma_wait3A_124 = tpu.memref_slice %arg7[%add3A, %dma_wait3A_123] : memref<32x8192xf32, #tpu.memory_space<hbm>> -> memref<1x8192xf32, #tpu.memory_space<hbm>>
      %dma_wait3A_125 = tpu.memref_squeeze %dma_wait3A_124 : memref<1x8192xf32, #tpu.memory_space<hbm>> -> memref<8192xf32, #tpu.memory_space<hbm>>
      tpu.wait_dma2 semaphore(%run_scoped3A : memref<!tpu.dma_semaphore, #tpu.memory_space<semaphore_mem>>) src(%arg11 : memref<8192xf32, #tpu.memory_space<vmem>>) dst(%dma_wait3A_125 : memref<8192xf32, #tpu.memory_space<hbm>>)
      tpu.yield
    }) : () -> ()
    return
  }
}

#map = affine_map<(d0, d1) -> (0, 0)>
#map1 = affine_map<(d0, d1) -> (0)>
module attributes {stable_mosaic.version = 14 : i64} {
  func.func @_sc_body(%arg0: i32, %arg1: i32, %arg2: memref<64x128xi32, #tpu.memory_space<hbm>>, %arg3: memref<8192x256xf32, #tpu.memory_space<hbm>>, %arg4: memref<8192x256xf32, #tpu.memory_space<hbm>>, %arg5: memref<8192xf32, #tpu.memory_space<hbm>>, %arg6: memref<8192x256xf32, #tpu.memory_space<hbm>>, %arg7: memref<32x8192xf32, #tpu.memory_space<hbm>>, %arg8: memref<2x128xi32, #tpu.memory_space<vmem>>, %arg9: memref<128x256xf32, #tpu.memory_space<vmem>>, %arg10: memref<128x256xf32, #tpu.memory_space<vmem>>, %arg11: memref<8192xf32, #tpu.memory_space<vmem>>, %arg12: memref<!tpu.dma_semaphore, #tpu.memory_space<semaphore_mem>>) attributes {dimension_semantics = [#tpu.dimension_semantics<core_parallel>, #tpu.dimension_semantics<subcore_parallel>], iteration_bounds = array<i64: 2, 16>, scalar_prefetch = 0 : i64, scratch_operands = 5 : i64, tpu.core_type = #tpu.core_type<sc_vector_subcore>, window_params = [{transform_indices = #map}, {transform_indices = #map}, {transform_indices = #map}, {transform_indices = #map1}, {transform_indices = #map}, {transform_indices = #map}]} {
    %mul3A = arith.constant 16 : i32
    %mul3A_0 = arith.muli %arg0, %mul3A : i32
    %add3A = arith.addi %mul3A_0, %arg1 : i32
    "tpu.region"() ({
      %run_scoped3A = tpu.sem_alloc : memref<!tpu.dma_semaphore, #tpu.memory_space<semaphore_mem>>
      tpu.enqueue_dma source(%arg5 : memref<8192xf32, #tpu.memory_space<hbm>>) target(%arg11 : memref<8192xf32, #tpu.memory_space<vmem>>) target_semaphore(%run_scoped3A : memref<!tpu.dma_semaphore, #tpu.memory_space<semaphore_mem>>)
      tpu.wait_dma2 semaphore(%run_scoped3A : memref<!tpu.dma_semaphore, #tpu.memory_space<semaphore_mem>>) src(%arg5 : memref<8192xf32, #tpu.memory_space<hbm>>) dst(%arg11 : memref<8192xf32, #tpu.memory_space<vmem>>)
      tpu.yield
    }) : () -> ()
    %mul3A_1 = arith.constant 2 : i32
    %mul3A_2 = arith.muli %add3A, %mul3A_1 : i32
    "tpu.region"() ({
      %run_scoped3A = tpu.sem_alloc : memref<!tpu.dma_semaphore, #tpu.memory_space<semaphore_mem>>
      %dma_start3A_114 = arith.constant 0 : i32
      %dma_start3A_115 = tpu.memref_slice %arg2[%mul3A_2, %dma_start3A_114] : memref<64x128xi32, #tpu.memory_space<hbm>> -> memref<2x128xi32, #tpu.memory_space<hbm>>
      %dma_start3A_116 = arith.constant 0 : i32
      %dma_start3A_117 = tpu.memref_slice %arg2[%mul3A_2, %dma_start3A_116] : memref<64x128xi32, #tpu.memory_space<hbm>> -> memref<2x128xi32, #tpu.memory_space<hbm>>
      tpu.enqueue_dma source(%dma_start3A_117 : memref<2x128xi32, #tpu.memory_space<hbm>>) target(%arg8 : memref<2x128xi32, #tpu.memory_space<vmem>>) target_semaphore(%run_scoped3A : memref<!tpu.dma_semaphore, #tpu.memory_space<semaphore_mem>>)
      %dma_wait3A_118 = arith.constant 0 : i32
      %dma_wait3A_119 = tpu.memref_slice %arg2[%mul3A_2, %dma_wait3A_118] : memref<64x128xi32, #tpu.memory_space<hbm>> -> memref<2x128xi32, #tpu.memory_space<hbm>>
      %dma_wait3A_120 = arith.constant 0 : i32
      %dma_wait3A_121 = tpu.memref_slice %arg2[%mul3A_2, %dma_wait3A_120] : memref<64x128xi32, #tpu.memory_space<hbm>> -> memref<2x128xi32, #tpu.memory_space<hbm>>
      tpu.wait_dma2 semaphore(%run_scoped3A : memref<!tpu.dma_semaphore, #tpu.memory_space<semaphore_mem>>) src(%dma_wait3A_121 : memref<2x128xi32, #tpu.memory_space<hbm>>) dst(%arg8 : memref<2x128xi32, #tpu.memory_space<vmem>>)
      tpu.yield
    }) : () -> ()
    %broadcast_in_dim3A = arith.constant 1.000000e+00 : f32
    %broadcast_in_dim3A_3 = vector.broadcast %broadcast_in_dim3A : f32 to vector<16xf32>
    %mul3A_4 = arith.constant 256 : i32
    %mul3A_5 = arith.muli %add3A, %mul3A_4 : i32
    %add3A_6 = arith.constant 0 : i32
    %add3A_7 = arith.addi %mul3A_5, %add3A_6 : i32
    %dma_start3A = arith.constant 0 : i32
    %dma_start3A_8 = arith.constant 0 : i32
    %dma_start3A_9 = tpu.memref_slice %arg8[%dma_start3A, %dma_start3A_8] : memref<2x128xi32, #tpu.memory_space<vmem>> -> memref<1x128xi32, #tpu.memory_space<vmem>>
    %dma_start3A_10 = tpu.memref_squeeze %dma_start3A_9 : memref<1x128xi32, #tpu.memory_space<vmem>> -> memref<128xi32, #tpu.memory_space<vmem>>
    %dma_start3A_11 = arith.constant 0 : i32
    %dma_start3A_12 = arith.constant 0 : i32
    %dma_start3A_13 = tpu.memref_slice %arg3[%dma_start3A_11, %dma_start3A_12] : memref<8192x256xf32, #tpu.memory_space<hbm>> -> memref<8192x256xf32, #tpu.memory_space<hbm>>
    tpu.enqueue_indirect_dma source(%dma_start3A_13 : memref<8192x256xf32, #tpu.memory_space<hbm>>) target(%arg9 : memref<128x256xf32, #tpu.memory_space<vmem>>) offsets(%dma_start3A_10 : memref<128xi32, #tpu.memory_space<vmem>>) semaphore(%arg12 : memref<!tpu.dma_semaphore, #tpu.memory_space<semaphore_mem>>)
    "tpu.region"() ({
      %run_scoped3A = tpu.sem_alloc : memref<!tpu.dma_semaphore, #tpu.memory_space<semaphore_mem>>
      %dma_start3A_114 = arith.constant 0 : i32
      %dma_start3A_115 = tpu.memref_slice %arg4[%add3A_7, %dma_start3A_114] : memref<8192x256xf32, #tpu.memory_space<hbm>> -> memref<128x256xf32, #tpu.memory_space<hbm>>
      %dma_start3A_116 = arith.constant 0 : i32
      %dma_start3A_117 = tpu.memref_slice %arg4[%add3A_7, %dma_start3A_116] : memref<8192x256xf32, #tpu.memory_space<hbm>> -> memref<128x256xf32, #tpu.memory_space<hbm>>
      tpu.enqueue_dma source(%dma_start3A_117 : memref<128x256xf32, #tpu.memory_space<hbm>>) target(%arg10 : memref<128x256xf32, #tpu.memory_space<vmem>>) target_semaphore(%run_scoped3A : memref<!tpu.dma_semaphore, #tpu.memory_space<semaphore_mem>>)
      %dma_wait3A_118 = arith.constant 0 : i32
      %dma_wait3A_119 = tpu.memref_slice %arg4[%add3A_7, %dma_wait3A_118] : memref<8192x256xf32, #tpu.memory_space<hbm>> -> memref<128x256xf32, #tpu.memory_space<hbm>>
      %dma_wait3A_120 = arith.constant 0 : i32
      %dma_wait3A_121 = tpu.memref_slice %arg4[%add3A_7, %dma_wait3A_120] : memref<8192x256xf32, #tpu.memory_space<hbm>> -> memref<128x256xf32, #tpu.memory_space<hbm>>
      tpu.wait_dma2 semaphore(%run_scoped3A : memref<!tpu.dma_semaphore, #tpu.memory_space<semaphore_mem>>) src(%dma_wait3A_121 : memref<128x256xf32, #tpu.memory_space<hbm>>) dst(%arg10 : memref<128x256xf32, #tpu.memory_space<vmem>>)
      tpu.yield
    }) : () -> ()
    %dma_wait3A = arith.constant 0 : i32
    %dma_wait3A_14 = arith.constant 0 : i32
    %dma_wait3A_15 = tpu.memref_slice %arg8[%dma_wait3A, %dma_wait3A_14] : memref<2x128xi32, #tpu.memory_space<vmem>> -> memref<1x128xi32, #tpu.memory_space<vmem>>
    %dma_wait3A_16 = tpu.memref_squeeze %dma_wait3A_15 : memref<1x128xi32, #tpu.memory_space<vmem>> -> memref<128xi32, #tpu.memory_space<vmem>>
    %dma_wait3A_17 = arith.constant 0 : i32
    %dma_wait3A_18 = arith.constant 0 : i32
    %dma_wait3A_19 = tpu.memref_slice %arg3[%dma_wait3A_17, %dma_wait3A_18] : memref<8192x256xf32, #tpu.memory_space<hbm>> -> memref<8192x256xf32, #tpu.memory_space<hbm>>
    tpu.wait_indirect_dma semaphore(%arg12 : memref<!tpu.dma_semaphore, #tpu.memory_space<semaphore_mem>>) src(%dma_wait3A_19 : memref<8192x256xf32, #tpu.memory_space<hbm>>) dst(%arg9 : memref<128x256xf32, #tpu.memory_space<vmem>>)
    %scan3A = arith.constant 0 : i32
    %scan3A_20 = arith.constant 0 : i32
    %scan3A_21 = arith.constant 128 : i32
    %scan3A_22 = arith.addi %scan3A_20, %scan3A_21 : i32
    %scan3A_23 = arith.constant 1 : i32
    %scan3A_24 = scf.for %scan3A_114 = %scan3A_20 to %scan3A_22 step %scan3A_23 iter_args(%scan3A_115 = %scan3A) -> (i32)  : i32 {
      %get3A_116 = arith.index_cast %scan3A_114 : i32 to index
      %get3A_117 = arith.constant 0 : index
      %get3A_118 = tpu.vector_load %arg10[%get3A_116, %get3A_117] {strides = array<i32>} : memref<128x256xf32, #tpu.memory_space<vmem>>, vector<16xf32>,
      %get3A_119 = arith.index_cast %scan3A_114 : i32 to index
      %get3A_120 = arith.constant 0 : index
      %get3A_121 = tpu.vector_load %arg9[%get3A_119, %get3A_120] {strides = array<i32>} : memref<128x256xf32, #tpu.memory_space<vmem>>, vector<16xf32>,
      %sub3A = arith.subf %get3A_121, %get3A_118 : vector<16xf32>
      %add3A_122 = arith.addf %get3A_118, %sub3A : vector<16xf32>
      %sub3A_123 = arith.subf %get3A_118, %add3A_122 : vector<16xf32>
      %swap3A = arith.index_cast %scan3A_114 : i32 to index
      %swap3A_124 = arith.constant 0 : index
      %swap3A_125 = tpu.vector_load %arg10[%swap3A, %swap3A_124] {strides = array<i32>} : memref<128x256xf32, #tpu.memory_space<vmem>>, vector<16xf32>,
      tpu.vector_store %arg10[%swap3A, %swap3A_124], %sub3A_123 {strides = array<i32>} : memref<128x256xf32, #tpu.memory_space<vmem>>, vector<16xf32>,
      %get3A_126 = arith.index_cast %scan3A_114 : i32 to index
      %get3A_127 = arith.constant 16 : index
      %get3A_128 = tpu.vector_load %arg10[%get3A_126, %get3A_127] {strides = array<i32>} : memref<128x256xf32, #tpu.memory_space<vmem>>, vector<16xf32>,
      %get3A_129 = arith.index_cast %scan3A_114 : i32 to index
      %get3A_130 = arith.constant 16 : index
      %get3A_131 = tpu.vector_load %arg9[%get3A_129, %get3A_130] {strides = array<i32>} : memref<128x256xf32, #tpu.memory_space<vmem>>, vector<16xf32>,
      %sub3A_132 = arith.subf %get3A_131, %get3A_128 : vector<16xf32>
      %add3A_133 = arith.addf %get3A_128, %sub3A_132 : vector<16xf32>
      %sub3A_134 = arith.subf %get3A_128, %add3A_133 : vector<16xf32>
      %swap3A_135 = arith.index_cast %scan3A_114 : i32 to index
      %swap3A_136 = arith.constant 16 : index
      %swap3A_137 = tpu.vector_load %arg10[%swap3A_135, %swap3A_136] {strides = array<i32>} : memref<128x256xf32, #tpu.memory_space<vmem>>, vector<16xf32>,
      tpu.vector_store %arg10[%swap3A_135, %swap3A_136], %sub3A_134 {strides = array<i32>} : memref<128x256xf32, #tpu.memory_space<vmem>>, vector<16xf32>,
      %get3A_138 = arith.index_cast %scan3A_114 : i32 to index
      %get3A_139 = arith.constant 32 : index
      %get3A_140 = tpu.vector_load %arg10[%get3A_138, %get3A_139] {strides = array<i32>} : memref<128x256xf32, #tpu.memory_space<vmem>>, vector<16xf32>,
      %get3A_141 = arith.index_cast %scan3A_114 : i32 to index
      %get3A_142 = arith.constant 32 : index
      %get3A_143 = tpu.vector_load %arg9[%get3A_141, %get3A_142] {strides = array<i32>} : memref<128x256xf32, #tpu.memory_space<vmem>>, vector<16xf32>,
      %sub3A_144 = arith.subf %get3A_143, %get3A_140 : vector<16xf32>
      %add3A_145 = arith.addf %get3A_140, %sub3A_144 : vector<16xf32>
      %sub3A_146 = arith.subf %get3A_140, %add3A_145 : vector<16xf32>
      %swap3A_147 = arith.index_cast %scan3A_114 : i32 to index
      %swap3A_148 = arith.constant 32 : index
      %swap3A_149 = tpu.vector_load %arg10[%swap3A_147, %swap3A_148] {strides = array<i32>} : memref<128x256xf32, #tpu.memory_space<vmem>>, vector<16xf32>,
      tpu.vector_store %arg10[%swap3A_147, %swap3A_148], %sub3A_146 {strides = array<i32>} : memref<128x256xf32, #tpu.memory_space<vmem>>, vector<16xf32>,
      %get3A_150 = arith.index_cast %scan3A_114 : i32 to index
      %get3A_151 = arith.constant 48 : index
      %get3A_152 = tpu.vector_load %arg10[%get3A_150, %get3A_151] {strides = array<i32>} : memref<128x256xf32, #tpu.memory_space<vmem>>, vector<16xf32>,
      %get3A_153 = arith.index_cast %scan3A_114 : i32 to index
      %get3A_154 = arith.constant 48 : index
      %get3A_155 = tpu.vector_load %arg9[%get3A_153, %get3A_154] {strides = array<i32>} : memref<128x256xf32, #tpu.memory_space<vmem>>, vector<16xf32>,
      %sub3A_156 = arith.subf %get3A_155, %get3A_152 : vector<16xf32>
      %add3A_157 = arith.addf %get3A_152, %sub3A_156 : vector<16xf32>
      %sub3A_158 = arith.subf %get3A_152, %add3A_157 : vector<16xf32>
      %swap3A_159 = arith.index_cast %scan3A_114 : i32 to index
      %swap3A_160 = arith.constant 48 : index
      %swap3A_161 = tpu.vector_load %arg10[%swap3A_159, %swap3A_160] {strides = array<i32>} : memref<128x256xf32, #tpu.memory_space<vmem>>, vector<16xf32>,
      tpu.vector_store %arg10[%swap3A_159, %swap3A_160], %sub3A_158 {strides = array<i32>} : memref<128x256xf32, #tpu.memory_space<vmem>>, vector<16xf32>,
      %get3A_162 = arith.index_cast %scan3A_114 : i32 to index
      %get3A_163 = arith.constant 64 : index
      %get3A_164 = tpu.vector_load %arg10[%get3A_162, %get3A_163] {strides = array<i32>} : memref<128x256xf32, #tpu.memory_space<vmem>>, vector<16xf32>,
      %get3A_165 = arith.index_cast %scan3A_114 : i32 to index
      %get3A_166 = arith.constant 64 : index
      %get3A_167 = tpu.vector_load %arg9[%get3A_165, %get3A_166] {strides = array<i32>} : memref<128x256xf32, #tpu.memory_space<vmem>>, vector<16xf32>,
      %sub3A_168 = arith.subf %get3A_167, %get3A_164 : vector<16xf32>
      %add3A_169 = arith.addf %get3A_164, %sub3A_168 : vector<16xf32>
      %sub3A_170 = arith.subf %get3A_164, %add3A_169 : vector<16xf32>
      %swap3A_171 = arith.index_cast %scan3A_114 : i32 to index
      %swap3A_172 = arith.constant 64 : index
      %swap3A_173 = tpu.vector_load %arg10[%swap3A_171, %swap3A_172] {strides = array<i32>} : memref<128x256xf32, #tpu.memory_space<vmem>>, vector<16xf32>,
      tpu.vector_store %arg10[%swap3A_171, %swap3A_172], %sub3A_170 {strides = array<i32>} : memref<128x256xf32, #tpu.memory_space<vmem>>, vector<16xf32>,
      %get3A_174 = arith.index_cast %scan3A_114 : i32 to index
      %get3A_175 = arith.constant 80 : index
      %get3A_176 = tpu.vector_load %arg10[%get3A_174, %get3A_175] {strides = array<i32>} : memref<128x256xf32, #tpu.memory_space<vmem>>, vector<16xf32>,
      %get3A_177 = arith.index_cast %scan3A_114 : i32 to index
      %get3A_178 = arith.constant 80 : index
      %get3A_179 = tpu.vector_load %arg9[%get3A_177, %get3A_178] {strides = array<i32>} : memref<128x256xf32, #tpu.memory_space<vmem>>, vector<16xf32>,
      %sub3A_180 = arith.subf %get3A_179, %get3A_176 : vector<16xf32>
      %add3A_181 = arith.addf %get3A_176, %sub3A_180 : vector<16xf32>
      %sub3A_182 = arith.subf %get3A_176, %add3A_181 : vector<16xf32>
      %swap3A_183 = arith.index_cast %scan3A_114 : i32 to index
      %swap3A_184 = arith.constant 80 : index
      %swap3A_185 = tpu.vector_load %arg10[%swap3A_183, %swap3A_184] {strides = array<i32>} : memref<128x256xf32, #tpu.memory_space<vmem>>, vector<16xf32>,
      tpu.vector_store %arg10[%swap3A_183, %swap3A_184], %sub3A_182 {strides = array<i32>} : memref<128x256xf32, #tpu.memory_space<vmem>>, vector<16xf32>,
      %get3A_186 = arith.index_cast %scan3A_114 : i32 to index
      %get3A_187 = arith.constant 96 : index
      %get3A_188 = tpu.vector_load %arg10[%get3A_186, %get3A_187] {strides = array<i32>} : memref<128x256xf32, #tpu.memory_space<vmem>>, vector<16xf32>,
      %get3A_189 = arith.index_cast %scan3A_114 : i32 to index
      %get3A_190 = arith.constant 96 : index
      %get3A_191 = tpu.vector_load %arg9[%get3A_189, %get3A_190] {strides = array<i32>} : memref<128x256xf32, #tpu.memory_space<vmem>>, vector<16xf32>,
      %sub3A_192 = arith.subf %get3A_191, %get3A_188 : vector<16xf32>
      %add3A_193 = arith.addf %get3A_188, %sub3A_192 : vector<16xf32>
      %sub3A_194 = arith.subf %get3A_188, %add3A_193 : vector<16xf32>
      %swap3A_195 = arith.index_cast %scan3A_114 : i32 to index
      %swap3A_196 = arith.constant 96 : index
      %swap3A_197 = tpu.vector_load %arg10[%swap3A_195, %swap3A_196] {strides = array<i32>} : memref<128x256xf32, #tpu.memory_space<vmem>>, vector<16xf32>,
      tpu.vector_store %arg10[%swap3A_195, %swap3A_196], %sub3A_194 {strides = array<i32>} : memref<128x256xf32, #tpu.memory_space<vmem>>, vector<16xf32>,
      %get3A_198 = arith.index_cast %scan3A_114 : i32 to index
      %get3A_199 = arith.constant 112 : index
      %get3A_200 = tpu.vector_load %arg10[%get3A_198, %get3A_199] {strides = array<i32>} : memref<128x256xf32, #tpu.memory_space<vmem>>, vector<16xf32>,
      %get3A_201 = arith.index_cast %scan3A_114 : i32 to index
      %get3A_202 = arith.constant 112 : index
      %get3A_203 = tpu.vector_load %arg9[%get3A_201, %get3A_202] {strides = array<i32>} : memref<128x256xf32, #tpu.memory_space<vmem>>, vector<16xf32>,
      %sub3A_204 = arith.subf %get3A_203, %get3A_200 : vector<16xf32>
      %add3A_205 = arith.addf %get3A_200, %sub3A_204 : vector<16xf32>
      %sub3A_206 = arith.subf %get3A_200, %add3A_205 : vector<16xf32>
      %swap3A_207 = arith.index_cast %scan3A_114 : i32 to index
      %swap3A_208 = arith.constant 112 : index
      %swap3A_209 = tpu.vector_load %arg10[%swap3A_207, %swap3A_208] {strides = array<i32>} : memref<128x256xf32, #tpu.memory_space<vmem>>, vector<16xf32>,
      tpu.vector_store %arg10[%swap3A_207, %swap3A_208], %sub3A_206 {strides = array<i32>} : memref<128x256xf32, #tpu.memory_space<vmem>>, vector<16xf32>,
      %get3A_210 = arith.index_cast %scan3A_114 : i32 to index
      %get3A_211 = arith.constant 128 : index
      %get3A_212 = tpu.vector_load %arg10[%get3A_210, %get3A_211] {strides = array<i32>} : memref<128x256xf32, #tpu.memory_space<vmem>>, vector<16xf32>,
      %get3A_213 = arith.index_cast %scan3A_114 : i32 to index
      %get3A_214 = arith.constant 128 : index
      %get3A_215 = tpu.vector_load %arg9[%get3A_213, %get3A_214] {strides = array<i32>} : memref<128x256xf32, #tpu.memory_space<vmem>>, vector<16xf32>,
      %sub3A_216 = arith.subf %get3A_215, %get3A_212 : vector<16xf32>
      %add3A_217 = arith.addf %get3A_212, %sub3A_216 : vector<16xf32>
      %sub3A_218 = arith.subf %get3A_212, %add3A_217 : vector<16xf32>
      %swap3A_219 = arith.index_cast %scan3A_114 : i32 to index
      %swap3A_220 = arith.constant 128 : index
      %swap3A_221 = tpu.vector_load %arg10[%swap3A_219, %swap3A_220] {strides = array<i32>} : memref<128x256xf32, #tpu.memory_space<vmem>>, vector<16xf32>,
      tpu.vector_store %arg10[%swap3A_219, %swap3A_220], %sub3A_218 {strides = array<i32>} : memref<128x256xf32, #tpu.memory_space<vmem>>, vector<16xf32>,
      %get3A_222 = arith.index_cast %scan3A_114 : i32 to index
      %get3A_223 = arith.constant 144 : index
      %get3A_224 = tpu.vector_load %arg10[%get3A_222, %get3A_223] {strides = array<i32>} : memref<128x256xf32, #tpu.memory_space<vmem>>, vector<16xf32>,
      %get3A_225 = arith.index_cast %scan3A_114 : i32 to index
      %get3A_226 = arith.constant 144 : index
      %get3A_227 = tpu.vector_load %arg9[%get3A_225, %get3A_226] {strides = array<i32>} : memref<128x256xf32, #tpu.memory_space<vmem>>, vector<16xf32>,
      %sub3A_228 = arith.subf %get3A_227, %get3A_224 : vector<16xf32>
      %add3A_229 = arith.addf %get3A_224, %sub3A_228 : vector<16xf32>
      %sub3A_230 = arith.subf %get3A_224, %add3A_229 : vector<16xf32>
      %swap3A_231 = arith.index_cast %scan3A_114 : i32 to index
      %swap3A_232 = arith.constant 144 : index
      %swap3A_233 = tpu.vector_load %arg10[%swap3A_231, %swap3A_232] {strides = array<i32>} : memref<128x256xf32, #tpu.memory_space<vmem>>, vector<16xf32>,
      tpu.vector_store %arg10[%swap3A_231, %swap3A_232], %sub3A_230 {strides = array<i32>} : memref<128x256xf32, #tpu.memory_space<vmem>>, vector<16xf32>,
      %get3A_234 = arith.index_cast %scan3A_114 : i32 to index
      %get3A_235 = arith.constant 160 : index
      %get3A_236 = tpu.vector_load %arg10[%get3A_234, %get3A_235] {strides = array<i32>} : memref<128x256xf32, #tpu.memory_space<vmem>>, vector<16xf32>,
      %get3A_237 = arith.index_cast %scan3A_114 : i32 to index
      %get3A_238 = arith.constant 160 : index
      %get3A_239 = tpu.vector_load %arg9[%get3A_237, %get3A_238] {strides = array<i32>} : memref<128x256xf32, #tpu.memory_space<vmem>>, vector<16xf32>,
      %sub3A_240 = arith.subf %get3A_239, %get3A_236 : vector<16xf32>
      %add3A_241 = arith.addf %get3A_236, %sub3A_240 : vector<16xf32>
      %sub3A_242 = arith.subf %get3A_236, %add3A_241 : vector<16xf32>
      %swap3A_243 = arith.index_cast %scan3A_114 : i32 to index
      %swap3A_244 = arith.constant 160 : index
      %swap3A_245 = tpu.vector_load %arg10[%swap3A_243, %swap3A_244] {strides = array<i32>} : memref<128x256xf32, #tpu.memory_space<vmem>>, vector<16xf32>,
      tpu.vector_store %arg10[%swap3A_243, %swap3A_244], %sub3A_242 {strides = array<i32>} : memref<128x256xf32, #tpu.memory_space<vmem>>, vector<16xf32>,
      %get3A_246 = arith.index_cast %scan3A_114 : i32 to index
      %get3A_247 = arith.constant 176 : index
      %get3A_248 = tpu.vector_load %arg10[%get3A_246, %get3A_247] {strides = array<i32>} : memref<128x256xf32, #tpu.memory_space<vmem>>, vector<16xf32>,
      %get3A_249 = arith.index_cast %scan3A_114 : i32 to index
      %get3A_250 = arith.constant 176 : index
      %get3A_251 = tpu.vector_load %arg9[%get3A_249, %get3A_250] {strides = array<i32>} : memref<128x256xf32, #tpu.memory_space<vmem>>, vector<16xf32>,
      %sub3A_252 = arith.subf %get3A_251, %get3A_248 : vector<16xf32>
      %add3A_253 = arith.addf %get3A_248, %sub3A_252 : vector<16xf32>
      %sub3A_254 = arith.subf %get3A_248, %add3A_253 : vector<16xf32>
      %swap3A_255 = arith.index_cast %scan3A_114 : i32 to index
      %swap3A_256 = arith.constant 176 : index
      %swap3A_257 = tpu.vector_load %arg10[%swap3A_255, %swap3A_256] {strides = array<i32>} : memref<128x256xf32, #tpu.memory_space<vmem>>, vector<16xf32>,
      tpu.vector_store %arg10[%swap3A_255, %swap3A_256], %sub3A_254 {strides = array<i32>} : memref<128x256xf32, #tpu.memory_space<vmem>>, vector<16xf32>,
      %get3A_258 = arith.index_cast %scan3A_114 : i32 to index
      %get3A_259 = arith.constant 192 : index
      %get3A_260 = tpu.vector_load %arg10[%get3A_258, %get3A_259] {strides = array<i32>} : memref<128x256xf32, #tpu.memory_space<vmem>>, vector<16xf32>,
      %get3A_261 = arith.index_cast %scan3A_114 : i32 to index
      %get3A_262 = arith.constant 192 : index
      %get3A_263 = tpu.vector_load %arg9[%get3A_261, %get3A_262] {strides = array<i32>} : memref<128x256xf32, #tpu.memory_space<vmem>>, vector<16xf32>,
      %sub3A_264 = arith.subf %get3A_263, %get3A_260 : vector<16xf32>
      %add3A_265 = arith.addf %get3A_260, %sub3A_264 : vector<16xf32>
      %sub3A_266 = arith.subf %get3A_260, %add3A_265 : vector<16xf32>
      %swap3A_267 = arith.index_cast %scan3A_114 : i32 to index
      %swap3A_268 = arith.constant 192 : index
      %swap3A_269 = tpu.vector_load %arg10[%swap3A_267, %swap3A_268] {strides = array<i32>} : memref<128x256xf32, #tpu.memory_space<vmem>>, vector<16xf32>,
      tpu.vector_store %arg10[%swap3A_267, %swap3A_268], %sub3A_266 {strides = array<i32>} : memref<128x256xf32, #tpu.memory_space<vmem>>, vector<16xf32>,
      %get3A_270 = arith.index_cast %scan3A_114 : i32 to index
      %get3A_271 = arith.constant 208 : index
      %get3A_272 = tpu.vector_load %arg10[%get3A_270, %get3A_271] {strides = array<i32>} : memref<128x256xf32, #tpu.memory_space<vmem>>, vector<16xf32>,
      %get3A_273 = arith.index_cast %scan3A_114 : i32 to index
      %get3A_274 = arith.constant 208 : index
      %get3A_275 = tpu.vector_load %arg9[%get3A_273, %get3A_274] {strides = array<i32>} : memref<128x256xf32, #tpu.memory_space<vmem>>, vector<16xf32>,
      %sub3A_276 = arith.subf %get3A_275, %get3A_272 : vector<16xf32>
      %add3A_277 = arith.addf %get3A_272, %sub3A_276 : vector<16xf32>
      %sub3A_278 = arith.subf %get3A_272, %add3A_277 : vector<16xf32>
      %swap3A_279 = arith.index_cast %scan3A_114 : i32 to index
      %swap3A_280 = arith.constant 208 : index
      %swap3A_281 = tpu.vector_load %arg10[%swap3A_279, %swap3A_280] {strides = array<i32>} : memref<128x256xf32, #tpu.memory_space<vmem>>, vector<16xf32>,
      tpu.vector_store %arg10[%swap3A_279, %swap3A_280], %sub3A_278 {strides = array<i32>} : memref<128x256xf32, #tpu.memory_space<vmem>>, vector<16xf32>,
      %get3A_282 = arith.index_cast %scan3A_114 : i32 to index
      %get3A_283 = arith.constant 224 : index
      %get3A_284 = tpu.vector_load %arg10[%get3A_282, %get3A_283] {strides = array<i32>} : memref<128x256xf32, #tpu.memory_space<vmem>>, vector<16xf32>,
      %get3A_285 = arith.index_cast %scan3A_114 : i32 to index
      %get3A_286 = arith.constant 224 : index
      %get3A_287 = tpu.vector_load %arg9[%get3A_285, %get3A_286] {strides = array<i32>} : memref<128x256xf32, #tpu.memory_space<vmem>>, vector<16xf32>,
      %sub3A_288 = arith.subf %get3A_287, %get3A_284 : vector<16xf32>
      %add3A_289 = arith.addf %get3A_284, %sub3A_288 : vector<16xf32>
      %sub3A_290 = arith.subf %get3A_284, %add3A_289 : vector<16xf32>
      %swap3A_291 = arith.index_cast %scan3A_114 : i32 to index
      %swap3A_292 = arith.constant 224 : index
      %swap3A_293 = tpu.vector_load %arg10[%swap3A_291, %swap3A_292] {strides = array<i32>} : memref<128x256xf32, #tpu.memory_space<vmem>>, vector<16xf32>,
      tpu.vector_store %arg10[%swap3A_291, %swap3A_292], %sub3A_290 {strides = array<i32>} : memref<128x256xf32, #tpu.memory_space<vmem>>, vector<16xf32>,
      %get3A_294 = arith.index_cast %scan3A_114 : i32 to index
      %get3A_295 = arith.constant 240 : index
      %get3A_296 = tpu.vector_load %arg10[%get3A_294, %get3A_295] {strides = array<i32>} : memref<128x256xf32, #tpu.memory_space<vmem>>, vector<16xf32>,
      %get3A_297 = arith.index_cast %scan3A_114 : i32 to index
      %get3A_298 = arith.constant 240 : index
      %get3A_299 = tpu.vector_load %arg9[%get3A_297, %get3A_298] {strides = array<i32>} : memref<128x256xf32, #tpu.memory_space<vmem>>, vector<16xf32>,
      %sub3A_300 = arith.subf %get3A_299, %get3A_296 : vector<16xf32>
      %add3A_301 = arith.addf %get3A_296, %sub3A_300 : vector<16xf32>
      %sub3A_302 = arith.subf %get3A_296, %add3A_301 : vector<16xf32>
      %swap3A_303 = arith.index_cast %scan3A_114 : i32 to index
      %swap3A_304 = arith.constant 240 : index
      %swap3A_305 = tpu.vector_load %arg10[%swap3A_303, %swap3A_304] {strides = array<i32>} : memref<128x256xf32, #tpu.memory_space<vmem>>, vector<16xf32>,
      tpu.vector_store %arg10[%swap3A_303, %swap3A_304], %sub3A_302 {strides = array<i32>} : memref<128x256xf32, #tpu.memory_space<vmem>>, vector<16xf32>,
      %scan3A_306 = arith.constant 0 : i32
      scf.yield %scan3A_306 : i32
    }
    %scan3A_25 = arith.constant 128 : i32
    "tpu.region"() ({
      %run_scoped3A = tpu.sem_alloc : memref<!tpu.dma_semaphore, #tpu.memory_space<semaphore_mem>>
      %dma_start3A_114 = arith.constant 0 : i32
      %dma_start3A_115 = tpu.memref_slice %arg6[%add3A_7, %dma_start3A_114] : memref<8192x256xf32, #tpu.memory_space<hbm>> -> memref<128x256xf32, #tpu.memory_space<hbm>>
      %dma_start3A_116 = arith.constant 0 : i32
      %dma_start3A_117 = tpu.memref_slice %arg6[%add3A_7, %dma_start3A_116] : memref<8192x256xf32, #tpu.memory_space<hbm>> -> memref<128x256xf32, #tpu.memory_space<hbm>>
      tpu.enqueue_dma source(%arg10 : memref<128x256xf32, #tpu.memory_space<vmem>>) target(%dma_start3A_117 : memref<128x256xf32, #tpu.memory_space<hbm>>) target_semaphore(%run_scoped3A : memref<!tpu.dma_semaphore, #tpu.memory_space<semaphore_mem>>)
      %dma_wait3A_118 = arith.constant 0 : i32
      %dma_wait3A_119 = tpu.memref_slice %arg6[%add3A_7, %dma_wait3A_118] : memref<8192x256xf32, #tpu.memory_space<hbm>> -> memref<128x256xf32, #tpu.memory_space<hbm>>
      %dma_wait3A_120 = arith.constant 0 : i32
      %dma_wait3A_121 = tpu.memref_slice %arg6[%add3A_7, %dma_wait3A_120] : memref<8192x256xf32, #tpu.memory_space<hbm>> -> memref<128x256xf32, #tpu.memory_space<hbm>>
      tpu.wait_dma2 semaphore(%run_scoped3A : memref<!tpu.dma_semaphore, #tpu.memory_space<semaphore_mem>>) src(%arg10 : memref<128x256xf32, #tpu.memory_space<vmem>>) dst(%dma_wait3A_121 : memref<128x256xf32, #tpu.memory_space<hbm>>)
      tpu.yield
    }) : () -> ()
    %get3A = arith.constant 0 : i32
    %get3A_26 = arith.index_cast %get3A : i32 to index
    %get3A_27 = arith.constant 0 : index
    %get3A_28 = tpu.vector_load %arg8[%get3A_26, %get3A_27] {strides = array<i32>} : memref<2x128xi32, #tpu.memory_space<vmem>>, vector<16xi32>,
    tpu.vector_store_idx %arg11[%get3A_28], %broadcast_in_dim3A_3 : memref<8192xf32, #tpu.memory_space<vmem>>[vector<16xi32>], vector<16xf32>,
    %get3A_29 = arith.constant 0 : i32
    %get3A_30 = arith.index_cast %get3A_29 : i32 to index
    %get3A_31 = arith.constant 16 : index
    %get3A_32 = tpu.vector_load %arg8[%get3A_30, %get3A_31] {strides = array<i32>} : memref<2x128xi32, #tpu.memory_space<vmem>>, vector<16xi32>,
    tpu.vector_store_idx %arg11[%get3A_32], %broadcast_in_dim3A_3 : memref<8192xf32, #tpu.memory_space<vmem>>[vector<16xi32>], vector<16xf32>,
    %get3A_33 = arith.constant 0 : i32
    %get3A_34 = arith.index_cast %get3A_33 : i32 to index
    %get3A_35 = arith.constant 32 : index
    %get3A_36 = tpu.vector_load %arg8[%get3A_34, %get3A_35] {strides = array<i32>} : memref<2x128xi32, #tpu.memory_space<vmem>>, vector<16xi32>,
    tpu.vector_store_idx %arg11[%get3A_36], %broadcast_in_dim3A_3 : memref<8192xf32, #tpu.memory_space<vmem>>[vector<16xi32>], vector<16xf32>,
    %get3A_37 = arith.constant 0 : i32
    %get3A_38 = arith.index_cast %get3A_37 : i32 to index
    %get3A_39 = arith.constant 48 : index
    %get3A_40 = tpu.vector_load %arg8[%get3A_38, %get3A_39] {strides = array<i32>} : memref<2x128xi32, #tpu.memory_space<vmem>>, vector<16xi32>,
    tpu.vector_store_idx %arg11[%get3A_40], %broadcast_in_dim3A_3 : memref<8192xf32, #tpu.memory_space<vmem>>[vector<16xi32>], vector<16xf32>,
    %get3A_41 = arith.constant 0 : i32
    %get3A_42 = arith.index_cast %get3A_41 : i32 to index
    %get3A_43 = arith.constant 64 : index
    %get3A_44 = tpu.vector_load %arg8[%get3A_42, %get3A_43] {strides = array<i32>} : memref<2x128xi32, #tpu.memory_space<vmem>>, vector<16xi32>,
    tpu.vector_store_idx %arg11[%get3A_44], %broadcast_in_dim3A_3 : memref<8192xf32, #tpu.memory_space<vmem>>[vector<16xi32>], vector<16xf32>,
    %get3A_45 = arith.constant 0 : i32
    %get3A_46 = arith.index_cast %get3A_45 : i32 to index
    %get3A_47 = arith.constant 80 : index
    %get3A_48 = tpu.vector_load %arg8[%get3A_46, %get3A_47] {strides = array<i32>} : memref<2x128xi32, #tpu.memory_space<vmem>>, vector<16xi32>,
    tpu.vector_store_idx %arg11[%get3A_48], %broadcast_in_dim3A_3 : memref<8192xf32, #tpu.memory_space<vmem>>[vector<16xi32>], vector<16xf32>,
    %get3A_49 = arith.constant 0 : i32
    %get3A_50 = arith.index_cast %get3A_49 : i32 to index
    %get3A_51 = arith.constant 96 : index
    %get3A_52 = tpu.vector_load %arg8[%get3A_50, %get3A_51] {strides = array<i32>} : memref<2x128xi32, #tpu.memory_space<vmem>>, vector<16xi32>,
    tpu.vector_store_idx %arg11[%get3A_52], %broadcast_in_dim3A_3 : memref<8192xf32, #tpu.memory_space<vmem>>[vector<16xi32>], vector<16xf32>,
    %get3A_53 = arith.constant 0 : i32
    %get3A_54 = arith.index_cast %get3A_53 : i32 to index
    %get3A_55 = arith.constant 112 : index
    %get3A_56 = tpu.vector_load %arg8[%get3A_54, %get3A_55] {strides = array<i32>} : memref<2x128xi32, #tpu.memory_space<vmem>>, vector<16xi32>,
    tpu.vector_store_idx %arg11[%get3A_56], %broadcast_in_dim3A_3 : memref<8192xf32, #tpu.memory_space<vmem>>[vector<16xi32>], vector<16xf32>,
    %mul3A_57 = arith.constant 256 : i32
    %mul3A_58 = arith.muli %add3A, %mul3A_57 : i32
    %add3A_59 = arith.constant 128 : i32
    %add3A_60 = arith.addi %mul3A_58, %add3A_59 : i32
    %dma_start3A_61 = arith.constant 1 : i32
    %dma_start3A_62 = arith.constant 0 : i32
    %dma_start3A_63 = tpu.memref_slice %arg8[%dma_start3A_61, %dma_start3A_62] : memref<2x128xi32, #tpu.memory_space<vmem>> -> memref<1x128xi32, #tpu.memory_space<vmem>>
    %dma_start3A_64 = tpu.memref_squeeze %dma_start3A_63 : memref<1x128xi32, #tpu.memory_space<vmem>> -> memref<128xi32, #tpu.memory_space<vmem>>
    %dma_start3A_65 = arith.constant 0 : i32
    %dma_start3A_66 = arith.constant 0 : i32
    %dma_start3A_67 = tpu.memref_slice %arg3[%dma_start3A_65, %dma_start3A_66] : memref<8192x256xf32, #tpu.memory_space<hbm>> -> memref<8192x256xf32, #tpu.memory_space<hbm>>
    tpu.enqueue_indirect_dma source(%dma_start3A_67 : memref<8192x256xf32, #tpu.memory_space<hbm>>) target(%arg9 : memref<128x256xf32, #tpu.memory_space<vmem>>) offsets(%dma_start3A_64 : memref<128xi32, #tpu.memory_space<vmem>>) semaphore(%arg12 : memref<!tpu.dma_semaphore, #tpu.memory_space<semaphore_mem>>)
    "tpu.region"() ({
      %run_scoped3A = tpu.sem_alloc : memref<!tpu.dma_semaphore, #tpu.memory_space<semaphore_mem>>
      %dma_start3A_114 = arith.constant 0 : i32
      %dma_start3A_115 = tpu.memref_slice %arg4[%add3A_60, %dma_start3A_114] : memref<8192x256xf32, #tpu.memory_space<hbm>> -> memref<128x256xf32, #tpu.memory_space<hbm>>
      %dma_start3A_116 = arith.constant 0 : i32
      %dma_start3A_117 = tpu.memref_slice %arg4[%add3A_60, %dma_start3A_116] : memref<8192x256xf32, #tpu.memory_space<hbm>> -> memref<128x256xf32, #tpu.memory_space<hbm>>
      tpu.enqueue_dma source(%dma_start3A_117 : memref<128x256xf32, #tpu.memory_space<hbm>>) target(%arg10 : memref<128x256xf32, #tpu.memory_space<vmem>>) target_semaphore(%run_scoped3A : memref<!tpu.dma_semaphore, #tpu.memory_space<semaphore_mem>>)
      %dma_wait3A_118 = arith.constant 0 : i32
      %dma_wait3A_119 = tpu.memref_slice %arg4[%add3A_60, %dma_wait3A_118] : memref<8192x256xf32, #tpu.memory_space<hbm>> -> memref<128x256xf32, #tpu.memory_space<hbm>>
      %dma_wait3A_120 = arith.constant 0 : i32
      %dma_wait3A_121 = tpu.memref_slice %arg4[%add3A_60, %dma_wait3A_120] : memref<8192x256xf32, #tpu.memory_space<hbm>> -> memref<128x256xf32, #tpu.memory_space<hbm>>
      tpu.wait_dma2 semaphore(%run_scoped3A : memref<!tpu.dma_semaphore, #tpu.memory_space<semaphore_mem>>) src(%dma_wait3A_121 : memref<128x256xf32, #tpu.memory_space<hbm>>) dst(%arg10 : memref<128x256xf32, #tpu.memory_space<vmem>>)
      tpu.yield
    }) : () -> ()
    %dma_wait3A_68 = arith.constant 1 : i32
    %dma_wait3A_69 = arith.constant 0 : i32
    %dma_wait3A_70 = tpu.memref_slice %arg8[%dma_wait3A_68, %dma_wait3A_69] : memref<2x128xi32, #tpu.memory_space<vmem>> -> memref<1x128xi32, #tpu.memory_space<vmem>>
    %dma_wait3A_71 = tpu.memref_squeeze %dma_wait3A_70 : memref<1x128xi32, #tpu.memory_space<vmem>> -> memref<128xi32, #tpu.memory_space<vmem>>
    %dma_wait3A_72 = arith.constant 0 : i32
    %dma_wait3A_73 = arith.constant 0 : i32
    %dma_wait3A_74 = tpu.memref_slice %arg3[%dma_wait3A_72, %dma_wait3A_73] : memref<8192x256xf32, #tpu.memory_space<hbm>> -> memref<8192x256xf32, #tpu.memory_space<hbm>>
    tpu.wait_indirect_dma semaphore(%arg12 : memref<!tpu.dma_semaphore, #tpu.memory_space<semaphore_mem>>) src(%dma_wait3A_74 : memref<8192x256xf32, #tpu.memory_space<hbm>>) dst(%arg9 : memref<128x256xf32, #tpu.memory_space<vmem>>)
    %scan3A_75 = arith.constant 0 : i32
    %scan3A_76 = arith.constant 0 : i32
    %scan3A_77 = arith.constant 128 : i32
    %scan3A_78 = arith.addi %scan3A_76, %scan3A_77 : i32
    %scan3A_79 = arith.constant 1 : i32
    %scan3A_80 = scf.for %scan3A_114 = %scan3A_76 to %scan3A_78 step %scan3A_79 iter_args(%scan3A_115 = %scan3A_75) -> (i32)  : i32 {
      %get3A_116 = arith.index_cast %scan3A_114 : i32 to index
      %get3A_117 = arith.constant 0 : index
      %get3A_118 = tpu.vector_load %arg10[%get3A_116, %get3A_117] {strides = array<i32>} : memref<128x256xf32, #tpu.memory_space<vmem>>, vector<16xf32>,
      %get3A_119 = arith.index_cast %scan3A_114 : i32 to index
      %get3A_120 = arith.constant 0 : index
      %get3A_121 = tpu.vector_load %arg9[%get3A_119, %get3A_120] {strides = array<i32>} : memref<128x256xf32, #tpu.memory_space<vmem>>, vector<16xf32>,
      %sub3A = arith.subf %get3A_121, %get3A_118 : vector<16xf32>
      %add3A_122 = arith.addf %get3A_118, %sub3A : vector<16xf32>
      %sub3A_123 = arith.subf %get3A_118, %add3A_122 : vector<16xf32>
      %swap3A = arith.index_cast %scan3A_114 : i32 to index
      %swap3A_124 = arith.constant 0 : index
      %swap3A_125 = tpu.vector_load %arg10[%swap3A, %swap3A_124] {strides = array<i32>} : memref<128x256xf32, #tpu.memory_space<vmem>>, vector<16xf32>,
      tpu.vector_store %arg10[%swap3A, %swap3A_124], %sub3A_123 {strides = array<i32>} : memref<128x256xf32, #tpu.memory_space<vmem>>, vector<16xf32>,
      %get3A_126 = arith.index_cast %scan3A_114 : i32 to index
      %get3A_127 = arith.constant 16 : index
      %get3A_128 = tpu.vector_load %arg10[%get3A_126, %get3A_127] {strides = array<i32>} : memref<128x256xf32, #tpu.memory_space<vmem>>, vector<16xf32>,
      %get3A_129 = arith.index_cast %scan3A_114 : i32 to index
      %get3A_130 = arith.constant 16 : index
      %get3A_131 = tpu.vector_load %arg9[%get3A_129, %get3A_130] {strides = array<i32>} : memref<128x256xf32, #tpu.memory_space<vmem>>, vector<16xf32>,
      %sub3A_132 = arith.subf %get3A_131, %get3A_128 : vector<16xf32>
      %add3A_133 = arith.addf %get3A_128, %sub3A_132 : vector<16xf32>
      %sub3A_134 = arith.subf %get3A_128, %add3A_133 : vector<16xf32>
      %swap3A_135 = arith.index_cast %scan3A_114 : i32 to index
      %swap3A_136 = arith.constant 16 : index
      %swap3A_137 = tpu.vector_load %arg10[%swap3A_135, %swap3A_136] {strides = array<i32>} : memref<128x256xf32, #tpu.memory_space<vmem>>, vector<16xf32>,
      tpu.vector_store %arg10[%swap3A_135, %swap3A_136], %sub3A_134 {strides = array<i32>} : memref<128x256xf32, #tpu.memory_space<vmem>>, vector<16xf32>,
      %get3A_138 = arith.index_cast %scan3A_114 : i32 to index
      %get3A_139 = arith.constant 32 : index
      %get3A_140 = tpu.vector_load %arg10[%get3A_138, %get3A_139] {strides = array<i32>} : memref<128x256xf32, #tpu.memory_space<vmem>>, vector<16xf32>,
      %get3A_141 = arith.index_cast %scan3A_114 : i32 to index
      %get3A_142 = arith.constant 32 : index
      %get3A_143 = tpu.vector_load %arg9[%get3A_141, %get3A_142] {strides = array<i32>} : memref<128x256xf32, #tpu.memory_space<vmem>>, vector<16xf32>,
      %sub3A_144 = arith.subf %get3A_143, %get3A_140 : vector<16xf32>
      %add3A_145 = arith.addf %get3A_140, %sub3A_144 : vector<16xf32>
      %sub3A_146 = arith.subf %get3A_140, %add3A_145 : vector<16xf32>
      %swap3A_147 = arith.index_cast %scan3A_114 : i32 to index
      %swap3A_148 = arith.constant 32 : index
      %swap3A_149 = tpu.vector_load %arg10[%swap3A_147, %swap3A_148] {strides = array<i32>} : memref<128x256xf32, #tpu.memory_space<vmem>>, vector<16xf32>,
      tpu.vector_store %arg10[%swap3A_147, %swap3A_148], %sub3A_146 {strides = array<i32>} : memref<128x256xf32, #tpu.memory_space<vmem>>, vector<16xf32>,
      %get3A_150 = arith.index_cast %scan3A_114 : i32 to index
      %get3A_151 = arith.constant 48 : index
      %get3A_152 = tpu.vector_load %arg10[%get3A_150, %get3A_151] {strides = array<i32>} : memref<128x256xf32, #tpu.memory_space<vmem>>, vector<16xf32>,
      %get3A_153 = arith.index_cast %scan3A_114 : i32 to index
      %get3A_154 = arith.constant 48 : index
      %get3A_155 = tpu.vector_load %arg9[%get3A_153, %get3A_154] {strides = array<i32>} : memref<128x256xf32, #tpu.memory_space<vmem>>, vector<16xf32>,
      %sub3A_156 = arith.subf %get3A_155, %get3A_152 : vector<16xf32>
      %add3A_157 = arith.addf %get3A_152, %sub3A_156 : vector<16xf32>
      %sub3A_158 = arith.subf %get3A_152, %add3A_157 : vector<16xf32>
      %swap3A_159 = arith.index_cast %scan3A_114 : i32 to index
      %swap3A_160 = arith.constant 48 : index
      %swap3A_161 = tpu.vector_load %arg10[%swap3A_159, %swap3A_160] {strides = array<i32>} : memref<128x256xf32, #tpu.memory_space<vmem>>, vector<16xf32>,
      tpu.vector_store %arg10[%swap3A_159, %swap3A_160], %sub3A_158 {strides = array<i32>} : memref<128x256xf32, #tpu.memory_space<vmem>>, vector<16xf32>,
      %get3A_162 = arith.index_cast %scan3A_114 : i32 to index
      %get3A_163 = arith.constant 64 : index
      %get3A_164 = tpu.vector_load %arg10[%get3A_162, %get3A_163] {strides = array<i32>} : memref<128x256xf32, #tpu.memory_space<vmem>>, vector<16xf32>,
      %get3A_165 = arith.index_cast %scan3A_114 : i32 to index
      %get3A_166 = arith.constant 64 : index
      %get3A_167 = tpu.vector_load %arg9[%get3A_165, %get3A_166] {strides = array<i32>} : memref<128x256xf32, #tpu.memory_space<vmem>>, vector<16xf32>,
      %sub3A_168 = arith.subf %get3A_167, %get3A_164 : vector<16xf32>
      %add3A_169 = arith.addf %get3A_164, %sub3A_168 : vector<16xf32>
      %sub3A_170 = arith.subf %get3A_164, %add3A_169 : vector<16xf32>
      %swap3A_171 = arith.index_cast %scan3A_114 : i32 to index
      %swap3A_172 = arith.constant 64 : index
      %swap3A_173 = tpu.vector_load %arg10[%swap3A_171, %swap3A_172] {strides = array<i32>} : memref<128x256xf32, #tpu.memory_space<vmem>>, vector<16xf32>,
      tpu.vector_store %arg10[%swap3A_171, %swap3A_172], %sub3A_170 {strides = array<i32>} : memref<128x256xf32, #tpu.memory_space<vmem>>, vector<16xf32>,
      %get3A_174 = arith.index_cast %scan3A_114 : i32 to index
      %get3A_175 = arith.constant 80 : index
      %get3A_176 = tpu.vector_load %arg10[%get3A_174, %get3A_175] {strides = array<i32>} : memref<128x256xf32, #tpu.memory_space<vmem>>, vector<16xf32>,
      %get3A_177 = arith.index_cast %scan3A_114 : i32 to index
      %get3A_178 = arith.constant 80 : index
      %get3A_179 = tpu.vector_load %arg9[%get3A_177, %get3A_178] {strides = array<i32>} : memref<128x256xf32, #tpu.memory_space<vmem>>, vector<16xf32>,
      %sub3A_180 = arith.subf %get3A_179, %get3A_176 : vector<16xf32>
      %add3A_181 = arith.addf %get3A_176, %sub3A_180 : vector<16xf32>
      %sub3A_182 = arith.subf %get3A_176, %add3A_181 : vector<16xf32>
      %swap3A_183 = arith.index_cast %scan3A_114 : i32 to index
      %swap3A_184 = arith.constant 80 : index
      %swap3A_185 = tpu.vector_load %arg10[%swap3A_183, %swap3A_184] {strides = array<i32>} : memref<128x256xf32, #tpu.memory_space<vmem>>, vector<16xf32>,
      tpu.vector_store %arg10[%swap3A_183, %swap3A_184], %sub3A_182 {strides = array<i32>} : memref<128x256xf32, #tpu.memory_space<vmem>>, vector<16xf32>,
      %get3A_186 = arith.index_cast %scan3A_114 : i32 to index
      %get3A_187 = arith.constant 96 : index
      %get3A_188 = tpu.vector_load %arg10[%get3A_186, %get3A_187] {strides = array<i32>} : memref<128x256xf32, #tpu.memory_space<vmem>>, vector<16xf32>,
      %get3A_189 = arith.index_cast %scan3A_114 : i32 to index
      %get3A_190 = arith.constant 96 : index
      %get3A_191 = tpu.vector_load %arg9[%get3A_189, %get3A_190] {strides = array<i32>} : memref<128x256xf32, #tpu.memory_space<vmem>>, vector<16xf32>,
      %sub3A_192 = arith.subf %get3A_191, %get3A_188 : vector<16xf32>
      %add3A_193 = arith.addf %get3A_188, %sub3A_192 : vector<16xf32>
      %sub3A_194 = arith.subf %get3A_188, %add3A_193 : vector<16xf32>
      %swap3A_195 = arith.index_cast %scan3A_114 : i32 to index
      %swap3A_196 = arith.constant 96 : index
      %swap3A_197 = tpu.vector_load %arg10[%swap3A_195, %swap3A_196] {strides = array<i32>} : memref<128x256xf32, #tpu.memory_space<vmem>>, vector<16xf32>,
      tpu.vector_store %arg10[%swap3A_195, %swap3A_196], %sub3A_194 {strides = array<i32>} : memref<128x256xf32, #tpu.memory_space<vmem>>, vector<16xf32>,
      %get3A_198 = arith.index_cast %scan3A_114 : i32 to index
      %get3A_199 = arith.constant 112 : index
      %get3A_200 = tpu.vector_load %arg10[%get3A_198, %get3A_199] {strides = array<i32>} : memref<128x256xf32, #tpu.memory_space<vmem>>, vector<16xf32>,
      %get3A_201 = arith.index_cast %scan3A_114 : i32 to index
      %get3A_202 = arith.constant 112 : index
      %get3A_203 = tpu.vector_load %arg9[%get3A_201, %get3A_202] {strides = array<i32>} : memref<128x256xf32, #tpu.memory_space<vmem>>, vector<16xf32>,
      %sub3A_204 = arith.subf %get3A_203, %get3A_200 : vector<16xf32>
      %add3A_205 = arith.addf %get3A_200, %sub3A_204 : vector<16xf32>
      %sub3A_206 = arith.subf %get3A_200, %add3A_205 : vector<16xf32>
      %swap3A_207 = arith.index_cast %scan3A_114 : i32 to index
      %swap3A_208 = arith.constant 112 : index
      %swap3A_209 = tpu.vector_load %arg10[%swap3A_207, %swap3A_208] {strides = array<i32>} : memref<128x256xf32, #tpu.memory_space<vmem>>, vector<16xf32>,
      tpu.vector_store %arg10[%swap3A_207, %swap3A_208], %sub3A_206 {strides = array<i32>} : memref<128x256xf32, #tpu.memory_space<vmem>>, vector<16xf32>,
      %get3A_210 = arith.index_cast %scan3A_114 : i32 to index
      %get3A_211 = arith.constant 128 : index
      %get3A_212 = tpu.vector_load %arg10[%get3A_210, %get3A_211] {strides = array<i32>} : memref<128x256xf32, #tpu.memory_space<vmem>>, vector<16xf32>,
      %get3A_213 = arith.index_cast %scan3A_114 : i32 to index
      %get3A_214 = arith.constant 128 : index
      %get3A_215 = tpu.vector_load %arg9[%get3A_213, %get3A_214] {strides = array<i32>} : memref<128x256xf32, #tpu.memory_space<vmem>>, vector<16xf32>,
      %sub3A_216 = arith.subf %get3A_215, %get3A_212 : vector<16xf32>
      %add3A_217 = arith.addf %get3A_212, %sub3A_216 : vector<16xf32>
      %sub3A_218 = arith.subf %get3A_212, %add3A_217 : vector<16xf32>
      %swap3A_219 = arith.index_cast %scan3A_114 : i32 to index
      %swap3A_220 = arith.constant 128 : index
      %swap3A_221 = tpu.vector_load %arg10[%swap3A_219, %swap3A_220] {strides = array<i32>} : memref<128x256xf32, #tpu.memory_space<vmem>>, vector<16xf32>,
      tpu.vector_store %arg10[%swap3A_219, %swap3A_220], %sub3A_218 {strides = array<i32>} : memref<128x256xf32, #tpu.memory_space<vmem>>, vector<16xf32>,
      %get3A_222 = arith.index_cast %scan3A_114 : i32 to index
      %get3A_223 = arith.constant 144 : index
      %get3A_224 = tpu.vector_load %arg10[%get3A_222, %get3A_223] {strides = array<i32>} : memref<128x256xf32, #tpu.memory_space<vmem>>, vector<16xf32>,
      %get3A_225 = arith.index_cast %scan3A_114 : i32 to index
      %get3A_226 = arith.constant 144 : index
      %get3A_227 = tpu.vector_load %arg9[%get3A_225, %get3A_226] {strides = array<i32>} : memref<128x256xf32, #tpu.memory_space<vmem>>, vector<16xf32>,
      %sub3A_228 = arith.subf %get3A_227, %get3A_224 : vector<16xf32>
      %add3A_229 = arith.addf %get3A_224, %sub3A_228 : vector<16xf32>
      %sub3A_230 = arith.subf %get3A_224, %add3A_229 : vector<16xf32>
      %swap3A_231 = arith.index_cast %scan3A_114 : i32 to index
      %swap3A_232 = arith.constant 144 : index
      %swap3A_233 = tpu.vector_load %arg10[%swap3A_231, %swap3A_232] {strides = array<i32>} : memref<128x256xf32, #tpu.memory_space<vmem>>, vector<16xf32>,
      tpu.vector_store %arg10[%swap3A_231, %swap3A_232], %sub3A_230 {strides = array<i32>} : memref<128x256xf32, #tpu.memory_space<vmem>>, vector<16xf32>,
      %get3A_234 = arith.index_cast %scan3A_114 : i32 to index
      %get3A_235 = arith.constant 160 : index
      %get3A_236 = tpu.vector_load %arg10[%get3A_234, %get3A_235] {strides = array<i32>} : memref<128x256xf32, #tpu.memory_space<vmem>>, vector<16xf32>,
      %get3A_237 = arith.index_cast %scan3A_114 : i32 to index
      %get3A_238 = arith.constant 160 : index
      %get3A_239 = tpu.vector_load %arg9[%get3A_237, %get3A_238] {strides = array<i32>} : memref<128x256xf32, #tpu.memory_space<vmem>>, vector<16xf32>,
      %sub3A_240 = arith.subf %get3A_239, %get3A_236 : vector<16xf32>
      %add3A_241 = arith.addf %get3A_236, %sub3A_240 : vector<16xf32>
      %sub3A_242 = arith.subf %get3A_236, %add3A_241 : vector<16xf32>
      %swap3A_243 = arith.index_cast %scan3A_114 : i32 to index
      %swap3A_244 = arith.constant 160 : index
      %swap3A_245 = tpu.vector_load %arg10[%swap3A_243, %swap3A_244] {strides = array<i32>} : memref<128x256xf32, #tpu.memory_space<vmem>>, vector<16xf32>,
      tpu.vector_store %arg10[%swap3A_243, %swap3A_244], %sub3A_242 {strides = array<i32>} : memref<128x256xf32, #tpu.memory_space<vmem>>, vector<16xf32>,
      %get3A_246 = arith.index_cast %scan3A_114 : i32 to index
      %get3A_247 = arith.constant 176 : index
      %get3A_248 = tpu.vector_load %arg10[%get3A_246, %get3A_247] {strides = array<i32>} : memref<128x256xf32, #tpu.memory_space<vmem>>, vector<16xf32>,
      %get3A_249 = arith.index_cast %scan3A_114 : i32 to index
      %get3A_250 = arith.constant 176 : index
      %get3A_251 = tpu.vector_load %arg9[%get3A_249, %get3A_250] {strides = array<i32>} : memref<128x256xf32, #tpu.memory_space<vmem>>, vector<16xf32>,
      %sub3A_252 = arith.subf %get3A_251, %get3A_248 : vector<16xf32>
      %add3A_253 = arith.addf %get3A_248, %sub3A_252 : vector<16xf32>
      %sub3A_254 = arith.subf %get3A_248, %add3A_253 : vector<16xf32>
      %swap3A_255 = arith.index_cast %scan3A_114 : i32 to index
      %swap3A_256 = arith.constant 176 : index
      %swap3A_257 = tpu.vector_load %arg10[%swap3A_255, %swap3A_256] {strides = array<i32>} : memref<128x256xf32, #tpu.memory_space<vmem>>, vector<16xf32>,
      tpu.vector_store %arg10[%swap3A_255, %swap3A_256], %sub3A_254 {strides = array<i32>} : memref<128x256xf32, #tpu.memory_space<vmem>>, vector<16xf32>,
      %get3A_258 = arith.index_cast %scan3A_114 : i32 to index
      %get3A_259 = arith.constant 192 : index
      %get3A_260 = tpu.vector_load %arg10[%get3A_258, %get3A_259] {strides = array<i32>} : memref<128x256xf32, #tpu.memory_space<vmem>>, vector<16xf32>,
      %get3A_261 = arith.index_cast %scan3A_114 : i32 to index
      %get3A_262 = arith.constant 192 : index
      %get3A_263 = tpu.vector_load %arg9[%get3A_261, %get3A_262] {strides = array<i32>} : memref<128x256xf32, #tpu.memory_space<vmem>>, vector<16xf32>,
      %sub3A_264 = arith.subf %get3A_263, %get3A_260 : vector<16xf32>
      %add3A_265 = arith.addf %get3A_260, %sub3A_264 : vector<16xf32>
      %sub3A_266 = arith.subf %get3A_260, %add3A_265 : vector<16xf32>
      %swap3A_267 = arith.index_cast %scan3A_114 : i32 to index
      %swap3A_268 = arith.constant 192 : index
      %swap3A_269 = tpu.vector_load %arg10[%swap3A_267, %swap3A_268] {strides = array<i32>} : memref<128x256xf32, #tpu.memory_space<vmem>>, vector<16xf32>,
      tpu.vector_store %arg10[%swap3A_267, %swap3A_268], %sub3A_266 {strides = array<i32>} : memref<128x256xf32, #tpu.memory_space<vmem>>, vector<16xf32>,
      %get3A_270 = arith.index_cast %scan3A_114 : i32 to index
      %get3A_271 = arith.constant 208 : index
      %get3A_272 = tpu.vector_load %arg10[%get3A_270, %get3A_271] {strides = array<i32>} : memref<128x256xf32, #tpu.memory_space<vmem>>, vector<16xf32>,
      %get3A_273 = arith.index_cast %scan3A_114 : i32 to index
      %get3A_274 = arith.constant 208 : index
      %get3A_275 = tpu.vector_load %arg9[%get3A_273, %get3A_274] {strides = array<i32>} : memref<128x256xf32, #tpu.memory_space<vmem>>, vector<16xf32>,
      %sub3A_276 = arith.subf %get3A_275, %get3A_272 : vector<16xf32>
      %add3A_277 = arith.addf %get3A_272, %sub3A_276 : vector<16xf32>
      %sub3A_278 = arith.subf %get3A_272, %add3A_277 : vector<16xf32>
      %swap3A_279 = arith.index_cast %scan3A_114 : i32 to index
      %swap3A_280 = arith.constant 208 : index
      %swap3A_281 = tpu.vector_load %arg10[%swap3A_279, %swap3A_280] {strides = array<i32>} : memref<128x256xf32, #tpu.memory_space<vmem>>, vector<16xf32>,
      tpu.vector_store %arg10[%swap3A_279, %swap3A_280], %sub3A_278 {strides = array<i32>} : memref<128x256xf32, #tpu.memory_space<vmem>>, vector<16xf32>,
      %get3A_282 = arith.index_cast %scan3A_114 : i32 to index
      %get3A_283 = arith.constant 224 : index
      %get3A_284 = tpu.vector_load %arg10[%get3A_282, %get3A_283] {strides = array<i32>} : memref<128x256xf32, #tpu.memory_space<vmem>>, vector<16xf32>,
      %get3A_285 = arith.index_cast %scan3A_114 : i32 to index
      %get3A_286 = arith.constant 224 : index
      %get3A_287 = tpu.vector_load %arg9[%get3A_285, %get3A_286] {strides = array<i32>} : memref<128x256xf32, #tpu.memory_space<vmem>>, vector<16xf32>,
      %sub3A_288 = arith.subf %get3A_287, %get3A_284 : vector<16xf32>
      %add3A_289 = arith.addf %get3A_284, %sub3A_288 : vector<16xf32>
      %sub3A_290 = arith.subf %get3A_284, %add3A_289 : vector<16xf32>
      %swap3A_291 = arith.index_cast %scan3A_114 : i32 to index
      %swap3A_292 = arith.constant 224 : index
      %swap3A_293 = tpu.vector_load %arg10[%swap3A_291, %swap3A_292] {strides = array<i32>} : memref<128x256xf32, #tpu.memory_space<vmem>>, vector<16xf32>,
      tpu.vector_store %arg10[%swap3A_291, %swap3A_292], %sub3A_290 {strides = array<i32>} : memref<128x256xf32, #tpu.memory_space<vmem>>, vector<16xf32>,
      %get3A_294 = arith.index_cast %scan3A_114 : i32 to index
      %get3A_295 = arith.constant 240 : index
      %get3A_296 = tpu.vector_load %arg10[%get3A_294, %get3A_295] {strides = array<i32>} : memref<128x256xf32, #tpu.memory_space<vmem>>, vector<16xf32>,
      %get3A_297 = arith.index_cast %scan3A_114 : i32 to index
      %get3A_298 = arith.constant 240 : index
      %get3A_299 = tpu.vector_load %arg9[%get3A_297, %get3A_298] {strides = array<i32>} : memref<128x256xf32, #tpu.memory_space<vmem>>, vector<16xf32>,
      %sub3A_300 = arith.subf %get3A_299, %get3A_296 : vector<16xf32>
      %add3A_301 = arith.addf %get3A_296, %sub3A_300 : vector<16xf32>
      %sub3A_302 = arith.subf %get3A_296, %add3A_301 : vector<16xf32>
      %swap3A_303 = arith.index_cast %scan3A_114 : i32 to index
      %swap3A_304 = arith.constant 240 : index
      %swap3A_305 = tpu.vector_load %arg10[%swap3A_303, %swap3A_304] {strides = array<i32>} : memref<128x256xf32, #tpu.memory_space<vmem>>, vector<16xf32>,
      tpu.vector_store %arg10[%swap3A_303, %swap3A_304], %sub3A_302 {strides = array<i32>} : memref<128x256xf32, #tpu.memory_space<vmem>>, vector<16xf32>,
      %scan3A_306 = arith.constant 0 : i32
      scf.yield %scan3A_306 : i32
    }
    %scan3A_81 = arith.constant 128 : i32
    "tpu.region"() ({
      %run_scoped3A = tpu.sem_alloc : memref<!tpu.dma_semaphore, #tpu.memory_space<semaphore_mem>>
      %dma_start3A_114 = arith.constant 0 : i32
      %dma_start3A_115 = tpu.memref_slice %arg6[%add3A_60, %dma_start3A_114] : memref<8192x256xf32, #tpu.memory_space<hbm>> -> memref<128x256xf32, #tpu.memory_space<hbm>>
      %dma_start3A_116 = arith.constant 0 : i32
      %dma_start3A_117 = tpu.memref_slice %arg6[%add3A_60, %dma_start3A_116] : memref<8192x256xf32, #tpu.memory_space<hbm>> -> memref<128x256xf32, #tpu.memory_space<hbm>>
      tpu.enqueue_dma source(%arg10 : memref<128x256xf32, #tpu.memory_space<vmem>>) target(%dma_start3A_117 : memref<128x256xf32, #tpu.memory_space<hbm>>) target_semaphore(%run_scoped3A : memref<!tpu.dma_semaphore, #tpu.memory_space<semaphore_mem>>)
      %dma_wait3A_118 = arith.constant 0 : i32
      %dma_wait3A_119 = tpu.memref_slice %arg6[%add3A_60, %dma_wait3A_118] : memref<8192x256xf32, #tpu.memory_space<hbm>> -> memref<128x256xf32, #tpu.memory_space<hbm>>
      %dma_wait3A_120 = arith.constant 0 : i32
      %dma_wait3A_121 = tpu.memref_slice %arg6[%add3A_60, %dma_wait3A_120] : memref<8192x256xf32, #tpu.memory_space<hbm>> -> memref<128x256xf32, #tpu.memory_space<hbm>>
      tpu.wait_dma2 semaphore(%run_scoped3A : memref<!tpu.dma_semaphore, #tpu.memory_space<semaphore_mem>>) src(%arg10 : memref<128x256xf32, #tpu.memory_space<vmem>>) dst(%dma_wait3A_121 : memref<128x256xf32, #tpu.memory_space<hbm>>)
      tpu.yield
    }) : () -> ()
    %get3A_82 = arith.constant 1 : i32
    %get3A_83 = arith.index_cast %get3A_82 : i32 to index
    %get3A_84 = arith.constant 0 : index
    %get3A_85 = tpu.vector_load %arg8[%get3A_83, %get3A_84] {strides = array<i32>} : memref<2x128xi32, #tpu.memory_space<vmem>>, vector<16xi32>,
    tpu.vector_store_idx %arg11[%get3A_85], %broadcast_in_dim3A_3 : memref<8192xf32, #tpu.memory_space<vmem>>[vector<16xi32>], vector<16xf32>,
    %get3A_86 = arith.constant 1 : i32
    %get3A_87 = arith.index_cast %get3A_86 : i32 to index
    %get3A_88 = arith.constant 16 : index
    %get3A_89 = tpu.vector_load %arg8[%get3A_87, %get3A_88] {strides = array<i32>} : memref<2x128xi32, #tpu.memory_space<vmem>>, vector<16xi32>,
    tpu.vector_store_idx %arg11[%get3A_89], %broadcast_in_dim3A_3 : memref<8192xf32, #tpu.memory_space<vmem>>[vector<16xi32>], vector<16xf32>,
    %get3A_90 = arith.constant 1 : i32
    %get3A_91 = arith.index_cast %get3A_90 : i32 to index
    %get3A_92 = arith.constant 32 : index
    %get3A_93 = tpu.vector_load %arg8[%get3A_91, %get3A_92] {strides = array<i32>} : memref<2x128xi32, #tpu.memory_space<vmem>>, vector<16xi32>,
    tpu.vector_store_idx %arg11[%get3A_93], %broadcast_in_dim3A_3 : memref<8192xf32, #tpu.memory_space<vmem>>[vector<16xi32>], vector<16xf32>,
    %get3A_94 = arith.constant 1 : i32
    %get3A_95 = arith.index_cast %get3A_94 : i32 to index
    %get3A_96 = arith.constant 48 : index
    %get3A_97 = tpu.vector_load %arg8[%get3A_95, %get3A_96] {strides = array<i32>} : memref<2x128xi32, #tpu.memory_space<vmem>>, vector<16xi32>,
    tpu.vector_store_idx %arg11[%get3A_97], %broadcast_in_dim3A_3 : memref<8192xf32, #tpu.memory_space<vmem>>[vector<16xi32>], vector<16xf32>,
    %get3A_98 = arith.constant 1 : i32
    %get3A_99 = arith.index_cast %get3A_98 : i32 to index
    %get3A_100 = arith.constant 64 : index
    %get3A_101 = tpu.vector_load %arg8[%get3A_99, %get3A_100] {strides = array<i32>} : memref<2x128xi32, #tpu.memory_space<vmem>>, vector<16xi32>,
    tpu.vector_store_idx %arg11[%get3A_101], %broadcast_in_dim3A_3 : memref<8192xf32, #tpu.memory_space<vmem>>[vector<16xi32>], vector<16xf32>,
    %get3A_102 = arith.constant 1 : i32
    %get3A_103 = arith.index_cast %get3A_102 : i32 to index
    %get3A_104 = arith.constant 80 : index
    %get3A_105 = tpu.vector_load %arg8[%get3A_103, %get3A_104] {strides = array<i32>} : memref<2x128xi32, #tpu.memory_space<vmem>>, vector<16xi32>,
    tpu.vector_store_idx %arg11[%get3A_105], %broadcast_in_dim3A_3 : memref<8192xf32, #tpu.memory_space<vmem>>[vector<16xi32>], vector<16xf32>,
    %get3A_106 = arith.constant 1 : i32
    %get3A_107 = arith.index_cast %get3A_106 : i32 to index
    %get3A_108 = arith.constant 96 : index
    %get3A_109 = tpu.vector_load %arg8[%get3A_107, %get3A_108] {strides = array<i32>} : memref<2x128xi32, #tpu.memory_space<vmem>>, vector<16xi32>,
    tpu.vector_store_idx %arg11[%get3A_109], %broadcast_in_dim3A_3 : memref<8192xf32, #tpu.memory_space<vmem>>[vector<16xi32>], vector<16xf32>,
    %get3A_110 = arith.constant 1 : i32
    %get3A_111 = arith.index_cast %get3A_110 : i32 to index
    %get3A_112 = arith.constant 112 : index
    %get3A_113 = tpu.vector_load %arg8[%get3A_111, %get3A_112] {strides = array<i32>} : memref<2x128xi32, #tpu.memory_space<vmem>>, vector<16xi32>,
    tpu.vector_store_idx %arg11[%get3A_113], %broadcast_in_dim3A_3 : memref<8192xf32, #tpu.memory_space<vmem>>[vector<16xi32>], vector<16xf32>,
    "tpu.region"() ({
      %run_scoped3A = tpu.sem_alloc : memref<!tpu.dma_semaphore, #tpu.memory_space<semaphore_mem>>
      %dma_start3A_114 = arith.constant 0 : i32
      %dma_start3A_115 = tpu.memref_slice %arg7[%add3A, %dma_start3A_114] : memref<32x8192xf32, #tpu.memory_space<hbm>> -> memref<1x8192xf32, #tpu.memory_space<hbm>>
      %dma_start3A_116 = tpu.memref_squeeze %dma_start3A_115 : memref<1x8192xf32, #tpu.memory_space<hbm>> -> memref<8192xf32, #tpu.memory_space<hbm>>
      %dma_start3A_117 = arith.constant 0 : i32
      %dma_start3A_118 = tpu.memref_slice %arg7[%add3A, %dma_start3A_117] : memref<32x8192xf32, #tpu.memory_space<hbm>> -> memref<1x8192xf32, #tpu.memory_space<hbm>>
      %dma_start3A_119 = tpu.memref_squeeze %dma_start3A_118 : memref<1x8192xf32, #tpu.memory_space<hbm>> -> memref<8192xf32, #tpu.memory_space<hbm>>
      tpu.enqueue_dma source(%arg11 : memref<8192xf32, #tpu.memory_space<vmem>>) target(%dma_start3A_119 : memref<8192xf32, #tpu.memory_space<hbm>>) target_semaphore(%run_scoped3A : memref<!tpu.dma_semaphore, #tpu.memory_space<semaphore_mem>>)
      %dma_wait3A_120 = arith.constant 0 : i32
      %dma_wait3A_121 = tpu.memref_slice %arg7[%add3A, %dma_wait3A_120] : memref<32x8192xf32, #tpu.memory_space<hbm>> -> memref<1x8192xf32, #tpu.memory_space<hbm>>
      %dma_wait3A_122 = tpu.memref_squeeze %dma_wait3A_121 : memref<1x8192xf32, #tpu.memory_space<hbm>> -> memref<8192xf32, #tpu.memory_space<hbm>>
      %dma_wait3A_123 = arith.constant 0 : i32
      %dma_wait3A_124 = tpu.memref_slice %arg7[%add3A, %dma_wait3A_123] : memref<32x8192xf32, #tpu.memory_space<hbm>> -> memref<1x8192xf32, #tpu.memory_space<hbm>>
      %dma_wait3A_125 = tpu.memref_squeeze %dma_wait3A_124 : memref<1x8192xf32, #tpu.memory_space<hbm>> -> memref<8192xf32, #tpu.memory_space<hbm>>
      tpu.wait_dma2 semaphore(%run_scoped3A : memref<!tpu.dma_semaphore, #tpu.memory_space<semaphore_mem>>) src(%arg11 : memref<8192xf32, #tpu.memory_space<vmem>>) dst(%dma_wait3A_125 : memref<8192xf32, #tpu.memory_space<hbm>>)
      tpu.yield
    }) : () -> ()
    return
  }
}

module attributes {stable_mosaic.version = 14 : i64} {
  func.func @_argmin_body(%arg0: i32, %arg1: i32, %arg2: memref<8192x256xbf16, #tpu.memory_space<vmem>>, %arg3: memref<256x512xbf16, #tpu.memory_space<vmem>>, %arg4: memref<8192x1xf32, #tpu.memory_space<vmem>>, %arg5: memref<1x512xf32, #tpu.memory_space<vmem>>, %arg6: memref<8192x1xi32, #tpu.memory_space<vmem>>, %arg7: memref<8192x1xf32, #tpu.memory_space<vmem>>, %arg8: memref<8192x1xi32, #tpu.memory_space<vmem>>) attributes {dimension_semantics = [#tpu.dimension_semantics<arbitrary>, #tpu.dimension_semantics<arbitrary>], iteration_bounds = array<i64: 16, 16>, scalar_prefetch = 0 : i64, scratch_operands = 2 : i64, tpu.core_type = #tpu.core_type<tc>, window_params = [{pipeline_mode = #tpu.pipeline_mode<synchronous>, transform_indices = @transform_0, window_bounds = array<i64: 8192, 256>}, {transform_indices = @transform_1, window_bounds = array<i64: 256, 512>}, {pipeline_mode = #tpu.pipeline_mode<synchronous>, transform_indices = @transform_2, window_bounds = array<i64: 8192, 1>}, {transform_indices = @transform_3, window_bounds = array<i64: 1, 512>}, {pipeline_mode = #tpu.pipeline_mode<synchronous>, transform_indices = @transform_4, window_bounds = array<i64: 8192, 1>}]} {
    %mul3A = arith.constant 512 : i32
    %mul3A_0 = arith.muli %arg1, %mul3A : i32
    %get3A = arith.index_cast %mul3A_0 : i32 to index
    %get3A_1 = arith.constant 0 : index
    %get3A_2 = vector.load %arg2[%get3A, %get3A_1] : memref<8192x256xbf16, #tpu.memory_space<vmem>>, vector<512x256xbf16>
    %get3A_3 = arith.constant 0 : index
    %get3A_4 = arith.constant 0 : index
    %get3A_5 = vector.load %arg3[%get3A_3, %get3A_4] : memref<256x512xbf16, #tpu.memory_space<vmem>>, vector<256x512xbf16>
    %dot_general3A = arith.constant dense<0.000000e+00> : vector<512x512xf32>
    %dot_general3A_6 = tpu.matmul %get3A_2, %get3A_5, %dot_general3A {dimension_numbers = #tpu.dot_dimension_numbers<[1], [0], [0], [1], [0, 0, 1, 1], [], []>, transpose_lhs_hint = false} : vector<512x256xbf16>, vector<256x512xbf16>, vector<512x512xf32> -> vector<512x512xf32>
    %get3A_7 = arith.index_cast %mul3A_0 : i32 to index
    %get3A_8 = arith.constant 0 : index
    %get3A_9 = vector.load %arg4[%get3A_7, %get3A_8] : memref<8192x1xf32, #tpu.memory_space<vmem>>, vector<512x1xf32>
    %mul3A_10 = arith.constant 2.000000e+00 : f32
    %mul3A_11 = vector.broadcast %mul3A_10 : f32 to vector<512x512xf32>
    %mul3A_12 = arith.mulf %mul3A_11, %dot_general3A_6 : vector<512x512xf32>
    %sub3A = vector.broadcast %get3A_9 : vector<512x1xf32> to vector<512x512xf32>
    %sub3A_13 = arith.subf %sub3A, %mul3A_12 : vector<512x512xf32>
    %get3A_14 = arith.constant 0 : index
    %get3A_15 = arith.constant 0 : index
    %get3A_16 = vector.load %arg5[%get3A_14, %get3A_15] : memref<1x512xf32, #tpu.memory_space<vmem>>, vector<1x512xf32>
    %add3A = vector.broadcast %get3A_16 : vector<1x512xf32> to vector<512x512xf32>
    %add3A_17 = arith.addf %sub3A_13, %add3A : vector<512x512xf32>
    %reduce_min3A = arith.constant dense<0x7F800000> : vector<512xf32>
    %reduce_min3A_18 = vector.multi_reduction <minimumf>, %add3A_17, %reduce_min3A [1] : vector<512x512xf32> to vector<512xf32>
    %broadcast_in_dim3A = vector.shape_cast %reduce_min3A_18 : vector<512xf32> to vector<512x1xf32>
    %iota3A = tpu.iota {dimensions = array<i32: 1>} : vector<512x512xi32>
    %eq3A = vector.broadcast %broadcast_in_dim3A : vector<512x1xf32> to vector<512x512xf32>
    %eq3A_19 = arith.cmpf oeq, %add3A_17, %eq3A : vector<512x512xf32>
    %jit3A = arith.constant 8192 : i32
    %broadcast_in_dim3A_20 = vector.broadcast %jit3A : i32 to vector<512x512xi32>
    %select_n3A = arith.select %eq3A_19, %iota3A, %broadcast_in_dim3A_20 : vector<512x512xi1>, vector<512x512xi32>
    %reduce_min3A_21 = arith.constant dense<2147483647> : vector<512xi32>
    %reduce_min3A_22 = vector.multi_reduction <minsi>, %select_n3A, %reduce_min3A_21 [1] : vector<512x512xi32> to vector<512xi32>
    %broadcast_in_dim3A_23 = vector.shape_cast %reduce_min3A_22 : vector<512xi32> to vector<512x1xi32>
    %mul3A_24 = arith.constant 512 : i32
    %mul3A_25 = arith.muli %arg0, %mul3A_24 : i32
    %add3A_26 = vector.broadcast %mul3A_25 : i32 to vector<512x1xi32>
    %add3A_27 = arith.addi %broadcast_in_dim3A_23, %add3A_26 : vector<512x1xi32>
    %eq3A_28 = arith.constant 0 : i32
    %eq3A_29 = arith.cmpi eq, %arg0, %eq3A_28 : i32
    %convert_element_type3A = arith.extui %eq3A_29 : i1 to i32
    %cond3A = arith.constant 0 : i32
    %cond3A_30 = arith.cmpi ne, %convert_element_type3A, %cond3A : i32
    scf.if %cond3A_30 {
      %swap3A = arith.index_cast %mul3A_0 : i32 to index
      %swap3A_40 = arith.constant 0 : index
      %swap3A_41 = vector.load %arg7[%swap3A, %swap3A_40] : memref<8192x1xf32, #tpu.memory_space<vmem>>, vector<512x1xf32>
      tpu.vector_store %arg7[%swap3A, %swap3A_40], %broadcast_in_dim3A {strides = array<i32>} : memref<8192x1xf32, #tpu.memory_space<vmem>>, vector<512x1xf32>,
      %swap3A_42 = arith.index_cast %mul3A_0 : i32 to index
      %swap3A_43 = arith.constant 0 : index
      %swap3A_44 = vector.load %arg8[%swap3A_42, %swap3A_43] : memref<8192x1xi32, #tpu.memory_space<vmem>>, vector<512x1xi32>
      tpu.vector_store %arg8[%swap3A_42, %swap3A_43], %add3A_27 {strides = array<i32>} : memref<8192x1xi32, #tpu.memory_space<vmem>>, vector<512x1xi32>,
    } else {
    }
    %gt3A = arith.constant 0 : i32
    %gt3A_31 = arith.cmpi sgt, %arg0, %gt3A : i32
    %convert_element_type3A_32 = arith.extui %gt3A_31 : i1 to i32
    %cond3A_33 = arith.constant 0 : i32
    %cond3A_34 = arith.cmpi ne, %convert_element_type3A_32, %cond3A_33 : i32
    scf.if %cond3A_34 {
      %get3A_40 = arith.index_cast %mul3A_0 : i32 to index
      %get3A_41 = arith.constant 0 : index
      %get3A_42 = vector.load %arg7[%get3A_40, %get3A_41] : memref<8192x1xf32, #tpu.memory_space<vmem>>, vector<512x1xf32>
      %get3A_43 = arith.index_cast %mul3A_0 : i32 to index
      %get3A_44 = arith.constant 0 : index
      %get3A_45 = vector.load %arg8[%get3A_43, %get3A_44] : memref<8192x1xi32, #tpu.memory_space<vmem>>, vector<512x1xi32>
      %lt3A = arith.cmpf olt, %broadcast_in_dim3A, %get3A_42 : vector<512x1xf32>
      %select_n3A_46 = arith.select %lt3A, %broadcast_in_dim3A, %get3A_42 : vector<512x1xi1>, vector<512x1xf32>
      %swap3A = arith.index_cast %mul3A_0 : i32 to index
      %swap3A_47 = arith.constant 0 : index
      %swap3A_48 = vector.load %arg7[%swap3A, %swap3A_47] : memref<8192x1xf32, #tpu.memory_space<vmem>>, vector<512x1xf32>
      tpu.vector_store %arg7[%swap3A, %swap3A_47], %select_n3A_46 {strides = array<i32>} : memref<8192x1xf32, #tpu.memory_space<vmem>>, vector<512x1xf32>,
      %select_n3A_49 = arith.select %lt3A, %add3A_27, %get3A_45 : vector<512x1xi1>, vector<512x1xi32>
      %swap3A_50 = arith.index_cast %mul3A_0 : i32 to index
      %swap3A_51 = arith.constant 0 : index
      %swap3A_52 = vector.load %arg8[%swap3A_50, %swap3A_51] : memref<8192x1xi32, #tpu.memory_space<vmem>>, vector<512x1xi32>
      tpu.vector_store %arg8[%swap3A_50, %swap3A_51], %select_n3A_49 {strides = array<i32>} : memref<8192x1xi32, #tpu.memory_space<vmem>>, vector<512x1xi32>,
    } else {
    }
    %eq3A_35 = arith.constant 15 : i32
    %eq3A_36 = arith.cmpi eq, %arg0, %eq3A_35 : i32
    %convert_element_type3A_37 = arith.extui %eq3A_36 : i1 to i32
    %cond3A_38 = arith.constant 0 : i32
    %cond3A_39 = arith.cmpi ne, %convert_element_type3A_37, %cond3A_38 : i32
    scf.if %cond3A_39 {
      %get3A_40 = arith.index_cast %mul3A_0 : i32 to index
      %get3A_41 = arith.constant 0 : index
      %get3A_42 = vector.load %arg8[%get3A_40, %get3A_41] : memref<8192x1xi32, #tpu.memory_space<vmem>>, vector<512x1xi32>
      %swap3A = arith.index_cast %mul3A_0 : i32 to index
      %swap3A_43 = arith.constant 0 : index
      %swap3A_44 = vector.load %arg6[%swap3A, %swap3A_43] : memref<8192x1xi32, #tpu.memory_space<vmem>>, vector<512x1xi32>
      tpu.vector_store %arg6[%swap3A, %swap3A_43], %get3A_42 {strides = array<i32>} : memref<8192x1xi32, #tpu.memory_space<vmem>>, vector<512x1xi32>,
    } else {
    }
    return
  }
  func.func @transform_0(%arg0: i32, %arg1: i32) -> (i32, i32) {
    %c0_i32 = arith.constant 0 : i32
    %c0_i32_0 = arith.constant 0 : i32
    %c0_i32_1 = arith.constant 0 : i32
    return %c0_i32, %c0_i32_0 : i32, i32
  }
  func.func @transform_1(%arg0: i32, %arg1: i32) -> (i32, i32) {
    %c0_i32 = arith.constant 0 : i32
    %c0_i32_0 = arith.constant 0 : i32
    return %c0_i32, %arg0 : i32, i32
  }
  func.func @transform_2(%arg0: i32, %arg1: i32) -> (i32, i32) {
    %c0_i32 = arith.constant 0 : i32
    %c0_i32_0 = arith.constant 0 : i32
    %c0_i32_1 = arith.constant 0 : i32
    return %c0_i32, %c0_i32_0 : i32, i32
  }
  func.func @transform_3(%arg0: i32, %arg1: i32) -> (i32, i32) {
    %c0_i32 = arith.constant 0 : i32
    %c0_i32_0 = arith.constant 0 : i32
    return %c0_i32, %arg0 : i32, i32
  }
  func.func @transform_4(%arg0: i32, %arg1: i32) -> (i32, i32) {
    %c0_i32 = arith.constant 0 : i32
    %c0_i32_0 = arith.constant 0 : i32
    %c0_i32_1 = arith.constant 0 : i32
    return %c0_i32, %c0_i32_0 : i32, i32
  }
}

module attributes {stable_mosaic.version = 14 : i64} {
  func.func @_epilogue_body(%arg0: memref<8192x256xf32, #tpu.memory_space<vmem>>, %arg1: memref<8192x256xf32, #tpu.memory_space<vmem>>, %arg2: memref<4x32x8192xf32, #tpu.memory_space<vmem>>, %arg3: memref<8192x3xf32, #tpu.memory_space<vmem>>, %arg4: memref<8192x256xf32, #tpu.memory_space<vmem>>, %arg5: memref<4x1xf32, #tpu.memory_space<smem>>, %arg6: memref<1x1xf32, #tpu.memory_space<smem>>) attributes {dimension_semantics = [], scalar_prefetch = 0 : i64, scratch_operands = 0 : i64, tpu.core_type = #tpu.core_type<tc>} {
    %get3A = arith.constant 0 : index
    %get3A_0 = arith.constant 0 : index
    %get3A_1 = vector.load %arg0[%get3A, %get3A_0] : memref<8192x256xf32, #tpu.memory_space<vmem>>, vector<8192x256xf32>
    %get3A_2 = arith.constant 0 : index
    %get3A_3 = arith.constant 0 : index
    %get3A_4 = vector.load %arg1[%get3A_2, %get3A_3] : memref<8192x256xf32, #tpu.memory_space<vmem>>, vector<8192x256xf32>
    %sub3A = arith.subf %get3A_1, %get3A_4 : vector<8192x256xf32>
    %swap3A = arith.constant 0 : index
    %swap3A_5 = arith.constant 0 : index
    %swap3A_6 = vector.load %arg4[%swap3A, %swap3A_5] : memref<8192x256xf32, #tpu.memory_space<vmem>>, vector<8192x256xf32>
    tpu.vector_store %arg4[%swap3A, %swap3A_5], %sub3A {strides = array<i32>} : memref<8192x256xf32, #tpu.memory_space<vmem>>, vector<8192x256xf32>,
    %mul3A = arith.mulf %get3A_4, %get3A_4 : vector<8192x256xf32>
    %reduce_sum3A = vector.shape_cast %mul3A : vector<8192x256xf32> to vector<1x8192x256xf32>
    %reduce_sum3A_7 = arith.constant dense<0.000000e+00> : vector<1xf32>
    %reduce_sum3A_8 = vector.multi_reduction <add>, %reduce_sum3A, %reduce_sum3A_7 [1, 2] : vector<1x8192x256xf32> to vector<1xf32>
    %reduce_sum3A_9 = vector.shape_cast %reduce_sum3A_8 : vector<1xf32> to vector<1x1x1xf32>
    %reduce_sum3A_10 = vector.extract %reduce_sum3A_9[0, 0, 0] : f32 from vector<1x1x1xf32>
    %get3A_11 = arith.constant 0 : index
    %get3A_12 = arith.constant 0 : index
    %get3A_13 = vector.load %arg3[%get3A_11, %get3A_12] : memref<8192x3xf32, #tpu.memory_space<vmem>>, vector<8192x3xf32>
    %reduce_sum3A_14 = vector.shape_cast %get3A_13 : vector<8192x3xf32> to vector<1x8192x3xf32>
    %reduce_sum3A_15 = arith.constant dense<0.000000e+00> : vector<1xf32>
    %reduce_sum3A_16 = vector.multi_reduction <add>, %reduce_sum3A_14, %reduce_sum3A_15 [1, 2] : vector<1x8192x3xf32> to vector<1xf32>
    %reduce_sum3A_17 = vector.shape_cast %reduce_sum3A_16 : vector<1xf32> to vector<1x1x1xf32>
    %reduce_sum3A_18 = vector.extract %reduce_sum3A_17[0, 0, 0] : f32 from vector<1x1x1xf32>
    %add3A = arith.addf %reduce_sum3A_18, %reduce_sum3A_10 : f32
    %mul3A_19 = arith.constant 2.500000e-01 : f32
    %mul3A_20 = arith.mulf %mul3A_19, %add3A : f32
    %div3A = arith.constant 0x4A000000 : f32
    %div3A_21 = arith.divf %mul3A_20, %div3A : f32
    %swap3A_22 = arith.constant 0 : index
    %swap3A_23 = arith.constant 0 : index
    %swap3A_24 = memref.load %arg6[%swap3A_22, %swap3A_23] : memref<1x1xf32, #tpu.memory_space<smem>>
    memref.store %div3A_21, %arg6[%swap3A_22, %swap3A_23] : memref<1x1xf32, #tpu.memory_space<smem>>
    %get3A_25 = arith.constant 0 : index
    %get3A_26 = arith.constant 0 : index
    %get3A_27 = arith.constant 0 : index
    %get3A_28 = vector.load %arg2[%get3A_25, %get3A_26, %get3A_27] : memref<4x32x8192xf32, #tpu.memory_space<vmem>>, vector<1x32x8192xf32>
    %get3A_29 = vector.shape_cast %get3A_28 : vector<1x32x8192xf32> to vector<32x8192xf32>
    %reduce_max3A = arith.constant dense<0xFF800000> : vector<8192xf32>
    %reduce_max3A_30 = vector.multi_reduction <maximumf>, %get3A_29, %reduce_max3A [0] : vector<32x8192xf32> to vector<8192xf32>
    %gt3A = arith.constant 0.000000e+00 : f32
    %gt3A_31 = vector.broadcast %gt3A : f32 to vector<8192xf32>
    %gt3A_32 = arith.cmpf ogt, %reduce_max3A_30, %gt3A_31 : vector<8192xf32>
    %convert_element_type3A = arith.extui %gt3A_32 : vector<8192xi1> to vector<8192xi32>
    %convert_element_type3A_33 = arith.sitofp %convert_element_type3A : vector<8192xi32> to vector<8192xf32>
    %reduce_sum3A_34 = vector.shape_cast %convert_element_type3A_33 : vector<8192xf32> to vector<1x8192xf32>
    %reduce_sum3A_35 = arith.constant dense<0.000000e+00> : vector<1xf32>
    %reduce_sum3A_36 = vector.multi_reduction <add>, %reduce_sum3A_34, %reduce_sum3A_35 [1] : vector<1x8192xf32> to vector<1xf32>
    %reduce_sum3A_37 = vector.shape_cast %reduce_sum3A_36 : vector<1xf32> to vector<1x1xf32>
    %reduce_sum3A_38 = vector.extract %reduce_sum3A_37[0, 0] : f32 from vector<1x1xf32>
    %div3A_39 = arith.constant 8.192000e+03 : f32
    %div3A_40 = arith.divf %reduce_sum3A_38, %div3A_39 : f32
    %swap3A_41 = arith.constant 0 : index
    %swap3A_42 = arith.constant 0 : index
    %swap3A_43 = memref.load %arg5[%swap3A_41, %swap3A_42] : memref<4x1xf32, #tpu.memory_space<smem>>
    memref.store %div3A_40, %arg5[%swap3A_41, %swap3A_42] : memref<4x1xf32, #tpu.memory_space<smem>>
    %get3A_44 = arith.constant 1 : index
    %get3A_45 = arith.constant 0 : index
    %get3A_46 = arith.constant 0 : index
    %get3A_47 = vector.load %arg2[%get3A_44, %get3A_45, %get3A_46] : memref<4x32x8192xf32, #tpu.memory_space<vmem>>, vector<1x32x8192xf32>
    %get3A_48 = vector.shape_cast %get3A_47 : vector<1x32x8192xf32> to vector<32x8192xf32>
    %reduce_max3A_49 = arith.constant dense<0xFF800000> : vector<8192xf32>
    %reduce_max3A_50 = vector.multi_reduction <maximumf>, %get3A_48, %reduce_max3A_49 [0] : vector<32x8192xf32> to vector<8192xf32>
    %gt3A_51 = arith.constant 0.000000e+00 : f32
    %gt3A_52 = vector.broadcast %gt3A_51 : f32 to vector<8192xf32>
    %gt3A_53 = arith.cmpf ogt, %reduce_max3A_50, %gt3A_52 : vector<8192xf32>
    %convert_element_type3A_54 = arith.extui %gt3A_53 : vector<8192xi1> to vector<8192xi32>
    %convert_element_type3A_55 = arith.sitofp %convert_element_type3A_54 : vector<8192xi32> to vector<8192xf32>
    %reduce_sum3A_56 = vector.shape_cast %convert_element_type3A_55 : vector<8192xf32> to vector<1x8192xf32>
    %reduce_sum3A_57 = arith.constant dense<0.000000e+00> : vector<1xf32>
    %reduce_sum3A_58 = vector.multi_reduction <add>, %reduce_sum3A_56, %reduce_sum3A_57 [1] : vector<1x8192xf32> to vector<1xf32>
    %reduce_sum3A_59 = vector.shape_cast %reduce_sum3A_58 : vector<1xf32> to vector<1x1xf32>
    %reduce_sum3A_60 = vector.extract %reduce_sum3A_59[0, 0] : f32 from vector<1x1xf32>
    %div3A_61 = arith.constant 8.192000e+03 : f32
    %div3A_62 = arith.divf %reduce_sum3A_60, %div3A_61 : f32
    %swap3A_63 = arith.constant 1 : index
    %swap3A_64 = arith.constant 0 : index
    %swap3A_65 = memref.load %arg5[%swap3A_63, %swap3A_64] : memref<4x1xf32, #tpu.memory_space<smem>>
    memref.store %div3A_62, %arg5[%swap3A_63, %swap3A_64] : memref<4x1xf32, #tpu.memory_space<smem>>
    %get3A_66 = arith.constant 2 : index
    %get3A_67 = arith.constant 0 : index
    %get3A_68 = arith.constant 0 : index
    %get3A_69 = vector.load %arg2[%get3A_66, %get3A_67, %get3A_68] : memref<4x32x8192xf32, #tpu.memory_space<vmem>>, vector<1x32x8192xf32>
    %get3A_70 = vector.shape_cast %get3A_69 : vector<1x32x8192xf32> to vector<32x8192xf32>
    %reduce_max3A_71 = arith.constant dense<0xFF800000> : vector<8192xf32>
    %reduce_max3A_72 = vector.multi_reduction <maximumf>, %get3A_70, %reduce_max3A_71 [0] : vector<32x8192xf32> to vector<8192xf32>
    %gt3A_73 = arith.constant 0.000000e+00 : f32
    %gt3A_74 = vector.broadcast %gt3A_73 : f32 to vector<8192xf32>
    %gt3A_75 = arith.cmpf ogt, %reduce_max3A_72, %gt3A_74 : vector<8192xf32>
    %convert_element_type3A_76 = arith.extui %gt3A_75 : vector<8192xi1> to vector<8192xi32>
    %convert_element_type3A_77 = arith.sitofp %convert_element_type3A_76 : vector<8192xi32> to vector<8192xf32>
    %reduce_sum3A_78 = vector.shape_cast %convert_element_type3A_77 : vector<8192xf32> to vector<1x8192xf32>
    %reduce_sum3A_79 = arith.constant dense<0.000000e+00> : vector<1xf32>
    %reduce_sum3A_80 = vector.multi_reduction <add>, %reduce_sum3A_78, %reduce_sum3A_79 [1] : vector<1x8192xf32> to vector<1xf32>
    %reduce_sum3A_81 = vector.shape_cast %reduce_sum3A_80 : vector<1xf32> to vector<1x1xf32>
    %reduce_sum3A_82 = vector.extract %reduce_sum3A_81[0, 0] : f32 from vector<1x1xf32>
    %div3A_83 = arith.constant 8.192000e+03 : f32
    %div3A_84 = arith.divf %reduce_sum3A_82, %div3A_83 : f32
    %swap3A_85 = arith.constant 2 : index
    %swap3A_86 = arith.constant 0 : index
    %swap3A_87 = memref.load %arg5[%swap3A_85, %swap3A_86] : memref<4x1xf32, #tpu.memory_space<smem>>
    memref.store %div3A_84, %arg5[%swap3A_85, %swap3A_86] : memref<4x1xf32, #tpu.memory_space<smem>>
    %get3A_88 = arith.constant 3 : index
    %get3A_89 = arith.constant 0 : index
    %get3A_90 = arith.constant 0 : index
    %get3A_91 = vector.load %arg2[%get3A_88, %get3A_89, %get3A_90] : memref<4x32x8192xf32, #tpu.memory_space<vmem>>, vector<1x32x8192xf32>
    %get3A_92 = vector.shape_cast %get3A_91 : vector<1x32x8192xf32> to vector<32x8192xf32>
    %reduce_max3A_93 = arith.constant dense<0xFF800000> : vector<8192xf32>
    %reduce_max3A_94 = vector.multi_reduction <maximumf>, %get3A_92, %reduce_max3A_93 [0] : vector<32x8192xf32> to vector<8192xf32>
    %gt3A_95 = arith.constant 0.000000e+00 : f32
    %gt3A_96 = vector.broadcast %gt3A_95 : f32 to vector<8192xf32>
    %gt3A_97 = arith.cmpf ogt, %reduce_max3A_94, %gt3A_96 : vector<8192xf32>
    %convert_element_type3A_98 = arith.extui %gt3A_97 : vector<8192xi1> to vector<8192xi32>
    %convert_element_type3A_99 = arith.sitofp %convert_element_type3A_98 : vector<8192xi32> to vector<8192xf32>
    %reduce_sum3A_100 = vector.shape_cast %convert_element_type3A_99 : vector<8192xf32> to vector<1x8192xf32>
    %reduce_sum3A_101 = arith.constant dense<0.000000e+00> : vector<1xf32>
    %reduce_sum3A_102 = vector.multi_reduction <add>, %reduce_sum3A_100, %reduce_sum3A_101 [1] : vector<1x8192xf32> to vector<1xf32>
    %reduce_sum3A_103 = vector.shape_cast %reduce_sum3A_102 : vector<1xf32> to vector<1x1xf32>
    %reduce_sum3A_104 = vector.extract %reduce_sum3A_103[0, 0] : f32 from vector<1x1xf32>
    %div3A_105 = arith.constant 8.192000e+03 : f32
    %div3A_106 = arith.divf %reduce_sum3A_104, %div3A_105 : f32
    %swap3A_107 = arith.constant 3 : index
    %swap3A_108 = arith.constant 0 : index
    %swap3A_109 = memref.load %arg5[%swap3A_107, %swap3A_108] : memref<4x1xf32, #tpu.memory_space<smem>>
    memref.store %div3A_106, %arg5[%swap3A_107, %swap3A_108] : memref<4x1xf32, #tpu.memory_space<smem>>
    return
  }
}

</mosaic_0001>

<sc_bundles>
// kernel: kernel.11.cloned.1.call-start
scs
__scs_entry_jumppad:
0x0: {  	(pc) =	sbr.rel $0x88, $3  }
0x1: {  	(tag) =	ssettag $0x0;
	lr =	simm.s32 $0x1  }
0x2: {  	[smem:$0x3F9F] =	sst lr;
	_ =	strace $0xD0000000  }
0x3: {  	_ = 	snop  }
0x4: {  	_ = 	snop  }
0x5: {  	_ = 	snop  }
0x6: {  	_ = 	snop  }
0x7: {  	_ = 	snop  }
__scs_overlays_trampoline_lowered:
0x8: {  	[smem:$0x3FAE] =	sst s0  }
0x9: {  	[smem:$0x3FAF] =	sst s1  }
0xa: {  	[smem:$0x3FB0] =	sst s2  }
0xb: {  	[smem:$0x3FB1] =	sst s3  }
0xc: {  	[smem:$0x3FB2] =	sst s4  }
0xd: {  	[smem:$0x3FB3] =	sst s5  }
0xe: {  	[smem:$0x3FB4] =	sst s6  }
0xf: {  	[smem:$0x3FB5] =	sst s7  }
0x10: {  	[smem:$0x3FB6] =	sst s8  }
0x11: {  	[smem:$0x3FB7] =	sst s9;
	s0 =	simm.s32 @!p0 $0x0  }
0x12: {  	s1 =	sld [smem:$0x3F9D];
	s0 =	simm.s32 @p0 $0x1  }
0x13: {  	[smem:$0x3FB8] =	sst s0;
	s0 =	simm.s32 @!p1 $0x0  }
0x14: {  	s2 =	sld [smem:$0x3F9C];
	s0 =	simm.s32 @p1 $0x1  }
0x15: {  	[smem:$0x3FB9] =	sst s0;
	s0 =	simm.s32 @!p2 $0x0  }
0x16: {  	s3 =	sld [smem:$0x3FDB];
	s0 =	simm.s32 @p2 $0x1  }
0x17: {  	s4 =	simm.s32 $0x1BF5;
	[smem:$0x3FBB] =	sst s0  }
0x18: {  	s0 =	sld [smem:$0x3F9E];
	_ =	swait.ge [sflag:s4], $0x0  }
0x19: {  	s7 =	sld [smem:$0x3F9F]  }
0x1a: {  	s8 =	sadd.s32 $0xFFFFE003, lr  }
0x1b: {  	s9 =	sadd.s32 $0xFFFFFEF7, lr;
	s5 =	simm.s32 $0xFFFFFFFF;
	p2 =	slt.u32 s8, $0xFFFFF086  }
0x1c: {  	p1 =	slt.u32 s9, $0xF7A;
	s5 =	simm.s32 @!p2 $0x0  }
0x1d: {  	s5 =	simm.s32 @p1 $0x1;
	p0 =	seq.s32 s7, s2  }
0x1e: {  	s7 =	smul.u32 @!p0 $0xF7A, s2;
	p2 =	seq.s32 @!p0 s5, $0x0  }
0x1f: {  	s9 =	smul.u32 $0xF7A, s1;
	s8 =	simm.s32 @!p0 $0x1BF5;
	p2 =	por !p2, p0  }
0x20: {  	[sflag:s8] =	ssyncset.s32 @!p0 $0xFFFFF086;
	s6 =	sadd.s32 @!p0 s3, s7;
	s7 =	simm.s32 @!p0 $0x108  }
0x21: {  	s3 =	sadd.s32 s3, s9;
	s6 =	sadd.s32 @!p0 $0x88, s6;
	s7 =	simm.s32 @p2 $0x1082  }
0x22: {  	[simem:s7], [sflag:s8] =	dma.local @!p0 [hbm:s6], $0xF7A  }
0x23: {  	s9 =	sor.u32 $0xD0000000, s2;
	s6 =	simm.s32 $0x108;
	_ =	swait.ge @!p0 [sflag:s8], $0x0  }
0x24: {  	s3 =	sadd.s32 $0x88, s3;
	s6 =	simm.s32 @!p1 $0x1082;
	[sflag:s4] =	ssyncset.s32 $0xFFFFF086  }
0x25: {  	[simem:s6], [sflag:s4] =	dma.local [hbm:s3], $0xF7A  }
0x26: {  	[smem:$0x3F9F] =	sst s1;
	(tag) =	ssettag s2;
	_ =	strace s9  }
0x27: {  	s1 =	sld [smem:$0x3FAF]  }
0x28: {  	s2 =	sld [smem:$0x3FB0]  }
0x29: {  	s4 =	sld [smem:$0x3FB2]  }
0x2a: {  	p0 =	seq.s32 s5, $0x0;
	s5 =	sld [smem:$0x3FB3]  }
0x2b: {  	s6 =	sld [smem:$0x3FB4]  }
0x2c: {  	s7 =	sld [smem:$0x3FB5]  }
0x2d: {  	s3 =	simm.s32 $0x108;
	s8 =	sld [smem:$0x3FB6]  }
0x2e: {  	s3 =	simm.s32 @!p0 $0x1082;
	s9 =	sld [smem:$0x3FB7]  }
0x2f: {  	lr =	sadd.s32 s0, s3;
	s0 =	sld [smem:$0x3FAE]  }
0x30: {  	s3 =	sld [smem:$0x3FB1]  }
0x31: {  	[smem:$0x3FBA] =	sst s10  }
0x32: {  	s10 =	sld [smem:$0x3FB8];
	_ =	sdelay $0x3  }
0x33: {  	p0 =	seq.s32 s10, $0x1;
	s10 =	sld [smem:$0x3FBA];
	_ =	sdelay $0x3  }
0x34: {  	[smem:$0x3FBA] =	sst s10  }
0x35: {  	s10 =	sld [smem:$0x3FB9];
	_ =	sdelay $0x3  }
0x36: {  	p1 =	seq.s32 s10, $0x1;
	s10 =	sld [smem:$0x3FBA];
	_ =	sdelay $0x3  }
0x37: {  	[smem:$0x3FBA] =	sst s10  }
0x38: {  	s10 =	sld [smem:$0x3FBB]  }
0x39: {  	_ = 	snop;
	(pc) =	sbr.ind lr, $3  }
0x3a: {  	_ = 	snop  }
0x3b: {  	_ = 	snop  }
0x3c: {  	p2 =	seq.s32 s10, $0x1;
	s10 =	sld [smem:$0x3FBA]  }
0x3d: {  	_ =	shalt  }
0x3e: {  	_ =	shalt  }
0x3f: {  	_ =	shalt  }
0x40: {  	_ =	shalt  }
0x41: {  	_ =	shalt  }
0x42: {  	_ =	shalt  }
0x43: {  	_ =	shalt  }
0x44: {  	_ =	shalt  }
0x45: {  	_ =	shalt  }
0x46: {  	_ =	shalt  }
0x47: {  	_ =	shalt  }
0x48: {  	_ =	shalt  }
0x49: {  	_ =	shalt  }
0x4a: {  	_ =	shalt  }
0x4b: {  	_ =	shalt  }
0x4c: {  	_ =	shalt  }
0x4d: {  	_ =	shalt  }
0x4e: {  	_ =	shalt  }
0x4f: {  	_ =	shalt  }
0x50: {  	_ =	shalt  }
0x51: {  	_ =	shalt  }
0x52: {  	_ =	shalt  }
0x53: {  	_ =	shalt  }
0x54: {  	_ =	shalt  }
0x55: {  	_ =	shalt  }
0x56: {  	_ =	shalt  }
0x57: {  	_ =	shalt  }
0x58: {  	_ =	shalt  }
0x59: {  	_ =	shalt  }
0x5a: {  	_ =	shalt  }
0x5b: {  	_ =	shalt  }
0x5c: {  	_ =	shalt  }
0x5d: {  	_ =	shalt  }
0x5e: {  	_ =	shalt  }
0x5f: {  	_ =	shalt  }
0x60: {  	_ =	shalt  }
0x61: {  	_ =	shalt  }
0x62: {  	_ =	shalt  }
0x63: {  	_ =	shalt  }
0x64: {  	_ =	shalt  }
0x65: {  	_ =	shalt  }
0x66: {  	_ =	shalt  }
0x67: {  	_ =	shalt  }
0x68: {  	_ =	shalt  }
0x69: {  	_ =	shalt  }
0x6a: {  	_ =	shalt  }
0x6b: {  	_ =	shalt  }
0x6c: {  	_ =	shalt  }
0x6d: {  	_ =	shalt  }
0x6e: {  	_ =	shalt  }
0x6f: {  	_ =	shalt  }
0x70: {  	_ =	shalt  }
0x71: {  	_ =	shalt  }
0x72: {  	_ =	shalt  }
0x73: {  	_ =	shalt  }
0x74: {  	_ =	shalt  }
0x75: {  	_ =	shalt  }
0x76: {  	_ =	shalt  }
0x77: {  	_ =	shalt  }
0x78: {  	_ =	shalt  }
0x79: {  	_ =	shalt  }
0x7a: {  	_ =	shalt  }
0x7b: {  	_ =	shalt  }
0x7c: {  	_ =	shalt  }
0x7d: {  	_ =	shalt  }
0x7e: {  	_ =	shalt  }
0x7f: {  	_ =	shalt  }
0x80: {  	_ =	shalt  }
0x81: {  	_ =	shalt  }
0x82: {  	_ =	shalt  }
0x83: {  	_ =	shalt  }
0x84: {  	_ =	shalt  }
0x85: {  	_ =	shalt  }
0x86: {  	_ =	shalt  }
0x87: {  	_ =	shalt  }
.Lfunc_end0:
.L_simem_size_0:
called_computation_lowered:
.L_overlay_start_0:
0x88: {  	s2 =	sld [smem:$0x3FD9]  }
0x89: {  	s3 =	sld [smem:$0x3FFE];
	_ =	sdelay $0x1  }
0x8a: {  	s1 =	srdreg.scid  }
0x8b: {  	s0 =	sand.u32 $0x1, s1  }
0x8c: {  	s14 =	sshll.u32 s0, $0xA;
	s2 =	sadd.s32 s3, s2  }
0x8d: {  	s2 =	sadd.s32 s2, s14  }
0x8e: {  	[smem:$0x3FC6] =	sst s2  }
0x8f: {  	_ = 	snop  }
0x90: {  	s2 =	sld [smem:$0x3FD0];
	_ =	sdelay $0x2  }
0x91: {  	s4 =	simm.s32 $0xA;
	s5 =	simm.s32 $0x10;
	s15 =	sld [smem:$0x3FC9]  }
0x92: {  	[smem:s5], [sflag:s4] =	dma.local [hbm:s2], $0x1  }
0x93: {  	_ =	swait.eq [sflag:s4], $0x1  }
0x94: {  	[sflag:s4] =	ssyncset.done $0x0  }
0x95: {  	[sflag:s4] =	ssyncadd.s32 $0xFFFFFFFF  }
0x96: {  	s16 =	sld [smem:$0x11];
	(tm) =	ssettm $0x1  }
0x97: {  	s17 =	sld [smem:$0x3FFB];
	_ =	sdelay $0x3  }
0x98: {  	_ =	strace s17  }
0x99: {  	s4 =	sld [smem:$0x3FFC];
	_ =	sdelay $0x3  }
0x9a: {  	_ =	strace s4  }
0x9b: {  	s4 =	sld [smem:$0x3FFD];
	_ =	sdelay $0x3  }
0x9c: {  	_ =	strace s4  }
0x9d: {  	_ =	strace $0x8FFFFFFF  }
0x9e: {  	s18 =	sld [smem:$0x3FDB];
	_ =	sdelay $0x1  }
0x9f: {  	s19 =	simm.s32 $_scs_section_size  }
0xa0: {  	s6 =	simm.s32 $_size__tile_overlayer_lowered;
	s7 =	simm.s32 $_tile_overlayer_lowered  }
0xa1: {  	s22 =	simm.s32 $0x1BFF;
	s21 =	sshll.u32 s7, $0x1;
	s4 =	sadd.s32 s19, s18  }
0xa2: {  	s8 =	simm.s32 $0x0;
	s20 =	sshll.u32 s6, $0x1;
	s6 =	sadd.s32 s21, s4  }
0xa3: {  	[timem:s8], [sflag:s22] =	dma.local [hbm:s6], s20  }
0xa4: {  	_ =	swait.ge [sflag:s22], s20  }
0xa5: {  	s5 =	ssub.s32 $0x0, s20;
	[sflag:s22] =	ssyncset.done $0x0  }
0xa6: {  	[sflag:s22] =	ssyncadd.s32 s5;
	_ =	sdelay $0x1  }
0xa7: {  	s23 =	simm.s32 $0x1B8B  }
0xa8: {  	_ =	swait.ge [sflag:s23], $0x1  }
0xa9: {  	[sflag:s23] =	ssyncset.done $0x0  }
0xaa: {  	s25 =	simm.s32 $0x1B8E;
	s24 =	sld [smem:$0x3FFE];
	[sflag:s23] =	ssyncadd.s32 $0xFFFFFFFF  }
0xab: {  	s26 =	simm.s32 $execute0_lowered;
	[smem:$0x3FD2] =	sst s25  }
0xac: {  	s6 =	sshll.u32 s26, $0x1;
	_ =	strace $0x80000046;
	[dreg:$0x1] =	wrdreg $0xFFFFFFFF  }
0xad: {  	s28 =	simm.s32 $_size_execute0_lowered;
	s4 =	sadd.s32 s4, s6;
	[dreg:$0x0] =	wrdreg $0x0  }
0xae: {  	s6 =	sshll.u32 s28, $0x1;
	[dreg:$0x2] =	wrdreg s4  }
0xaf: {  	[dreg:$0x3] =	wrdreg s6  }
0xb0: {  	[dreg:$0x4] =	wrdreg $0xC0  }
0xb1: {  	_ =	task [dreg:s8], $0x5FFFF  }
0xb2: {  	[dreg:$0x1] =	wrdreg $0xFFFFFFFF  }
0xb3: {  	[dreg:$0x0] =	wrdreg $0x60  }
0xb4: {  	[dreg:$0x2] =	wrdreg s16  }
0xb5: {  	[dreg:$0x3] =	wrdreg s24  }
0xb6: {  	[dreg:$0x4] =	wrdreg s15  }
0xb7: {  	[dreg:$0x5] =	wrdreg $0x9  }
0xb8: {  	_ =	task.clear_ibuf [dreg:s8], $0x6FFFF;
	_ =	strace $0x90000046  }
0xb9: {  	s29 =	simm.s32 $0x9;
	_ =	strace $0x80000048  }
0xba: {  	_ =	swait.ge [sflag:s29], $0x1  }
0xbb: {  	[sflag:s29] =	ssyncadd.s32 $0xFFFFFFFF  }
0xbc: {  	_ =	strace $0x90000048  }
0xbd: {  	_ =	sfence  }
0xbe: {  	s30 =	sld [smem:$0x0];
	_ =	sdelay $0x2  }
0xbf: {  	s31 =	sshll.u32 s1, $0xD;
	s1 =	sshrl.u32 s1, $0x2  }
0xc0: {  	s3 =	sand.u32 $0x4000, s31;
	s1 =	sadd.s32 s1, s30  }
0xc1: {  	s0 =	sor.u32 s3, s0;
	s1 =	sshll.u32 s1, $0x11  }
0xc2: {  	s0 =	sor.u32 s1, s0  }
0xc3: {  	s0 =	sadd.s32 $0x8F2B, s0  }
0xc4: {  	[sflag:s0] =	ssyncadd.remote.s32 $0x1  }
0xc5: {  	_ =	sfence.sel $0xFFFF  }
0xc6: {  	[dreg:$0x0] =	wrdreg $0xFFFFFFFF;
	(pc) =	sbr.abs _section_cstart, $3  }
0xc7: {  	[dreg:$0x1] =	wrdreg $0xFFFFFFFF  }
0xc8: {  	_ =	task.clear_ibuf [dreg:s8], $0x2FFFF;
	_ =	strace $0x9FFFFFFF  }
0xc9: {  	(tm) =	ssettm $0x7FFFFFFF  }
tec
execute0_lowered:
.L_overlay_start_1:
0x0: {  	(tag) =	ssettag $0x1  }
0x1: {  	s0 =	rddreg [dreg:$0x0]  }
0x2: {  	s1 =	srdreg.scid;
	s11 =	rddreg [dreg:$0x1]  }
0x3: {  	s2 =	rddreg [dreg:$0x2];
	s7 =	stileid.u32;
	s12 =	simm.s32 $0x10100  }
0x4: {  	s13 =	simm.s32 $0x2;
	s17 =	simm.s32 $0x1900;
	s18 =	simm.s32 $0x2100  }
0x5: {  	s19 =	simm.s32 $0x2900;
	s20 =	simm.s32 $0x3100;
	s21 =	simm.s32 $0x3900  }
0x6: {  	s22 =	simm.s32 $0x4100;
	s23 =	simm.s32 $0x4900;
	s24 =	simm.s32 $0x5100  }
0x7: {  	s25 =	simm.s32 $0x5900;
	s28 =	simm.s32 $0x6900;
	s29 =	simm.s32 $0x7100  }
0x8: {  	s30 =	simm.s32 $0x7900;
	s31 =	simm.s32 $0x8100;
	s1 =	sand.u32 $0x1, s1  }
0x9: {  	s4 =	sshll.u32 s7, $0x7;
	s9 =	sadd.s32 $0x400, s11;
	s3 =	sshll.u32 s1, $0x4  }
0xa: {  	s1 =	ssub.s32 $0x2, s1;
	s5 =	sor.u32 s7, s3;
	s3 =	simm.s32 $0x0  }
0xb: {  	s7 =	sshll.u32 s7, $0x5;
	s10 =	sshrl.u32 s1, $0x1;
	s8 =	sshll.u32 s5, $0xD  }
0xc: {  	[smem:$0x7FF] =	sst s3;
	s5 =	sshll.u32 s5, $0x5;
	s7 =	sand.u32 $0x60, s7  }
0xd: {  	s1 =	ssub.s32 s1, s10;
	s6 =	sor.u32 s4, s8;
	_ =	strace $0x80000047  }
0xe: {  	s4 =	sadd.s32 $0x80000, s11;
	s5 =	sand.u32 $0x380, s5;
	s0 =	sadd.s32 s0, s7  }
0xf: {  	s7 =	sadd.s32 s9, s8;
	s26 =	sor.u32 $0x1000, s8;
	s6 =	sand.u32 $0x30380, s6  }
0x10: {  	s0 =	sadd.s32 s5, s0;
	s9 =	sadd.s32 s9, s26;
	s6 =	sshrl.u32 s6, $0x3  }
0x11: {  	v2 =	vlaneseq.u32;
	[dreg:$0x4] =	wrdreg s0;
	s0 =	simm.s32 $0x1;
	s11 =	sadd.s32 s6, s11  }
0x12: {  	vm0 =	vmmov $0xffff;
	v3 =	vimm.f32 $1.000000000e+00;
	v1 =	vshrl.u32 v2, $0x3;
	s6 =	sadd.s32 s2, s8;
	s8 =	sadd.s32 s2, s26;
	s26 =	simm.s32 $0x6100  }
0x13: {  	v0 =	vand.u32 $0x7, v2;
	v2 =	vor.u32 $0x8, v2;
	v1 =	vmul.u32 $0x8, v1;
	s10 =	sadd.s32 $0x40400, s11;
	s11 =	smax.u32 s1, $0x1;
	s1 =	simm.s32 $0x0  }
.LBB2_1:
0x14: {  	s2 =	rddreg [dreg:$0x1]  }
0x15: {  	[tilespmem:s12], [sflag:$0x2] =	stream.linear.gather [hbm4b:s2+s3], $0x2000, $0x38;
	[tilespmem:$0x12100] =	vst v63  }
0x16: {  	_ =	swait.ge [sflag:s13], $0x2000  }
0x17: {  	[sflag:s13] =	ssyncset.done $0x0  }
0x18: {  	s16 =	rddreg [dreg:$0x4];
	[sflag:s13] =	ssyncadd.s32 $0xFFFFE000  }
0x19: {  	[tilespmem:s3], [sflag:$0x2] =	stream.linear.gather [hbm4b:s16+s3], $0x100, $0x38;
	[tilespmem:$0x12100] =	vst v63  }
0x1a: {  	_ =	swait.ge [sflag:s13], $0x100  }
0x1b: {  	[sflag:s13] =	ssyncset.done $0x0  }
0x1c: {  	[sflag:s13] =	ssyncadd.s32 $0xFFFFFF00  }
0x1d: {  	v4 =	vld [tilespmem:$0x0];
	_ =	sdelay $0x4  }
0x1e: {  	v5 =	vshll.u32 v4, $0x1  }
0x1f: {  	v4 =	vand.u32 $0x7, v4;
	v5 =	vand.u32 $0xFFFFFFF0, v5  }
0x20: {  	v4 =	vor.u32 v4, v5  }
0x21: {  	v5 =	vperm.xlane v4, v0;
	_ =	sdelay $0x1  }
0x22: {  	v4 =	vperm.xlane v4, v2;
	v5 =	vadd.s32 v1, v5;
	_ =	sdelay $0x1  }
0x23: {  	v4 =	vadd.s32 v1, v4;
	_ =	sdelay $0x1  }
0x24: {  	s5 =	simm.s32 $0x100  }
0x25: {  	[tilespmem:s5], [sflag:$0x1] =	stream.indirect_vreg.gather [hbm4b:s4+s3], $0x80, v5, vm0, $0xb8;
	[tilespmem:$0x12100] =	vst v63  }
0x26: {  	s14 =	simm.s32 $0x900  }
0x27: {  	[tilespmem:s14], [sflag:$0x1] =	stream.indirect_vreg.gather [hbm4b:s4+s3], $0x80, v4, vm0, $0xb8;
	[tilespmem:$0x12100] =	vst v63  }
0x28: {  	v4 =	vld [tilespmem:$0x10];
	_ =	sdelay $0x4  }
0x29: {  	v5 =	vshll.u32 v4, $0x1  }
0x2a: {  	v4 =	vand.u32 $0x7, v4;
	v5 =	vand.u32 $0xFFFFFFF0, v5  }
0x2b: {  	v4 =	vor.u32 v4, v5  }
0x2c: {  	v5 =	vperm.xlane v4, v0;
	_ =	sdelay $0x1  }
0x2d: {  	v4 =	vperm.xlane v4, v2;
	v5 =	vadd.s32 v1, v5;
	_ =	sdelay $0x1  }
0x2e: {  	v4 =	vadd.s32 v1, v4;
	_ =	sdelay $0x1  }
0x2f: {  	s15 =	simm.s32 $0x1100  }
0x30: {  	[tilespmem:s15], [sflag:$0x1] =	stream.indirect_vreg.gather [hbm4b:s4+s3], $0x80, v5, vm0, $0xb8;
	[tilespmem:$0x12100] =	vst v63  }
0x31: {  	_ = 	snop  }
0x32: {  	[tilespmem:s17], [sflag:$0x1] =	stream.indirect_vreg.gather [hbm4b:s4+s3], $0x80, v4, vm0, $0xb8;
	[tilespmem:$0x12100] =	vst v63  }
0x33: {  	v4 =	vld [tilespmem:$0x20];
	_ =	sdelay $0x4  }
0x34: {  	v5 =	vshll.u32 v4, $0x1  }
0x35: {  	v4 =	vand.u32 $0x7, v4;
	v5 =	vand.u32 $0xFFFFFFF0, v5  }
0x36: {  	v4 =	vor.u32 v4, v5  }
0x37: {  	v5 =	vperm.xlane v4, v0;
	_ =	sdelay $0x1  }
0x38: {  	v4 =	vperm.xlane v4, v2;
	v5 =	vadd.s32 v1, v5;
	_ =	sdelay $0x1  }
0x39: {  	v4 =	vadd.s32 v1, v4;
	_ =	sdelay $0x2  }
0x3a: {  	[tilespmem:s18], [sflag:$0x1] =	stream.indirect_vreg.gather [hbm4b:s4+s3], $0x80, v5, vm0, $0xb8;
	[tilespmem:$0x12100] =	vst v63  }
0x3b: {  	_ = 	snop  }
0x3c: {  	[tilespmem:s19], [sflag:$0x1] =	stream.indirect_vreg.gather [hbm4b:s4+s3], $0x80, v4, vm0, $0xb8;
	[tilespmem:$0x12100] =	vst v63  }
0x3d: {  	v4 =	vld [tilespmem:$0x30];
	_ =	sdelay $0x4  }
0x3e: {  	v5 =	vshll.u32 v4, $0x1  }
0x3f: {  	v4 =	vand.u32 $0x7, v4;
	v5 =	vand.u32 $0xFFFFFFF0, v5  }
0x40: {  	v4 =	vor.u32 v4, v5  }
0x41: {  	v5 =	vperm.xlane v4, v0;
	_ =	sdelay $0x1  }
0x42: {  	v4 =	vperm.xlane v4, v2;
	v5 =	vadd.s32 v1, v5;
	_ =	sdelay $0x1  }
0x43: {  	v4 =	vadd.s32 v1, v4;
	_ =	sdelay $0x2  }
0x44: {  	[tilespmem:s20], [sflag:$0x1] =	stream.indirect_vreg.gather [hbm4b:s4+s3], $0x80, v5, vm0, $0xb8;
	[tilespmem:$0x12100] =	vst v63  }
0x45: {  	_ = 	snop  }
0x46: {  	[tilespmem:s21], [sflag:$0x1] =	stream.indirect_vreg.gather [hbm4b:s4+s3], $0x80, v4, vm0, $0xb8;
	[tilespmem:$0x12100] =	vst v63  }
0x47: {  	v4 =	vld [tilespmem:$0x40];
	_ =	sdelay $0x4  }
0x48: {  	v5 =	vshll.u32 v4, $0x1  }
0x49: {  	v4 =	vand.u32 $0x7, v4;
	v5 =	vand.u32 $0xFFFFFFF0, v5  }
0x4a: {  	v4 =	vor.u32 v4, v5  }
0x4b: {  	v5 =	vperm.xlane v4, v0;
	_ =	sdelay $0x1  }
0x4c: {  	v4 =	vperm.xlane v4, v2;
	v5 =	vadd.s32 v1, v5;
	_ =	sdelay $0x1  }
0x4d: {  	v4 =	vadd.s32 v1, v4;
	_ =	sdelay $0x2  }
0x4e: {  	[tilespmem:s22], [sflag:$0x1] =	stream.indirect_vreg.gather [hbm4b:s4+s3], $0x80, v5, vm0, $0xb8;
	[tilespmem:$0x12100] =	vst v63  }
0x4f: {  	_ = 	snop  }
0x50: {  	[tilespmem:s23], [sflag:$0x1] =	stream.indirect_vreg.gather [hbm4b:s4+s3], $0x80, v4, vm0, $0xb8;
	[tilespmem:$0x12100] =	vst v63  }
0x51: {  	v4 =	vld [tilespmem:$0x50];
	_ =	sdelay $0x4  }
0x52: {  	v5 =	vshll.u32 v4, $0x1  }
0x53: {  	v4 =	vand.u32 $0x7, v4;
	v5 =	vand.u32 $0xFFFFFFF0, v5  }
0x54: {  	v4 =	vor.u32 v4, v5  }
0x55: {  	v5 =	vperm.xlane v4, v0;
	_ =	sdelay $0x1  }
0x56: {  	v4 =	vperm.xlane v4, v2;
	v5 =	vadd.s32 v1, v5;
	_ =	sdelay $0x1  }
0x57: {  	v4 =	vadd.s32 v1, v4;
	_ =	sdelay $0x2  }
0x58: {  	[tilespmem:s24], [sflag:$0x1] =	stream.indirect_vreg.gather [hbm4b:s4+s3], $0x80, v5, vm0, $0xb8;
	[tilespmem:$0x12100] =	vst v63  }
0x59: {  	_ = 	snop  }
0x5a: {  	[tilespmem:s25], [sflag:$0x1] =	stream.indirect_vreg.gather [hbm4b:s4+s3], $0x80, v4, vm0, $0xb8;
	[tilespmem:$0x12100] =	vst v63  }
0x5b: {  	v4 =	vld [tilespmem:$0x60];
	_ =	sdelay $0x4  }
0x5c: {  	v5 =	vshll.u32 v4, $0x1  }
0x5d: {  	v4 =	vand.u32 $0x7, v4;
	v5 =	vand.u32 $0xFFFFFFF0, v5  }
0x5e: {  	v4 =	vor.u32 v4, v5  }
0x5f: {  	v5 =	vperm.xlane v4, v0;
	_ =	sdelay $0x1  }
0x60: {  	v4 =	vperm.xlane v4, v2;
	v5 =	vadd.s32 v1, v5;
	_ =	sdelay $0x1  }
0x61: {  	v4 =	vadd.s32 v1, v4;
	_ =	sdelay $0x2  }
0x62: {  	[tilespmem:s26], [sflag:$0x1] =	stream.indirect_vreg.gather [hbm4b:s4+s3], $0x80, v5, vm0, $0xb8;
	[tilespmem:$0x12100] =	vst v63  }
0x63: {  	_ = 	snop  }
0x64: {  	[tilespmem:s28], [sflag:$0x1] =	stream.indirect_vreg.gather [hbm4b:s4+s3], $0x80, v4, vm0, $0xb8;
	[tilespmem:$0x12100] =	vst v63  }
0x65: {  	v4 =	vld [tilespmem:$0x70];
	_ =	sdelay $0x4  }
0x66: {  	v5 =	vshll.u32 v4, $0x1  }
0x67: {  	v4 =	vand.u32 $0x7, v4;
	v5 =	vand.u32 $0xFFFFFFF0, v5  }
0x68: {  	v4 =	vor.u32 v4, v5  }
0x69: {  	v5 =	vperm.xlane v4, v0;
	_ =	sdelay $0x1  }
0x6a: {  	v4 =	vperm.xlane v4, v2;
	v5 =	vadd.s32 v1, v5;
	_ =	sdelay $0x1  }
0x6b: {  	v4 =	vadd.s32 v1, v4;
	_ =	sdelay $0x2  }
0x6c: {  	[tilespmem:s29], [sflag:$0x1] =	stream.indirect_vreg.gather [hbm4b:s4+s3], $0x80, v5, vm0, $0xb8;
	[tilespmem:$0x12100] =	vst v63  }
0x6d: {  	_ = 	snop  }
0x6e: {  	[tilespmem:s30], [sflag:$0x1] =	stream.indirect_vreg.gather [hbm4b:s4+s3], $0x80, v4, vm0, $0xb8;
	[tilespmem:$0x12100] =	vst v63  }
0x6f: {  	_ = 	snop  }
0x70: {  	[tilespmem:s31], [sflag:$0x2] =	stream.linear.gather [hbm4b:s6+s3], $0x8000, $0x38;
	[tilespmem:$0x12100] =	vst v63  }
0x71: {  	_ =	swait.ge [sflag:s13], $0x8000  }
0x72: {  	[sflag:s13] =	ssyncset.done $0x0  }
0x73: {  	[sflag:s13] =	ssyncadd.s32 $0xFFFF8000  }
0x74: {  	_ =	swait.ge [sflag:s0], $0x8000  }
0x75: {  	s16 =	sand.u32 $0x7800, s3;
	s14 =	sand.u32 $0x380, s3;
	[sflag:s0] =	ssyncset.done $0x0  }
0x76: {  	s2 =	sor.u32 s14, s16;
	[sflag:s0] =	ssyncadd.s32 $0xFFFF8000  }
0x77: {  	v4 =	vld [tilespmem:s2+$0x100]  }
0x78: {  	v5 =	vld [tilespmem:s2+$0x110]  }
0x79: {  	v6 =	vld [tilespmem:s2+$0x120]  }
0x7a: {  	v7 =	vld [tilespmem:s2+$0x130]  }
0x7b: {  	v8 =	vld [tilespmem:s2+$0x140]  }
0x7c: {  	v10 =	vld [tilespmem:s2+$0x160]  }
0x7d: {  	v12 =	vld [tilespmem:s2+$0x170]  }
0x7e: {  	v11 =	vld [tilespmem:s2+$0x8100]  }
0x7f: {  	v14 =	vld [tilespmem:s2+$0x8110]  }
0x80: {  	v15 =	vld [tilespmem:s2+$0x8120]  }
0x81: {  	v16 =	vld [tilespmem:s2+$0x8130]  }
0x82: {  	v18 =	vld [tilespmem:s2+$0x8140]  }
0x83: {  	v23 =	vld [tilespmem:s2+$0x8160]  }
0x84: {  	v24 =	vld [tilespmem:s2+$0x8170]  }
0x85: {  	v9 =	vld [tilespmem:s2+$0x150]  }
0x86: {  	v13 =	vld [tilespmem:s2+$0x500];
	v17 =	vsub.f32 v4, v11  }
0x87: {  	v20 =	vld [tilespmem:s2+$0x510];
	v5 =	vsub.f32 v5, v14;
	v6 =	vsub.f32 v6, v15  }
0x88: {  	v21 =	vld [tilespmem:s2+$0x520];
	v7 =	vsub.f32 v7, v16;
	v8 =	vsub.f32 v8, v18  }
0x89: {  	v22 =	vld [tilespmem:s2+$0x8150];
	v10 =	vsub.f32 v10, v23;
	v27 =	vsub.f32 v12, v24  }
0x8a: {  	v4 =	vld [tilespmem:s2+$0x530];
	v17 =	vadd.f32 v17, v11;
	v5 =	vadd.f32 v5, v14  }
0x8b: {  	v12 =	vld [tilespmem:s2+$0x8530];
	v7 =	vadd.f32 v7, v16;
	v8 =	vadd.f32 v8, v18  }
0x8c: {  	v17 =	vsub.f32 v11, v17;
	v11 =	vadd.f32 v6, v15;
	v6 =	vld [tilespmem:s2+$0x540]  }
0x8d: {  	v25 =	vsub.f32 v14, v5;
	v14 =	vld [tilespmem:s2+$0x8500];
	v19 =	vsub.f32 v18, v8  }
0x8e: {  	v8 =	vadd.f32 v10, v23;
	v26 =	vsub.f32 v15, v11;
	v11 =	vld [tilespmem:s2+$0x8510]  }
0x8f: {  	v15 =	vsub.f32 v16, v7;
	v7 =	vsub.f32 v9, v22;
	v9 =	vld [tilespmem:s2+$0x8520]  }
0x90: {  	v5 =	vld [tilespmem:s2+$0x550];
	v10 =	vadd.f32 v27, v24  }
0x91: {  	[tilespmem:s2+$0x8100] =	vst v17;
	v17 =	vsub.f32 v23, v8;
	v8 =	vld [tilespmem:s2+$0x570];
	v16 =	vadd.f32 v7, v22  }
0x92: {  	v18 =	vsub.f32 v24, v10;
	v10 =	vld [tilespmem:s2+$0x8540];
	v13 =	vsub.f32 v13, v14  }
0x93: {  	[tilespmem:s2+$0x8110] =	vst v25;
	v7 =	vld [tilespmem:s2+$0x560];
	v16 =	vsub.f32 v22, v16;
	v22 =	vsub.f32 v20, v11  }
0x94: {  	s14 =	simm.s32 $0x80;
	s15 =	simm.s32 $0x100;
	[tilespmem:s2+$0x8120] =	vst v26;
	v20 =	vadd.f32 v13, v14;
	v21 =	vsub.f32 v21, v9;
	v13 =	vld [tilespmem:s2+$0x8550]  }
.LBB2_2:
0x95: {  	s5 =	sand.u32 $0x7800, s15;
	s16 =	sand.u32 $0x380, s14;
	p0 =	sne.s32 s15, $0x7F00;
	[tilespmem:s2+$0x8130] =	vst v15;
	v15 =	vadd.f32 v22, v11;
	v4 =	vsub.f32 v4, v12;
	v22 =	vld [tilespmem:s2+$0x8560]  }
0x96: {  	s5 =	sor.u32 s16, s5;
	[tilespmem:s2+$0x8140] =	vst v19;
	v14 =	vsub.f32 v14, v20;
	v19 =	vadd.f32 v21, v9;
	v20 =	vld [tilespmem:s2+$0x8570]  }
0x97: {  	v21 =	vld [tilespmem:s5+$0x100];
	[tilespmem:s2+$0x8150] =	vst v16;
	v11 =	vsub.f32 v11, v15;
	v4 =	vadd.f32 v4, v12  }
0x98: {  	v15 =	vld [tilespmem:s5+$0x110];
	[tilespmem:s2+$0x8160] =	vst v17;
	v9 =	vsub.f32 v9, v19;
	v6 =	vsub.f32 v6, v10  }
0x99: {  	v16 =	vld [tilespmem:s5+$0x120];
	[tilespmem:s2+$0x8170] =	vst v18;
	v4 =	vsub.f32 v12, v4;
	v5 =	vsub.f32 v5, v13  }
0x9a: {  	v12 =	vld [tilespmem:s5+$0x130];
	[tilespmem:s2+$0x8500] =	vst v14;
	v6 =	vadd.f32 v6, v10;
	v7 =	vsub.f32 v7, v22  }
0x9b: {  	v14 =	vld [tilespmem:s5+$0x140];
	[tilespmem:s2+$0x8510] =	vst v11;
	v5 =	vadd.f32 v5, v13;
	v8 =	vsub.f32 v8, v20  }
0x9c: {  	v11 =	vld [tilespmem:s5+$0x150];
	[tilespmem:s2+$0x8520] =	vst v9;
	v6 =	vsub.f32 v10, v6;
	v7 =	vadd.f32 v7, v22  }
0x9d: {  	v9 =	vld [tilespmem:s5+$0x160];
	[tilespmem:s2+$0x8530] =	vst v4;
	v4 =	vsub.f32 v13, v5;
	v5 =	vadd.f32 v8, v20  }
0x9e: {  	v8 =	vld [tilespmem:s5+$0x170];
	[tilespmem:s2+$0x8540] =	vst v6;
	v6 =	vsub.f32 v22, v7  }
0x9f: {  	v10 =	vld [tilespmem:s5+$0x500];
	[tilespmem:s2+$0x8550] =	vst v4;
	v4 =	vsub.f32 v20, v5  }
0xa0: {  	v13 =	vld [tilespmem:s5+$0x510];
	[tilespmem:s2+$0x8560] =	vst v6  }
0xa1: {  	v5 =	vld [tilespmem:s5+$0x8100];
	[tilespmem:s2+$0x8570] =	vst v4;
	s2 =	smov.u32 s5  }
0xa2: {  	v6 =	vld [tilespmem:s2+$0x8110]  }
0xa3: {  	v7 =	vld [tilespmem:s2+$0x8120]  }
0xa4: {  	v17 =	vld [tilespmem:s2+$0x8130]  }
0xa5: {  	v23 =	vld [tilespmem:s2+$0x520]  }
0xa6: {  	v18 =	vsub.f32 v21, v5;
	v4 =	vld [tilespmem:s2+$0x530]  }
0xa7: {  	v15 =	vsub.f32 v15, v6;
	v19 =	vld [tilespmem:s2+$0x8140]  }
0xa8: {  	v18 =	vadd.f32 v18, v5;
	v16 =	vsub.f32 v16, v7;
	v20 =	vld [tilespmem:s2+$0x8150]  }
0xa9: {  	v15 =	vadd.f32 v15, v6;
	v12 =	vsub.f32 v12, v17;
	v21 =	vld [tilespmem:s2+$0x8160]  }
0xaa: {  	v18 =	vsub.f32 v5, v18;
	v5 =	vadd.f32 v16, v7;
	v22 =	vld [tilespmem:s2+$0x8170]  }
0xab: {  	v24 =	vsub.f32 v6, v15;
	v12 =	vadd.f32 v12, v17;
	v6 =	vld [tilespmem:s2+$0x540]  }
0xac: {  	v25 =	vsub.f32 v7, v5;
	v7 =	vsub.f32 v14, v19;
	v5 =	vld [tilespmem:s2+$0x550]  }
0xad: {  	v15 =	vsub.f32 v17, v12;
	v12 =	vsub.f32 v11, v20;
	v14 =	vld [tilespmem:s2+$0x8500]  }
0xae: {  	v7 =	vadd.f32 v7, v19;
	v16 =	vsub.f32 v9, v21;
	v11 =	vld [tilespmem:s2+$0x8510]  }
0xaf: {  	v17 =	vadd.f32 v12, v20;
	v8 =	vsub.f32 v8, v22;
	v9 =	vld [tilespmem:s2+$0x8520]  }
.Ltmp0:
0xb0: {  	v19 =	vsub.f32 v19, v7;
	v26 =	vadd.f32 v16, v21;
	v12 =	vld [tilespmem:s2+$0x8530];
	(pc) =	sbr.rel @p0 .LBB2_2-.Ltmp0, $4  }
0xb1: {  	v16 =	vsub.f32 v20, v17;
	v20 =	vadd.f32 v8, v22;
	v7 =	vld [tilespmem:s2+$0x560]  }
0xb2: {  	[tilespmem:s2+$0x8100] =	vst v18;
	v17 =	vsub.f32 v21, v26;
	v21 =	vsub.f32 v10, v14;
	v8 =	vld [tilespmem:s2+$0x570]  }
0xb3: {  	[tilespmem:s2+$0x8110] =	vst v24;
	v18 =	vsub.f32 v22, v20;
	v22 =	vsub.f32 v13, v11;
	v10 =	vld [tilespmem:s2+$0x8540]  }
0xb4: {  	s14 =	sadd.s32 $0x80, s14;
	s15 =	sadd.s32 $0x100, s15;
	[tilespmem:s2+$0x8120] =	vst v25;
	v20 =	vadd.f32 v21, v14;
	v21 =	vsub.f32 v23, v9;
	v13 =	vld [tilespmem:s2+$0x8550]  }
0xb5: {  	[tilespmem:s2+$0x8130] =	vst v15;
	v15 =	vadd.f32 v22, v11;
	v4 =	vsub.f32 v4, v12;
	v22 =	vld [tilespmem:s2+$0x8560]  }
0xb6: {  	[tilespmem:s2+$0x8140] =	vst v19;
	v14 =	vsub.f32 v14, v20;
	v19 =	vadd.f32 v21, v9;
	v20 =	vld [tilespmem:s2+$0x8570]  }
0xb7: {  	[tilespmem:s2+$0x8150] =	vst v16;
	v11 =	vsub.f32 v11, v15;
	v4 =	vadd.f32 v4, v12  }
0xb8: {  	[tilespmem:s2+$0x8160] =	vst v17;
	v9 =	vsub.f32 v9, v19;
	v6 =	vsub.f32 v6, v10  }
0xb9: {  	[tilespmem:s2+$0x8170] =	vst v18;
	v4 =	vsub.f32 v12, v4;
	v5 =	vsub.f32 v5, v13  }
0xba: {  	[tilespmem:s2+$0x8500] =	vst v14;
	v6 =	vadd.f32 v6, v10;
	v7 =	vsub.f32 v7, v22  }
0xbb: {  	[tilespmem:s2+$0x8510] =	vst v11;
	v5 =	vadd.f32 v5, v13;
	v8 =	vsub.f32 v8, v20  }
0xbc: {  	[tilespmem:s2+$0x8520] =	vst v9;
	v6 =	vsub.f32 v10, v6;
	v7 =	vadd.f32 v7, v22  }
0xbd: {  	[tilespmem:s2+$0x8530] =	vst v4;
	v4 =	vsub.f32 v13, v5;
	v5 =	vadd.f32 v8, v20  }
0xbe: {  	[tilespmem:s2+$0x8540] =	vst v6;
	v6 =	vsub.f32 v22, v7  }
0xbf: {  	[tilespmem:s2+$0x8550] =	vst v4;
	v4 =	vsub.f32 v20, v5  }
0xc0: {  	[tilespmem:s2+$0x8560] =	vst v6  }
0xc1: {  	[tilespmem:s2+$0x8570] =	vst v4;
	s2 =	simm.s32 $0x0  }
0xc2: {  	[hbm4b:s7+s2] =	stream.linear.scatter [tilespmem:s31], [sflag:$0x2], $0x8000, $0x38;
	[tilespmem:$0x12100] =	vst v63  }
0xc3: {  	_ =	swait.ge [sflag:s13], $0x8000  }
0xc4: {  	[sflag:s13] =	ssyncset.done $0x0  }
0xc5: {  	[sflag:s13] =	ssyncadd.s32 $0xFFFF8000  }
0xc6: {  	v4 =	vld [tilespmem:$0x0];
	_ =	sdelay $0x7  }
0xc7: {  	[tilespmem:v4+s12+$0x0] =	vst.idx.msk $0xffff, v3  }
0xc8: {  	v4 =	vld [tilespmem:$0x10];
	_ =	sdelay $0x7  }
0xc9: {  	[tilespmem:v4+s12+$0x0] =	vst.idx.msk $0xffff, v3  }
0xca: {  	v4 =	vld [tilespmem:$0x20];
	_ =	sdelay $0x7  }
0xcb: {  	[tilespmem:v4+s12+$0x0] =	vst.idx.msk $0xffff, v3  }
0xcc: {  	v4 =	vld [tilespmem:$0x30];
	_ =	sdelay $0x7  }
0xcd: {  	[tilespmem:v4+s12+$0x0] =	vst.idx.msk $0xffff, v3  }
0xce: {  	v4 =	vld [tilespmem:$0x40];
	_ =	sdelay $0x7  }
0xcf: {  	[tilespmem:v4+s12+$0x0] =	vst.idx.msk $0xffff, v3  }
0xd0: {  	v4 =	vld [tilespmem:$0x50];
	_ =	sdelay $0x7  }
0xd1: {  	[tilespmem:v4+s12+$0x0] =	vst.idx.msk $0xffff, v3  }
0xd2: {  	v4 =	vld [tilespmem:$0x60];
	_ =	sdelay $0x7  }
0xd3: {  	[tilespmem:v4+s12+$0x0] =	vst.idx.msk $0xffff, v3  }
0xd4: {  	v4 =	vld [tilespmem:$0x70];
	_ =	sdelay $0x7  }
0xd5: {  	[tilespmem:v4+s12+$0x0] =	vst.idx.msk $0xffff, v3  }
0xd6: {  	v4 =	vld [tilespmem:$0x80];
	_ =	sdelay $0x4  }
0xd7: {  	v5 =	vshll.u32 v4, $0x1  }
0xd8: {  	v4 =	vand.u32 $0x7, v4;
	v5 =	vand.u32 $0xFFFFFFF0, v5  }
0xd9: {  	v4 =	vor.u32 v4, v5  }
0xda: {  	v5 =	vperm.xlane v4, v0;
	_ =	sdelay $0x1  }
0xdb: {  	v4 =	vperm.xlane v4, v2;
	v5 =	vadd.s32 v1, v5;
	_ =	sdelay $0x1  }
0xdc: {  	v4 =	vadd.s32 v1, v4;
	_ =	sdelay $0x1  }
0xdd: {  	s5 =	simm.s32 $0x100  }
0xde: {  	[tilespmem:s5], [sflag:$0x1] =	stream.indirect_vreg.gather [hbm4b:s4+s2], $0x80, v5, vm0, $0xb8;
	[tilespmem:$0x12100] =	vst v63  }
0xdf: {  	s14 =	simm.s32 $0x900  }
0xe0: {  	[tilespmem:s14], [sflag:$0x1] =	stream.indirect_vreg.gather [hbm4b:s4+s2], $0x80, v4, vm0, $0xb8;
	[tilespmem:$0x12100] =	vst v63  }
0xe1: {  	v4 =	vld [tilespmem:$0x90];
	_ =	sdelay $0x4  }
0xe2: {  	v5 =	vshll.u32 v4, $0x1  }
0xe3: {  	v4 =	vand.u32 $0x7, v4;
	v5 =	vand.u32 $0xFFFFFFF0, v5  }
0xe4: {  	v4 =	vor.u32 v4, v5  }
0xe5: {  	v5 =	vperm.xlane v4, v0;
	_ =	sdelay $0x1  }
0xe6: {  	v4 =	vperm.xlane v4, v2;
	v5 =	vadd.s32 v1, v5;
	_ =	sdelay $0x1  }
0xe7: {  	v4 =	vadd.s32 v1, v4;
	_ =	sdelay $0x1  }
0xe8: {  	s15 =	simm.s32 $0x1100  }
0xe9: {  	[tilespmem:s15], [sflag:$0x1] =	stream.indirect_vreg.gather [hbm4b:s4+s2], $0x80, v5, vm0, $0xb8;
	[tilespmem:$0x12100] =	vst v63  }
0xea: {  	_ = 	snop  }
0xeb: {  	[tilespmem:s17], [sflag:$0x1] =	stream.indirect_vreg.gather [hbm4b:s4+s2], $0x80, v4, vm0, $0xb8;
	[tilespmem:$0x12100] =	vst v63  }
0xec: {  	v4 =	vld [tilespmem:$0xA0];
	_ =	sdelay $0x4  }
0xed: {  	v5 =	vshll.u32 v4, $0x1  }
0xee: {  	v4 =	vand.u32 $0x7, v4;
	v5 =	vand.u32 $0xFFFFFFF0, v5  }
0xef: {  	v4 =	vor.u32 v4, v5  }
0xf0: {  	v5 =	vperm.xlane v4, v0;
	_ =	sdelay $0x1  }
0xf1: {  	v4 =	vperm.xlane v4, v2;
	v5 =	vadd.s32 v1, v5;
	_ =	sdelay $0x1  }
0xf2: {  	v4 =	vadd.s32 v1, v4;
	_ =	sdelay $0x2  }
0xf3: {  	[tilespmem:s18], [sflag:$0x1] =	stream.indirect_vreg.gather [hbm4b:s4+s2], $0x80, v5, vm0, $0xb8;
	[tilespmem:$0x12100] =	vst v63  }
0xf4: {  	_ = 	snop  }
0xf5: {  	[tilespmem:s19], [sflag:$0x1] =	stream.indirect_vreg.gather [hbm4b:s4+s2], $0x80, v4, vm0, $0xb8;
	[tilespmem:$0x12100] =	vst v63  }
0xf6: {  	v4 =	vld [tilespmem:$0xB0];
	_ =	sdelay $0x4  }
0xf7: {  	v5 =	vshll.u32 v4, $0x1  }
0xf8: {  	v4 =	vand.u32 $0x7, v4;
	v5 =	vand.u32 $0xFFFFFFF0, v5  }
0xf9: {  	v4 =	vor.u32 v4, v5  }
0xfa: {  	v5 =	vperm.xlane v4, v0;
	_ =	sdelay $0x1  }
0xfb: {  	v4 =	vperm.xlane v4, v2;
	v5 =	vadd.s32 v1, v5;
	_ =	sdelay $0x1  }
0xfc: {  	v4 =	vadd.s32 v1, v4;
	_ =	sdelay $0x2  }
0xfd: {  	[tilespmem:s20], [sflag:$0x1] =	stream.indirect_vreg.gather [hbm4b:s4+s2], $0x80, v5, vm0, $0xb8;
	[tilespmem:$0x12100] =	vst v63  }
0xfe: {  	_ = 	snop  }
0xff: {  	[tilespmem:s21], [sflag:$0x1] =	stream.indirect_vreg.gather [hbm4b:s4+s2], $0x80, v4, vm0, $0xb8;
	[tilespmem:$0x12100] =	vst v63  }
0x100: {  	v4 =	vld [tilespmem:$0xC0];
	_ =	sdelay $0x4  }
0x101: {  	v5 =	vshll.u32 v4, $0x1  }
0x102: {  	v4 =	vand.u32 $0x7, v4;
	v5 =	vand.u32 $0xFFFFFFF0, v5  }
0x103: {  	v4 =	vor.u32 v4, v5  }
0x104: {  	v5 =	vperm.xlane v4, v0;
	_ =	sdelay $0x1  }
0x105: {  	v4 =	vperm.xlane v4, v2;
	v5 =	vadd.s32 v1, v5;
	_ =	sdelay $0x1  }
0x106: {  	v4 =	vadd.s32 v1, v4;
	_ =	sdelay $0x2  }
0x107: {  	[tilespmem:s22], [sflag:$0x1] =	stream.indirect_vreg.gather [hbm4b:s4+s2], $0x80, v5, vm0, $0xb8;
	[tilespmem:$0x12100] =	vst v63  }
0x108: {  	_ = 	snop  }
0x109: {  	[tilespmem:s23], [sflag:$0x1] =	stream.indirect_vreg.gather [hbm4b:s4+s2], $0x80, v4, vm0, $0xb8;
	[tilespmem:$0x12100] =	vst v63  }
0x10a: {  	v4 =	vld [tilespmem:$0xD0];
	_ =	sdelay $0x4  }
0x10b: {  	v5 =	vshll.u32 v4, $0x1  }
0x10c: {  	v4 =	vand.u32 $0x7, v4;
	v5 =	vand.u32 $0xFFFFFFF0, v5  }
0x10d: {  	v4 =	vor.u32 v4, v5  }
0x10e: {  	v5 =	vperm.xlane v4, v0;
	_ =	sdelay $0x1  }
0x10f: {  	v4 =	vperm.xlane v4, v2;
	v5 =	vadd.s32 v1, v5;
	_ =	sdelay $0x1  }
0x110: {  	v4 =	vadd.s32 v1, v4;
	_ =	sdelay $0x2  }
0x111: {  	[tilespmem:s24], [sflag:$0x1] =	stream.indirect_vreg.gather [hbm4b:s4+s2], $0x80, v5, vm0, $0xb8;
	[tilespmem:$0x12100] =	vst v63  }
0x112: {  	_ = 	snop  }
0x113: {  	[tilespmem:s25], [sflag:$0x1] =	stream.indirect_vreg.gather [hbm4b:s4+s2], $0x80, v4, vm0, $0xb8;
	[tilespmem:$0x12100] =	vst v63  }
0x114: {  	v4 =	vld [tilespmem:$0xE0];
	_ =	sdelay $0x4  }
0x115: {  	v5 =	vshll.u32 v4, $0x1  }
0x116: {  	v4 =	vand.u32 $0x7, v4;
	v5 =	vand.u32 $0xFFFFFFF0, v5  }
0x117: {  	v4 =	vor.u32 v4, v5  }
0x118: {  	v5 =	vperm.xlane v4, v0;
	_ =	sdelay $0x1  }
0x119: {  	v4 =	vperm.xlane v4, v2;
	v5 =	vadd.s32 v1, v5;
	_ =	sdelay $0x1  }
0x11a: {  	v4 =	vadd.s32 v1, v4;
	_ =	sdelay $0x2  }
0x11b: {  	[tilespmem:s26], [sflag:$0x1] =	stream.indirect_vreg.gather [hbm4b:s4+s2], $0x80, v5, vm0, $0xb8;
	[tilespmem:$0x12100] =	vst v63  }
0x11c: {  	_ = 	snop  }
0x11d: {  	[tilespmem:s28], [sflag:$0x1] =	stream.indirect_vreg.gather [hbm4b:s4+s2], $0x80, v4, vm0, $0xb8;
	[tilespmem:$0x12100] =	vst v63  }
0x11e: {  	v4 =	vld [tilespmem:$0xF0];
	_ =	sdelay $0x4  }
0x11f: {  	v5 =	vshll.u32 v4, $0x1  }
0x120: {  	v4 =	vand.u32 $0x7, v4;
	v5 =	vand.u32 $0xFFFFFFF0, v5  }
0x121: {  	v4 =	vor.u32 v4, v5  }
0x122: {  	v5 =	vperm.xlane v4, v0;
	_ =	sdelay $0x1  }
0x123: {  	v4 =	vperm.xlane v4, v2;
	v5 =	vadd.s32 v1, v5;
	_ =	sdelay $0x1  }
0x124: {  	v4 =	vadd.s32 v1, v4;
	_ =	sdelay $0x2  }
0x125: {  	[tilespmem:s29], [sflag:$0x1] =	stream.indirect_vreg.gather [hbm4b:s4+s2], $0x80, v5, vm0, $0xb8;
	[tilespmem:$0x12100] =	vst v63  }
0x126: {  	_ = 	snop  }
0x127: {  	[tilespmem:s30], [sflag:$0x1] =	stream.indirect_vreg.gather [hbm4b:s4+s2], $0x80, v4, vm0, $0xb8;
	[tilespmem:$0x12100] =	vst v63  }
0x128: {  	_ = 	snop  }
0x129: {  	[tilespmem:s31], [sflag:$0x2] =	stream.linear.gather [hbm4b:s8+s2], $0x8000, $0x38;
	[tilespmem:$0x12100] =	vst v63  }
0x12a: {  	_ =	swait.ge [sflag:s13], $0x8000  }
0x12b: {  	[sflag:s13] =	ssyncset.done $0x0  }
0x12c: {  	[sflag:s13] =	ssyncadd.s32 $0xFFFF8000  }
0x12d: {  	_ =	swait.ge [sflag:s0], $0x8000  }
0x12e: {  	s16 =	sand.u32 $0x7800, s2;
	s2 =	sand.u32 $0x380, s2;
	[sflag:s0] =	ssyncset.done $0x0  }
0x12f: {  	s2 =	sor.u32 s2, s16;
	[sflag:s0] =	ssyncadd.s32 $0xFFFF8000  }
0x130: {  	v4 =	vld [tilespmem:s2+$0x100]  }
0x131: {  	v5 =	vld [tilespmem:s2+$0x110]  }
0x132: {  	v6 =	vld [tilespmem:s2+$0x120]  }
0x133: {  	v7 =	vld [tilespmem:s2+$0x130]  }
0x134: {  	v8 =	vld [tilespmem:s2+$0x140]  }
0x135: {  	v10 =	vld [tilespmem:s2+$0x160]  }
0x136: {  	v12 =	vld [tilespmem:s2+$0x170]  }
0x137: {  	v11 =	vld [tilespmem:s2+$0x8100]  }
0x138: {  	v14 =	vld [tilespmem:s2+$0x8110]  }
0x139: {  	v15 =	vld [tilespmem:s2+$0x8120]  }
0x13a: {  	v16 =	vld [tilespmem:s2+$0x8130]  }
0x13b: {  	v18 =	vld [tilespmem:s2+$0x8140]  }
0x13c: {  	v23 =	vld [tilespmem:s2+$0x8160]  }
0x13d: {  	v24 =	vld [tilespmem:s2+$0x8170]  }
0x13e: {  	v9 =	vld [tilespmem:s2+$0x150]  }
0x13f: {  	v13 =	vld [tilespmem:s2+$0x500];
	v17 =	vsub.f32 v4, v11  }
0x140: {  	v20 =	vld [tilespmem:s2+$0x510];
	v5 =	vsub.f32 v5, v14;
	v6 =	vsub.f32 v6, v15  }
0x141: {  	v21 =	vld [tilespmem:s2+$0x520];
	v7 =	vsub.f32 v7, v16;
	v8 =	vsub.f32 v8, v18  }
0x142: {  	v22 =	vld [tilespmem:s2+$0x8150];
	v10 =	vsub.f32 v10, v23;
	v27 =	vsub.f32 v12, v24  }
0x143: {  	v4 =	vld [tilespmem:s2+$0x530];
	v17 =	vadd.f32 v17, v11;
	v5 =	vadd.f32 v5, v14  }
0x144: {  	v12 =	vld [tilespmem:s2+$0x8530];
	v7 =	vadd.f32 v7, v16;
	v8 =	vadd.f32 v8, v18  }
0x145: {  	v17 =	vsub.f32 v11, v17;
	v11 =	vadd.f32 v6, v15;
	v6 =	vld [tilespmem:s2+$0x540]  }
0x146: {  	v25 =	vsub.f32 v14, v5;
	v14 =	vld [tilespmem:s2+$0x8500];
	v19 =	vsub.f32 v18, v8  }
0x147: {  	v8 =	vadd.f32 v10, v23;
	v26 =	vsub.f32 v15, v11;
	v11 =	vld [tilespmem:s2+$0x8510]  }
0x148: {  	v15 =	vsub.f32 v16, v7;
	v7 =	vsub.f32 v9, v22;
	v9 =	vld [tilespmem:s2+$0x8520]  }
0x149: {  	v5 =	vld [tilespmem:s2+$0x550];
	v10 =	vadd.f32 v27, v24  }
0x14a: {  	[tilespmem:s2+$0x8100] =	vst v17;
	v17 =	vsub.f32 v23, v8;
	v8 =	vld [tilespmem:s2+$0x570];
	v16 =	vadd.f32 v7, v22  }
0x14b: {  	v18 =	vsub.f32 v24, v10;
	v10 =	vld [tilespmem:s2+$0x8540];
	v13 =	vsub.f32 v13, v14  }
0x14c: {  	[tilespmem:s2+$0x8110] =	vst v25;
	v7 =	vld [tilespmem:s2+$0x560];
	v16 =	vsub.f32 v22, v16;
	v22 =	vsub.f32 v20, v11  }
0x14d: {  	s14 =	simm.s32 $0x80;
	s15 =	simm.s32 $0x100;
	[tilespmem:s2+$0x8120] =	vst v26;
	v20 =	vadd.f32 v13, v14;
	v21 =	vsub.f32 v21, v9;
	v13 =	vld [tilespmem:s2+$0x8550]  }
.LBB2_4:
0x14e: {  	s5 =	sand.u32 $0x7800, s15;
	s16 =	sand.u32 $0x380, s14;
	p0 =	sne.s32 s15, $0x7F00;
	[tilespmem:s2+$0x8130] =	vst v15;
	v15 =	vadd.f32 v22, v11;
	v4 =	vsub.f32 v4, v12;
	v22 =	vld [tilespmem:s2+$0x8560]  }
0x14f: {  	s5 =	sor.u32 s16, s5;
	[tilespmem:s2+$0x8140] =	vst v19;
	v14 =	vsub.f32 v14, v20;
	v19 =	vadd.f32 v21, v9;
	v20 =	vld [tilespmem:s2+$0x8570]  }
0x150: {  	v21 =	vld [tilespmem:s5+$0x100];
	[tilespmem:s2+$0x8150] =	vst v16;
	v11 =	vsub.f32 v11, v15;
	v4 =	vadd.f32 v4, v12  }
0x151: {  	v15 =	vld [tilespmem:s5+$0x110];
	[tilespmem:s2+$0x8160] =	vst v17;
	v9 =	vsub.f32 v9, v19;
	v6 =	vsub.f32 v6, v10  }
0x152: {  	v16 =	vld [tilespmem:s5+$0x120];
	[tilespmem:s2+$0x8170] =	vst v18;
	v4 =	vsub.f32 v12, v4;
	v5 =	vsub.f32 v5, v13  }
0x153: {  	v12 =	vld [tilespmem:s5+$0x130];
	[tilespmem:s2+$0x8500] =	vst v14;
	v6 =	vadd.f32 v6, v10;
	v7 =	vsub.f32 v7, v22  }
0x154: {  	v14 =	vld [tilespmem:s5+$0x140];
	[tilespmem:s2+$0x8510] =	vst v11;
	v5 =	vadd.f32 v5, v13;
	v8 =	vsub.f32 v8, v20  }
0x155: {  	v11 =	vld [tilespmem:s5+$0x150];
	[tilespmem:s2+$0x8520] =	vst v9;
	v6 =	vsub.f32 v10, v6;
	v7 =	vadd.f32 v7, v22  }
0x156: {  	v9 =	vld [tilespmem:s5+$0x160];
	[tilespmem:s2+$0x8530] =	vst v4;
	v4 =	vsub.f32 v13, v5;
	v5 =	vadd.f32 v8, v20  }
0x157: {  	v8 =	vld [tilespmem:s5+$0x170];
	[tilespmem:s2+$0x8540] =	vst v6;
	v6 =	vsub.f32 v22, v7  }
0x158: {  	v10 =	vld [tilespmem:s5+$0x500];
	[tilespmem:s2+$0x8550] =	vst v4;
	v4 =	vsub.f32 v20, v5  }
0x159: {  	v13 =	vld [tilespmem:s5+$0x510];
	[tilespmem:s2+$0x8560] =	vst v6  }
0x15a: {  	v5 =	vld [tilespmem:s5+$0x8100];
	[tilespmem:s2+$0x8570] =	vst v4;
	s2 =	smov.u32 s5  }
0x15b: {  	v6 =	vld [tilespmem:s2+$0x8110]  }
0x15c: {  	v7 =	vld [tilespmem:s2+$0x8120]  }
0x15d: {  	v17 =	vld [tilespmem:s2+$0x8130]  }
0x15e: {  	v23 =	vld [tilespmem:s2+$0x520]  }
0x15f: {  	v18 =	vsub.f32 v21, v5;
	v4 =	vld [tilespmem:s2+$0x530]  }
0x160: {  	v15 =	vsub.f32 v15, v6;
	v19 =	vld [tilespmem:s2+$0x8140]  }
0x161: {  	v18 =	vadd.f32 v18, v5;
	v16 =	vsub.f32 v16, v7;
	v20 =	vld [tilespmem:s2+$0x8150]  }
0x162: {  	v15 =	vadd.f32 v15, v6;
	v12 =	vsub.f32 v12, v17;
	v21 =	vld [tilespmem:s2+$0x8160]  }
0x163: {  	v18 =	vsub.f32 v5, v18;
	v5 =	vadd.f32 v16, v7;
	v22 =	vld [tilespmem:s2+$0x8170]  }
0x164: {  	v24 =	vsub.f32 v6, v15;
	v12 =	vadd.f32 v12, v17;
	v6 =	vld [tilespmem:s2+$0x540]  }
0x165: {  	v25 =	vsub.f32 v7, v5;
	v7 =	vsub.f32 v14, v19;
	v5 =	vld [tilespmem:s2+$0x550]  }
0x166: {  	v15 =	vsub.f32 v17, v12;
	v12 =	vsub.f32 v11, v20;
	v14 =	vld [tilespmem:s2+$0x8500]  }
0x167: {  	v7 =	vadd.f32 v7, v19;
	v16 =	vsub.f32 v9, v21;
	v11 =	vld [tilespmem:s2+$0x8510]  }
0x168: {  	v17 =	vadd.f32 v12, v20;
	v8 =	vsub.f32 v8, v22;
	v9 =	vld [tilespmem:s2+$0x8520]  }
.Ltmp1:
0x169: {  	v19 =	vsub.f32 v19, v7;
	v26 =	vadd.f32 v16, v21;
	v12 =	vld [tilespmem:s2+$0x8530];
	(pc) =	sbr.rel @p0 .LBB2_4-.Ltmp1, $4  }
0x16a: {  	v16 =	vsub.f32 v20, v17;
	v20 =	vadd.f32 v8, v22;
	v7 =	vld [tilespmem:s2+$0x560]  }
0x16b: {  	[tilespmem:s2+$0x8100] =	vst v18;
	v17 =	vsub.f32 v21, v26;
	v21 =	vsub.f32 v10, v14;
	v8 =	vld [tilespmem:s2+$0x570]  }
0x16c: {  	[tilespmem:s2+$0x8110] =	vst v24;
	v18 =	vsub.f32 v22, v20;
	v22 =	vsub.f32 v13, v11;
	v10 =	vld [tilespmem:s2+$0x8540]  }
0x16d: {  	s14 =	sadd.s32 $0x80, s14;
	s15 =	sadd.s32 $0x100, s15;
	[tilespmem:s2+$0x8120] =	vst v25;
	v20 =	vadd.f32 v21, v14;
	v21 =	vsub.f32 v23, v9;
	v13 =	vld [tilespmem:s2+$0x8550]  }
0x16e: {  	[tilespmem:s2+$0x8130] =	vst v15;
	v59 =	vadd.f32 v22, v11;
	v4 =	vsub.f32 v4, v12;
	v60 =	vld [tilespmem:s2+$0x8560]  }
0x16f: {  	[tilespmem:s2+$0x8140] =	vst v19;
	v62 =	vld [tilespmem:s2+$0x8570];
	v14 =	vsub.f32 v14, v20;
	v61 =	vadd.f32 v21, v9  }
0x170: {  	[tilespmem:s2+$0x8150] =	vst v16;
	v11 =	vsub.f32 v11, v59;
	v4 =	vadd.f32 v4, v12  }
0x171: {  	[tilespmem:s2+$0x8160] =	vst v17;
	v9 =	vsub.f32 v9, v61;
	v6 =	vsub.f32 v6, v10  }
0x172: {  	[tilespmem:s2+$0x8170] =	vst v18;
	v4 =	vsub.f32 v12, v4;
	v5 =	vsub.f32 v5, v13  }
0x173: {  	[tilespmem:s2+$0x8500] =	vst v14;
	v6 =	vadd.f32 v6, v10;
	v7 =	vsub.f32 v7, v60  }
0x174: {  	[tilespmem:s2+$0x8510] =	vst v11;
	v8 =	vsub.f32 v8, v62;
	v5 =	vadd.f32 v5, v13  }
0x175: {  	[tilespmem:s2+$0x8520] =	vst v9;
	v6 =	vsub.f32 v10, v6;
	v7 =	vadd.f32 v7, v60  }
0x176: {  	[tilespmem:s2+$0x8530] =	vst v4;
	v4 =	vsub.f32 v13, v5;
	v5 =	vadd.f32 v8, v62  }
0x177: {  	[tilespmem:s2+$0x8540] =	vst v6;
	v63 =	vsub.f32 v60, v7  }
0x178: {  	[tilespmem:s2+$0x8550] =	vst v4;
	v4 =	vsub.f32 v62, v5  }
0x179: {  	[tilespmem:s2+$0x8560] =	vst v63  }
0x17a: {  	[tilespmem:s2+$0x8570] =	vst v4  }
0x17b: {  	[hbm4b:s9+s3] =	stream.linear.scatter [tilespmem:s31], [sflag:$0x2], $0x8000, $0x38;
	[tilespmem:$0x12100] =	vst v63  }
0x17c: {  	_ =	swait.ge [sflag:s13], $0x8000  }
0x17d: {  	[sflag:s13] =	ssyncset.done $0x0  }
0x17e: {  	[sflag:s13] =	ssyncadd.s32 $0xFFFF8000  }
0x17f: {  	v4 =	vld [tilespmem:$0x80];
	_ =	sdelay $0x7  }
0x180: {  	[tilespmem:v4+s12+$0x0] =	vst.idx.msk $0xffff, v3  }
0x181: {  	v4 =	vld [tilespmem:$0x90];
	_ =	sdelay $0x7  }
0x182: {  	[tilespmem:v4+s12+$0x0] =	vst.idx.msk $0xffff, v3  }
0x183: {  	v4 =	vld [tilespmem:$0xA0];
	_ =	sdelay $0x7  }
0x184: {  	[tilespmem:v4+s12+$0x0] =	vst.idx.msk $0xffff, v3  }
0x185: {  	v4 =	vld [tilespmem:$0xB0];
	_ =	sdelay $0x7  }
0x186: {  	[tilespmem:v4+s12+$0x0] =	vst.idx.msk $0xffff, v3  }
0x187: {  	v4 =	vld [tilespmem:$0xC0];
	_ =	sdelay $0x7  }
0x188: {  	[tilespmem:v4+s12+$0x0] =	vst.idx.msk $0xffff, v3  }
0x189: {  	v4 =	vld [tilespmem:$0xD0];
	_ =	sdelay $0x7  }
0x18a: {  	[tilespmem:v4+s12+$0x0] =	vst.idx.msk $0xffff, v3  }
0x18b: {  	v4 =	vld [tilespmem:$0xE0];
	_ =	sdelay $0x7  }
0x18c: {  	[tilespmem:v4+s12+$0x0] =	vst.idx.msk $0xffff, v3  }
0x18d: {  	v4 =	vld [tilespmem:$0xF0];
	_ =	sdelay $0x5  }
0x18e: {  	s1 =	sadd.s32 $0x1, s1  }
0x18f: {  	p0 =	sne.s32 s1, s11  }
.Ltmp2:
0x190: {  	s16 =	simm.s32 $0x80;
	s5 =	simm.s32 $0x400;
	[tilespmem:v4+s12+$0x0] =	vst.idx.msk $0xffff, v3;
	(pc) =	sbr.rel @p0 .LBB2_1-.Ltmp2, $4  }
0x191: {  	[hbm4b:s10+s16] =	stream.strided.scatter [tilespmem:s12], [sflag:$0x2], $0x2000, s5, s16, $0x38;
	[tilespmem:$0x12100] =	vst v63  }
0x192: {  	_ =	swait.ge [sflag:s13], $0x2000  }
0x193: {  	[sflag:s13] =	ssyncset.done $0x0  }
0x194: {  	[sflag:s13] =	ssyncadd.s32 $0xFFFFE000  }
0x195: {  	_ =	sfence.sel $0x180000  }
0x196: {  	[bflag:$0x0] =	sbarrier.arrive $0xFFFF  }
0x197: {  	_ =	strace $0x90000047  }
0x198: {  	s0 =	stileid.u32;
	[bflag:$0x2] =	sbarrier.arrive $0xFFFF  }
0x199: {  	p0 =	sne.s32 s0, $0x0;
	s0 =	rddreg [dreg:$0x3]  }
0x19a: {  	s0 =	sadd.s32 @!p0 $0x100000, s0  }
0x19b: {  	[sflag:s0] =	ssyncadd.tile.s32 @!p0 $0x1;
	_ =	shalt  }
.Lfunc_end2:
_tile_overlayer_lowered:
.L_overlay_start_2:
0x19c: {  	(tag) =	ssettag $0x2  }
0x19d: {  	s0 =	rddreg [dreg:$0x0];
	s2 =	stileid.u32  }
0x19e: {  	s1 =	rddreg [dreg:$0x1];
	p0 =	sne.s32 s2, $0x0  }
0x19f: {  	s3 =	rddreg [dreg:$0x2];
	[bflag:$0x3] =	sbarrier.arrive $0xFFFF;
	s2 =	simm.s32 @!p0 $0x1C02  }
0x1a0: {  	[timem:s3], [sflag:s2] =	dma.local @!p0 [hbm:s0], s1  }
0x1a1: {  	s0 =	simm.s32 @!p0 $0x2  }
0x1a2: {  	_ =	swait.ge @!p0 [sflag:s0], s1  }
0x1a3: {  	s1 =	ssub.s32 @!p0 $0x0, s1;
	[sflag:s0] =	ssyncset.done @!p0 $0x0  }
0x1a4: {  	[sflag:s0] =	ssyncadd.s32 @!p0 s1  }
0x1a5: {  	[bflag:$0x3] =	sbarrier.arrive $0xFFFF  }
0x1a6: {  	_ =	shalt  }

// kernel: kernel.14.cloned.1.call-start
scs
__scs_entry_jumppad:
0x0: {  	(pc) =	sbr.rel $0x88, $3  }
0x1: {  	(tag) =	ssettag $0x0;
	lr =	simm.s32 $0x1  }
0x2: {  	[smem:$0x3F9F] =	sst lr;
	_ =	strace $0xD0000000  }
0x3: {  	_ = 	snop  }
0x4: {  	_ = 	snop  }
0x5: {  	_ = 	snop  }
0x6: {  	_ = 	snop  }
0x7: {  	_ = 	snop  }
__scs_overlays_trampoline_lowered:
0x8: {  	[smem:$0x3FAE] =	sst s0  }
0x9: {  	[smem:$0x3FAF] =	sst s1  }
0xa: {  	[smem:$0x3FB0] =	sst s2  }
0xb: {  	[smem:$0x3FB1] =	sst s3  }
0xc: {  	[smem:$0x3FB2] =	sst s4  }
0xd: {  	[smem:$0x3FB3] =	sst s5  }
0xe: {  	[smem:$0x3FB4] =	sst s6  }
0xf: {  	[smem:$0x3FB5] =	sst s7  }
0x10: {  	[smem:$0x3FB6] =	sst s8  }
0x11: {  	[smem:$0x3FB7] =	sst s9;
	s0 =	simm.s32 @!p0 $0x0  }
0x12: {  	s1 =	sld [smem:$0x3F9D];
	s0 =	simm.s32 @p0 $0x1  }
0x13: {  	[smem:$0x3FB8] =	sst s0;
	s0 =	simm.s32 @!p1 $0x0  }
0x14: {  	s2 =	sld [smem:$0x3F9C];
	s0 =	simm.s32 @p1 $0x1  }
0x15: {  	[smem:$0x3FB9] =	sst s0;
	s0 =	simm.s32 @!p2 $0x0  }
0x16: {  	s3 =	sld [smem:$0x3FDB];
	s0 =	simm.s32 @p2 $0x1  }
0x17: {  	s4 =	simm.s32 $0x1BF5;
	[smem:$0x3FBB] =	sst s0  }
0x18: {  	s0 =	sld [smem:$0x3F9E];
	_ =	swait.ge [sflag:s4], $0x0  }
0x19: {  	s7 =	sld [smem:$0x3F9F]  }
0x1a: {  	s8 =	sadd.s32 $0xFFFFE003, lr  }
0x1b: {  	s9 =	sadd.s32 $0xFFFFFEF7, lr;
	s5 =	simm.s32 $0xFFFFFFFF;
	p2 =	slt.u32 s8, $0xFFFFF086  }
0x1c: {  	p1 =	slt.u32 s9, $0xF7A;
	s5 =	simm.s32 @!p2 $0x0  }
0x1d: {  	s5 =	simm.s32 @p1 $0x1;
	p0 =	seq.s32 s7, s2  }
0x1e: {  	s7 =	smul.u32 @!p0 $0xF7A, s2;
	p2 =	seq.s32 @!p0 s5, $0x0  }
0x1f: {  	s9 =	smul.u32 $0xF7A, s1;
	s8 =	simm.s32 @!p0 $0x1BF5;
	p2 =	por !p2, p0  }
0x20: {  	[sflag:s8] =	ssyncset.s32 @!p0 $0xFFFFF086;
	s6 =	sadd.s32 @!p0 s3, s7;
	s7 =	simm.s32 @!p0 $0x108  }
0x21: {  	s3 =	sadd.s32 s3, s9;
	s6 =	sadd.s32 @!p0 $0x88, s6;
	s7 =	simm.s32 @p2 $0x1082  }
0x22: {  	[simem:s7], [sflag:s8] =	dma.local @!p0 [hbm:s6], $0xF7A  }
0x23: {  	s9 =	sor.u32 $0xD0000000, s2;
	s6 =	simm.s32 $0x108;
	_ =	swait.ge @!p0 [sflag:s8], $0x0  }
0x24: {  	s3 =	sadd.s32 $0x88, s3;
	s6 =	simm.s32 @!p1 $0x1082;
	[sflag:s4] =	ssyncset.s32 $0xFFFFF086  }
0x25: {  	[simem:s6], [sflag:s4] =	dma.local [hbm:s3], $0xF7A  }
0x26: {  	[smem:$0x3F9F] =	sst s1;
	(tag) =	ssettag s2;
	_ =	strace s9  }
0x27: {  	s1 =	sld [smem:$0x3FAF]  }
0x28: {  	s2 =	sld [smem:$0x3FB0]  }
0x29: {  	s4 =	sld [smem:$0x3FB2]  }
0x2a: {  	p0 =	seq.s32 s5, $0x0;
	s5 =	sld [smem:$0x3FB3]  }
0x2b: {  	s6 =	sld [smem:$0x3FB4]  }
0x2c: {  	s7 =	sld [smem:$0x3FB5]  }
0x2d: {  	s3 =	simm.s32 $0x108;
	s8 =	sld [smem:$0x3FB6]  }
0x2e: {  	s3 =	simm.s32 @!p0 $0x1082;
	s9 =	sld [smem:$0x3FB7]  }
0x2f: {  	lr =	sadd.s32 s0, s3;
	s0 =	sld [smem:$0x3FAE]  }
0x30: {  	s3 =	sld [smem:$0x3FB1]  }
0x31: {  	[smem:$0x3FBA] =	sst s10  }
0x32: {  	s10 =	sld [smem:$0x3FB8];
	_ =	sdelay $0x3  }
0x33: {  	p0 =	seq.s32 s10, $0x1;
	s10 =	sld [smem:$0x3FBA];
	_ =	sdelay $0x3  }
0x34: {  	[smem:$0x3FBA] =	sst s10  }
0x35: {  	s10 =	sld [smem:$0x3FB9];
	_ =	sdelay $0x3  }
0x36: {  	p1 =	seq.s32 s10, $0x1;
	s10 =	sld [smem:$0x3FBA];
	_ =	sdelay $0x3  }
0x37: {  	[smem:$0x3FBA] =	sst s10  }
0x38: {  	s10 =	sld [smem:$0x3FBB]  }
0x39: {  	_ = 	snop;
	(pc) =	sbr.ind lr, $3  }
0x3a: {  	_ = 	snop  }
0x3b: {  	_ = 	snop  }
0x3c: {  	p2 =	seq.s32 s10, $0x1;
	s10 =	sld [smem:$0x3FBA]  }
0x3d: {  	_ =	shalt  }
0x3e: {  	_ =	shalt  }
0x3f: {  	_ =	shalt  }
0x40: {  	_ =	shalt  }
0x41: {  	_ =	shalt  }
0x42: {  	_ =	shalt  }
0x43: {  	_ =	shalt  }
0x44: {  	_ =	shalt  }
0x45: {  	_ =	shalt  }
0x46: {  	_ =	shalt  }
0x47: {  	_ =	shalt  }
0x48: {  	_ =	shalt  }
0x49: {  	_ =	shalt  }
0x4a: {  	_ =	shalt  }
0x4b: {  	_ =	shalt  }
0x4c: {  	_ =	shalt  }
0x4d: {  	_ =	shalt  }
0x4e: {  	_ =	shalt  }
0x4f: {  	_ =	shalt  }
0x50: {  	_ =	shalt  }
0x51: {  	_ =	shalt  }
0x52: {  	_ =	shalt  }
0x53: {  	_ =	shalt  }
0x54: {  	_ =	shalt  }
0x55: {  	_ =	shalt  }
0x56: {  	_ =	shalt  }
0x57: {  	_ =	shalt  }
0x58: {  	_ =	shalt  }
0x59: {  	_ =	shalt  }
0x5a: {  	_ =	shalt  }
0x5b: {  	_ =	shalt  }
0x5c: {  	_ =	shalt  }
0x5d: {  	_ =	shalt  }
0x5e: {  	_ =	shalt  }
0x5f: {  	_ =	shalt  }
0x60: {  	_ =	shalt  }
0x61: {  	_ =	shalt  }
0x62: {  	_ =	shalt  }
0x63: {  	_ =	shalt  }
0x64: {  	_ =	shalt  }
0x65: {  	_ =	shalt  }
0x66: {  	_ =	shalt  }
0x67: {  	_ =	shalt  }
0x68: {  	_ =	shalt  }
0x69: {  	_ =	shalt  }
0x6a: {  	_ =	shalt  }
0x6b: {  	_ =	shalt  }
0x6c: {  	_ =	shalt  }
0x6d: {  	_ =	shalt  }
0x6e: {  	_ =	shalt  }
0x6f: {  	_ =	shalt  }
0x70: {  	_ =	shalt  }
0x71: {  	_ =	shalt  }
0x72: {  	_ =	shalt  }
0x73: {  	_ =	shalt  }
0x74: {  	_ =	shalt  }
0x75: {  	_ =	shalt  }
0x76: {  	_ =	shalt  }
0x77: {  	_ =	shalt  }
0x78: {  	_ =	shalt  }
0x79: {  	_ =	shalt  }
0x7a: {  	_ =	shalt  }
0x7b: {  	_ =	shalt  }
0x7c: {  	_ =	shalt  }
0x7d: {  	_ =	shalt  }
0x7e: {  	_ =	shalt  }
0x7f: {  	_ =	shalt  }
0x80: {  	_ =	shalt  }
0x81: {  	_ =	shalt  }
0x82: {  	_ =	shalt  }
0x83: {  	_ =	shalt  }
0x84: {  	_ =	shalt  }
0x85: {  	_ =	shalt  }
0x86: {  	_ =	shalt  }
0x87: {  	_ =	shalt  }
.Lfunc_end0:
.L_simem_size_0:
called_computation.1_lowered:
.L_overlay_start_0:
0x88: {  	s2 =	sld [smem:$0x3FD9]  }
0x89: {  	s3 =	sld [smem:$0x3FFE];
	_ =	sdelay $0x1  }
0x8a: {  	s1 =	srdreg.scid  }
0x8b: {  	s0 =	sand.u32 $0x1, s1  }
0x8c: {  	s16 =	sshll.u32 s0, $0xA;
	s2 =	sadd.s32 s3, s2  }
0x8d: {  	s2 =	sadd.s32 s2, s16  }
0x8e: {  	[smem:$0x3FC6] =	sst s2  }
0x8f: {  	_ = 	snop  }
0x90: {  	(tm) =	ssettm $0x1  }
0x91: {  	s17 =	sld [smem:$0x3FFB];
	_ =	sdelay $0x3  }
0x92: {  	_ =	strace s17  }
0x93: {  	s2 =	sld [smem:$0x3FFC];
	_ =	sdelay $0x3  }
0x94: {  	_ =	strace s2  }
0x95: {  	s2 =	sld [smem:$0x3FFD];
	_ =	sdelay $0x3  }
0x96: {  	_ =	strace s2  }
0x97: {  	_ =	strace $0x8FFFFFFF  }
0x98: {  	s18 =	sld [smem:$0x3FDB];
	_ =	sdelay $0x1  }
0x99: {  	s19 =	simm.s32 $_scs_section_size  }
0x9a: {  	s4 =	simm.s32 $_size__tile_overlayer_lowered;
	s5 =	simm.s32 $_tile_overlayer_lowered  }
0x9b: {  	s22 =	simm.s32 $0x1BFF;
	s21 =	sshll.u32 s5, $0x1;
	s2 =	sadd.s32 s19, s18  }
0x9c: {  	s6 =	simm.s32 $0x0;
	s20 =	sshll.u32 s4, $0x1;
	s4 =	sadd.s32 s21, s2  }
0x9d: {  	[timem:s6], [sflag:s22] =	dma.local [hbm:s4], s20  }
0x9e: {  	_ =	swait.ge [sflag:s22], s20  }
0x9f: {  	s3 =	ssub.s32 $0x0, s20;
	[sflag:s22] =	ssyncset.done $0x0  }
0xa0: {  	[sflag:s22] =	ssyncadd.s32 s3;
	_ =	sdelay $0x1  }
0xa1: {  	s23 =	simm.s32 $0x1B8B  }
0xa2: {  	_ =	swait.ge [sflag:s23], $0x1  }
0xa3: {  	[sflag:s23] =	ssyncset.done $0x0  }
0xa4: {  	s25 =	simm.s32 $0x1B8E;
	s24 =	sld [smem:$0x3FFE];
	[sflag:s23] =	ssyncadd.s32 $0xFFFFFFFF  }
0xa5: {  	s26 =	simm.s32 $execute0_lowered;
	[smem:$0x3FD2] =	sst s25  }
0xa6: {  	s4 =	sshll.u32 s26, $0x1;
	_ =	strace $0x80000049;
	[dreg:$0x1] =	wrdreg $0xFFFFFFFF  }
0xa7: {  	s28 =	simm.s32 $_size_execute0_lowered;
	s2 =	sadd.s32 s2, s4;
	[dreg:$0x0] =	wrdreg $0x0  }
0xa8: {  	s4 =	sshll.u32 s28, $0x1;
	[dreg:$0x2] =	wrdreg s2  }
0xa9: {  	[dreg:$0x3] =	wrdreg s4  }
0xaa: {  	[dreg:$0x4] =	wrdreg $0xC0  }
0xab: {  	_ =	task [dreg:s6], $0x5FFFF  }
0xac: {  	[dreg:$0x1] =	wrdreg $0xFFFFFFFF  }
0xad: {  	[dreg:$0x0] =	wrdreg $0x60  }
0xae: {  	[dreg:$0x2] =	wrdreg s24  }
0xaf: {  	[dreg:$0x3] =	wrdreg $0x9  }
0xb0: {  	_ =	task.clear_ibuf [dreg:s6], $0x4FFFF;
	_ =	strace $0x90000049  }
0xb1: {  	s29 =	simm.s32 $0x9;
	_ =	strace $0x8000004B  }
0xb2: {  	_ =	swait.ge [sflag:s29], $0x1  }
0xb3: {  	[sflag:s29] =	ssyncadd.s32 $0xFFFFFFFF  }
0xb4: {  	_ =	strace $0x9000004B  }
0xb5: {  	_ =	sfence  }
0xb6: {  	s30 =	sld [smem:$0x0];
	_ =	sdelay $0x2  }
0xb7: {  	s31 =	sshll.u32 s1, $0xD;
	s1 =	sshrl.u32 s1, $0x2  }
0xb8: {  	s3 =	sand.u32 $0x4000, s31;
	s1 =	sadd.s32 s1, s30  }
0xb9: {  	s0 =	sor.u32 s3, s0;
	s1 =	sshll.u32 s1, $0x11  }
0xba: {  	s0 =	sor.u32 s1, s0  }
0xbb: {  	s0 =	sadd.s32 $0x8F2B, s0  }
0xbc: {  	[sflag:s0] =	ssyncadd.remote.s32 $0x1  }
0xbd: {  	_ =	sfence.sel $0xFFFF  }
0xbe: {  	[dreg:$0x0] =	wrdreg $0xFFFFFFFF;
	(pc) =	sbr.abs _section_cstart, $3  }
0xbf: {  	[dreg:$0x1] =	wrdreg $0xFFFFFFFF  }
0xc0: {  	_ =	task.clear_ibuf [dreg:s6], $0x2FFFF;
	_ =	strace $0x9FFFFFFF  }
0xc1: {  	(tm) =	ssettm $0x7FFFFFFF  }
tec
execute0_lowered:
.L_overlay_start_1:
0x0: {  	(tag) =	ssettag $0x1  }
0x1: {  	s7 =	rddreg [dreg:$0x0];
	s3 =	simm.s32 $0x0;
	s5 =	stileid.u32  }
0x2: {  	s0 =	srdreg.scid;
	s12 =	simm.s32 $0x10100;
	s13 =	simm.s32 $0x2  }
0x3: {  	s17 =	simm.s32 $0x1900;
	s18 =	simm.s32 $0x2100;
	s19 =	simm.s32 $0x2900  }
0x4: {  	s20 =	simm.s32 $0x3100;
	s21 =	simm.s32 $0x3900;
	s22 =	simm.s32 $0x4100  }
0x5: {  	s23 =	simm.s32 $0x4900;
	s24 =	simm.s32 $0x5100;
	s28 =	simm.s32 $0x6900  }
0x6: {  	s29 =	simm.s32 $0x7100;
	s30 =	simm.s32 $0x7900;
	s31 =	simm.s32 $0x8100  }
0x7: {  	[smem:$0x7FF] =	sst s3;
	s1 =	sshll.u32 s5, $0x5;
	s0 =	sand.u32 $0x1, s0  }
0x8: {  	s4 =	sadd.s32 $0xC0000, s7;
	s8 =	sadd.s32 $0x400, s7;
	s10 =	sadd.s32 $0x48800, s7  }
0x9: {  	_ =	strace $0x8000004A;
	s1 =	sand.u32 $0x60, s1;
	s2 =	sshll.u32 s0, $0x4  }
0xa: {  	s0 =	ssub.s32 $0x2, s0;
	s1 =	sadd.s32 s1, s7;
	s2 =	sor.u32 s5, s2  }
0xb: {  	s5 =	sshll.u32 s5, $0x7;
	s6 =	sshrl.u32 s0, $0x1;
	s9 =	sshll.u32 s2, $0xD  }
0xc: {  	s2 =	sshll.u32 s2, $0x5;
	s0 =	ssub.s32 s0, s6;
	s5 =	sor.u32 s5, s9  }
0xd: {  	s2 =	sand.u32 $0x380, s2;
	s6 =	sadd.s32 s8, s9;
	s26 =	sor.u32 $0x1000, s9  }
0xe: {  	s11 =	smax.u32 s0, $0x1;
	s5 =	sand.u32 $0x30380, s5;
	s1 =	sadd.s32 s2, s1  }
0xf: {  	s0 =	simm.s32 $0x1;
	s5 =	sshrl.u32 s5, $0x3;
	s1 =	sadd.s32 $0x48400, s1  }
0x10: {  	v2 =	vlaneseq.u32;
	s8 =	sadd.s32 s8, s26;
	s25 =	sadd.s32 s5, s7;
	[dreg:$0x2] =	wrdreg s1  }
0x11: {  	vm0 =	vmmov $0xffff;
	v3 =	vimm.f32 $1.000000000e+00;
	v1 =	vshrl.u32 v2, $0x3;
	s7 =	sadd.s32 s10, s9;
	s9 =	sadd.s32 s10, s26;
	s26 =	simm.s32 $0x6100  }
0x12: {  	v0 =	vand.u32 $0x7, v2;
	v2 =	vor.u32 $0x8, v2;
	v1 =	vmul.u32 $0x8, v1;
	s1 =	simm.s32 $0x0;
	s10 =	sadd.s32 $0x88800, s25;
	s25 =	simm.s32 $0x5900  }
.LBB2_1:
0x13: {  	s2 =	rddreg [dreg:$0x0]  }
0x14: {  	[tilespmem:s12], [sflag:$0x2] =	stream.linear.gather [hbm4b:s2+s3], $0x2000, $0x38;
	[tilespmem:$0x12100] =	vst v63  }
0x15: {  	_ =	swait.ge [sflag:s13], $0x2000  }
0x16: {  	[sflag:s13] =	ssyncset.done $0x0  }
0x17: {  	s16 =	rddreg [dreg:$0x2];
	[sflag:s13] =	ssyncadd.s32 $0xFFFFE000  }
0x18: {  	[tilespmem:s3], [sflag:$0x2] =	stream.linear.gather [hbm4b:s16+s3], $0x100, $0x38;
	[tilespmem:$0x12100] =	vst v63  }
0x19: {  	_ =	swait.ge [sflag:s13], $0x100  }
0x1a: {  	[sflag:s13] =	ssyncset.done $0x0  }
0x1b: {  	[sflag:s13] =	ssyncadd.s32 $0xFFFFFF00  }
0x1c: {  	v4 =	vld [tilespmem:$0x0];
	_ =	sdelay $0x4  }
0x1d: {  	v5 =	vshll.u32 v4, $0x1  }
0x1e: {  	v4 =	vand.u32 $0x7, v4;
	v5 =	vand.u32 $0xFFFFFFF0, v5  }
0x1f: {  	v4 =	vor.u32 v4, v5  }
0x20: {  	v5 =	vperm.xlane v4, v0;
	_ =	sdelay $0x1  }
0x21: {  	v4 =	vperm.xlane v4, v2;
	v5 =	vadd.s32 v1, v5;
	_ =	sdelay $0x1  }
0x22: {  	v4 =	vadd.s32 v1, v4;
	_ =	sdelay $0x1  }
0x23: {  	s5 =	simm.s32 $0x100  }
0x24: {  	[tilespmem:s5], [sflag:$0x1] =	stream.indirect_vreg.gather [hbm4b:s4+s3], $0x80, v5, vm0, $0xb8;
	[tilespmem:$0x12100] =	vst v63  }
0x25: {  	s14 =	simm.s32 $0x900  }
0x26: {  	[tilespmem:s14], [sflag:$0x1] =	stream.indirect_vreg.gather [hbm4b:s4+s3], $0x80, v4, vm0, $0xb8;
	[tilespmem:$0x12100] =	vst v63  }
0x27: {  	v4 =	vld [tilespmem:$0x10];
	_ =	sdelay $0x4  }
0x28: {  	v5 =	vshll.u32 v4, $0x1  }
0x29: {  	v4 =	vand.u32 $0x7, v4;
	v5 =	vand.u32 $0xFFFFFFF0, v5  }
0x2a: {  	v4 =	vor.u32 v4, v5  }
0x2b: {  	v5 =	vperm.xlane v4, v0;
	_ =	sdelay $0x1  }
0x2c: {  	v4 =	vperm.xlane v4, v2;
	v5 =	vadd.s32 v1, v5;
	_ =	sdelay $0x1  }
0x2d: {  	v4 =	vadd.s32 v1, v4;
	_ =	sdelay $0x1  }
0x2e: {  	s15 =	simm.s32 $0x1100  }
0x2f: {  	[tilespmem:s15], [sflag:$0x1] =	stream.indirect_vreg.gather [hbm4b:s4+s3], $0x80, v5, vm0, $0xb8;
	[tilespmem:$0x12100] =	vst v63  }
0x30: {  	_ = 	snop  }
0x31: {  	[tilespmem:s17], [sflag:$0x1] =	stream.indirect_vreg.gather [hbm4b:s4+s3], $0x80, v4, vm0, $0xb8;
	[tilespmem:$0x12100] =	vst v63  }
0x32: {  	v4 =	vld [tilespmem:$0x20];
	_ =	sdelay $0x4  }
0x33: {  	v5 =	vshll.u32 v4, $0x1  }
0x34: {  	v4 =	vand.u32 $0x7, v4;
	v5 =	vand.u32 $0xFFFFFFF0, v5  }
0x35: {  	v4 =	vor.u32 v4, v5  }
0x36: {  	v5 =	vperm.xlane v4, v0;
	_ =	sdelay $0x1  }
0x37: {  	v4 =	vperm.xlane v4, v2;
	v5 =	vadd.s32 v1, v5;
	_ =	sdelay $0x1  }
0x38: {  	v4 =	vadd.s32 v1, v4;
	_ =	sdelay $0x2  }
0x39: {  	[tilespmem:s18], [sflag:$0x1] =	stream.indirect_vreg.gather [hbm4b:s4+s3], $0x80, v5, vm0, $0xb8;
	[tilespmem:$0x12100] =	vst v63  }
0x3a: {  	_ = 	snop  }
0x3b: {  	[tilespmem:s19], [sflag:$0x1] =	stream.indirect_vreg.gather [hbm4b:s4+s3], $0x80, v4, vm0, $0xb8;
	[tilespmem:$0x12100] =	vst v63  }
0x3c: {  	v4 =	vld [tilespmem:$0x30];
	_ =	sdelay $0x4  }
0x3d: {  	v5 =	vshll.u32 v4, $0x1  }
0x3e: {  	v4 =	vand.u32 $0x7, v4;
	v5 =	vand.u32 $0xFFFFFFF0, v5  }
0x3f: {  	v4 =	vor.u32 v4, v5  }
0x40: {  	v5 =	vperm.xlane v4, v0;
	_ =	sdelay $0x1  }
0x41: {  	v4 =	vperm.xlane v4, v2;
	v5 =	vadd.s32 v1, v5;
	_ =	sdelay $0x1  }
0x42: {  	v4 =	vadd.s32 v1, v4;
	_ =	sdelay $0x2  }
0x43: {  	[tilespmem:s20], [sflag:$0x1] =	stream.indirect_vreg.gather [hbm4b:s4+s3], $0x80, v5, vm0, $0xb8;
	[tilespmem:$0x12100] =	vst v63  }
0x44: {  	_ = 	snop  }
0x45: {  	[tilespmem:s21], [sflag:$0x1] =	stream.indirect_vreg.gather [hbm4b:s4+s3], $0x80, v4, vm0, $0xb8;
	[tilespmem:$0x12100] =	vst v63  }
0x46: {  	v4 =	vld [tilespmem:$0x40];
	_ =	sdelay $0x4  }
0x47: {  	v5 =	vshll.u32 v4, $0x1  }
0x48: {  	v4 =	vand.u32 $0x7, v4;
	v5 =	vand.u32 $0xFFFFFFF0, v5  }
0x49: {  	v4 =	vor.u32 v4, v5  }
0x4a: {  	v5 =	vperm.xlane v4, v0;
	_ =	sdelay $0x1  }
0x4b: {  	v4 =	vperm.xlane v4, v2;
	v5 =	vadd.s32 v1, v5;
	_ =	sdelay $0x1  }
0x4c: {  	v4 =	vadd.s32 v1, v4;
	_ =	sdelay $0x2  }
0x4d: {  	[tilespmem:s22], [sflag:$0x1] =	stream.indirect_vreg.gather [hbm4b:s4+s3], $0x80, v5, vm0, $0xb8;
	[tilespmem:$0x12100] =	vst v63  }
0x4e: {  	_ = 	snop  }
0x4f: {  	[tilespmem:s23], [sflag:$0x1] =	stream.indirect_vreg.gather [hbm4b:s4+s3], $0x80, v4, vm0, $0xb8;
	[tilespmem:$0x12100] =	vst v63  }
0x50: {  	v4 =	vld [tilespmem:$0x50];
	_ =	sdelay $0x4  }
0x51: {  	v5 =	vshll.u32 v4, $0x1  }
0x52: {  	v4 =	vand.u32 $0x7, v4;
	v5 =	vand.u32 $0xFFFFFFF0, v5  }
0x53: {  	v4 =	vor.u32 v4, v5  }
0x54: {  	v5 =	vperm.xlane v4, v0;
	_ =	sdelay $0x1  }
0x55: {  	v4 =	vperm.xlane v4, v2;
	v5 =	vadd.s32 v1, v5;
	_ =	sdelay $0x1  }
0x56: {  	v4 =	vadd.s32 v1, v4;
	_ =	sdelay $0x2  }
0x57: {  	[tilespmem:s24], [sflag:$0x1] =	stream.indirect_vreg.gather [hbm4b:s4+s3], $0x80, v5, vm0, $0xb8;
	[tilespmem:$0x12100] =	vst v63  }
0x58: {  	_ = 	snop  }
0x59: {  	[tilespmem:s25], [sflag:$0x1] =	stream.indirect_vreg.gather [hbm4b:s4+s3], $0x80, v4, vm0, $0xb8;
	[tilespmem:$0x12100] =	vst v63  }
0x5a: {  	v4 =	vld [tilespmem:$0x60];
	_ =	sdelay $0x4  }
0x5b: {  	v5 =	vshll.u32 v4, $0x1  }
0x5c: {  	v4 =	vand.u32 $0x7, v4;
	v5 =	vand.u32 $0xFFFFFFF0, v5  }
0x5d: {  	v4 =	vor.u32 v4, v5  }
0x5e: {  	v5 =	vperm.xlane v4, v0;
	_ =	sdelay $0x1  }
0x5f: {  	v4 =	vperm.xlane v4, v2;
	v5 =	vadd.s32 v1, v5;
	_ =	sdelay $0x1  }
0x60: {  	v4 =	vadd.s32 v1, v4;
	_ =	sdelay $0x2  }
0x61: {  	[tilespmem:s26], [sflag:$0x1] =	stream.indirect_vreg.gather [hbm4b:s4+s3], $0x80, v5, vm0, $0xb8;
	[tilespmem:$0x12100] =	vst v63  }
0x62: {  	_ = 	snop  }
0x63: {  	[tilespmem:s28], [sflag:$0x1] =	stream.indirect_vreg.gather [hbm4b:s4+s3], $0x80, v4, vm0, $0xb8;
	[tilespmem:$0x12100] =	vst v63  }
0x64: {  	v4 =	vld [tilespmem:$0x70];
	_ =	sdelay $0x4  }
0x65: {  	v5 =	vshll.u32 v4, $0x1  }
0x66: {  	v4 =	vand.u32 $0x7, v4;
	v5 =	vand.u32 $0xFFFFFFF0, v5  }
0x67: {  	v4 =	vor.u32 v4, v5  }
0x68: {  	v5 =	vperm.xlane v4, v0;
	_ =	sdelay $0x1  }
0x69: {  	v4 =	vperm.xlane v4, v2;
	v5 =	vadd.s32 v1, v5;
	_ =	sdelay $0x1  }
0x6a: {  	v4 =	vadd.s32 v1, v4;
	_ =	sdelay $0x2  }
0x6b: {  	[tilespmem:s29], [sflag:$0x1] =	stream.indirect_vreg.gather [hbm4b:s4+s3], $0x80, v5, vm0, $0xb8;
	[tilespmem:$0x12100] =	vst v63  }
0x6c: {  	_ = 	snop  }
0x6d: {  	[tilespmem:s30], [sflag:$0x1] =	stream.indirect_vreg.gather [hbm4b:s4+s3], $0x80, v4, vm0, $0xb8;
	[tilespmem:$0x12100] =	vst v63  }
0x6e: {  	_ = 	snop  }
0x6f: {  	[tilespmem:s31], [sflag:$0x2] =	stream.linear.gather [hbm4b:s6+s3], $0x8000, $0x38;
	[tilespmem:$0x12100] =	vst v63  }
0x70: {  	_ =	swait.ge [sflag:s13], $0x8000  }
0x71: {  	[sflag:s13] =	ssyncset.done $0x0  }
0x72: {  	[sflag:s13] =	ssyncadd.s32 $0xFFFF8000  }
0x73: {  	_ =	swait.ge [sflag:s0], $0x8000  }
0x74: {  	s16 =	sand.u32 $0x7800, s3;
	s14 =	sand.u32 $0x380, s3;
	[sflag:s0] =	ssyncset.done $0x0  }
0x75: {  	s2 =	sor.u32 s14, s16;
	[sflag:s0] =	ssyncadd.s32 $0xFFFF8000  }
0x76: {  	v4 =	vld [tilespmem:s2+$0x100]  }
0x77: {  	v5 =	vld [tilespmem:s2+$0x110]  }
0x78: {  	v6 =	vld [tilespmem:s2+$0x120]  }
0x79: {  	v7 =	vld [tilespmem:s2+$0x130]  }
0x7a: {  	v8 =	vld [tilespmem:s2+$0x140]  }
0x7b: {  	v10 =	vld [tilespmem:s2+$0x160]  }
0x7c: {  	v12 =	vld [tilespmem:s2+$0x170]  }
0x7d: {  	v11 =	vld [tilespmem:s2+$0x8100]  }
0x7e: {  	v14 =	vld [tilespmem:s2+$0x8110]  }
0x7f: {  	v15 =	vld [tilespmem:s2+$0x8120]  }
0x80: {  	v16 =	vld [tilespmem:s2+$0x8130]  }
0x81: {  	v18 =	vld [tilespmem:s2+$0x8140]  }
0x82: {  	v23 =	vld [tilespmem:s2+$0x8160]  }
0x83: {  	v24 =	vld [tilespmem:s2+$0x8170]  }
0x84: {  	v9 =	vld [tilespmem:s2+$0x150]  }
0x85: {  	v13 =	vld [tilespmem:s2+$0x500];
	v17 =	vsub.f32 v4, v11  }
0x86: {  	v20 =	vld [tilespmem:s2+$0x510];
	v5 =	vsub.f32 v5, v14;
	v6 =	vsub.f32 v6, v15  }
0x87: {  	v21 =	vld [tilespmem:s2+$0x520];
	v7 =	vsub.f32 v7, v16;
	v8 =	vsub.f32 v8, v18  }
0x88: {  	v22 =	vld [tilespmem:s2+$0x8150];
	v10 =	vsub.f32 v10, v23;
	v27 =	vsub.f32 v12, v24  }
0x89: {  	v4 =	vld [tilespmem:s2+$0x530];
	v17 =	vadd.f32 v17, v11;
	v5 =	vadd.f32 v5, v14  }
0x8a: {  	v12 =	vld [tilespmem:s2+$0x8530];
	v7 =	vadd.f32 v7, v16;
	v8 =	vadd.f32 v8, v18  }
0x8b: {  	v17 =	vsub.f32 v11, v17;
	v11 =	vadd.f32 v6, v15;
	v6 =	vld [tilespmem:s2+$0x540]  }
0x8c: {  	v25 =	vsub.f32 v14, v5;
	v14 =	vld [tilespmem:s2+$0x8500];
	v19 =	vsub.f32 v18, v8  }
0x8d: {  	v8 =	vadd.f32 v10, v23;
	v26 =	vsub.f32 v15, v11;
	v11 =	vld [tilespmem:s2+$0x8510]  }
0x8e: {  	v15 =	vsub.f32 v16, v7;
	v7 =	vsub.f32 v9, v22;
	v9 =	vld [tilespmem:s2+$0x8520]  }
0x8f: {  	v5 =	vld [tilespmem:s2+$0x550];
	v10 =	vadd.f32 v27, v24  }
0x90: {  	[tilespmem:s2+$0x8100] =	vst v17;
	v17 =	vsub.f32 v23, v8;
	v8 =	vld [tilespmem:s2+$0x570];
	v16 =	vadd.f32 v7, v22  }
0x91: {  	v18 =	vsub.f32 v24, v10;
	v10 =	vld [tilespmem:s2+$0x8540];
	v13 =	vsub.f32 v13, v14  }
0x92: {  	[tilespmem:s2+$0x8110] =	vst v25;
	v7 =	vld [tilespmem:s2+$0x560];
	v16 =	vsub.f32 v22, v16;
	v22 =	vsub.f32 v20, v11  }
0x93: {  	s14 =	simm.s32 $0x80;
	s15 =	simm.s32 $0x100;
	[tilespmem:s2+$0x8120] =	vst v26;
	v20 =	vadd.f32 v13, v14;
	v21 =	vsub.f32 v21, v9;
	v13 =	vld [tilespmem:s2+$0x8550]  }
.LBB2_2:
0x94: {  	s5 =	sand.u32 $0x7800, s15;
	s16 =	sand.u32 $0x380, s14;
	p0 =	sne.s32 s15, $0x7F00;
	[tilespmem:s2+$0x8130] =	vst v15;
	v15 =	vadd.f32 v22, v11;
	v4 =	vsub.f32 v4, v12;
	v22 =	vld [tilespmem:s2+$0x8560]  }
0x95: {  	s5 =	sor.u32 s16, s5;
	[tilespmem:s2+$0x8140] =	vst v19;
	v14 =	vsub.f32 v14, v20;
	v19 =	vadd.f32 v21, v9;
	v20 =	vld [tilespmem:s2+$0x8570]  }
0x96: {  	v21 =	vld [tilespmem:s5+$0x100];
	[tilespmem:s2+$0x8150] =	vst v16;
	v11 =	vsub.f32 v11, v15;
	v4 =	vadd.f32 v4, v12  }
0x97: {  	v15 =	vld [tilespmem:s5+$0x110];
	[tilespmem:s2+$0x8160] =	vst v17;
	v9 =	vsub.f32 v9, v19;
	v6 =	vsub.f32 v6, v10  }
0x98: {  	v16 =	vld [tilespmem:s5+$0x120];
	[tilespmem:s2+$0x8170] =	vst v18;
	v4 =	vsub.f32 v12, v4;
	v5 =	vsub.f32 v5, v13  }
0x99: {  	v12 =	vld [tilespmem:s5+$0x130];
	[tilespmem:s2+$0x8500] =	vst v14;
	v6 =	vadd.f32 v6, v10;
	v7 =	vsub.f32 v7, v22  }
0x9a: {  	v14 =	vld [tilespmem:s5+$0x140];
	[tilespmem:s2+$0x8510] =	vst v11;
	v5 =	vadd.f32 v5, v13;
	v8 =	vsub.f32 v8, v20  }
0x9b: {  	v11 =	vld [tilespmem:s5+$0x150];
	[tilespmem:s2+$0x8520] =	vst v9;
	v6 =	vsub.f32 v10, v6;
	v7 =	vadd.f32 v7, v22  }
0x9c: {  	v9 =	vld [tilespmem:s5+$0x160];
	[tilespmem:s2+$0x8530] =	vst v4;
	v4 =	vsub.f32 v13, v5;
	v5 =	vadd.f32 v8, v20  }
0x9d: {  	v8 =	vld [tilespmem:s5+$0x170];
	[tilespmem:s2+$0x8540] =	vst v6;
	v6 =	vsub.f32 v22, v7  }
0x9e: {  	v10 =	vld [tilespmem:s5+$0x500];
	[tilespmem:s2+$0x8550] =	vst v4;
	v4 =	vsub.f32 v20, v5  }
0x9f: {  	v13 =	vld [tilespmem:s5+$0x510];
	[tilespmem:s2+$0x8560] =	vst v6  }
0xa0: {  	v5 =	vld [tilespmem:s5+$0x8100];
	[tilespmem:s2+$0x8570] =	vst v4;
	s2 =	smov.u32 s5  }
0xa1: {  	v6 =	vld [tilespmem:s2+$0x8110]  }
0xa2: {  	v7 =	vld [tilespmem:s2+$0x8120]  }
0xa3: {  	v17 =	vld [tilespmem:s2+$0x8130]  }
0xa4: {  	v23 =	vld [tilespmem:s2+$0x520]  }
0xa5: {  	v18 =	vsub.f32 v21, v5;
	v4 =	vld [tilespmem:s2+$0x530]  }
0xa6: {  	v15 =	vsub.f32 v15, v6;
	v19 =	vld [tilespmem:s2+$0x8140]  }
0xa7: {  	v18 =	vadd.f32 v18, v5;
	v16 =	vsub.f32 v16, v7;
	v20 =	vld [tilespmem:s2+$0x8150]  }
0xa8: {  	v15 =	vadd.f32 v15, v6;
	v12 =	vsub.f32 v12, v17;
	v21 =	vld [tilespmem:s2+$0x8160]  }
0xa9: {  	v18 =	vsub.f32 v5, v18;
	v5 =	vadd.f32 v16, v7;
	v22 =	vld [tilespmem:s2+$0x8170]  }
0xaa: {  	v24 =	vsub.f32 v6, v15;
	v12 =	vadd.f32 v12, v17;
	v6 =	vld [tilespmem:s2+$0x540]  }
0xab: {  	v25 =	vsub.f32 v7, v5;
	v7 =	vsub.f32 v14, v19;
	v5 =	vld [tilespmem:s2+$0x550]  }
0xac: {  	v15 =	vsub.f32 v17, v12;
	v12 =	vsub.f32 v11, v20;
	v14 =	vld [tilespmem:s2+$0x8500]  }
0xad: {  	v7 =	vadd.f32 v7, v19;
	v16 =	vsub.f32 v9, v21;
	v11 =	vld [tilespmem:s2+$0x8510]  }
0xae: {  	v17 =	vadd.f32 v12, v20;
	v8 =	vsub.f32 v8, v22;
	v9 =	vld [tilespmem:s2+$0x8520]  }
.Ltmp0:
0xaf: {  	v19 =	vsub.f32 v19, v7;
	v26 =	vadd.f32 v16, v21;
	v12 =	vld [tilespmem:s2+$0x8530];
	(pc) =	sbr.rel @p0 .LBB2_2-.Ltmp0, $4  }
0xb0: {  	v16 =	vsub.f32 v20, v17;
	v20 =	vadd.f32 v8, v22;
	v7 =	vld [tilespmem:s2+$0x560]  }
0xb1: {  	[tilespmem:s2+$0x8100] =	vst v18;
	v17 =	vsub.f32 v21, v26;
	v21 =	vsub.f32 v10, v14;
	v8 =	vld [tilespmem:s2+$0x570]  }
0xb2: {  	[tilespmem:s2+$0x8110] =	vst v24;
	v18 =	vsub.f32 v22, v20;
	v22 =	vsub.f32 v13, v11;
	v10 =	vld [tilespmem:s2+$0x8540]  }
0xb3: {  	s14 =	sadd.s32 $0x80, s14;
	s15 =	sadd.s32 $0x100, s15;
	[tilespmem:s2+$0x8120] =	vst v25;
	v20 =	vadd.f32 v21, v14;
	v21 =	vsub.f32 v23, v9;
	v13 =	vld [tilespmem:s2+$0x8550]  }
0xb4: {  	[tilespmem:s2+$0x8130] =	vst v15;
	v15 =	vadd.f32 v22, v11;
	v4 =	vsub.f32 v4, v12;
	v22 =	vld [tilespmem:s2+$0x8560]  }
0xb5: {  	[tilespmem:s2+$0x8140] =	vst v19;
	v14 =	vsub.f32 v14, v20;
	v19 =	vadd.f32 v21, v9;
	v20 =	vld [tilespmem:s2+$0x8570]  }
0xb6: {  	[tilespmem:s2+$0x8150] =	vst v16;
	v11 =	vsub.f32 v11, v15;
	v4 =	vadd.f32 v4, v12  }
0xb7: {  	[tilespmem:s2+$0x8160] =	vst v17;
	v9 =	vsub.f32 v9, v19;
	v6 =	vsub.f32 v6, v10  }
0xb8: {  	[tilespmem:s2+$0x8170] =	vst v18;
	v4 =	vsub.f32 v12, v4;
	v5 =	vsub.f32 v5, v13  }
0xb9: {  	[tilespmem:s2+$0x8500] =	vst v14;
	v6 =	vadd.f32 v6, v10;
	v7 =	vsub.f32 v7, v22  }
0xba: {  	[tilespmem:s2+$0x8510] =	vst v11;
	v5 =	vadd.f32 v5, v13;
	v8 =	vsub.f32 v8, v20  }
0xbb: {  	[tilespmem:s2+$0x8520] =	vst v9;
	v6 =	vsub.f32 v10, v6;
	v7 =	vadd.f32 v7, v22  }
0xbc: {  	[tilespmem:s2+$0x8530] =	vst v4;
	v4 =	vsub.f32 v13, v5;
	v5 =	vadd.f32 v8, v20  }
0xbd: {  	[tilespmem:s2+$0x8540] =	vst v6;
	v6 =	vsub.f32 v22, v7  }
0xbe: {  	[tilespmem:s2+$0x8550] =	vst v4;
	v4 =	vsub.f32 v20, v5  }
0xbf: {  	[tilespmem:s2+$0x8560] =	vst v6  }
0xc0: {  	[tilespmem:s2+$0x8570] =	vst v4;
	s2 =	simm.s32 $0x0  }
0xc1: {  	[hbm4b:s7+s2] =	stream.linear.scatter [tilespmem:s31], [sflag:$0x2], $0x8000, $0x38;
	[tilespmem:$0x12100] =	vst v63  }
0xc2: {  	_ =	swait.ge [sflag:s13], $0x8000  }
0xc3: {  	[sflag:s13] =	ssyncset.done $0x0  }
0xc4: {  	[sflag:s13] =	ssyncadd.s32 $0xFFFF8000  }
0xc5: {  	v4 =	vld [tilespmem:$0x0];
	_ =	sdelay $0x7  }
0xc6: {  	[tilespmem:v4+s12+$0x0] =	vst.idx.msk $0xffff, v3  }
0xc7: {  	v4 =	vld [tilespmem:$0x10];
	_ =	sdelay $0x7  }
0xc8: {  	[tilespmem:v4+s12+$0x0] =	vst.idx.msk $0xffff, v3  }
0xc9: {  	v4 =	vld [tilespmem:$0x20];
	_ =	sdelay $0x7  }
0xca: {  	[tilespmem:v4+s12+$0x0] =	vst.idx.msk $0xffff, v3  }
0xcb: {  	v4 =	vld [tilespmem:$0x30];
	_ =	sdelay $0x7  }
0xcc: {  	[tilespmem:v4+s12+$0x0] =	vst.idx.msk $0xffff, v3  }
0xcd: {  	v4 =	vld [tilespmem:$0x40];
	_ =	sdelay $0x7  }
0xce: {  	[tilespmem:v4+s12+$0x0] =	vst.idx.msk $0xffff, v3  }
0xcf: {  	v4 =	vld [tilespmem:$0x50];
	_ =	sdelay $0x7  }
0xd0: {  	[tilespmem:v4+s12+$0x0] =	vst.idx.msk $0xffff, v3  }
0xd1: {  	v4 =	vld [tilespmem:$0x60];
	_ =	sdelay $0x7  }
0xd2: {  	[tilespmem:v4+s12+$0x0] =	vst.idx.msk $0xffff, v3  }
0xd3: {  	v4 =	vld [tilespmem:$0x70];
	_ =	sdelay $0x7  }
0xd4: {  	[tilespmem:v4+s12+$0x0] =	vst.idx.msk $0xffff, v3  }
0xd5: {  	v4 =	vld [tilespmem:$0x80];
	_ =	sdelay $0x4  }
0xd6: {  	v5 =	vshll.u32 v4, $0x1  }
0xd7: {  	v4 =	vand.u32 $0x7, v4;
	v5 =	vand.u32 $0xFFFFFFF0, v5  }
0xd8: {  	v4 =	vor.u32 v4, v5  }
0xd9: {  	v5 =	vperm.xlane v4, v0;
	_ =	sdelay $0x1  }
0xda: {  	v4 =	vperm.xlane v4, v2;
	v5 =	vadd.s32 v1, v5;
	_ =	sdelay $0x1  }
0xdb: {  	v4 =	vadd.s32 v1, v4;
	_ =	sdelay $0x1  }
0xdc: {  	s5 =	simm.s32 $0x100  }
0xdd: {  	[tilespmem:s5], [sflag:$0x1] =	stream.indirect_vreg.gather [hbm4b:s4+s2], $0x80, v5, vm0, $0xb8;
	[tilespmem:$0x12100] =	vst v63  }
0xde: {  	s14 =	simm.s32 $0x900  }
0xdf: {  	[tilespmem:s14], [sflag:$0x1] =	stream.indirect_vreg.gather [hbm4b:s4+s2], $0x80, v4, vm0, $0xb8;
	[tilespmem:$0x12100] =	vst v63  }
0xe0: {  	v4 =	vld [tilespmem:$0x90];
	_ =	sdelay $0x4  }
0xe1: {  	v5 =	vshll.u32 v4, $0x1  }
0xe2: {  	v4 =	vand.u32 $0x7, v4;
	v5 =	vand.u32 $0xFFFFFFF0, v5  }
0xe3: {  	v4 =	vor.u32 v4, v5  }
0xe4: {  	v5 =	vperm.xlane v4, v0;
	_ =	sdelay $0x1  }
0xe5: {  	v4 =	vperm.xlane v4, v2;
	v5 =	vadd.s32 v1, v5;
	_ =	sdelay $0x1  }
0xe6: {  	v4 =	vadd.s32 v1, v4;
	_ =	sdelay $0x1  }
0xe7: {  	s15 =	simm.s32 $0x1100  }
0xe8: {  	[tilespmem:s15], [sflag:$0x1] =	stream.indirect_vreg.gather [hbm4b:s4+s2], $0x80, v5, vm0, $0xb8;
	[tilespmem:$0x12100] =	vst v63  }
0xe9: {  	_ = 	snop  }
0xea: {  	[tilespmem:s17], [sflag:$0x1] =	stream.indirect_vreg.gather [hbm4b:s4+s2], $0x80, v4, vm0, $0xb8;
	[tilespmem:$0x12100] =	vst v63  }
0xeb: {  	v4 =	vld [tilespmem:$0xA0];
	_ =	sdelay $0x4  }
0xec: {  	v5 =	vshll.u32 v4, $0x1  }
0xed: {  	v4 =	vand.u32 $0x7, v4;
	v5 =	vand.u32 $0xFFFFFFF0, v5  }
0xee: {  	v4 =	vor.u32 v4, v5  }
0xef: {  	v5 =	vperm.xlane v4, v0;
	_ =	sdelay $0x1  }
0xf0: {  	v4 =	vperm.xlane v4, v2;
	v5 =	vadd.s32 v1, v5;
	_ =	sdelay $0x1  }
0xf1: {  	v4 =	vadd.s32 v1, v4;
	_ =	sdelay $0x2  }
0xf2: {  	[tilespmem:s18], [sflag:$0x1] =	stream.indirect_vreg.gather [hbm4b:s4+s2], $0x80, v5, vm0, $0xb8;
	[tilespmem:$0x12100] =	vst v63  }
0xf3: {  	_ = 	snop  }
0xf4: {  	[tilespmem:s19], [sflag:$0x1] =	stream.indirect_vreg.gather [hbm4b:s4+s2], $0x80, v4, vm0, $0xb8;
	[tilespmem:$0x12100] =	vst v63  }
0xf5: {  	v4 =	vld [tilespmem:$0xB0];
	_ =	sdelay $0x4  }
0xf6: {  	v5 =	vshll.u32 v4, $0x1  }
0xf7: {  	v4 =	vand.u32 $0x7, v4;
	v5 =	vand.u32 $0xFFFFFFF0, v5  }
0xf8: {  	v4 =	vor.u32 v4, v5  }
0xf9: {  	v5 =	vperm.xlane v4, v0;
	_ =	sdelay $0x1  }
0xfa: {  	v4 =	vperm.xlane v4, v2;
	v5 =	vadd.s32 v1, v5;
	_ =	sdelay $0x1  }
0xfb: {  	v4 =	vadd.s32 v1, v4;
	_ =	sdelay $0x2  }
0xfc: {  	[tilespmem:s20], [sflag:$0x1] =	stream.indirect_vreg.gather [hbm4b:s4+s2], $0x80, v5, vm0, $0xb8;
	[tilespmem:$0x12100] =	vst v63  }
0xfd: {  	_ = 	snop  }
0xfe: {  	[tilespmem:s21], [sflag:$0x1] =	stream.indirect_vreg.gather [hbm4b:s4+s2], $0x80, v4, vm0, $0xb8;
	[tilespmem:$0x12100] =	vst v63  }
0xff: {  	v4 =	vld [tilespmem:$0xC0];
	_ =	sdelay $0x4  }
0x100: {  	v5 =	vshll.u32 v4, $0x1  }
0x101: {  	v4 =	vand.u32 $0x7, v4;
	v5 =	vand.u32 $0xFFFFFFF0, v5  }
0x102: {  	v4 =	vor.u32 v4, v5  }
0x103: {  	v5 =	vperm.xlane v4, v0;
	_ =	sdelay $0x1  }
0x104: {  	v4 =	vperm.xlane v4, v2;
	v5 =	vadd.s32 v1, v5;
	_ =	sdelay $0x1  }
0x105: {  	v4 =	vadd.s32 v1, v4;
	_ =	sdelay $0x2  }
0x106: {  	[tilespmem:s22], [sflag:$0x1] =	stream.indirect_vreg.gather [hbm4b:s4+s2], $0x80, v5, vm0, $0xb8;
	[tilespmem:$0x12100] =	vst v63  }
0x107: {  	_ = 	snop  }
0x108: {  	[tilespmem:s23], [sflag:$0x1] =	stream.indirect_vreg.gather [hbm4b:s4+s2], $0x80, v4, vm0, $0xb8;
	[tilespmem:$0x12100] =	vst v63  }
0x109: {  	v4 =	vld [tilespmem:$0xD0];
	_ =	sdelay $0x4  }
0x10a: {  	v5 =	vshll.u32 v4, $0x1  }
0x10b: {  	v4 =	vand.u32 $0x7, v4;
	v5 =	vand.u32 $0xFFFFFFF0, v5  }
0x10c: {  	v4 =	vor.u32 v4, v5  }
0x10d: {  	v5 =	vperm.xlane v4, v0;
	_ =	sdelay $0x1  }
0x10e: {  	v4 =	vperm.xlane v4, v2;
	v5 =	vadd.s32 v1, v5;
	_ =	sdelay $0x1  }
0x10f: {  	v4 =	vadd.s32 v1, v4;
	_ =	sdelay $0x2  }
0x110: {  	[tilespmem:s24], [sflag:$0x1] =	stream.indirect_vreg.gather [hbm4b:s4+s2], $0x80, v5, vm0, $0xb8;
	[tilespmem:$0x12100] =	vst v63  }
0x111: {  	_ = 	snop  }
0x112: {  	[tilespmem:s25], [sflag:$0x1] =	stream.indirect_vreg.gather [hbm4b:s4+s2], $0x80, v4, vm0, $0xb8;
	[tilespmem:$0x12100] =	vst v63  }
0x113: {  	v4 =	vld [tilespmem:$0xE0];
	_ =	sdelay $0x4  }
0x114: {  	v5 =	vshll.u32 v4, $0x1  }
0x115: {  	v4 =	vand.u32 $0x7, v4;
	v5 =	vand.u32 $0xFFFFFFF0, v5  }
0x116: {  	v4 =	vor.u32 v4, v5  }
0x117: {  	v5 =	vperm.xlane v4, v0;
	_ =	sdelay $0x1  }
0x118: {  	v4 =	vperm.xlane v4, v2;
	v5 =	vadd.s32 v1, v5;
	_ =	sdelay $0x1  }
0x119: {  	v4 =	vadd.s32 v1, v4;
	_ =	sdelay $0x2  }
0x11a: {  	[tilespmem:s26], [sflag:$0x1] =	stream.indirect_vreg.gather [hbm4b:s4+s2], $0x80, v5, vm0, $0xb8;
	[tilespmem:$0x12100] =	vst v63  }
0x11b: {  	_ = 	snop  }
0x11c: {  	[tilespmem:s28], [sflag:$0x1] =	stream.indirect_vreg.gather [hbm4b:s4+s2], $0x80, v4, vm0, $0xb8;
	[tilespmem:$0x12100] =	vst v63  }
0x11d: {  	v4 =	vld [tilespmem:$0xF0];
	_ =	sdelay $0x4  }
0x11e: {  	v5 =	vshll.u32 v4, $0x1  }
0x11f: {  	v4 =	vand.u32 $0x7, v4;
	v5 =	vand.u32 $0xFFFFFFF0, v5  }
0x120: {  	v4 =	vor.u32 v4, v5  }
0x121: {  	v5 =	vperm.xlane v4, v0;
	_ =	sdelay $0x1  }
0x122: {  	v4 =	vperm.xlane v4, v2;
	v5 =	vadd.s32 v1, v5;
	_ =	sdelay $0x1  }
0x123: {  	v4 =	vadd.s32 v1, v4;
	_ =	sdelay $0x2  }
0x124: {  	[tilespmem:s29], [sflag:$0x1] =	stream.indirect_vreg.gather [hbm4b:s4+s2], $0x80, v5, vm0, $0xb8;
	[tilespmem:$0x12100] =	vst v63  }
0x125: {  	_ = 	snop  }
0x126: {  	[tilespmem:s30], [sflag:$0x1] =	stream.indirect_vreg.gather [hbm4b:s4+s2], $0x80, v4, vm0, $0xb8;
	[tilespmem:$0x12100] =	vst v63  }
0x127: {  	_ = 	snop  }
0x128: {  	[tilespmem:s31], [sflag:$0x2] =	stream.linear.gather [hbm4b:s8+s2], $0x8000, $0x38;
	[tilespmem:$0x12100] =	vst v63  }
0x129: {  	_ =	swait.ge [sflag:s13], $0x8000  }
0x12a: {  	[sflag:s13] =	ssyncset.done $0x0  }
0x12b: {  	[sflag:s13] =	ssyncadd.s32 $0xFFFF8000  }
0x12c: {  	_ =	swait.ge [sflag:s0], $0x8000  }
0x12d: {  	s16 =	sand.u32 $0x7800, s2;
	s2 =	sand.u32 $0x380, s2;
	[sflag:s0] =	ssyncset.done $0x0  }
0x12e: {  	s2 =	sor.u32 s2, s16;
	[sflag:s0] =	ssyncadd.s32 $0xFFFF8000  }
0x12f: {  	v4 =	vld [tilespmem:s2+$0x100]  }
0x130: {  	v5 =	vld [tilespmem:s2+$0x110]  }
0x131: {  	v6 =	vld [tilespmem:s2+$0x120]  }
0x132: {  	v7 =	vld [tilespmem:s2+$0x130]  }
0x133: {  	v8 =	vld [tilespmem:s2+$0x140]  }
0x134: {  	v10 =	vld [tilespmem:s2+$0x160]  }
0x135: {  	v12 =	vld [tilespmem:s2+$0x170]  }
0x136: {  	v11 =	vld [tilespmem:s2+$0x8100]  }
0x137: {  	v14 =	vld [tilespmem:s2+$0x8110]  }
0x138: {  	v15 =	vld [tilespmem:s2+$0x8120]  }
0x139: {  	v16 =	vld [tilespmem:s2+$0x8130]  }
0x13a: {  	v18 =	vld [tilespmem:s2+$0x8140]  }
0x13b: {  	v23 =	vld [tilespmem:s2+$0x8160]  }
0x13c: {  	v24 =	vld [tilespmem:s2+$0x8170]  }
0x13d: {  	v9 =	vld [tilespmem:s2+$0x150]  }
0x13e: {  	v13 =	vld [tilespmem:s2+$0x500];
	v17 =	vsub.f32 v4, v11  }
0x13f: {  	v20 =	vld [tilespmem:s2+$0x510];
	v5 =	vsub.f32 v5, v14;
	v6 =	vsub.f32 v6, v15  }
0x140: {  	v21 =	vld [tilespmem:s2+$0x520];
	v7 =	vsub.f32 v7, v16;
	v8 =	vsub.f32 v8, v18  }
0x141: {  	v22 =	vld [tilespmem:s2+$0x8150];
	v10 =	vsub.f32 v10, v23;
	v27 =	vsub.f32 v12, v24  }
0x142: {  	v4 =	vld [tilespmem:s2+$0x530];
	v17 =	vadd.f32 v17, v11;
	v5 =	vadd.f32 v5, v14  }
0x143: {  	v12 =	vld [tilespmem:s2+$0x8530];
	v7 =	vadd.f32 v7, v16;
	v8 =	vadd.f32 v8, v18  }
0x144: {  	v17 =	vsub.f32 v11, v17;
	v11 =	vadd.f32 v6, v15;
	v6 =	vld [tilespmem:s2+$0x540]  }
0x145: {  	v25 =	vsub.f32 v14, v5;
	v14 =	vld [tilespmem:s2+$0x8500];
	v19 =	vsub.f32 v18, v8  }
0x146: {  	v8 =	vadd.f32 v10, v23;
	v26 =	vsub.f32 v15, v11;
	v11 =	vld [tilespmem:s2+$0x8510]  }
0x147: {  	v15 =	vsub.f32 v16, v7;
	v7 =	vsub.f32 v9, v22;
	v9 =	vld [tilespmem:s2+$0x8520]  }
0x148: {  	v5 =	vld [tilespmem:s2+$0x550];
	v10 =	vadd.f32 v27, v24  }
0x149: {  	[tilespmem:s2+$0x8100] =	vst v17;
	v17 =	vsub.f32 v23, v8;
	v8 =	vld [tilespmem:s2+$0x570];
	v16 =	vadd.f32 v7, v22  }
0x14a: {  	v18 =	vsub.f32 v24, v10;
	v10 =	vld [tilespmem:s2+$0x8540];
	v13 =	vsub.f32 v13, v14  }
0x14b: {  	[tilespmem:s2+$0x8110] =	vst v25;
	v7 =	vld [tilespmem:s2+$0x560];
	v16 =	vsub.f32 v22, v16;
	v22 =	vsub.f32 v20, v11  }
0x14c: {  	s14 =	simm.s32 $0x80;
	s15 =	simm.s32 $0x100;
	[tilespmem:s2+$0x8120] =	vst v26;
	v20 =	vadd.f32 v13, v14;
	v21 =	vsub.f32 v21, v9;
	v13 =	vld [tilespmem:s2+$0x8550]  }
.LBB2_4:
0x14d: {  	s5 =	sand.u32 $0x7800, s15;
	s16 =	sand.u32 $0x380, s14;
	p0 =	sne.s32 s15, $0x7F00;
	[tilespmem:s2+$0x8130] =	vst v15;
	v15 =	vadd.f32 v22, v11;
	v4 =	vsub.f32 v4, v12;
	v22 =	vld [tilespmem:s2+$0x8560]  }
0x14e: {  	s5 =	sor.u32 s16, s5;
	[tilespmem:s2+$0x8140] =	vst v19;
	v14 =	vsub.f32 v14, v20;
	v19 =	vadd.f32 v21, v9;
	v20 =	vld [tilespmem:s2+$0x8570]  }
0x14f: {  	v21 =	vld [tilespmem:s5+$0x100];
	[tilespmem:s2+$0x8150] =	vst v16;
	v11 =	vsub.f32 v11, v15;
	v4 =	vadd.f32 v4, v12  }
0x150: {  	v15 =	vld [tilespmem:s5+$0x110];
	[tilespmem:s2+$0x8160] =	vst v17;
	v9 =	vsub.f32 v9, v19;
	v6 =	vsub.f32 v6, v10  }
0x151: {  	v16 =	vld [tilespmem:s5+$0x120];
	[tilespmem:s2+$0x8170] =	vst v18;
	v4 =	vsub.f32 v12, v4;
	v5 =	vsub.f32 v5, v13  }
0x152: {  	v12 =	vld [tilespmem:s5+$0x130];
	[tilespmem:s2+$0x8500] =	vst v14;
	v6 =	vadd.f32 v6, v10;
	v7 =	vsub.f32 v7, v22  }
0x153: {  	v14 =	vld [tilespmem:s5+$0x140];
	[tilespmem:s2+$0x8510] =	vst v11;
	v5 =	vadd.f32 v5, v13;
	v8 =	vsub.f32 v8, v20  }
0x154: {  	v11 =	vld [tilespmem:s5+$0x150];
	[tilespmem:s2+$0x8520] =	vst v9;
	v6 =	vsub.f32 v10, v6;
	v7 =	vadd.f32 v7, v22  }
0x155: {  	v9 =	vld [tilespmem:s5+$0x160];
	[tilespmem:s2+$0x8530] =	vst v4;
	v4 =	vsub.f32 v13, v5;
	v5 =	vadd.f32 v8, v20  }
0x156: {  	v8 =	vld [tilespmem:s5+$0x170];
	[tilespmem:s2+$0x8540] =	vst v6;
	v6 =	vsub.f32 v22, v7  }
0x157: {  	v10 =	vld [tilespmem:s5+$0x500];
	[tilespmem:s2+$0x8550] =	vst v4;
	v4 =	vsub.f32 v20, v5  }
0x158: {  	v13 =	vld [tilespmem:s5+$0x510];
	[tilespmem:s2+$0x8560] =	vst v6  }
0x159: {  	v5 =	vld [tilespmem:s5+$0x8100];
	[tilespmem:s2+$0x8570] =	vst v4;
	s2 =	smov.u32 s5  }
0x15a: {  	v6 =	vld [tilespmem:s2+$0x8110]  }
0x15b: {  	v7 =	vld [tilespmem:s2+$0x8120]  }
0x15c: {  	v17 =	vld [tilespmem:s2+$0x8130]  }
0x15d: {  	v23 =	vld [tilespmem:s2+$0x520]  }
0x15e: {  	v18 =	vsub.f32 v21, v5;
	v4 =	vld [tilespmem:s2+$0x530]  }
0x15f: {  	v15 =	vsub.f32 v15, v6;
	v19 =	vld [tilespmem:s2+$0x8140]  }
0x160: {  	v18 =	vadd.f32 v18, v5;
	v16 =	vsub.f32 v16, v7;
	v20 =	vld [tilespmem:s2+$0x8150]  }
0x161: {  	v15 =	vadd.f32 v15, v6;
	v12 =	vsub.f32 v12, v17;
	v21 =	vld [tilespmem:s2+$0x8160]  }
0x162: {  	v18 =	vsub.f32 v5, v18;
	v5 =	vadd.f32 v16, v7;
	v22 =	vld [tilespmem:s2+$0x8170]  }
0x163: {  	v24 =	vsub.f32 v6, v15;
	v12 =	vadd.f32 v12, v17;
	v6 =	vld [tilespmem:s2+$0x540]  }
0x164: {  	v25 =	vsub.f32 v7, v5;
	v7 =	vsub.f32 v14, v19;
	v5 =	vld [tilespmem:s2+$0x550]  }
0x165: {  	v15 =	vsub.f32 v17, v12;
	v12 =	vsub.f32 v11, v20;
	v14 =	vld [tilespmem:s2+$0x8500]  }
0x166: {  	v7 =	vadd.f32 v7, v19;
	v16 =	vsub.f32 v9, v21;
	v11 =	vld [tilespmem:s2+$0x8510]  }
0x167: {  	v17 =	vadd.f32 v12, v20;
	v8 =	vsub.f32 v8, v22;
	v9 =	vld [tilespmem:s2+$0x8520]  }
.Ltmp1:
0x168: {  	v19 =	vsub.f32 v19, v7;
	v26 =	vadd.f32 v16, v21;
	v12 =	vld [tilespmem:s2+$0x8530];
	(pc) =	sbr.rel @p0 .LBB2_4-.Ltmp1, $4  }
0x169: {  	v16 =	vsub.f32 v20, v17;
	v20 =	vadd.f32 v8, v22;
	v7 =	vld [tilespmem:s2+$0x560]  }
0x16a: {  	[tilespmem:s2+$0x8100] =	vst v18;
	v17 =	vsub.f32 v21, v26;
	v21 =	vsub.f32 v10, v14;
	v8 =	vld [tilespmem:s2+$0x570]  }
0x16b: {  	[tilespmem:s2+$0x8110] =	vst v24;
	v18 =	vsub.f32 v22, v20;
	v22 =	vsub.f32 v13, v11;
	v10 =	vld [tilespmem:s2+$0x8540]  }
0x16c: {  	s14 =	sadd.s32 $0x80, s14;
	s15 =	sadd.s32 $0x100, s15;
	[tilespmem:s2+$0x8120] =	vst v25;
	v20 =	vadd.f32 v21, v14;
	v21 =	vsub.f32 v23, v9;
	v13 =	vld [tilespmem:s2+$0x8550]  }
0x16d: {  	[tilespmem:s2+$0x8130] =	vst v15;
	v59 =	vadd.f32 v22, v11;
	v4 =	vsub.f32 v4, v12;
	v60 =	vld [tilespmem:s2+$0x8560]  }
0x16e: {  	[tilespmem:s2+$0x8140] =	vst v19;
	v62 =	vld [tilespmem:s2+$0x8570];
	v14 =	vsub.f32 v14, v20;
	v61 =	vadd.f32 v21, v9  }
0x16f: {  	[tilespmem:s2+$0x8150] =	vst v16;
	v11 =	vsub.f32 v11, v59;
	v4 =	vadd.f32 v4, v12  }
0x170: {  	[tilespmem:s2+$0x8160] =	vst v17;
	v9 =	vsub.f32 v9, v61;
	v6 =	vsub.f32 v6, v10  }
0x171: {  	[tilespmem:s2+$0x8170] =	vst v18;
	v4 =	vsub.f32 v12, v4;
	v5 =	vsub.f32 v5, v13  }
0x172: {  	[tilespmem:s2+$0x8500] =	vst v14;
	v6 =	vadd.f32 v6, v10;
	v7 =	vsub.f32 v7, v60  }
0x173: {  	[tilespmem:s2+$0x8510] =	vst v11;
	v8 =	vsub.f32 v8, v62;
	v5 =	vadd.f32 v5, v13  }
0x174: {  	[tilespmem:s2+$0x8520] =	vst v9;
	v6 =	vsub.f32 v10, v6;
	v7 =	vadd.f32 v7, v60  }
0x175: {  	[tilespmem:s2+$0x8530] =	vst v4;
	v4 =	vsub.f32 v13, v5;
	v5 =	vadd.f32 v8, v62  }
0x176: {  	[tilespmem:s2+$0x8540] =	vst v6;
	v63 =	vsub.f32 v60, v7  }
0x177: {  	[tilespmem:s2+$0x8550] =	vst v4;
	v4 =	vsub.f32 v62, v5  }
0x178: {  	[tilespmem:s2+$0x8560] =	vst v63  }
0x179: {  	[tilespmem:s2+$0x8570] =	vst v4  }
0x17a: {  	[hbm4b:s9+s3] =	stream.linear.scatter [tilespmem:s31], [sflag:$0x2], $0x8000, $0x38;
	[tilespmem:$0x12100] =	vst v63  }
0x17b: {  	_ =	swait.ge [sflag:s13], $0x8000  }
0x17c: {  	[sflag:s13] =	ssyncset.done $0x0  }
0x17d: {  	[sflag:s13] =	ssyncadd.s32 $0xFFFF8000  }
0x17e: {  	v4 =	vld [tilespmem:$0x80];
	_ =	sdelay $0x7  }
0x17f: {  	[tilespmem:v4+s12+$0x0] =	vst.idx.msk $0xffff, v3  }
0x180: {  	v4 =	vld [tilespmem:$0x90];
	_ =	sdelay $0x7  }
0x181: {  	[tilespmem:v4+s12+$0x0] =	vst.idx.msk $0xffff, v3  }
0x182: {  	v4 =	vld [tilespmem:$0xA0];
	_ =	sdelay $0x7  }
0x183: {  	[tilespmem:v4+s12+$0x0] =	vst.idx.msk $0xffff, v3  }
0x184: {  	v4 =	vld [tilespmem:$0xB0];
	_ =	sdelay $0x7  }
0x185: {  	[tilespmem:v4+s12+$0x0] =	vst.idx.msk $0xffff, v3  }
0x186: {  	v4 =	vld [tilespmem:$0xC0];
	_ =	sdelay $0x7  }
0x187: {  	[tilespmem:v4+s12+$0x0] =	vst.idx.msk $0xffff, v3  }
0x188: {  	v4 =	vld [tilespmem:$0xD0];
	_ =	sdelay $0x7  }
0x189: {  	[tilespmem:v4+s12+$0x0] =	vst.idx.msk $0xffff, v3  }
0x18a: {  	v4 =	vld [tilespmem:$0xE0];
	_ =	sdelay $0x7  }
0x18b: {  	[tilespmem:v4+s12+$0x0] =	vst.idx.msk $0xffff, v3  }
0x18c: {  	v4 =	vld [tilespmem:$0xF0];
	_ =	sdelay $0x5  }
0x18d: {  	s1 =	sadd.s32 $0x1, s1  }
0x18e: {  	p0 =	sne.s32 s1, s11  }
.Ltmp2:
0x18f: {  	s16 =	simm.s32 $0x80;
	s5 =	simm.s32 $0x400;
	[tilespmem:v4+s12+$0x0] =	vst.idx.msk $0xffff, v3;
	(pc) =	sbr.rel @p0 .LBB2_1-.Ltmp2, $4  }
0x190: {  	[hbm4b:s10+s16] =	stream.strided.scatter [tilespmem:s12], [sflag:$0x2], $0x2000, s5, s16, $0x38;
	[tilespmem:$0x12100] =	vst v63  }
0x191: {  	_ =	swait.ge [sflag:s13], $0x2000  }
0x192: {  	[sflag:s13] =	ssyncset.done $0x0  }
0x193: {  	[sflag:s13] =	ssyncadd.s32 $0xFFFFE000  }
0x194: {  	_ =	sfence.sel $0x180000  }
0x195: {  	[bflag:$0x0] =	sbarrier.arrive $0xFFFF  }
0x196: {  	_ =	strace $0x9000004A  }
0x197: {  	s0 =	stileid.u32;
	[bflag:$0x2] =	sbarrier.arrive $0xFFFF  }
0x198: {  	p0 =	sne.s32 s0, $0x0;
	s0 =	rddreg [dreg:$0x1]  }
0x199: {  	s0 =	sadd.s32 @!p0 $0x100000, s0  }
0x19a: {  	[sflag:s0] =	ssyncadd.tile.s32 @!p0 $0x1;
	_ =	shalt  }
.Lfunc_end2:
_tile_overlayer_lowered:
.L_overlay_start_2:
0x19b: {  	(tag) =	ssettag $0x2  }
0x19c: {  	s0 =	rddreg [dreg:$0x0];
	s2 =	stileid.u32  }
0x19d: {  	s1 =	rddreg [dreg:$0x1];
	p0 =	sne.s32 s2, $0x0  }
0x19e: {  	s3 =	rddreg [dreg:$0x2];
	[bflag:$0x3] =	sbarrier.arrive $0xFFFF;
	s2 =	simm.s32 @!p0 $0x1C02  }
0x19f: {  	[timem:s3], [sflag:s2] =	dma.local @!p0 [hbm:s0], s1  }
0x1a0: {  	s0 =	simm.s32 @!p0 $0x2  }
0x1a1: {  	_ =	swait.ge @!p0 [sflag:s0], s1  }
0x1a2: {  	s1 =	ssub.s32 @!p0 $0x0, s1;
	[sflag:s0] =	ssyncset.done @!p0 $0x0  }
0x1a3: {  	[sflag:s0] =	ssyncadd.s32 @!p0 s1  }
0x1a4: {  	[bflag:$0x3] =	sbarrier.arrive $0xFFFF  }
0x1a5: {  	_ =	shalt  }

// kernel: kernel.17.cloned.1.call-start
scs
__scs_entry_jumppad:
0x0: {  	(pc) =	sbr.rel $0x88, $3  }
0x1: {  	(tag) =	ssettag $0x0;
	lr =	simm.s32 $0x1  }
0x2: {  	[smem:$0x3F9F] =	sst lr;
	_ =	strace $0xD0000000  }
0x3: {  	_ = 	snop  }
0x4: {  	_ = 	snop  }
0x5: {  	_ = 	snop  }
0x6: {  	_ = 	snop  }
0x7: {  	_ = 	snop  }
__scs_overlays_trampoline_lowered:
0x8: {  	[smem:$0x3FAE] =	sst s0  }
0x9: {  	[smem:$0x3FAF] =	sst s1  }
0xa: {  	[smem:$0x3FB0] =	sst s2  }
0xb: {  	[smem:$0x3FB1] =	sst s3  }
0xc: {  	[smem:$0x3FB2] =	sst s4  }
0xd: {  	[smem:$0x3FB3] =	sst s5  }
0xe: {  	[smem:$0x3FB4] =	sst s6  }
0xf: {  	[smem:$0x3FB5] =	sst s7  }
0x10: {  	[smem:$0x3FB6] =	sst s8  }
0x11: {  	[smem:$0x3FB7] =	sst s9;
	s0 =	simm.s32 @!p0 $0x0  }
0x12: {  	s1 =	sld [smem:$0x3F9D];
	s0 =	simm.s32 @p0 $0x1  }
0x13: {  	[smem:$0x3FB8] =	sst s0;
	s0 =	simm.s32 @!p1 $0x0  }
0x14: {  	s2 =	sld [smem:$0x3F9C];
	s0 =	simm.s32 @p1 $0x1  }
0x15: {  	[smem:$0x3FB9] =	sst s0;
	s0 =	simm.s32 @!p2 $0x0  }
0x16: {  	s3 =	sld [smem:$0x3FDB];
	s0 =	simm.s32 @p2 $0x1  }
0x17: {  	s4 =	simm.s32 $0x1BF5;
	[smem:$0x3FBB] =	sst s0  }
0x18: {  	s0 =	sld [smem:$0x3F9E];
	_ =	swait.ge [sflag:s4], $0x0  }
0x19: {  	s7 =	sld [smem:$0x3F9F]  }
0x1a: {  	s8 =	sadd.s32 $0xFFFFE003, lr  }
0x1b: {  	s9 =	sadd.s32 $0xFFFFFEF7, lr;
	s5 =	simm.s32 $0xFFFFFFFF;
	p2 =	slt.u32 s8, $0xFFFFF086  }
0x1c: {  	p1 =	slt.u32 s9, $0xF7A;
	s5 =	simm.s32 @!p2 $0x0  }
0x1d: {  	s5 =	simm.s32 @p1 $0x1;
	p0 =	seq.s32 s7, s2  }
0x1e: {  	s7 =	smul.u32 @!p0 $0xF7A, s2;
	p2 =	seq.s32 @!p0 s5, $0x0  }
0x1f: {  	s9 =	smul.u32 $0xF7A, s1;
	s8 =	simm.s32 @!p0 $0x1BF5;
	p2 =	por !p2, p0  }
0x20: {  	[sflag:s8] =	ssyncset.s32 @!p0 $0xFFFFF086;
	s6 =	sadd.s32 @!p0 s3, s7;
	s7 =	simm.s32 @!p0 $0x108  }
0x21: {  	s3 =	sadd.s32 s3, s9;
	s6 =	sadd.s32 @!p0 $0x88, s6;
	s7 =	simm.s32 @p2 $0x1082  }
0x22: {  	[simem:s7], [sflag:s8] =	dma.local @!p0 [hbm:s6], $0xF7A  }
0x23: {  	s9 =	sor.u32 $0xD0000000, s2;
	s6 =	simm.s32 $0x108;
	_ =	swait.ge @!p0 [sflag:s8], $0x0  }
0x24: {  	s3 =	sadd.s32 $0x88, s3;
	s6 =	simm.s32 @!p1 $0x1082;
	[sflag:s4] =	ssyncset.s32 $0xFFFFF086  }
0x25: {  	[simem:s6], [sflag:s4] =	dma.local [hbm:s3], $0xF7A  }
0x26: {  	[smem:$0x3F9F] =	sst s1;
	(tag) =	ssettag s2;
	_ =	strace s9  }
0x27: {  	s1 =	sld [smem:$0x3FAF]  }
0x28: {  	s2 =	sld [smem:$0x3FB0]  }
0x29: {  	s4 =	sld [smem:$0x3FB2]  }
0x2a: {  	p0 =	seq.s32 s5, $0x0;
	s5 =	sld [smem:$0x3FB3]  }
0x2b: {  	s6 =	sld [smem:$0x3FB4]  }
0x2c: {  	s7 =	sld [smem:$0x3FB5]  }
0x2d: {  	s3 =	simm.s32 $0x108;
	s8 =	sld [smem:$0x3FB6]  }
0x2e: {  	s3 =	simm.s32 @!p0 $0x1082;
	s9 =	sld [smem:$0x3FB7]  }
0x2f: {  	lr =	sadd.s32 s0, s3;
	s0 =	sld [smem:$0x3FAE]  }
0x30: {  	s3 =	sld [smem:$0x3FB1]  }
0x31: {  	[smem:$0x3FBA] =	sst s10  }
0x32: {  	s10 =	sld [smem:$0x3FB8];
	_ =	sdelay $0x3  }
0x33: {  	p0 =	seq.s32 s10, $0x1;
	s10 =	sld [smem:$0x3FBA];
	_ =	sdelay $0x3  }
0x34: {  	[smem:$0x3FBA] =	sst s10  }
0x35: {  	s10 =	sld [smem:$0x3FB9];
	_ =	sdelay $0x3  }
0x36: {  	p1 =	seq.s32 s10, $0x1;
	s10 =	sld [smem:$0x3FBA];
	_ =	sdelay $0x3  }
0x37: {  	[smem:$0x3FBA] =	sst s10  }
0x38: {  	s10 =	sld [smem:$0x3FBB]  }
0x39: {  	_ = 	snop;
	(pc) =	sbr.ind lr, $3  }
0x3a: {  	_ = 	snop  }
0x3b: {  	_ = 	snop  }
0x3c: {  	p2 =	seq.s32 s10, $0x1;
	s10 =	sld [smem:$0x3FBA]  }
0x3d: {  	_ =	shalt  }
0x3e: {  	_ =	shalt  }
0x3f: {  	_ =	shalt  }
0x40: {  	_ =	shalt  }
0x41: {  	_ =	shalt  }
0x42: {  	_ =	shalt  }
0x43: {  	_ =	shalt  }
0x44: {  	_ =	shalt  }
0x45: {  	_ =	shalt  }
0x46: {  	_ =	shalt  }
0x47: {  	_ =	shalt  }
0x48: {  	_ =	shalt  }
0x49: {  	_ =	shalt  }
0x4a: {  	_ =	shalt  }
0x4b: {  	_ =	shalt  }
0x4c: {  	_ =	shalt  }
0x4d: {  	_ =	shalt  }
0x4e: {  	_ =	shalt  }
0x4f: {  	_ =	shalt  }
0x50: {  	_ =	shalt  }
0x51: {  	_ =	shalt  }
0x52: {  	_ =	shalt  }
0x53: {  	_ =	shalt  }
0x54: {  	_ =	shalt  }
0x55: {  	_ =	shalt  }
0x56: {  	_ =	shalt  }
0x57: {  	_ =	shalt  }
0x58: {  	_ =	shalt  }
0x59: {  	_ =	shalt  }
0x5a: {  	_ =	shalt  }
0x5b: {  	_ =	shalt  }
0x5c: {  	_ =	shalt  }
0x5d: {  	_ =	shalt  }
0x5e: {  	_ =	shalt  }
0x5f: {  	_ =	shalt  }
0x60: {  	_ =	shalt  }
0x61: {  	_ =	shalt  }
0x62: {  	_ =	shalt  }
0x63: {  	_ =	shalt  }
0x64: {  	_ =	shalt  }
0x65: {  	_ =	shalt  }
0x66: {  	_ =	shalt  }
0x67: {  	_ =	shalt  }
0x68: {  	_ =	shalt  }
0x69: {  	_ =	shalt  }
0x6a: {  	_ =	shalt  }
0x6b: {  	_ =	shalt  }
0x6c: {  	_ =	shalt  }
0x6d: {  	_ =	shalt  }
0x6e: {  	_ =	shalt  }
0x6f: {  	_ =	shalt  }
0x70: {  	_ =	shalt  }
0x71: {  	_ =	shalt  }
0x72: {  	_ =	shalt  }
0x73: {  	_ =	shalt  }
0x74: {  	_ =	shalt  }
0x75: {  	_ =	shalt  }
0x76: {  	_ =	shalt  }
0x77: {  	_ =	shalt  }
0x78: {  	_ =	shalt  }
0x79: {  	_ =	shalt  }
0x7a: {  	_ =	shalt  }
0x7b: {  	_ =	shalt  }
0x7c: {  	_ =	shalt  }
0x7d: {  	_ =	shalt  }
0x7e: {  	_ =	shalt  }
0x7f: {  	_ =	shalt  }
0x80: {  	_ =	shalt  }
0x81: {  	_ =	shalt  }
0x82: {  	_ =	shalt  }
0x83: {  	_ =	shalt  }
0x84: {  	_ =	shalt  }
0x85: {  	_ =	shalt  }
0x86: {  	_ =	shalt  }
0x87: {  	_ =	shalt  }
.Lfunc_end0:
.L_simem_size_0:
called_computation.2_lowered:
.L_overlay_start_0:
0x88: {  	s2 =	sld [smem:$0x3FD9]  }
0x89: {  	s3 =	sld [smem:$0x3FFE];
	_ =	sdelay $0x1  }
0x8a: {  	s1 =	srdreg.scid  }
0x8b: {  	s0 =	sand.u32 $0x1, s1  }
0x8c: {  	s16 =	sshll.u32 s0, $0xA;
	s2 =	sadd.s32 s3, s2  }
0x8d: {  	s2 =	sadd.s32 s2, s16  }
0x8e: {  	[smem:$0x3FC6] =	sst s2  }
0x8f: {  	_ = 	snop  }
0x90: {  	(tm) =	ssettm $0x1  }
0x91: {  	s17 =	sld [smem:$0x3FFB];
	_ =	sdelay $0x3  }
0x92: {  	_ =	strace s17  }
0x93: {  	s2 =	sld [smem:$0x3FFC];
	_ =	sdelay $0x3  }
0x94: {  	_ =	strace s2  }
0x95: {  	s2 =	sld [smem:$0x3FFD];
	_ =	sdelay $0x3  }
0x96: {  	_ =	strace s2  }
0x97: {  	_ =	strace $0x8FFFFFFF  }
0x98: {  	s18 =	sld [smem:$0x3FDB];
	_ =	sdelay $0x1  }
0x99: {  	s19 =	simm.s32 $_scs_section_size  }
0x9a: {  	s4 =	simm.s32 $_size__tile_overlayer_lowered;
	s5 =	simm.s32 $_tile_overlayer_lowered  }
0x9b: {  	s22 =	simm.s32 $0x1BFF;
	s21 =	sshll.u32 s5, $0x1;
	s2 =	sadd.s32 s19, s18  }
0x9c: {  	s6 =	simm.s32 $0x0;
	s20 =	sshll.u32 s4, $0x1;
	s4 =	sadd.s32 s21, s2  }
0x9d: {  	[timem:s6], [sflag:s22] =	dma.local [hbm:s4], s20  }
0x9e: {  	_ =	swait.ge [sflag:s22], s20  }
0x9f: {  	s3 =	ssub.s32 $0x0, s20;
	[sflag:s22] =	ssyncset.done $0x0  }
0xa0: {  	[sflag:s22] =	ssyncadd.s32 s3;
	_ =	sdelay $0x1  }
0xa1: {  	s23 =	simm.s32 $0x1B8B  }
0xa2: {  	_ =	swait.ge [sflag:s23], $0x1  }
0xa3: {  	[sflag:s23] =	ssyncset.done $0x0  }
0xa4: {  	s25 =	simm.s32 $0x1B8E;
	s24 =	sld [smem:$0x3FFE];
	[sflag:s23] =	ssyncadd.s32 $0xFFFFFFFF  }
0xa5: {  	s26 =	simm.s32 $execute0_lowered;
	[smem:$0x3FD2] =	sst s25  }
0xa6: {  	s4 =	sshll.u32 s26, $0x1;
	_ =	strace $0x8000004C;
	[dreg:$0x1] =	wrdreg $0xFFFFFFFF  }
0xa7: {  	s28 =	simm.s32 $_size_execute0_lowered;
	s2 =	sadd.s32 s2, s4;
	[dreg:$0x0] =	wrdreg $0x0  }
0xa8: {  	s4 =	sshll.u32 s28, $0x1;
	[dreg:$0x2] =	wrdreg s2  }
0xa9: {  	[dreg:$0x3] =	wrdreg s4  }
0xaa: {  	[dreg:$0x4] =	wrdreg $0xC0  }
0xab: {  	_ =	task [dreg:s6], $0x5FFFF  }
0xac: {  	[dreg:$0x1] =	wrdreg $0xFFFFFFFF  }
0xad: {  	[dreg:$0x0] =	wrdreg $0x60  }
0xae: {  	[dreg:$0x2] =	wrdreg s24  }
0xaf: {  	[dreg:$0x3] =	wrdreg $0x9  }
0xb0: {  	_ =	task.clear_ibuf [dreg:s6], $0x4FFFF;
	_ =	strace $0x9000004C  }
0xb1: {  	s29 =	simm.s32 $0x9;
	_ =	strace $0x8000004E  }
0xb2: {  	_ =	swait.ge [sflag:s29], $0x1  }
0xb3: {  	[sflag:s29] =	ssyncadd.s32 $0xFFFFFFFF  }
0xb4: {  	_ =	strace $0x9000004E  }
0xb5: {  	_ =	sfence  }
0xb6: {  	s30 =	sld [smem:$0x0];
	_ =	sdelay $0x2  }
0xb7: {  	s31 =	sshll.u32 s1, $0xD;
	s1 =	sshrl.u32 s1, $0x2  }
0xb8: {  	s3 =	sand.u32 $0x4000, s31;
	s1 =	sadd.s32 s1, s30  }
0xb9: {  	s0 =	sor.u32 s3, s0;
	s1 =	sshll.u32 s1, $0x11  }
0xba: {  	s0 =	sor.u32 s1, s0  }
0xbb: {  	s0 =	sadd.s32 $0x8F2B, s0  }
0xbc: {  	[sflag:s0] =	ssyncadd.remote.s32 $0x1  }
0xbd: {  	_ =	sfence.sel $0xFFFF  }
0xbe: {  	[dreg:$0x0] =	wrdreg $0xFFFFFFFF;
	(pc) =	sbr.abs _section_cstart, $3  }
0xbf: {  	[dreg:$0x1] =	wrdreg $0xFFFFFFFF  }
0xc0: {  	_ =	task.clear_ibuf [dreg:s6], $0x2FFFF;
	_ =	strace $0x9FFFFFFF  }
0xc1: {  	(tm) =	ssettm $0x7FFFFFFF  }
tec
execute0_lowered:
.L_overlay_start_1:
0x0: {  	(tag) =	ssettag $0x1  }
0x1: {  	s7 =	rddreg [dreg:$0x0];
	s3 =	simm.s32 $0x0;
	s5 =	stileid.u32  }
0x2: {  	s0 =	srdreg.scid;
	s12 =	simm.s32 $0x10100;
	s13 =	simm.s32 $0x2  }
0x3: {  	s17 =	simm.s32 $0x1900;
	s18 =	simm.s32 $0x2100;
	s19 =	simm.s32 $0x2900  }
0x4: {  	s20 =	simm.s32 $0x3100;
	s21 =	simm.s32 $0x3900;
	s22 =	simm.s32 $0x4100  }
0x5: {  	s23 =	simm.s32 $0x4900;
	s24 =	simm.s32 $0x5100;
	s28 =	simm.s32 $0x6900  }
0x6: {  	s29 =	simm.s32 $0x7100;
	s30 =	simm.s32 $0x7900;
	s31 =	simm.s32 $0x8100  }
0x7: {  	[smem:$0x7FF] =	sst s3;
	s1 =	sshll.u32 s5, $0x5;
	s0 =	sand.u32 $0x1, s0  }
0x8: {  	s4 =	sadd.s32 $0x100000, s7;
	s8 =	sadd.s32 $0x48800, s7;
	s10 =	sadd.s32 $0x90800, s7  }
0x9: {  	_ =	strace $0x8000004D;
	s1 =	sand.u32 $0x60, s1;
	s2 =	sshll.u32 s0, $0x4  }
0xa: {  	s0 =	ssub.s32 $0x2, s0;
	s1 =	sadd.s32 s1, s7;
	s2 =	sor.u32 s5, s2  }
0xb: {  	s5 =	sshll.u32 s5, $0x7;
	s6 =	sshrl.u32 s0, $0x1;
	s9 =	sshll.u32 s2, $0xD  }
0xc: {  	s2 =	sshll.u32 s2, $0x5;
	s0 =	ssub.s32 s0, s6;
	s5 =	sor.u32 s5, s9  }
0xd: {  	s2 =	sand.u32 $0x380, s2;
	s6 =	sadd.s32 s8, s9;
	s26 =	sor.u32 $0x1000, s9  }
0xe: {  	s11 =	smax.u32 s0, $0x1;
	s5 =	sand.u32 $0x30380, s5;
	s1 =	sadd.s32 s2, s1  }
0xf: {  	s0 =	simm.s32 $0x1;
	s5 =	sshrl.u32 s5, $0x3;
	s1 =	sadd.s32 $0x400, s1  }
0x10: {  	v2 =	vlaneseq.u32;
	s8 =	sadd.s32 s8, s26;
	s25 =	sadd.s32 s5, s7;
	[dreg:$0x2] =	wrdreg s1  }
0x11: {  	vm0 =	vmmov $0xffff;
	v3 =	vimm.f32 $1.000000000e+00;
	v1 =	vshrl.u32 v2, $0x3;
	s7 =	sadd.s32 s10, s9;
	s9 =	sadd.s32 s10, s26;
	s26 =	simm.s32 $0x6100  }
0x12: {  	v0 =	vand.u32 $0x7, v2;
	v2 =	vor.u32 $0x8, v2;
	v1 =	vmul.u32 $0x8, v1;
	s1 =	simm.s32 $0x0;
	s10 =	sadd.s32 $0xD0800, s25;
	s25 =	simm.s32 $0x5900  }
.LBB2_1:
0x13: {  	s2 =	rddreg [dreg:$0x0]  }
0x14: {  	[tilespmem:s12], [sflag:$0x2] =	stream.linear.gather [hbm4b:s2+s3], $0x2000, $0x38;
	[tilespmem:$0x12100] =	vst v63  }
0x15: {  	_ =	swait.ge [sflag:s13], $0x2000  }
0x16: {  	[sflag:s13] =	ssyncset.done $0x0  }
0x17: {  	s16 =	rddreg [dreg:$0x2];
	[sflag:s13] =	ssyncadd.s32 $0xFFFFE000  }
0x18: {  	[tilespmem:s3], [sflag:$0x2] =	stream.linear.gather [hbm4b:s16+s3], $0x100, $0x38;
	[tilespmem:$0x12100] =	vst v63  }
0x19: {  	_ =	swait.ge [sflag:s13], $0x100  }
0x1a: {  	[sflag:s13] =	ssyncset.done $0x0  }
0x1b: {  	[sflag:s13] =	ssyncadd.s32 $0xFFFFFF00  }
0x1c: {  	v4 =	vld [tilespmem:$0x0];
	_ =	sdelay $0x4  }
0x1d: {  	v5 =	vshll.u32 v4, $0x1  }
0x1e: {  	v4 =	vand.u32 $0x7, v4;
	v5 =	vand.u32 $0xFFFFFFF0, v5  }
0x1f: {  	v4 =	vor.u32 v4, v5  }
0x20: {  	v5 =	vperm.xlane v4, v0;
	_ =	sdelay $0x1  }
0x21: {  	v4 =	vperm.xlane v4, v2;
	v5 =	vadd.s32 v1, v5;
	_ =	sdelay $0x1  }
0x22: {  	v4 =	vadd.s32 v1, v4;
	_ =	sdelay $0x1  }
0x23: {  	s5 =	simm.s32 $0x100  }
0x24: {  	[tilespmem:s5], [sflag:$0x1] =	stream.indirect_vreg.gather [hbm4b:s4+s3], $0x80, v5, vm0, $0xb8;
	[tilespmem:$0x12100] =	vst v63  }
0x25: {  	s14 =	simm.s32 $0x900  }
0x26: {  	[tilespmem:s14], [sflag:$0x1] =	stream.indirect_vreg.gather [hbm4b:s4+s3], $0x80, v4, vm0, $0xb8;
	[tilespmem:$0x12100] =	vst v63  }
0x27: {  	v4 =	vld [tilespmem:$0x10];
	_ =	sdelay $0x4  }
0x28: {  	v5 =	vshll.u32 v4, $0x1  }
0x29: {  	v4 =	vand.u32 $0x7, v4;
	v5 =	vand.u32 $0xFFFFFFF0, v5  }
0x2a: {  	v4 =	vor.u32 v4, v5  }
0x2b: {  	v5 =	vperm.xlane v4, v0;
	_ =	sdelay $0x1  }
0x2c: {  	v4 =	vperm.xlane v4, v2;
	v5 =	vadd.s32 v1, v5;
	_ =	sdelay $0x1  }
0x2d: {  	v4 =	vadd.s32 v1, v4;
	_ =	sdelay $0x1  }
0x2e: {  	s15 =	simm.s32 $0x1100  }
0x2f: {  	[tilespmem:s15], [sflag:$0x1] =	stream.indirect_vreg.gather [hbm4b:s4+s3], $0x80, v5, vm0, $0xb8;
	[tilespmem:$0x12100] =	vst v63  }
0x30: {  	_ = 	snop  }
0x31: {  	[tilespmem:s17], [sflag:$0x1] =	stream.indirect_vreg.gather [hbm4b:s4+s3], $0x80, v4, vm0, $0xb8;
	[tilespmem:$0x12100] =	vst v63  }
0x32: {  	v4 =	vld [tilespmem:$0x20];
	_ =	sdelay $0x4  }
0x33: {  	v5 =	vshll.u32 v4, $0x1  }
0x34: {  	v4 =	vand.u32 $0x7, v4;
	v5 =	vand.u32 $0xFFFFFFF0, v5  }
0x35: {  	v4 =	vor.u32 v4, v5  }
0x36: {  	v5 =	vperm.xlane v4, v0;
	_ =	sdelay $0x1  }
0x37: {  	v4 =	vperm.xlane v4, v2;
	v5 =	vadd.s32 v1, v5;
	_ =	sdelay $0x1  }
0x38: {  	v4 =	vadd.s32 v1, v4;
	_ =	sdelay $0x2  }
0x39: {  	[tilespmem:s18], [sflag:$0x1] =	stream.indirect_vreg.gather [hbm4b:s4+s3], $0x80, v5, vm0, $0xb8;
	[tilespmem:$0x12100] =	vst v63  }
0x3a: {  	_ = 	snop  }
0x3b: {  	[tilespmem:s19], [sflag:$0x1] =	stream.indirect_vreg.gather [hbm4b:s4+s3], $0x80, v4, vm0, $0xb8;
	[tilespmem:$0x12100] =	vst v63  }
0x3c: {  	v4 =	vld [tilespmem:$0x30];
	_ =	sdelay $0x4  }
0x3d: {  	v5 =	vshll.u32 v4, $0x1  }
0x3e: {  	v4 =	vand.u32 $0x7, v4;
	v5 =	vand.u32 $0xFFFFFFF0, v5  }
0x3f: {  	v4 =	vor.u32 v4, v5  }
0x40: {  	v5 =	vperm.xlane v4, v0;
	_ =	sdelay $0x1  }
0x41: {  	v4 =	vperm.xlane v4, v2;
	v5 =	vadd.s32 v1, v5;
	_ =	sdelay $0x1  }
0x42: {  	v4 =	vadd.s32 v1, v4;
	_ =	sdelay $0x2  }
0x43: {  	[tilespmem:s20], [sflag:$0x1] =	stream.indirect_vreg.gather [hbm4b:s4+s3], $0x80, v5, vm0, $0xb8;
	[tilespmem:$0x12100] =	vst v63  }
0x44: {  	_ = 	snop  }
0x45: {  	[tilespmem:s21], [sflag:$0x1] =	stream.indirect_vreg.gather [hbm4b:s4+s3], $0x80, v4, vm0, $0xb8;
	[tilespmem:$0x12100] =	vst v63  }
0x46: {  	v4 =	vld [tilespmem:$0x40];
	_ =	sdelay $0x4  }
0x47: {  	v5 =	vshll.u32 v4, $0x1  }
0x48: {  	v4 =	vand.u32 $0x7, v4;
	v5 =	vand.u32 $0xFFFFFFF0, v5  }
0x49: {  	v4 =	vor.u32 v4, v5  }
0x4a: {  	v5 =	vperm.xlane v4, v0;
	_ =	sdelay $0x1  }
0x4b: {  	v4 =	vperm.xlane v4, v2;
	v5 =	vadd.s32 v1, v5;
	_ =	sdelay $0x1  }
0x4c: {  	v4 =	vadd.s32 v1, v4;
	_ =	sdelay $0x2  }
0x4d: {  	[tilespmem:s22], [sflag:$0x1] =	stream.indirect_vreg.gather [hbm4b:s4+s3], $0x80, v5, vm0, $0xb8;
	[tilespmem:$0x12100] =	vst v63  }
0x4e: {  	_ = 	snop  }
0x4f: {  	[tilespmem:s23], [sflag:$0x1] =	stream.indirect_vreg.gather [hbm4b:s4+s3], $0x80, v4, vm0, $0xb8;
	[tilespmem:$0x12100] =	vst v63  }
0x50: {  	v4 =	vld [tilespmem:$0x50];
	_ =	sdelay $0x4  }
0x51: {  	v5 =	vshll.u32 v4, $0x1  }
0x52: {  	v4 =	vand.u32 $0x7, v4;
	v5 =	vand.u32 $0xFFFFFFF0, v5  }
0x53: {  	v4 =	vor.u32 v4, v5  }
0x54: {  	v5 =	vperm.xlane v4, v0;
	_ =	sdelay $0x1  }
0x55: {  	v4 =	vperm.xlane v4, v2;
	v5 =	vadd.s32 v1, v5;
	_ =	sdelay $0x1  }
0x56: {  	v4 =	vadd.s32 v1, v4;
	_ =	sdelay $0x2  }
0x57: {  	[tilespmem:s24], [sflag:$0x1] =	stream.indirect_vreg.gather [hbm4b:s4+s3], $0x80, v5, vm0, $0xb8;
	[tilespmem:$0x12100] =	vst v63  }
0x58: {  	_ = 	snop  }
0x59: {  	[tilespmem:s25], [sflag:$0x1] =	stream.indirect_vreg.gather [hbm4b:s4+s3], $0x80, v4, vm0, $0xb8;
	[tilespmem:$0x12100] =	vst v63  }
0x5a: {  	v4 =	vld [tilespmem:$0x60];
	_ =	sdelay $0x4  }
0x5b: {  	v5 =	vshll.u32 v4, $0x1  }
0x5c: {  	v4 =	vand.u32 $0x7, v4;
	v5 =	vand.u32 $0xFFFFFFF0, v5  }
0x5d: {  	v4 =	vor.u32 v4, v5  }
0x5e: {  	v5 =	vperm.xlane v4, v0;
	_ =	sdelay $0x1  }
0x5f: {  	v4 =	vperm.xlane v4, v2;
	v5 =	vadd.s32 v1, v5;
	_ =	sdelay $0x1  }
0x60: {  	v4 =	vadd.s32 v1, v4;
	_ =	sdelay $0x2  }
0x61: {  	[tilespmem:s26], [sflag:$0x1] =	stream.indirect_vreg.gather [hbm4b:s4+s3], $0x80, v5, vm0, $0xb8;
	[tilespmem:$0x12100] =	vst v63  }
0x62: {  	_ = 	snop  }
0x63: {  	[tilespmem:s28], [sflag:$0x1] =	stream.indirect_vreg.gather [hbm4b:s4+s3], $0x80, v4, vm0, $0xb8;
	[tilespmem:$0x12100] =	vst v63  }
0x64: {  	v4 =	vld [tilespmem:$0x70];
	_ =	sdelay $0x4  }
0x65: {  	v5 =	vshll.u32 v4, $0x1  }
0x66: {  	v4 =	vand.u32 $0x7, v4;
	v5 =	vand.u32 $0xFFFFFFF0, v5  }
0x67: {  	v4 =	vor.u32 v4, v5  }
0x68: {  	v5 =	vperm.xlane v4, v0;
	_ =	sdelay $0x1  }
0x69: {  	v4 =	vperm.xlane v4, v2;
	v5 =	vadd.s32 v1, v5;
	_ =	sdelay $0x1  }
0x6a: {  	v4 =	vadd.s32 v1, v4;
	_ =	sdelay $0x2  }
0x6b: {  	[tilespmem:s29], [sflag:$0x1] =	stream.indirect_vreg.gather [hbm4b:s4+s3], $0x80, v5, vm0, $0xb8;
	[tilespmem:$0x12100] =	vst v63  }
0x6c: {  	_ = 	snop  }
0x6d: {  	[tilespmem:s30], [sflag:$0x1] =	stream.indirect_vreg.gather [hbm4b:s4+s3], $0x80, v4, vm0, $0xb8;
	[tilespmem:$0x12100] =	vst v63  }
0x6e: {  	_ = 	snop  }
0x6f: {  	[tilespmem:s31], [sflag:$0x2] =	stream.linear.gather [hbm4b:s6+s3], $0x8000, $0x38;
	[tilespmem:$0x12100] =	vst v63  }
0x70: {  	_ =	swait.ge [sflag:s13], $0x8000  }
0x71: {  	[sflag:s13] =	ssyncset.done $0x0  }
0x72: {  	[sflag:s13] =	ssyncadd.s32 $0xFFFF8000  }
0x73: {  	_ =	swait.ge [sflag:s0], $0x8000  }
0x74: {  	s16 =	sand.u32 $0x7800, s3;
	s14 =	sand.u32 $0x380, s3;
	[sflag:s0] =	ssyncset.done $0x0  }
0x75: {  	s2 =	sor.u32 s14, s16;
	[sflag:s0] =	ssyncadd.s32 $0xFFFF8000  }
0x76: {  	v4 =	vld [tilespmem:s2+$0x100]  }
0x77: {  	v5 =	vld [tilespmem:s2+$0x110]  }
0x78: {  	v6 =	vld [tilespmem:s2+$0x120]  }
0x79: {  	v7 =	vld [tilespmem:s2+$0x130]  }
0x7a: {  	v8 =	vld [tilespmem:s2+$0x140]  }
0x7b: {  	v10 =	vld [tilespmem:s2+$0x160]  }
0x7c: {  	v12 =	vld [tilespmem:s2+$0x170]  }
0x7d: {  	v11 =	vld [tilespmem:s2+$0x8100]  }
0x7e: {  	v14 =	vld [tilespmem:s2+$0x8110]  }
0x7f: {  	v15 =	vld [tilespmem:s2+$0x8120]  }
0x80: {  	v16 =	vld [tilespmem:s2+$0x8130]  }
0x81: {  	v18 =	vld [tilespmem:s2+$0x8140]  }
0x82: {  	v23 =	vld [tilespmem:s2+$0x8160]  }
0x83: {  	v24 =	vld [tilespmem:s2+$0x8170]  }
0x84: {  	v9 =	vld [tilespmem:s2+$0x150]  }
0x85: {  	v13 =	vld [tilespmem:s2+$0x500];
	v17 =	vsub.f32 v4, v11  }
0x86: {  	v20 =	vld [tilespmem:s2+$0x510];
	v5 =	vsub.f32 v5, v14;
	v6 =	vsub.f32 v6, v15  }
0x87: {  	v21 =	vld [tilespmem:s2+$0x520];
	v7 =	vsub.f32 v7, v16;
	v8 =	vsub.f32 v8, v18  }
0x88: {  	v22 =	vld [tilespmem:s2+$0x8150];
	v10 =	vsub.f32 v10, v23;
	v27 =	vsub.f32 v12, v24  }
0x89: {  	v4 =	vld [tilespmem:s2+$0x530];
	v17 =	vadd.f32 v17, v11;
	v5 =	vadd.f32 v5, v14  }
0x8a: {  	v12 =	vld [tilespmem:s2+$0x8530];
	v7 =	vadd.f32 v7, v16;
	v8 =	vadd.f32 v8, v18  }
0x8b: {  	v17 =	vsub.f32 v11, v17;
	v11 =	vadd.f32 v6, v15;
	v6 =	vld [tilespmem:s2+$0x540]  }
0x8c: {  	v25 =	vsub.f32 v14, v5;
	v14 =	vld [tilespmem:s2+$0x8500];
	v19 =	vsub.f32 v18, v8  }
0x8d: {  	v8 =	vadd.f32 v10, v23;
	v26 =	vsub.f32 v15, v11;
	v11 =	vld [tilespmem:s2+$0x8510]  }
0x8e: {  	v15 =	vsub.f32 v16, v7;
	v7 =	vsub.f32 v9, v22;
	v9 =	vld [tilespmem:s2+$0x8520]  }
0x8f: {  	v5 =	vld [tilespmem:s2+$0x550];
	v10 =	vadd.f32 v27, v24  }
0x90: {  	[tilespmem:s2+$0x8100] =	vst v17;
	v17 =	vsub.f32 v23, v8;
	v8 =	vld [tilespmem:s2+$0x570];
	v16 =	vadd.f32 v7, v22  }
0x91: {  	v18 =	vsub.f32 v24, v10;
	v10 =	vld [tilespmem:s2+$0x8540];
	v13 =	vsub.f32 v13, v14  }
0x92: {  	[tilespmem:s2+$0x8110] =	vst v25;
	v7 =	vld [tilespmem:s2+$0x560];
	v16 =	vsub.f32 v22, v16;
	v22 =	vsub.f32 v20, v11  }
0x93: {  	s14 =	simm.s32 $0x80;
	s15 =	simm.s32 $0x100;
	[tilespmem:s2+$0x8120] =	vst v26;
	v20 =	vadd.f32 v13, v14;
	v21 =	vsub.f32 v21, v9;
	v13 =	vld [tilespmem:s2+$0x8550]  }
.LBB2_2:
0x94: {  	s5 =	sand.u32 $0x7800, s15;
	s16 =	sand.u32 $0x380, s14;
	p0 =	sne.s32 s15, $0x7F00;
	[tilespmem:s2+$0x8130] =	vst v15;
	v15 =	vadd.f32 v22, v11;
	v4 =	vsub.f32 v4, v12;
	v22 =	vld [tilespmem:s2+$0x8560]  }
0x95: {  	s5 =	sor.u32 s16, s5;
	[tilespmem:s2+$0x8140] =	vst v19;
	v14 =	vsub.f32 v14, v20;
	v19 =	vadd.f32 v21, v9;
	v20 =	vld [tilespmem:s2+$0x8570]  }
0x96: {  	v21 =	vld [tilespmem:s5+$0x100];
	[tilespmem:s2+$0x8150] =	vst v16;
	v11 =	vsub.f32 v11, v15;
	v4 =	vadd.f32 v4, v12  }
0x97: {  	v15 =	vld [tilespmem:s5+$0x110];
	[tilespmem:s2+$0x8160] =	vst v17;
	v9 =	vsub.f32 v9, v19;
	v6 =	vsub.f32 v6, v10  }
0x98: {  	v16 =	vld [tilespmem:s5+$0x120];
	[tilespmem:s2+$0x8170] =	vst v18;
	v4 =	vsub.f32 v12, v4;
	v5 =	vsub.f32 v5, v13  }
0x99: {  	v12 =	vld [tilespmem:s5+$0x130];
	[tilespmem:s2+$0x8500] =	vst v14;
	v6 =	vadd.f32 v6, v10;
	v7 =	vsub.f32 v7, v22  }
0x9a: {  	v14 =	vld [tilespmem:s5+$0x140];
	[tilespmem:s2+$0x8510] =	vst v11;
	v5 =	vadd.f32 v5, v13;
	v8 =	vsub.f32 v8, v20  }
0x9b: {  	v11 =	vld [tilespmem:s5+$0x150];
	[tilespmem:s2+$0x8520] =	vst v9;
	v6 =	vsub.f32 v10, v6;
	v7 =	vadd.f32 v7, v22  }
0x9c: {  	v9 =	vld [tilespmem:s5+$0x160];
	[tilespmem:s2+$0x8530] =	vst v4;
	v4 =	vsub.f32 v13, v5;
	v5 =	vadd.f32 v8, v20  }
0x9d: {  	v8 =	vld [tilespmem:s5+$0x170];
	[tilespmem:s2+$0x8540] =	vst v6;
	v6 =	vsub.f32 v22, v7  }
0x9e: {  	v10 =	vld [tilespmem:s5+$0x500];
	[tilespmem:s2+$0x8550] =	vst v4;
	v4 =	vsub.f32 v20, v5  }
0x9f: {  	v13 =	vld [tilespmem:s5+$0x510];
	[tilespmem:s2+$0x8560] =	vst v6  }
0xa0: {  	v5 =	vld [tilespmem:s5+$0x8100];
	[tilespmem:s2+$0x8570] =	vst v4;
	s2 =	smov.u32 s5  }
0xa1: {  	v6 =	vld [tilespmem:s2+$0x8110]  }
0xa2: {  	v7 =	vld [tilespmem:s2+$0x8120]  }
0xa3: {  	v17 =	vld [tilespmem:s2+$0x8130]  }
0xa4: {  	v23 =	vld [tilespmem:s2+$0x520]  }
0xa5: {  	v18 =	vsub.f32 v21, v5;
	v4 =	vld [tilespmem:s2+$0x530]  }
0xa6: {  	v15 =	vsub.f32 v15, v6;
	v19 =	vld [tilespmem:s2+$0x8140]  }
0xa7: {  	v18 =	vadd.f32 v18, v5;
	v16 =	vsub.f32 v16, v7;
	v20 =	vld [tilespmem:s2+$0x8150]  }
0xa8: {  	v15 =	vadd.f32 v15, v6;
	v12 =	vsub.f32 v12, v17;
	v21 =	vld [tilespmem:s2+$0x8160]  }
0xa9: {  	v18 =	vsub.f32 v5, v18;
	v5 =	vadd.f32 v16, v7;
	v22 =	vld [tilespmem:s2+$0x8170]  }
0xaa: {  	v24 =	vsub.f32 v6, v15;
	v12 =	vadd.f32 v12, v17;
	v6 =	vld [tilespmem:s2+$0x540]  }
0xab: {  	v25 =	vsub.f32 v7, v5;
	v7 =	vsub.f32 v14, v19;
	v5 =	vld [tilespmem:s2+$0x550]  }
0xac: {  	v15 =	vsub.f32 v17, v12;
	v12 =	vsub.f32 v11, v20;
	v14 =	vld [tilespmem:s2+$0x8500]  }
0xad: {  	v7 =	vadd.f32 v7, v19;
	v16 =	vsub.f32 v9, v21;
	v11 =	vld [tilespmem:s2+$0x8510]  }
0xae: {  	v17 =	vadd.f32 v12, v20;
	v8 =	vsub.f32 v8, v22;
	v9 =	vld [tilespmem:s2+$0x8520]  }
.Ltmp0:
0xaf: {  	v19 =	vsub.f32 v19, v7;
	v26 =	vadd.f32 v16, v21;
	v12 =	vld [tilespmem:s2+$0x8530];
	(pc) =	sbr.rel @p0 .LBB2_2-.Ltmp0, $4  }
0xb0: {  	v16 =	vsub.f32 v20, v17;
	v20 =	vadd.f32 v8, v22;
	v7 =	vld [tilespmem:s2+$0x560]  }
0xb1: {  	[tilespmem:s2+$0x8100] =	vst v18;
	v17 =	vsub.f32 v21, v26;
	v21 =	vsub.f32 v10, v14;
	v8 =	vld [tilespmem:s2+$0x570]  }
0xb2: {  	[tilespmem:s2+$0x8110] =	vst v24;
	v18 =	vsub.f32 v22, v20;
	v22 =	vsub.f32 v13, v11;
	v10 =	vld [tilespmem:s2+$0x8540]  }
0xb3: {  	s14 =	sadd.s32 $0x80, s14;
	s15 =	sadd.s32 $0x100, s15;
	[tilespmem:s2+$0x8120] =	vst v25;
	v20 =	vadd.f32 v21, v14;
	v21 =	vsub.f32 v23, v9;
	v13 =	vld [tilespmem:s2+$0x8550]  }
0xb4: {  	[tilespmem:s2+$0x8130] =	vst v15;
	v15 =	vadd.f32 v22, v11;
	v4 =	vsub.f32 v4, v12;
	v22 =	vld [tilespmem:s2+$0x8560]  }
0xb5: {  	[tilespmem:s2+$0x8140] =	vst v19;
	v14 =	vsub.f32 v14, v20;
	v19 =	vadd.f32 v21, v9;
	v20 =	vld [tilespmem:s2+$0x8570]  }
0xb6: {  	[tilespmem:s2+$0x8150] =	vst v16;
	v11 =	vsub.f32 v11, v15;
	v4 =	vadd.f32 v4, v12  }
0xb7: {  	[tilespmem:s2+$0x8160] =	vst v17;
	v9 =	vsub.f32 v9, v19;
	v6 =	vsub.f32 v6, v10  }
0xb8: {  	[tilespmem:s2+$0x8170] =	vst v18;
	v4 =	vsub.f32 v12, v4;
	v5 =	vsub.f32 v5, v13  }
0xb9: {  	[tilespmem:s2+$0x8500] =	vst v14;
	v6 =	vadd.f32 v6, v10;
	v7 =	vsub.f32 v7, v22  }
0xba: {  	[tilespmem:s2+$0x8510] =	vst v11;
	v5 =	vadd.f32 v5, v13;
	v8 =	vsub.f32 v8, v20  }
0xbb: {  	[tilespmem:s2+$0x8520] =	vst v9;
	v6 =	vsub.f32 v10, v6;
	v7 =	vadd.f32 v7, v22  }
0xbc: {  	[tilespmem:s2+$0x8530] =	vst v4;
	v4 =	vsub.f32 v13, v5;
	v5 =	vadd.f32 v8, v20  }
0xbd: {  	[tilespmem:s2+$0x8540] =	vst v6;
	v6 =	vsub.f32 v22, v7  }
0xbe: {  	[tilespmem:s2+$0x8550] =	vst v4;
	v4 =	vsub.f32 v20, v5  }
0xbf: {  	[tilespmem:s2+$0x8560] =	vst v6  }
0xc0: {  	[tilespmem:s2+$0x8570] =	vst v4;
	s2 =	simm.s32 $0x0  }
0xc1: {  	[hbm4b:s7+s2] =	stream.linear.scatter [tilespmem:s31], [sflag:$0x2], $0x8000, $0x38;
	[tilespmem:$0x12100] =	vst v63  }
0xc2: {  	_ =	swait.ge [sflag:s13], $0x8000  }
0xc3: {  	[sflag:s13] =	ssyncset.done $0x0  }
0xc4: {  	[sflag:s13] =	ssyncadd.s32 $0xFFFF8000  }
0xc5: {  	v4 =	vld [tilespmem:$0x0];
	_ =	sdelay $0x7  }
0xc6: {  	[tilespmem:v4+s12+$0x0] =	vst.idx.msk $0xffff, v3  }
0xc7: {  	v4 =	vld [tilespmem:$0x10];
	_ =	sdelay $0x7  }
0xc8: {  	[tilespmem:v4+s12+$0x0] =	vst.idx.msk $0xffff, v3  }
0xc9: {  	v4 =	vld [tilespmem:$0x20];
	_ =	sdelay $0x7  }
0xca: {  	[tilespmem:v4+s12+$0x0] =	vst.idx.msk $0xffff, v3  }
0xcb: {  	v4 =	vld [tilespmem:$0x30];
	_ =	sdelay $0x7  }
0xcc: {  	[tilespmem:v4+s12+$0x0] =	vst.idx.msk $0xffff, v3  }
0xcd: {  	v4 =	vld [tilespmem:$0x40];
	_ =	sdelay $0x7  }
0xce: {  	[tilespmem:v4+s12+$0x0] =	vst.idx.msk $0xffff, v3  }
0xcf: {  	v4 =	vld [tilespmem:$0x50];
	_ =	sdelay $0x7  }
0xd0: {  	[tilespmem:v4+s12+$0x0] =	vst.idx.msk $0xffff, v3  }
0xd1: {  	v4 =	vld [tilespmem:$0x60];
	_ =	sdelay $0x7  }
0xd2: {  	[tilespmem:v4+s12+$0x0] =	vst.idx.msk $0xffff, v3  }
0xd3: {  	v4 =	vld [tilespmem:$0x70];
	_ =	sdelay $0x7  }
0xd4: {  	[tilespmem:v4+s12+$0x0] =	vst.idx.msk $0xffff, v3  }
0xd5: {  	v4 =	vld [tilespmem:$0x80];
	_ =	sdelay $0x4  }
0xd6: {  	v5 =	vshll.u32 v4, $0x1  }
0xd7: {  	v4 =	vand.u32 $0x7, v4;
	v5 =	vand.u32 $0xFFFFFFF0, v5  }
0xd8: {  	v4 =	vor.u32 v4, v5  }
0xd9: {  	v5 =	vperm.xlane v4, v0;
	_ =	sdelay $0x1  }
0xda: {  	v4 =	vperm.xlane v4, v2;
	v5 =	vadd.s32 v1, v5;
	_ =	sdelay $0x1  }
0xdb: {  	v4 =	vadd.s32 v1, v4;
	_ =	sdelay $0x1  }
0xdc: {  	s5 =	simm.s32 $0x100  }
0xdd: {  	[tilespmem:s5], [sflag:$0x1] =	stream.indirect_vreg.gather [hbm4b:s4+s2], $0x80, v5, vm0, $0xb8;
	[tilespmem:$0x12100] =	vst v63  }
0xde: {  	s14 =	simm.s32 $0x900  }
0xdf: {  	[tilespmem:s14], [sflag:$0x1] =	stream.indirect_vreg.gather [hbm4b:s4+s2], $0x80, v4, vm0, $0xb8;
	[tilespmem:$0x12100] =	vst v63  }
0xe0: {  	v4 =	vld [tilespmem:$0x90];
	_ =	sdelay $0x4  }
0xe1: {  	v5 =	vshll.u32 v4, $0x1  }
0xe2: {  	v4 =	vand.u32 $0x7, v4;
	v5 =	vand.u32 $0xFFFFFFF0, v5  }
0xe3: {  	v4 =	vor.u32 v4, v5  }
0xe4: {  	v5 =	vperm.xlane v4, v0;
	_ =	sdelay $0x1  }
0xe5: {  	v4 =	vperm.xlane v4, v2;
	v5 =	vadd.s32 v1, v5;
	_ =	sdelay $0x1  }
0xe6: {  	v4 =	vadd.s32 v1, v4;
	_ =	sdelay $0x1  }
0xe7: {  	s15 =	simm.s32 $0x1100  }
0xe8: {  	[tilespmem:s15], [sflag:$0x1] =	stream.indirect_vreg.gather [hbm4b:s4+s2], $0x80, v5, vm0, $0xb8;
	[tilespmem:$0x12100] =	vst v63  }
0xe9: {  	_ = 	snop  }
0xea: {  	[tilespmem:s17], [sflag:$0x1] =	stream.indirect_vreg.gather [hbm4b:s4+s2], $0x80, v4, vm0, $0xb8;
	[tilespmem:$0x12100] =	vst v63  }
0xeb: {  	v4 =	vld [tilespmem:$0xA0];
	_ =	sdelay $0x4  }
0xec: {  	v5 =	vshll.u32 v4, $0x1  }
0xed: {  	v4 =	vand.u32 $0x7, v4;
	v5 =	vand.u32 $0xFFFFFFF0, v5  }
0xee: {  	v4 =	vor.u32 v4, v5  }
0xef: {  	v5 =	vperm.xlane v4, v0;
	_ =	sdelay $0x1  }
0xf0: {  	v4 =	vperm.xlane v4, v2;
	v5 =	vadd.s32 v1, v5;
	_ =	sdelay $0x1  }
0xf1: {  	v4 =	vadd.s32 v1, v4;
	_ =	sdelay $0x2  }
0xf2: {  	[tilespmem:s18], [sflag:$0x1] =	stream.indirect_vreg.gather [hbm4b:s4+s2], $0x80, v5, vm0, $0xb8;
	[tilespmem:$0x12100] =	vst v63  }
0xf3: {  	_ = 	snop  }
0xf4: {  	[tilespmem:s19], [sflag:$0x1] =	stream.indirect_vreg.gather [hbm4b:s4+s2], $0x80, v4, vm0, $0xb8;
	[tilespmem:$0x12100] =	vst v63  }
0xf5: {  	v4 =	vld [tilespmem:$0xB0];
	_ =	sdelay $0x4  }
0xf6: {  	v5 =	vshll.u32 v4, $0x1  }
0xf7: {  	v4 =	vand.u32 $0x7, v4;
	v5 =	vand.u32 $0xFFFFFFF0, v5  }
0xf8: {  	v4 =	vor.u32 v4, v5  }
0xf9: {  	v5 =	vperm.xlane v4, v0;
	_ =	sdelay $0x1  }
0xfa: {  	v4 =	vperm.xlane v4, v2;
	v5 =	vadd.s32 v1, v5;
	_ =	sdelay $0x1  }
0xfb: {  	v4 =	vadd.s32 v1, v4;
	_ =	sdelay $0x2  }
0xfc: {  	[tilespmem:s20], [sflag:$0x1] =	stream.indirect_vreg.gather [hbm4b:s4+s2], $0x80, v5, vm0, $0xb8;
	[tilespmem:$0x12100] =	vst v63  }
0xfd: {  	_ = 	snop  }
0xfe: {  	[tilespmem:s21], [sflag:$0x1] =	stream.indirect_vreg.gather [hbm4b:s4+s2], $0x80, v4, vm0, $0xb8;
	[tilespmem:$0x12100] =	vst v63  }
0xff: {  	v4 =	vld [tilespmem:$0xC0];
	_ =	sdelay $0x4  }
0x100: {  	v5 =	vshll.u32 v4, $0x1  }
0x101: {  	v4 =	vand.u32 $0x7, v4;
	v5 =	vand.u32 $0xFFFFFFF0, v5  }
0x102: {  	v4 =	vor.u32 v4, v5  }
0x103: {  	v5 =	vperm.xlane v4, v0;
	_ =	sdelay $0x1  }
0x104: {  	v4 =	vperm.xlane v4, v2;
	v5 =	vadd.s32 v1, v5;
	_ =	sdelay $0x1  }
0x105: {  	v4 =	vadd.s32 v1, v4;
	_ =	sdelay $0x2  }
0x106: {  	[tilespmem:s22], [sflag:$0x1] =	stream.indirect_vreg.gather [hbm4b:s4+s2], $0x80, v5, vm0, $0xb8;
	[tilespmem:$0x12100] =	vst v63  }
0x107: {  	_ = 	snop  }
0x108: {  	[tilespmem:s23], [sflag:$0x1] =	stream.indirect_vreg.gather [hbm4b:s4+s2], $0x80, v4, vm0, $0xb8;
	[tilespmem:$0x12100] =	vst v63  }
0x109: {  	v4 =	vld [tilespmem:$0xD0];
	_ =	sdelay $0x4  }
0x10a: {  	v5 =	vshll.u32 v4, $0x1  }
0x10b: {  	v4 =	vand.u32 $0x7, v4;
	v5 =	vand.u32 $0xFFFFFFF0, v5  }
0x10c: {  	v4 =	vor.u32 v4, v5  }
0x10d: {  	v5 =	vperm.xlane v4, v0;
	_ =	sdelay $0x1  }
0x10e: {  	v4 =	vperm.xlane v4, v2;
	v5 =	vadd.s32 v1, v5;
	_ =	sdelay $0x1  }
0x10f: {  	v4 =	vadd.s32 v1, v4;
	_ =	sdelay $0x2  }
0x110: {  	[tilespmem:s24], [sflag:$0x1] =	stream.indirect_vreg.gather [hbm4b:s4+s2], $0x80, v5, vm0, $0xb8;
	[tilespmem:$0x12100] =	vst v63  }
0x111: {  	_ = 	snop  }
0x112: {  	[tilespmem:s25], [sflag:$0x1] =	stream.indirect_vreg.gather [hbm4b:s4+s2], $0x80, v4, vm0, $0xb8;
	[tilespmem:$0x12100] =	vst v63  }
0x113: {  	v4 =	vld [tilespmem:$0xE0];
	_ =	sdelay $0x4  }
0x114: {  	v5 =	vshll.u32 v4, $0x1  }
0x115: {  	v4 =	vand.u32 $0x7, v4;
	v5 =	vand.u32 $0xFFFFFFF0, v5  }
0x116: {  	v4 =	vor.u32 v4, v5  }
0x117: {  	v5 =	vperm.xlane v4, v0;
	_ =	sdelay $0x1  }
0x118: {  	v4 =	vperm.xlane v4, v2;
	v5 =	vadd.s32 v1, v5;
	_ =	sdelay $0x1  }
0x119: {  	v4 =	vadd.s32 v1, v4;
	_ =	sdelay $0x2  }
0x11a: {  	[tilespmem:s26], [sflag:$0x1] =	stream.indirect_vreg.gather [hbm4b:s4+s2], $0x80, v5, vm0, $0xb8;
	[tilespmem:$0x12100] =	vst v63  }
0x11b: {  	_ = 	snop  }
0x11c: {  	[tilespmem:s28], [sflag:$0x1] =	stream.indirect_vreg.gather [hbm4b:s4+s2], $0x80, v4, vm0, $0xb8;
	[tilespmem:$0x12100] =	vst v63  }
0x11d: {  	v4 =	vld [tilespmem:$0xF0];
	_ =	sdelay $0x4  }
0x11e: {  	v5 =	vshll.u32 v4, $0x1  }
0x11f: {  	v4 =	vand.u32 $0x7, v4;
	v5 =	vand.u32 $0xFFFFFFF0, v5  }
0x120: {  	v4 =	vor.u32 v4, v5  }
0x121: {  	v5 =	vperm.xlane v4, v0;
	_ =	sdelay $0x1  }
0x122: {  	v4 =	vperm.xlane v4, v2;
	v5 =	vadd.s32 v1, v5;
	_ =	sdelay $0x1  }
0x123: {  	v4 =	vadd.s32 v1, v4;
	_ =	sdelay $0x2  }
0x124: {  	[tilespmem:s29], [sflag:$0x1] =	stream.indirect_vreg.gather [hbm4b:s4+s2], $0x80, v5, vm0, $0xb8;
	[tilespmem:$0x12100] =	vst v63  }
0x125: {  	_ = 	snop  }
0x126: {  	[tilespmem:s30], [sflag:$0x1] =	stream.indirect_vreg.gather [hbm4b:s4+s2], $0x80, v4, vm0, $0xb8;
	[tilespmem:$0x12100] =	vst v63  }
0x127: {  	_ = 	snop  }
0x128: {  	[tilespmem:s31], [sflag:$0x2] =	stream.linear.gather [hbm4b:s8+s2], $0x8000, $0x38;
	[tilespmem:$0x12100] =	vst v63  }
0x129: {  	_ =	swait.ge [sflag:s13], $0x8000  }
0x12a: {  	[sflag:s13] =	ssyncset.done $0x0  }
0x12b: {  	[sflag:s13] =	ssyncadd.s32 $0xFFFF8000  }
0x12c: {  	_ =	swait.ge [sflag:s0], $0x8000  }
0x12d: {  	s16 =	sand.u32 $0x7800, s2;
	s2 =	sand.u32 $0x380, s2;
	[sflag:s0] =	ssyncset.done $0x0  }
0x12e: {  	s2 =	sor.u32 s2, s16;
	[sflag:s0] =	ssyncadd.s32 $0xFFFF8000  }
0x12f: {  	v4 =	vld [tilespmem:s2+$0x100]  }
0x130: {  	v5 =	vld [tilespmem:s2+$0x110]  }
0x131: {  	v6 =	vld [tilespmem:s2+$0x120]  }
0x132: {  	v7 =	vld [tilespmem:s2+$0x130]  }
0x133: {  	v8 =	vld [tilespmem:s2+$0x140]  }
0x134: {  	v10 =	vld [tilespmem:s2+$0x160]  }
0x135: {  	v12 =	vld [tilespmem:s2+$0x170]  }
0x136: {  	v11 =	vld [tilespmem:s2+$0x8100]  }
0x137: {  	v14 =	vld [tilespmem:s2+$0x8110]  }
0x138: {  	v15 =	vld [tilespmem:s2+$0x8120]  }
0x139: {  	v16 =	vld [tilespmem:s2+$0x8130]  }
0x13a: {  	v18 =	vld [tilespmem:s2+$0x8140]  }
0x13b: {  	v23 =	vld [tilespmem:s2+$0x8160]  }
0x13c: {  	v24 =	vld [tilespmem:s2+$0x8170]  }
0x13d: {  	v9 =	vld [tilespmem:s2+$0x150]  }
0x13e: {  	v13 =	vld [tilespmem:s2+$0x500];
	v17 =	vsub.f32 v4, v11  }
0x13f: {  	v20 =	vld [tilespmem:s2+$0x510];
	v5 =	vsub.f32 v5, v14;
	v6 =	vsub.f32 v6, v15  }
0x140: {  	v21 =	vld [tilespmem:s2+$0x520];
	v7 =	vsub.f32 v7, v16;
	v8 =	vsub.f32 v8, v18  }
0x141: {  	v22 =	vld [tilespmem:s2+$0x8150];
	v10 =	vsub.f32 v10, v23;
	v27 =	vsub.f32 v12, v24  }
0x142: {  	v4 =	vld [tilespmem:s2+$0x530];
	v17 =	vadd.f32 v17, v11;
	v5 =	vadd.f32 v5, v14  }
0x143: {  	v12 =	vld [tilespmem:s2+$0x8530];
	v7 =	vadd.f32 v7, v16;
	v8 =	vadd.f32 v8, v18  }
0x144: {  	v17 =	vsub.f32 v11, v17;
	v11 =	vadd.f32 v6, v15;
	v6 =	vld [tilespmem:s2+$0x540]  }
0x145: {  	v25 =	vsub.f32 v14, v5;
	v14 =	vld [tilespmem:s2+$0x8500];
	v19 =	vsub.f32 v18, v8  }
0x146: {  	v8 =	vadd.f32 v10, v23;
	v26 =	vsub.f32 v15, v11;
	v11 =	vld [tilespmem:s2+$0x8510]  }
0x147: {  	v15 =	vsub.f32 v16, v7;
	v7 =	vsub.f32 v9, v22;
	v9 =	vld [tilespmem:s2+$0x8520]  }
0x148: {  	v5 =	vld [tilespmem:s2+$0x550];
	v10 =	vadd.f32 v27, v24  }
0x149: {  	[tilespmem:s2+$0x8100] =	vst v17;
	v17 =	vsub.f32 v23, v8;
	v8 =	vld [tilespmem:s2+$0x570];
	v16 =	vadd.f32 v7, v22  }
0x14a: {  	v18 =	vsub.f32 v24, v10;
	v10 =	vld [tilespmem:s2+$0x8540];
	v13 =	vsub.f32 v13, v14  }
0x14b: {  	[tilespmem:s2+$0x8110] =	vst v25;
	v7 =	vld [tilespmem:s2+$0x560];
	v16 =	vsub.f32 v22, v16;
	v22 =	vsub.f32 v20, v11  }
0x14c: {  	s14 =	simm.s32 $0x80;
	s15 =	simm.s32 $0x100;
	[tilespmem:s2+$0x8120] =	vst v26;
	v20 =	vadd.f32 v13, v14;
	v21 =	vsub.f32 v21, v9;
	v13 =	vld [tilespmem:s2+$0x8550]  }
.LBB2_4:
0x14d: {  	s5 =	sand.u32 $0x7800, s15;
	s16 =	sand.u32 $0x380, s14;
	p0 =	sne.s32 s15, $0x7F00;
	[tilespmem:s2+$0x8130] =	vst v15;
	v15 =	vadd.f32 v22, v11;
	v4 =	vsub.f32 v4, v12;
	v22 =	vld [tilespmem:s2+$0x8560]  }
0x14e: {  	s5 =	sor.u32 s16, s5;
	[tilespmem:s2+$0x8140] =	vst v19;
	v14 =	vsub.f32 v14, v20;
	v19 =	vadd.f32 v21, v9;
	v20 =	vld [tilespmem:s2+$0x8570]  }
0x14f: {  	v21 =	vld [tilespmem:s5+$0x100];
	[tilespmem:s2+$0x8150] =	vst v16;
	v11 =	vsub.f32 v11, v15;
	v4 =	vadd.f32 v4, v12  }
0x150: {  	v15 =	vld [tilespmem:s5+$0x110];
	[tilespmem:s2+$0x8160] =	vst v17;
	v9 =	vsub.f32 v9, v19;
	v6 =	vsub.f32 v6, v10  }
0x151: {  	v16 =	vld [tilespmem:s5+$0x120];
	[tilespmem:s2+$0x8170] =	vst v18;
	v4 =	vsub.f32 v12, v4;
	v5 =	vsub.f32 v5, v13  }
0x152: {  	v12 =	vld [tilespmem:s5+$0x130];
	[tilespmem:s2+$0x8500] =	vst v14;
	v6 =	vadd.f32 v6, v10;
	v7 =	vsub.f32 v7, v22  }
0x153: {  	v14 =	vld [tilespmem:s5+$0x140];
	[tilespmem:s2+$0x8510] =	vst v11;
	v5 =	vadd.f32 v5, v13;
	v8 =	vsub.f32 v8, v20  }
0x154: {  	v11 =	vld [tilespmem:s5+$0x150];
	[tilespmem:s2+$0x8520] =	vst v9;
	v6 =	vsub.f32 v10, v6;
	v7 =	vadd.f32 v7, v22  }
0x155: {  	v9 =	vld [tilespmem:s5+$0x160];
	[tilespmem:s2+$0x8530] =	vst v4;
	v4 =	vsub.f32 v13, v5;
	v5 =	vadd.f32 v8, v20  }
0x156: {  	v8 =	vld [tilespmem:s5+$0x170];
	[tilespmem:s2+$0x8540] =	vst v6;
	v6 =	vsub.f32 v22, v7  }
0x157: {  	v10 =	vld [tilespmem:s5+$0x500];
	[tilespmem:s2+$0x8550] =	vst v4;
	v4 =	vsub.f32 v20, v5  }
0x158: {  	v13 =	vld [tilespmem:s5+$0x510];
	[tilespmem:s2+$0x8560] =	vst v6  }
0x159: {  	v5 =	vld [tilespmem:s5+$0x8100];
	[tilespmem:s2+$0x8570] =	vst v4;
	s2 =	smov.u32 s5  }
0x15a: {  	v6 =	vld [tilespmem:s2+$0x8110]  }
0x15b: {  	v7 =	vld [tilespmem:s2+$0x8120]  }
0x15c: {  	v17 =	vld [tilespmem:s2+$0x8130]  }
0x15d: {  	v23 =	vld [tilespmem:s2+$0x520]  }
0x15e: {  	v18 =	vsub.f32 v21, v5;
	v4 =	vld [tilespmem:s2+$0x530]  }
0x15f: {  	v15 =	vsub.f32 v15, v6;
	v19 =	vld [tilespmem:s2+$0x8140]  }
0x160: {  	v18 =	vadd.f32 v18, v5;
	v16 =	vsub.f32 v16, v7;
	v20 =	vld [tilespmem:s2+$0x8150]  }
0x161: {  	v15 =	vadd.f32 v15, v6;
	v12 =	vsub.f32 v12, v17;
	v21 =	vld [tilespmem:s2+$0x8160]  }
0x162: {  	v18 =	vsub.f32 v5, v18;
	v5 =	vadd.f32 v16, v7;
	v22 =	vld [tilespmem:s2+$0x8170]  }
0x163: {  	v24 =	vsub.f32 v6, v15;
	v12 =	vadd.f32 v12, v17;
	v6 =	vld [tilespmem:s2+$0x540]  }
0x164: {  	v25 =	vsub.f32 v7, v5;
	v7 =	vsub.f32 v14, v19;
	v5 =	vld [tilespmem:s2+$0x550]  }
0x165: {  	v15 =	vsub.f32 v17, v12;
	v12 =	vsub.f32 v11, v20;
	v14 =	vld [tilespmem:s2+$0x8500]  }
0x166: {  	v7 =	vadd.f32 v7, v19;
	v16 =	vsub.f32 v9, v21;
	v11 =	vld [tilespmem:s2+$0x8510]  }
0x167: {  	v17 =	vadd.f32 v12, v20;
	v8 =	vsub.f32 v8, v22;
	v9 =	vld [tilespmem:s2+$0x8520]  }
.Ltmp1:
0x168: {  	v19 =	vsub.f32 v19, v7;
	v26 =	vadd.f32 v16, v21;
	v12 =	vld [tilespmem:s2+$0x8530];
	(pc) =	sbr.rel @p0 .LBB2_4-.Ltmp1, $4  }
0x169: {  	v16 =	vsub.f32 v20, v17;
	v20 =	vadd.f32 v8, v22;
	v7 =	vld [tilespmem:s2+$0x560]  }
0x16a: {  	[tilespmem:s2+$0x8100] =	vst v18;
	v17 =	vsub.f32 v21, v26;
	v21 =	vsub.f32 v10, v14;
	v8 =	vld [tilespmem:s2+$0x570]  }
0x16b: {  	[tilespmem:s2+$0x8110] =	vst v24;
	v18 =	vsub.f32 v22, v20;
	v22 =	vsub.f32 v13, v11;
	v10 =	vld [tilespmem:s2+$0x8540]  }
0x16c: {  	s14 =	sadd.s32 $0x80, s14;
	s15 =	sadd.s32 $0x100, s15;
	[tilespmem:s2+$0x8120] =	vst v25;
	v20 =	vadd.f32 v21, v14;
	v21 =	vsub.f32 v23, v9;
	v13 =	vld [tilespmem:s2+$0x8550]  }
0x16d: {  	[tilespmem:s2+$0x8130] =	vst v15;
	v59 =	vadd.f32 v22, v11;
	v4 =	vsub.f32 v4, v12;
	v60 =	vld [tilespmem:s2+$0x8560]  }
0x16e: {  	[tilespmem:s2+$0x8140] =	vst v19;
	v62 =	vld [tilespmem:s2+$0x8570];
	v14 =	vsub.f32 v14, v20;
	v61 =	vadd.f32 v21, v9  }
0x16f: {  	[tilespmem:s2+$0x8150] =	vst v16;
	v11 =	vsub.f32 v11, v59;
	v4 =	vadd.f32 v4, v12  }
0x170: {  	[tilespmem:s2+$0x8160] =	vst v17;
	v9 =	vsub.f32 v9, v61;
	v6 =	vsub.f32 v6, v10  }
0x171: {  	[tilespmem:s2+$0x8170] =	vst v18;
	v4 =	vsub.f32 v12, v4;
	v5 =	vsub.f32 v5, v13  }
0x172: {  	[tilespmem:s2+$0x8500] =	vst v14;
	v6 =	vadd.f32 v6, v10;
	v7 =	vsub.f32 v7, v60  }
0x173: {  	[tilespmem:s2+$0x8510] =	vst v11;
	v8 =	vsub.f32 v8, v62;
	v5 =	vadd.f32 v5, v13  }
0x174: {  	[tilespmem:s2+$0x8520] =	vst v9;
	v6 =	vsub.f32 v10, v6;
	v7 =	vadd.f32 v7, v60  }
0x175: {  	[tilespmem:s2+$0x8530] =	vst v4;
	v4 =	vsub.f32 v13, v5;
	v5 =	vadd.f32 v8, v62  }
0x176: {  	[tilespmem:s2+$0x8540] =	vst v6;
	v63 =	vsub.f32 v60, v7  }
0x177: {  	[tilespmem:s2+$0x8550] =	vst v4;
	v4 =	vsub.f32 v62, v5  }
0x178: {  	[tilespmem:s2+$0x8560] =	vst v63  }
0x179: {  	[tilespmem:s2+$0x8570] =	vst v4  }
0x17a: {  	[hbm4b:s9+s3] =	stream.linear.scatter [tilespmem:s31], [sflag:$0x2], $0x8000, $0x38;
	[tilespmem:$0x12100] =	vst v63  }
0x17b: {  	_ =	swait.ge [sflag:s13], $0x8000  }
0x17c: {  	[sflag:s13] =	ssyncset.done $0x0  }
0x17d: {  	[sflag:s13] =	ssyncadd.s32 $0xFFFF8000  }
0x17e: {  	v4 =	vld [tilespmem:$0x80];
	_ =	sdelay $0x7  }
0x17f: {  	[tilespmem:v4+s12+$0x0] =	vst.idx.msk $0xffff, v3  }
0x180: {  	v4 =	vld [tilespmem:$0x90];
	_ =	sdelay $0x7  }
0x181: {  	[tilespmem:v4+s12+$0x0] =	vst.idx.msk $0xffff, v3  }
0x182: {  	v4 =	vld [tilespmem:$0xA0];
	_ =	sdelay $0x7  }
0x183: {  	[tilespmem:v4+s12+$0x0] =	vst.idx.msk $0xffff, v3  }
0x184: {  	v4 =	vld [tilespmem:$0xB0];
	_ =	sdelay $0x7  }
0x185: {  	[tilespmem:v4+s12+$0x0] =	vst.idx.msk $0xffff, v3  }
0x186: {  	v4 =	vld [tilespmem:$0xC0];
	_ =	sdelay $0x7  }
0x187: {  	[tilespmem:v4+s12+$0x0] =	vst.idx.msk $0xffff, v3  }
0x188: {  	v4 =	vld [tilespmem:$0xD0];
	_ =	sdelay $0x7  }
0x189: {  	[tilespmem:v4+s12+$0x0] =	vst.idx.msk $0xffff, v3  }
0x18a: {  	v4 =	vld [tilespmem:$0xE0];
	_ =	sdelay $0x7  }
0x18b: {  	[tilespmem:v4+s12+$0x0] =	vst.idx.msk $0xffff, v3  }
0x18c: {  	v4 =	vld [tilespmem:$0xF0];
	_ =	sdelay $0x5  }
0x18d: {  	s1 =	sadd.s32 $0x1, s1  }
0x18e: {  	p0 =	sne.s32 s1, s11  }
.Ltmp2:
0x18f: {  	s16 =	simm.s32 $0x80;
	s5 =	simm.s32 $0x400;
	[tilespmem:v4+s12+$0x0] =	vst.idx.msk $0xffff, v3;
	(pc) =	sbr.rel @p0 .LBB2_1-.Ltmp2, $4  }
0x190: {  	[hbm4b:s10+s16] =	stream.strided.scatter [tilespmem:s12], [sflag:$0x2], $0x2000, s5, s16, $0x38;
	[tilespmem:$0x12100] =	vst v63  }
0x191: {  	_ =	swait.ge [sflag:s13], $0x2000  }
0x192: {  	[sflag:s13] =	ssyncset.done $0x0  }
0x193: {  	[sflag:s13] =	ssyncadd.s32 $0xFFFFE000  }
0x194: {  	_ =	sfence.sel $0x180000  }
0x195: {  	[bflag:$0x0] =	sbarrier.arrive $0xFFFF  }
0x196: {  	_ =	strace $0x9000004D  }
0x197: {  	s0 =	stileid.u32;
	[bflag:$0x2] =	sbarrier.arrive $0xFFFF  }
0x198: {  	p0 =	sne.s32 s0, $0x0;
	s0 =	rddreg [dreg:$0x1]  }
0x199: {  	s0 =	sadd.s32 @!p0 $0x100000, s0  }
0x19a: {  	[sflag:s0] =	ssyncadd.tile.s32 @!p0 $0x1;
	_ =	shalt  }
.Lfunc_end2:
_tile_overlayer_lowered:
.L_overlay_start_2:
0x19b: {  	(tag) =	ssettag $0x2  }
0x19c: {  	s0 =	rddreg [dreg:$0x0];
	s2 =	stileid.u32  }
0x19d: {  	s1 =	rddreg [dreg:$0x1];
	p0 =	sne.s32 s2, $0x0  }
0x19e: {  	s3 =	rddreg [dreg:$0x2];
	[bflag:$0x3] =	sbarrier.arrive $0xFFFF;
	s2 =	simm.s32 @!p0 $0x1C02  }
0x19f: {  	[timem:s3], [sflag:s2] =	dma.local @!p0 [hbm:s0], s1  }
0x1a0: {  	s0 =	simm.s32 @!p0 $0x2  }
0x1a1: {  	_ =	swait.ge @!p0 [sflag:s0], s1  }
0x1a2: {  	s1 =	ssub.s32 @!p0 $0x0, s1;
	[sflag:s0] =	ssyncset.done @!p0 $0x0  }
0x1a3: {  	[sflag:s0] =	ssyncadd.s32 @!p0 s1  }
0x1a4: {  	[bflag:$0x3] =	sbarrier.arrive $0xFFFF  }
0x1a5: {  	_ =	shalt  }

// kernel: kernel.20.cloned.1.call-start
scs
__scs_entry_jumppad:
0x0: {  	(pc) =	sbr.rel $0x88, $3  }
0x1: {  	(tag) =	ssettag $0x0;
	lr =	simm.s32 $0x1  }
0x2: {  	[smem:$0x3F9F] =	sst lr;
	_ =	strace $0xD0000000  }
0x3: {  	_ = 	snop  }
0x4: {  	_ = 	snop  }
0x5: {  	_ = 	snop  }
0x6: {  	_ = 	snop  }
0x7: {  	_ = 	snop  }
__scs_overlays_trampoline_lowered:
0x8: {  	[smem:$0x3FAE] =	sst s0  }
0x9: {  	[smem:$0x3FAF] =	sst s1  }
0xa: {  	[smem:$0x3FB0] =	sst s2  }
0xb: {  	[smem:$0x3FB1] =	sst s3  }
0xc: {  	[smem:$0x3FB2] =	sst s4  }
0xd: {  	[smem:$0x3FB3] =	sst s5  }
0xe: {  	[smem:$0x3FB4] =	sst s6  }
0xf: {  	[smem:$0x3FB5] =	sst s7  }
0x10: {  	[smem:$0x3FB6] =	sst s8  }
0x11: {  	[smem:$0x3FB7] =	sst s9;
	s0 =	simm.s32 @!p0 $0x0  }
0x12: {  	s1 =	sld [smem:$0x3F9D];
	s0 =	simm.s32 @p0 $0x1  }
0x13: {  	[smem:$0x3FB8] =	sst s0;
	s0 =	simm.s32 @!p1 $0x0  }
0x14: {  	s2 =	sld [smem:$0x3F9C];
	s0 =	simm.s32 @p1 $0x1  }
0x15: {  	[smem:$0x3FB9] =	sst s0;
	s0 =	simm.s32 @!p2 $0x0  }
0x16: {  	s3 =	sld [smem:$0x3FDB];
	s0 =	simm.s32 @p2 $0x1  }
0x17: {  	s4 =	simm.s32 $0x1BF5;
	[smem:$0x3FBB] =	sst s0  }
0x18: {  	s0 =	sld [smem:$0x3F9E];
	_ =	swait.ge [sflag:s4], $0x0  }
0x19: {  	s7 =	sld [smem:$0x3F9F]  }
0x1a: {  	s8 =	sadd.s32 $0xFFFFE003, lr  }
0x1b: {  	s9 =	sadd.s32 $0xFFFFFEF7, lr;
	s5 =	simm.s32 $0xFFFFFFFF;
	p2 =	slt.u32 s8, $0xFFFFF086  }
0x1c: {  	p1 =	slt.u32 s9, $0xF7A;
	s5 =	simm.s32 @!p2 $0x0  }
0x1d: {  	s5 =	simm.s32 @p1 $0x1;
	p0 =	seq.s32 s7, s2  }
0x1e: {  	s7 =	smul.u32 @!p0 $0xF7A, s2;
	p2 =	seq.s32 @!p0 s5, $0x0  }
0x1f: {  	s9 =	smul.u32 $0xF7A, s1;
	s8 =	simm.s32 @!p0 $0x1BF5;
	p2 =	por !p2, p0  }
0x20: {  	[sflag:s8] =	ssyncset.s32 @!p0 $0xFFFFF086;
	s6 =	sadd.s32 @!p0 s3, s7;
	s7 =	simm.s32 @!p0 $0x108  }
0x21: {  	s3 =	sadd.s32 s3, s9;
	s6 =	sadd.s32 @!p0 $0x88, s6;
	s7 =	simm.s32 @p2 $0x1082  }
0x22: {  	[simem:s7], [sflag:s8] =	dma.local @!p0 [hbm:s6], $0xF7A  }
0x23: {  	s9 =	sor.u32 $0xD0000000, s2;
	s6 =	simm.s32 $0x108;
	_ =	swait.ge @!p0 [sflag:s8], $0x0  }
0x24: {  	s3 =	sadd.s32 $0x88, s3;
	s6 =	simm.s32 @!p1 $0x1082;
	[sflag:s4] =	ssyncset.s32 $0xFFFFF086  }
0x25: {  	[simem:s6], [sflag:s4] =	dma.local [hbm:s3], $0xF7A  }
0x26: {  	[smem:$0x3F9F] =	sst s1;
	(tag) =	ssettag s2;
	_ =	strace s9  }
0x27: {  	s1 =	sld [smem:$0x3FAF]  }
0x28: {  	s2 =	sld [smem:$0x3FB0]  }
0x29: {  	s4 =	sld [smem:$0x3FB2]  }
0x2a: {  	p0 =	seq.s32 s5, $0x0;
	s5 =	sld [smem:$0x3FB3]  }
0x2b: {  	s6 =	sld [smem:$0x3FB4]  }
0x2c: {  	s7 =	sld [smem:$0x3FB5]  }
0x2d: {  	s3 =	simm.s32 $0x108;
	s8 =	sld [smem:$0x3FB6]  }
0x2e: {  	s3 =	simm.s32 @!p0 $0x1082;
	s9 =	sld [smem:$0x3FB7]  }
0x2f: {  	lr =	sadd.s32 s0, s3;
	s0 =	sld [smem:$0x3FAE]  }
0x30: {  	s3 =	sld [smem:$0x3FB1]  }
0x31: {  	[smem:$0x3FBA] =	sst s10  }
0x32: {  	s10 =	sld [smem:$0x3FB8];
	_ =	sdelay $0x3  }
0x33: {  	p0 =	seq.s32 s10, $0x1;
	s10 =	sld [smem:$0x3FBA];
	_ =	sdelay $0x3  }
0x34: {  	[smem:$0x3FBA] =	sst s10  }
0x35: {  	s10 =	sld [smem:$0x3FB9];
	_ =	sdelay $0x3  }
0x36: {  	p1 =	seq.s32 s10, $0x1;
	s10 =	sld [smem:$0x3FBA];
	_ =	sdelay $0x3  }
0x37: {  	[smem:$0x3FBA] =	sst s10  }
0x38: {  	s10 =	sld [smem:$0x3FBB]  }
0x39: {  	_ = 	snop;
	(pc) =	sbr.ind lr, $3  }
0x3a: {  	_ = 	snop  }
0x3b: {  	_ = 	snop  }
0x3c: {  	p2 =	seq.s32 s10, $0x1;
	s10 =	sld [smem:$0x3FBA]  }
0x3d: {  	_ =	shalt  }
0x3e: {  	_ =	shalt  }
0x3f: {  	_ =	shalt  }
0x40: {  	_ =	shalt  }
0x41: {  	_ =	shalt  }
0x42: {  	_ =	shalt  }
0x43: {  	_ =	shalt  }
0x44: {  	_ =	shalt  }
0x45: {  	_ =	shalt  }
0x46: {  	_ =	shalt  }
0x47: {  	_ =	shalt  }
0x48: {  	_ =	shalt  }
0x49: {  	_ =	shalt  }
0x4a: {  	_ =	shalt  }
0x4b: {  	_ =	shalt  }
0x4c: {  	_ =	shalt  }
0x4d: {  	_ =	shalt  }
0x4e: {  	_ =	shalt  }
0x4f: {  	_ =	shalt  }
0x50: {  	_ =	shalt  }
0x51: {  	_ =	shalt  }
0x52: {  	_ =	shalt  }
0x53: {  	_ =	shalt  }
0x54: {  	_ =	shalt  }
0x55: {  	_ =	shalt  }
0x56: {  	_ =	shalt  }
0x57: {  	_ =	shalt  }
0x58: {  	_ =	shalt  }
0x59: {  	_ =	shalt  }
0x5a: {  	_ =	shalt  }
0x5b: {  	_ =	shalt  }
0x5c: {  	_ =	shalt  }
0x5d: {  	_ =	shalt  }
0x5e: {  	_ =	shalt  }
0x5f: {  	_ =	shalt  }
0x60: {  	_ =	shalt  }
0x61: {  	_ =	shalt  }
0x62: {  	_ =	shalt  }
0x63: {  	_ =	shalt  }
0x64: {  	_ =	shalt  }
0x65: {  	_ =	shalt  }
0x66: {  	_ =	shalt  }
0x67: {  	_ =	shalt  }
0x68: {  	_ =	shalt  }
0x69: {  	_ =	shalt  }
0x6a: {  	_ =	shalt  }
0x6b: {  	_ =	shalt  }
0x6c: {  	_ =	shalt  }
0x6d: {  	_ =	shalt  }
0x6e: {  	_ =	shalt  }
0x6f: {  	_ =	shalt  }
0x70: {  	_ =	shalt  }
0x71: {  	_ =	shalt  }
0x72: {  	_ =	shalt  }
0x73: {  	_ =	shalt  }
0x74: {  	_ =	shalt  }
0x75: {  	_ =	shalt  }
0x76: {  	_ =	shalt  }
0x77: {  	_ =	shalt  }
0x78: {  	_ =	shalt  }
0x79: {  	_ =	shalt  }
0x7a: {  	_ =	shalt  }
0x7b: {  	_ =	shalt  }
0x7c: {  	_ =	shalt  }
0x7d: {  	_ =	shalt  }
0x7e: {  	_ =	shalt  }
0x7f: {  	_ =	shalt  }
0x80: {  	_ =	shalt  }
0x81: {  	_ =	shalt  }
0x82: {  	_ =	shalt  }
0x83: {  	_ =	shalt  }
0x84: {  	_ =	shalt  }
0x85: {  	_ =	shalt  }
0x86: {  	_ =	shalt  }
0x87: {  	_ =	shalt  }
.Lfunc_end0:
.L_simem_size_0:
called_computation.3_lowered:
.L_overlay_start_0:
0x88: {  	s2 =	sld [smem:$0x3FD9]  }
0x89: {  	s3 =	sld [smem:$0x3FFE];
	_ =	sdelay $0x1  }
0x8a: {  	s1 =	srdreg.scid  }
0x8b: {  	s0 =	sand.u32 $0x1, s1  }
0x8c: {  	s14 =	sshll.u32 s0, $0xA;
	s2 =	sadd.s32 s3, s2  }
0x8d: {  	s2 =	sadd.s32 s2, s14  }
0x8e: {  	[smem:$0x3FC6] =	sst s2  }
0x8f: {  	_ = 	snop  }
0x90: {  	s2 =	sld [smem:$0x3FD0];
	_ =	sdelay $0x2  }
0x91: {  	s15 =	simm.s32 $0xA;
	s4 =	simm.s32 $0x10  }
0x92: {  	[smem:s4], [sflag:s15] =	dma.local [hbm:s2], $0x1  }
0x93: {  	_ =	swait.eq [sflag:s15], $0x1  }
0x94: {  	[sflag:s15] =	ssyncset.done $0x0  }
0x95: {  	[sflag:s15] =	ssyncadd.s32 $0xFFFFFFFF  }
0x96: {  	s16 =	sld [smem:$0x10];
	(tm) =	ssettm $0x1  }
0x97: {  	s17 =	sld [smem:$0x3FFB];
	_ =	sdelay $0x3  }
0x98: {  	_ =	strace s17  }
0x99: {  	s3 =	sld [smem:$0x3FFC];
	_ =	sdelay $0x3  }
0x9a: {  	_ =	strace s3  }
0x9b: {  	s3 =	sld [smem:$0x3FFD];
	_ =	sdelay $0x3  }
0x9c: {  	_ =	strace s3  }
0x9d: {  	_ =	strace $0x8FFFFFFF  }
0x9e: {  	s18 =	sld [smem:$0x3FDB];
	_ =	sdelay $0x1  }
0x9f: {  	s19 =	simm.s32 $_scs_section_size  }
0xa0: {  	s5 =	simm.s32 $_size__tile_overlayer_lowered;
	s6 =	simm.s32 $_tile_overlayer_lowered  }
0xa1: {  	s22 =	simm.s32 $0x1BFF;
	s21 =	sshll.u32 s6, $0x1;
	s3 =	sadd.s32 s19, s18  }
0xa2: {  	s7 =	simm.s32 $0x0;
	s20 =	sshll.u32 s5, $0x1;
	s5 =	sadd.s32 s21, s3  }
0xa3: {  	[timem:s7], [sflag:s22] =	dma.local [hbm:s5], s20  }
0xa4: {  	_ =	swait.ge [sflag:s22], s20  }
0xa5: {  	s4 =	ssub.s32 $0x0, s20;
	[sflag:s22] =	ssyncset.done $0x0  }
0xa6: {  	[sflag:s22] =	ssyncadd.s32 s4;
	_ =	sdelay $0x1  }
0xa7: {  	s23 =	simm.s32 $0x1B8B  }
0xa8: {  	_ =	swait.ge [sflag:s23], $0x1  }
0xa9: {  	[sflag:s23] =	ssyncset.done $0x0  }
0xaa: {  	s25 =	simm.s32 $0x1B8E;
	s24 =	sld [smem:$0x3FFE];
	[sflag:s23] =	ssyncadd.s32 $0xFFFFFFFF  }
0xab: {  	s26 =	simm.s32 $execute0_lowered;
	[smem:$0x3FD2] =	sst s25  }
0xac: {  	s5 =	sshll.u32 s26, $0x1;
	_ =	strace $0x8000004F;
	[dreg:$0x1] =	wrdreg $0xFFFFFFFF  }
0xad: {  	s28 =	simm.s32 $_size_execute0_lowered;
	s3 =	sadd.s32 s3, s5;
	[dreg:$0x0] =	wrdreg $0x0  }
0xae: {  	s5 =	sshll.u32 s28, $0x1;
	[dreg:$0x2] =	wrdreg s3  }
0xaf: {  	[dreg:$0x3] =	wrdreg s5  }
0xb0: {  	[dreg:$0x4] =	wrdreg $0xC0  }
0xb1: {  	_ =	task [dreg:s7], $0x5FFFF  }
0xb2: {  	[dreg:$0x1] =	wrdreg $0xFFFFFFFF  }
0xb3: {  	[dreg:$0x0] =	wrdreg $0x60  }
0xb4: {  	[dreg:$0x2] =	wrdreg s24  }
0xb5: {  	[dreg:$0x3] =	wrdreg s16  }
0xb6: {  	[dreg:$0x4] =	wrdreg $0x9  }
0xb7: {  	_ =	task.clear_ibuf [dreg:s7], $0x5FFFF;
	_ =	strace $0x9000004F  }
0xb8: {  	s29 =	simm.s32 $0x9;
	_ =	strace $0x80000051  }
0xb9: {  	_ =	swait.ge [sflag:s29], $0x1  }
0xba: {  	[sflag:s29] =	ssyncadd.s32 $0xFFFFFFFF  }
0xbb: {  	_ =	strace $0x90000051  }
0xbc: {  	_ =	sfence  }
0xbd: {  	s30 =	sld [smem:$0x0];
	_ =	sdelay $0x2  }
0xbe: {  	s31 =	sshll.u32 s1, $0xD;
	s1 =	sshrl.u32 s1, $0x2  }
0xbf: {  	s3 =	sand.u32 $0x4000, s31;
	s1 =	sadd.s32 s1, s30  }
0xc0: {  	s0 =	sor.u32 s3, s0;
	s1 =	sshll.u32 s1, $0x11  }
0xc1: {  	s0 =	sor.u32 s1, s0  }
0xc2: {  	s0 =	sadd.s32 $0x8F2B, s0  }
0xc3: {  	[sflag:s0] =	ssyncadd.remote.s32 $0x1  }
0xc4: {  	_ =	sfence.sel $0xFFFF  }
0xc5: {  	[dreg:$0x0] =	wrdreg $0xFFFFFFFF;
	(pc) =	sbr.abs _section_cstart, $3  }
0xc6: {  	[dreg:$0x1] =	wrdreg $0xFFFFFFFF  }
0xc7: {  	_ =	task.clear_ibuf [dreg:s7], $0x2FFFF;
	_ =	strace $0x9FFFFFFF  }
0xc8: {  	(tm) =	ssettm $0x7FFFFFFF  }
0xc9: {  	_ =	shalt  }
tec
execute0_lowered:
.L_overlay_start_1:
0x0: {  	(tag) =	ssettag $0x1  }
0x1: {  	s7 =	rddreg [dreg:$0x0]  }
0x2: {  	s3 =	rddreg [dreg:$0x1];
	s5 =	stileid.u32  }
0x3: {  	s0 =	srdreg.scid;
	s4 =	simm.s32 $0x0;
	s12 =	simm.s32 $0x10100  }
0x4: {  	s13 =	simm.s32 $0x2;
	s17 =	simm.s32 $0x1900;
	s18 =	simm.s32 $0x2100  }
0x5: {  	s19 =	simm.s32 $0x2900;
	s20 =	simm.s32 $0x3100;
	s21 =	simm.s32 $0x3900  }
0x6: {  	s22 =	simm.s32 $0x4100;
	s23 =	simm.s32 $0x4900;
	s24 =	simm.s32 $0x5100  }
0x7: {  	s28 =	simm.s32 $0x6900;
	s29 =	simm.s32 $0x7100;
	s30 =	simm.s32 $0x7900  }
0x8: {  	s31 =	simm.s32 $0x8100;
	s1 =	sshll.u32 s5, $0x5;
	s0 =	sand.u32 $0x1, s0  }
0x9: {  	[smem:$0x7FF] =	sst s4;
	s8 =	sadd.s32 $0x90800, s7;
	s10 =	sadd.s32 $0x48800, s7  }
0xa: {  	s1 =	sand.u32 $0x60, s1;
	s2 =	sshll.u32 s0, $0x4;
	_ =	strace $0x80000050  }
0xb: {  	s0 =	ssub.s32 $0x2, s0;
	s1 =	sadd.s32 s1, s7;
	s2 =	sor.u32 s5, s2  }
0xc: {  	s5 =	sshll.u32 s5, $0x7;
	s6 =	sshrl.u32 s0, $0x1;
	s9 =	sshll.u32 s2, $0xD  }
0xd: {  	s2 =	sshll.u32 s2, $0x5;
	s0 =	ssub.s32 s0, s6;
	s5 =	sor.u32 s5, s9  }
0xe: {  	s2 =	sand.u32 $0x380, s2;
	s6 =	sadd.s32 s8, s9;
	s26 =	sor.u32 $0x1000, s9  }
0xf: {  	s11 =	smax.u32 s0, $0x1;
	s5 =	sand.u32 $0x30380, s5;
	s1 =	sadd.s32 s2, s1  }
0x10: {  	s0 =	simm.s32 $0x1;
	s5 =	sshrl.u32 s5, $0x3;
	s1 =	sadd.s32 $0x800, s1  }
0x11: {  	v2 =	vlaneseq.u32;
	s8 =	sadd.s32 s8, s26;
	s25 =	sadd.s32 s5, s7;
	[dreg:$0x3] =	wrdreg s1  }
0x12: {  	vm0 =	vmmov $0xffff;
	v3 =	vimm.f32 $1.000000000e+00;
	v1 =	vshrl.u32 v2, $0x3;
	s7 =	sadd.s32 s10, s9;
	s9 =	sadd.s32 s10, s26;
	s26 =	simm.s32 $0x6100  }
0x13: {  	v0 =	vand.u32 $0x7, v2;
	v2 =	vor.u32 $0x8, v2;
	v1 =	vmul.u32 $0x8, v1;
	s1 =	simm.s32 $0x0;
	s10 =	sadd.s32 $0xC00, s25;
	s25 =	simm.s32 $0x5900  }
.LBB2_1:
0x14: {  	s2 =	rddreg [dreg:$0x0]  }
0x15: {  	[tilespmem:s12], [sflag:$0x2] =	stream.linear.gather [hbm4b:s2+s4], $0x2000, $0x38;
	[tilespmem:$0x12100] =	vst v63  }
0x16: {  	_ =	swait.ge [sflag:s13], $0x2000  }
0x17: {  	[sflag:s13] =	ssyncset.done $0x0  }
0x18: {  	s16 =	rddreg [dreg:$0x3];
	[sflag:s13] =	ssyncadd.s32 $0xFFFFE000  }
0x19: {  	[tilespmem:s4], [sflag:$0x2] =	stream.linear.gather [hbm4b:s16+s4], $0x100, $0x38;
	[tilespmem:$0x12100] =	vst v63  }
0x1a: {  	_ =	swait.ge [sflag:s13], $0x100  }
0x1b: {  	[sflag:s13] =	ssyncset.done $0x0  }
0x1c: {  	[sflag:s13] =	ssyncadd.s32 $0xFFFFFF00  }
0x1d: {  	v4 =	vld [tilespmem:$0x0];
	_ =	sdelay $0x4  }
0x1e: {  	v5 =	vshll.u32 v4, $0x1  }
0x1f: {  	v4 =	vand.u32 $0x7, v4;
	v5 =	vand.u32 $0xFFFFFFF0, v5  }
0x20: {  	v4 =	vor.u32 v4, v5  }
0x21: {  	v5 =	vperm.xlane v4, v0;
	_ =	sdelay $0x1  }
0x22: {  	v4 =	vperm.xlane v4, v2;
	v5 =	vadd.s32 v1, v5;
	_ =	sdelay $0x1  }
0x23: {  	v4 =	vadd.s32 v1, v4;
	_ =	sdelay $0x1  }
0x24: {  	s5 =	simm.s32 $0x100  }
0x25: {  	[tilespmem:s5], [sflag:$0x1] =	stream.indirect_vreg.gather [hbm4b:s3+s4], $0x80, v5, vm0, $0xb8;
	[tilespmem:$0x12100] =	vst v63  }
0x26: {  	s14 =	simm.s32 $0x900  }
0x27: {  	[tilespmem:s14], [sflag:$0x1] =	stream.indirect_vreg.gather [hbm4b:s3+s4], $0x80, v4, vm0, $0xb8;
	[tilespmem:$0x12100] =	vst v63  }
0x28: {  	v4 =	vld [tilespmem:$0x10];
	_ =	sdelay $0x4  }
0x29: {  	v5 =	vshll.u32 v4, $0x1  }
0x2a: {  	v4 =	vand.u32 $0x7, v4;
	v5 =	vand.u32 $0xFFFFFFF0, v5  }
0x2b: {  	v4 =	vor.u32 v4, v5  }
0x2c: {  	v5 =	vperm.xlane v4, v0;
	_ =	sdelay $0x1  }
0x2d: {  	v4 =	vperm.xlane v4, v2;
	v5 =	vadd.s32 v1, v5;
	_ =	sdelay $0x1  }
0x2e: {  	v4 =	vadd.s32 v1, v4;
	_ =	sdelay $0x1  }
0x2f: {  	s15 =	simm.s32 $0x1100  }
0x30: {  	[tilespmem:s15], [sflag:$0x1] =	stream.indirect_vreg.gather [hbm4b:s3+s4], $0x80, v5, vm0, $0xb8;
	[tilespmem:$0x12100] =	vst v63  }
0x31: {  	_ = 	snop  }
0x32: {  	[tilespmem:s17], [sflag:$0x1] =	stream.indirect_vreg.gather [hbm4b:s3+s4], $0x80, v4, vm0, $0xb8;
	[tilespmem:$0x12100] =	vst v63  }
0x33: {  	v4 =	vld [tilespmem:$0x20];
	_ =	sdelay $0x4  }
0x34: {  	v5 =	vshll.u32 v4, $0x1  }
0x35: {  	v4 =	vand.u32 $0x7, v4;
	v5 =	vand.u32 $0xFFFFFFF0, v5  }
0x36: {  	v4 =	vor.u32 v4, v5  }
0x37: {  	v5 =	vperm.xlane v4, v0;
	_ =	sdelay $0x1  }
0x38: {  	v4 =	vperm.xlane v4, v2;
	v5 =	vadd.s32 v1, v5;
	_ =	sdelay $0x1  }
0x39: {  	v4 =	vadd.s32 v1, v4;
	_ =	sdelay $0x2  }
0x3a: {  	[tilespmem:s18], [sflag:$0x1] =	stream.indirect_vreg.gather [hbm4b:s3+s4], $0x80, v5, vm0, $0xb8;
	[tilespmem:$0x12100] =	vst v63  }
0x3b: {  	_ = 	snop  }
0x3c: {  	[tilespmem:s19], [sflag:$0x1] =	stream.indirect_vreg.gather [hbm4b:s3+s4], $0x80, v4, vm0, $0xb8;
	[tilespmem:$0x12100] =	vst v63  }
0x3d: {  	v4 =	vld [tilespmem:$0x30];
	_ =	sdelay $0x4  }
0x3e: {  	v5 =	vshll.u32 v4, $0x1  }
0x3f: {  	v4 =	vand.u32 $0x7, v4;
	v5 =	vand.u32 $0xFFFFFFF0, v5  }
0x40: {  	v4 =	vor.u32 v4, v5  }
0x41: {  	v5 =	vperm.xlane v4, v0;
	_ =	sdelay $0x1  }
0x42: {  	v4 =	vperm.xlane v4, v2;
	v5 =	vadd.s32 v1, v5;
	_ =	sdelay $0x1  }
0x43: {  	v4 =	vadd.s32 v1, v4;
	_ =	sdelay $0x2  }
0x44: {  	[tilespmem:s20], [sflag:$0x1] =	stream.indirect_vreg.gather [hbm4b:s3+s4], $0x80, v5, vm0, $0xb8;
	[tilespmem:$0x12100] =	vst v63  }
0x45: {  	_ = 	snop  }
0x46: {  	[tilespmem:s21], [sflag:$0x1] =	stream.indirect_vreg.gather [hbm4b:s3+s4], $0x80, v4, vm0, $0xb8;
	[tilespmem:$0x12100] =	vst v63  }
0x47: {  	v4 =	vld [tilespmem:$0x40];
	_ =	sdelay $0x4  }
0x48: {  	v5 =	vshll.u32 v4, $0x1  }
0x49: {  	v4 =	vand.u32 $0x7, v4;
	v5 =	vand.u32 $0xFFFFFFF0, v5  }
0x4a: {  	v4 =	vor.u32 v4, v5  }
0x4b: {  	v5 =	vperm.xlane v4, v0;
	_ =	sdelay $0x1  }
0x4c: {  	v4 =	vperm.xlane v4, v2;
	v5 =	vadd.s32 v1, v5;
	_ =	sdelay $0x1  }
0x4d: {  	v4 =	vadd.s32 v1, v4;
	_ =	sdelay $0x2  }
0x4e: {  	[tilespmem:s22], [sflag:$0x1] =	stream.indirect_vreg.gather [hbm4b:s3+s4], $0x80, v5, vm0, $0xb8;
	[tilespmem:$0x12100] =	vst v63  }
0x4f: {  	_ = 	snop  }
0x50: {  	[tilespmem:s23], [sflag:$0x1] =	stream.indirect_vreg.gather [hbm4b:s3+s4], $0x80, v4, vm0, $0xb8;
	[tilespmem:$0x12100] =	vst v63  }
0x51: {  	v4 =	vld [tilespmem:$0x50];
	_ =	sdelay $0x4  }
0x52: {  	v5 =	vshll.u32 v4, $0x1  }
0x53: {  	v4 =	vand.u32 $0x7, v4;
	v5 =	vand.u32 $0xFFFFFFF0, v5  }
0x54: {  	v4 =	vor.u32 v4, v5  }
0x55: {  	v5 =	vperm.xlane v4, v0;
	_ =	sdelay $0x1  }
0x56: {  	v4 =	vperm.xlane v4, v2;
	v5 =	vadd.s32 v1, v5;
	_ =	sdelay $0x1  }
0x57: {  	v4 =	vadd.s32 v1, v4;
	_ =	sdelay $0x2  }
0x58: {  	[tilespmem:s24], [sflag:$0x1] =	stream.indirect_vreg.gather [hbm4b:s3+s4], $0x80, v5, vm0, $0xb8;
	[tilespmem:$0x12100] =	vst v63  }
0x59: {  	_ = 	snop  }
0x5a: {  	[tilespmem:s25], [sflag:$0x1] =	stream.indirect_vreg.gather [hbm4b:s3+s4], $0x80, v4, vm0, $0xb8;
	[tilespmem:$0x12100] =	vst v63  }
0x5b: {  	v4 =	vld [tilespmem:$0x60];
	_ =	sdelay $0x4  }
0x5c: {  	v5 =	vshll.u32 v4, $0x1  }
0x5d: {  	v4 =	vand.u32 $0x7, v4;
	v5 =	vand.u32 $0xFFFFFFF0, v5  }
0x5e: {  	v4 =	vor.u32 v4, v5  }
0x5f: {  	v5 =	vperm.xlane v4, v0;
	_ =	sdelay $0x1  }
0x60: {  	v4 =	vperm.xlane v4, v2;
	v5 =	vadd.s32 v1, v5;
	_ =	sdelay $0x1  }
0x61: {  	v4 =	vadd.s32 v1, v4;
	_ =	sdelay $0x2  }
0x62: {  	[tilespmem:s26], [sflag:$0x1] =	stream.indirect_vreg.gather [hbm4b:s3+s4], $0x80, v5, vm0, $0xb8;
	[tilespmem:$0x12100] =	vst v63  }
0x63: {  	_ = 	snop  }
0x64: {  	[tilespmem:s28], [sflag:$0x1] =	stream.indirect_vreg.gather [hbm4b:s3+s4], $0x80, v4, vm0, $0xb8;
	[tilespmem:$0x12100] =	vst v63  }
0x65: {  	v4 =	vld [tilespmem:$0x70];
	_ =	sdelay $0x4  }
0x66: {  	v5 =	vshll.u32 v4, $0x1  }
0x67: {  	v4 =	vand.u32 $0x7, v4;
	v5 =	vand.u32 $0xFFFFFFF0, v5  }
0x68: {  	v4 =	vor.u32 v4, v5  }
0x69: {  	v5 =	vperm.xlane v4, v0;
	_ =	sdelay $0x1  }
0x6a: {  	v4 =	vperm.xlane v4, v2;
	v5 =	vadd.s32 v1, v5;
	_ =	sdelay $0x1  }
0x6b: {  	v4 =	vadd.s32 v1, v4;
	_ =	sdelay $0x2  }
0x6c: {  	[tilespmem:s29], [sflag:$0x1] =	stream.indirect_vreg.gather [hbm4b:s3+s4], $0x80, v5, vm0, $0xb8;
	[tilespmem:$0x12100] =	vst v63  }
0x6d: {  	_ = 	snop  }
0x6e: {  	[tilespmem:s30], [sflag:$0x1] =	stream.indirect_vreg.gather [hbm4b:s3+s4], $0x80, v4, vm0, $0xb8;
	[tilespmem:$0x12100] =	vst v63  }
0x6f: {  	_ = 	snop  }
0x70: {  	[tilespmem:s31], [sflag:$0x2] =	stream.linear.gather [hbm4b:s6+s4], $0x8000, $0x38;
	[tilespmem:$0x12100] =	vst v63  }
0x71: {  	_ =	swait.ge [sflag:s13], $0x8000  }
0x72: {  	[sflag:s13] =	ssyncset.done $0x0  }
0x73: {  	[sflag:s13] =	ssyncadd.s32 $0xFFFF8000  }
0x74: {  	_ =	swait.ge [sflag:s0], $0x8000  }
0x75: {  	s16 =	sand.u32 $0x7800, s4;
	s14 =	sand.u32 $0x380, s4;
	[sflag:s0] =	ssyncset.done $0x0  }
0x76: {  	s2 =	sor.u32 s14, s16;
	[sflag:s0] =	ssyncadd.s32 $0xFFFF8000  }
0x77: {  	v4 =	vld [tilespmem:s2+$0x100]  }
0x78: {  	v5 =	vld [tilespmem:s2+$0x110]  }
0x79: {  	v6 =	vld [tilespmem:s2+$0x120]  }
0x7a: {  	v7 =	vld [tilespmem:s2+$0x130]  }
0x7b: {  	v8 =	vld [tilespmem:s2+$0x140]  }
0x7c: {  	v10 =	vld [tilespmem:s2+$0x160]  }
0x7d: {  	v12 =	vld [tilespmem:s2+$0x170]  }
0x7e: {  	v11 =	vld [tilespmem:s2+$0x8100]  }
0x7f: {  	v14 =	vld [tilespmem:s2+$0x8110]  }
0x80: {  	v15 =	vld [tilespmem:s2+$0x8120]  }
0x81: {  	v16 =	vld [tilespmem:s2+$0x8130]  }
0x82: {  	v18 =	vld [tilespmem:s2+$0x8140]  }
0x83: {  	v23 =	vld [tilespmem:s2+$0x8160]  }
0x84: {  	v24 =	vld [tilespmem:s2+$0x8170]  }
0x85: {  	v9 =	vld [tilespmem:s2+$0x150]  }
0x86: {  	v13 =	vld [tilespmem:s2+$0x500];
	v17 =	vsub.f32 v4, v11  }
0x87: {  	v20 =	vld [tilespmem:s2+$0x510];
	v5 =	vsub.f32 v5, v14;
	v6 =	vsub.f32 v6, v15  }
0x88: {  	v21 =	vld [tilespmem:s2+$0x520];
	v7 =	vsub.f32 v7, v16;
	v8 =	vsub.f32 v8, v18  }
0x89: {  	v22 =	vld [tilespmem:s2+$0x8150];
	v10 =	vsub.f32 v10, v23;
	v27 =	vsub.f32 v12, v24  }
0x8a: {  	v4 =	vld [tilespmem:s2+$0x530];
	v17 =	vadd.f32 v17, v11;
	v5 =	vadd.f32 v5, v14  }
0x8b: {  	v12 =	vld [tilespmem:s2+$0x8530];
	v7 =	vadd.f32 v7, v16;
	v8 =	vadd.f32 v8, v18  }
0x8c: {  	v17 =	vsub.f32 v11, v17;
	v11 =	vadd.f32 v6, v15;
	v6 =	vld [tilespmem:s2+$0x540]  }
0x8d: {  	v25 =	vsub.f32 v14, v5;
	v14 =	vld [tilespmem:s2+$0x8500];
	v19 =	vsub.f32 v18, v8  }
0x8e: {  	v8 =	vadd.f32 v10, v23;
	v26 =	vsub.f32 v15, v11;
	v11 =	vld [tilespmem:s2+$0x8510]  }
0x8f: {  	v15 =	vsub.f32 v16, v7;
	v7 =	vsub.f32 v9, v22;
	v9 =	vld [tilespmem:s2+$0x8520]  }
0x90: {  	v5 =	vld [tilespmem:s2+$0x550];
	v10 =	vadd.f32 v27, v24  }
0x91: {  	[tilespmem:s2+$0x8100] =	vst v17;
	v17 =	vsub.f32 v23, v8;
	v8 =	vld [tilespmem:s2+$0x570];
	v16 =	vadd.f32 v7, v22  }
0x92: {  	v18 =	vsub.f32 v24, v10;
	v10 =	vld [tilespmem:s2+$0x8540];
	v13 =	vsub.f32 v13, v14  }
0x93: {  	[tilespmem:s2+$0x8110] =	vst v25;
	v7 =	vld [tilespmem:s2+$0x560];
	v16 =	vsub.f32 v22, v16;
	v22 =	vsub.f32 v20, v11  }
0x94: {  	s14 =	simm.s32 $0x80;
	s15 =	simm.s32 $0x100;
	[tilespmem:s2+$0x8120] =	vst v26;
	v20 =	vadd.f32 v13, v14;
	v21 =	vsub.f32 v21, v9;
	v13 =	vld [tilespmem:s2+$0x8550]  }
.LBB2_2:
0x95: {  	s5 =	sand.u32 $0x7800, s15;
	s16 =	sand.u32 $0x380, s14;
	p0 =	sne.s32 s15, $0x7F00;
	[tilespmem:s2+$0x8130] =	vst v15;
	v15 =	vadd.f32 v22, v11;
	v4 =	vsub.f32 v4, v12;
	v22 =	vld [tilespmem:s2+$0x8560]  }
0x96: {  	s5 =	sor.u32 s16, s5;
	[tilespmem:s2+$0x8140] =	vst v19;
	v14 =	vsub.f32 v14, v20;
	v19 =	vadd.f32 v21, v9;
	v20 =	vld [tilespmem:s2+$0x8570]  }
0x97: {  	v21 =	vld [tilespmem:s5+$0x100];
	[tilespmem:s2+$0x8150] =	vst v16;
	v11 =	vsub.f32 v11, v15;
	v4 =	vadd.f32 v4, v12  }
0x98: {  	v15 =	vld [tilespmem:s5+$0x110];
	[tilespmem:s2+$0x8160] =	vst v17;
	v9 =	vsub.f32 v9, v19;
	v6 =	vsub.f32 v6, v10  }
0x99: {  	v16 =	vld [tilespmem:s5+$0x120];
	[tilespmem:s2+$0x8170] =	vst v18;
	v4 =	vsub.f32 v12, v4;
	v5 =	vsub.f32 v5, v13  }
0x9a: {  	v12 =	vld [tilespmem:s5+$0x130];
	[tilespmem:s2+$0x8500] =	vst v14;
	v6 =	vadd.f32 v6, v10;
	v7 =	vsub.f32 v7, v22  }
0x9b: {  	v14 =	vld [tilespmem:s5+$0x140];
	[tilespmem:s2+$0x8510] =	vst v11;
	v5 =	vadd.f32 v5, v13;
	v8 =	vsub.f32 v8, v20  }
0x9c: {  	v11 =	vld [tilespmem:s5+$0x150];
	[tilespmem:s2+$0x8520] =	vst v9;
	v6 =	vsub.f32 v10, v6;
	v7 =	vadd.f32 v7, v22  }
0x9d: {  	v9 =	vld [tilespmem:s5+$0x160];
	[tilespmem:s2+$0x8530] =	vst v4;
	v4 =	vsub.f32 v13, v5;
	v5 =	vadd.f32 v8, v20  }
0x9e: {  	v8 =	vld [tilespmem:s5+$0x170];
	[tilespmem:s2+$0x8540] =	vst v6;
	v6 =	vsub.f32 v22, v7  }
0x9f: {  	v10 =	vld [tilespmem:s5+$0x500];
	[tilespmem:s2+$0x8550] =	vst v4;
	v4 =	vsub.f32 v20, v5  }
0xa0: {  	v13 =	vld [tilespmem:s5+$0x510];
	[tilespmem:s2+$0x8560] =	vst v6  }
0xa1: {  	v5 =	vld [tilespmem:s5+$0x8100];
	[tilespmem:s2+$0x8570] =	vst v4;
	s2 =	smov.u32 s5  }
0xa2: {  	v6 =	vld [tilespmem:s2+$0x8110]  }
0xa3: {  	v7 =	vld [tilespmem:s2+$0x8120]  }
0xa4: {  	v17 =	vld [tilespmem:s2+$0x8130]  }
0xa5: {  	v23 =	vld [tilespmem:s2+$0x520]  }
0xa6: {  	v18 =	vsub.f32 v21, v5;
	v4 =	vld [tilespmem:s2+$0x530]  }
0xa7: {  	v15 =	vsub.f32 v15, v6;
	v19 =	vld [tilespmem:s2+$0x8140]  }
0xa8: {  	v18 =	vadd.f32 v18, v5;
	v16 =	vsub.f32 v16, v7;
	v20 =	vld [tilespmem:s2+$0x8150]  }
0xa9: {  	v15 =	vadd.f32 v15, v6;
	v12 =	vsub.f32 v12, v17;
	v21 =	vld [tilespmem:s2+$0x8160]  }
0xaa: {  	v18 =	vsub.f32 v5, v18;
	v5 =	vadd.f32 v16, v7;
	v22 =	vld [tilespmem:s2+$0x8170]  }
0xab: {  	v24 =	vsub.f32 v6, v15;
	v12 =	vadd.f32 v12, v17;
	v6 =	vld [tilespmem:s2+$0x540]  }
0xac: {  	v25 =	vsub.f32 v7, v5;
	v7 =	vsub.f32 v14, v19;
	v5 =	vld [tilespmem:s2+$0x550]  }
0xad: {  	v15 =	vsub.f32 v17, v12;
	v12 =	vsub.f32 v11, v20;
	v14 =	vld [tilespmem:s2+$0x8500]  }
0xae: {  	v7 =	vadd.f32 v7, v19;
	v16 =	vsub.f32 v9, v21;
	v11 =	vld [tilespmem:s2+$0x8510]  }
0xaf: {  	v17 =	vadd.f32 v12, v20;
	v8 =	vsub.f32 v8, v22;
	v9 =	vld [tilespmem:s2+$0x8520]  }
.Ltmp0:
0xb0: {  	v19 =	vsub.f32 v19, v7;
	v26 =	vadd.f32 v16, v21;
	v12 =	vld [tilespmem:s2+$0x8530];
	(pc) =	sbr.rel @p0 .LBB2_2-.Ltmp0, $4  }
0xb1: {  	v16 =	vsub.f32 v20, v17;
	v20 =	vadd.f32 v8, v22;
	v7 =	vld [tilespmem:s2+$0x560]  }
0xb2: {  	[tilespmem:s2+$0x8100] =	vst v18;
	v17 =	vsub.f32 v21, v26;
	v21 =	vsub.f32 v10, v14;
	v8 =	vld [tilespmem:s2+$0x570]  }
0xb3: {  	[tilespmem:s2+$0x8110] =	vst v24;
	v18 =	vsub.f32 v22, v20;
	v22 =	vsub.f32 v13, v11;
	v10 =	vld [tilespmem:s2+$0x8540]  }
0xb4: {  	s14 =	sadd.s32 $0x80, s14;
	s15 =	sadd.s32 $0x100, s15;
	[tilespmem:s2+$0x8120] =	vst v25;
	v20 =	vadd.f32 v21, v14;
	v21 =	vsub.f32 v23, v9;
	v13 =	vld [tilespmem:s2+$0x8550]  }
0xb5: {  	[tilespmem:s2+$0x8130] =	vst v15;
	v15 =	vadd.f32 v22, v11;
	v4 =	vsub.f32 v4, v12;
	v22 =	vld [tilespmem:s2+$0x8560]  }
0xb6: {  	[tilespmem:s2+$0x8140] =	vst v19;
	v14 =	vsub.f32 v14, v20;
	v19 =	vadd.f32 v21, v9;
	v20 =	vld [tilespmem:s2+$0x8570]  }
0xb7: {  	[tilespmem:s2+$0x8150] =	vst v16;
	v11 =	vsub.f32 v11, v15;
	v4 =	vadd.f32 v4, v12  }
0xb8: {  	[tilespmem:s2+$0x8160] =	vst v17;
	v9 =	vsub.f32 v9, v19;
	v6 =	vsub.f32 v6, v10  }
0xb9: {  	[tilespmem:s2+$0x8170] =	vst v18;
	v4 =	vsub.f32 v12, v4;
	v5 =	vsub.f32 v5, v13  }
0xba: {  	[tilespmem:s2+$0x8500] =	vst v14;
	v6 =	vadd.f32 v6, v10;
	v7 =	vsub.f32 v7, v22  }
0xbb: {  	[tilespmem:s2+$0x8510] =	vst v11;
	v5 =	vadd.f32 v5, v13;
	v8 =	vsub.f32 v8, v20  }
0xbc: {  	[tilespmem:s2+$0x8520] =	vst v9;
	v6 =	vsub.f32 v10, v6;
	v7 =	vadd.f32 v7, v22  }
0xbd: {  	[tilespmem:s2+$0x8530] =	vst v4;
	v4 =	vsub.f32 v13, v5;
	v5 =	vadd.f32 v8, v20  }
0xbe: {  	[tilespmem:s2+$0x8540] =	vst v6;
	v6 =	vsub.f32 v22, v7  }
0xbf: {  	[tilespmem:s2+$0x8550] =	vst v4;
	v4 =	vsub.f32 v20, v5  }
0xc0: {  	[tilespmem:s2+$0x8560] =	vst v6  }
0xc1: {  	[tilespmem:s2+$0x8570] =	vst v4;
	s2 =	simm.s32 $0x0  }
0xc2: {  	[hbm4b:s7+s2] =	stream.linear.scatter [tilespmem:s31], [sflag:$0x2], $0x8000, $0x38;
	[tilespmem:$0x12100] =	vst v63  }
0xc3: {  	_ =	swait.ge [sflag:s13], $0x8000  }
0xc4: {  	[sflag:s13] =	ssyncset.done $0x0  }
0xc5: {  	[sflag:s13] =	ssyncadd.s32 $0xFFFF8000  }
0xc6: {  	v4 =	vld [tilespmem:$0x0];
	_ =	sdelay $0x7  }
0xc7: {  	[tilespmem:v4+s12+$0x0] =	vst.idx.msk $0xffff, v3  }
0xc8: {  	v4 =	vld [tilespmem:$0x10];
	_ =	sdelay $0x7  }
0xc9: {  	[tilespmem:v4+s12+$0x0] =	vst.idx.msk $0xffff, v3  }
0xca: {  	v4 =	vld [tilespmem:$0x20];
	_ =	sdelay $0x7  }
0xcb: {  	[tilespmem:v4+s12+$0x0] =	vst.idx.msk $0xffff, v3  }
0xcc: {  	v4 =	vld [tilespmem:$0x30];
	_ =	sdelay $0x7  }
0xcd: {  	[tilespmem:v4+s12+$0x0] =	vst.idx.msk $0xffff, v3  }
0xce: {  	v4 =	vld [tilespmem:$0x40];
	_ =	sdelay $0x7  }
0xcf: {  	[tilespmem:v4+s12+$0x0] =	vst.idx.msk $0xffff, v3  }
0xd0: {  	v4 =	vld [tilespmem:$0x50];
	_ =	sdelay $0x7  }
0xd1: {  	[tilespmem:v4+s12+$0x0] =	vst.idx.msk $0xffff, v3  }
0xd2: {  	v4 =	vld [tilespmem:$0x60];
	_ =	sdelay $0x7  }
0xd3: {  	[tilespmem:v4+s12+$0x0] =	vst.idx.msk $0xffff, v3  }
0xd4: {  	v4 =	vld [tilespmem:$0x70];
	_ =	sdelay $0x7  }
0xd5: {  	[tilespmem:v4+s12+$0x0] =	vst.idx.msk $0xffff, v3  }
0xd6: {  	v4 =	vld [tilespmem:$0x80];
	_ =	sdelay $0x4  }
0xd7: {  	v5 =	vshll.u32 v4, $0x1  }
0xd8: {  	v4 =	vand.u32 $0x7, v4;
	v5 =	vand.u32 $0xFFFFFFF0, v5  }
0xd9: {  	v4 =	vor.u32 v4, v5  }
0xda: {  	v5 =	vperm.xlane v4, v0;
	_ =	sdelay $0x1  }
0xdb: {  	v4 =	vperm.xlane v4, v2;
	v5 =	vadd.s32 v1, v5;
	_ =	sdelay $0x1  }
0xdc: {  	v4 =	vadd.s32 v1, v4;
	_ =	sdelay $0x1  }
0xdd: {  	s5 =	simm.s32 $0x100  }
0xde: {  	[tilespmem:s5], [sflag:$0x1] =	stream.indirect_vreg.gather [hbm4b:s3+s2], $0x80, v5, vm0, $0xb8;
	[tilespmem:$0x12100] =	vst v63  }
0xdf: {  	s14 =	simm.s32 $0x900  }
0xe0: {  	[tilespmem:s14], [sflag:$0x1] =	stream.indirect_vreg.gather [hbm4b:s3+s2], $0x80, v4, vm0, $0xb8;
	[tilespmem:$0x12100] =	vst v63  }
0xe1: {  	v4 =	vld [tilespmem:$0x90];
	_ =	sdelay $0x4  }
0xe2: {  	v5 =	vshll.u32 v4, $0x1  }
0xe3: {  	v4 =	vand.u32 $0x7, v4;
	v5 =	vand.u32 $0xFFFFFFF0, v5  }
0xe4: {  	v4 =	vor.u32 v4, v5  }
0xe5: {  	v5 =	vperm.xlane v4, v0;
	_ =	sdelay $0x1  }
0xe6: {  	v4 =	vperm.xlane v4, v2;
	v5 =	vadd.s32 v1, v5;
	_ =	sdelay $0x1  }
0xe7: {  	v4 =	vadd.s32 v1, v4;
	_ =	sdelay $0x1  }
0xe8: {  	s15 =	simm.s32 $0x1100  }
0xe9: {  	[tilespmem:s15], [sflag:$0x1] =	stream.indirect_vreg.gather [hbm4b:s3+s2], $0x80, v5, vm0, $0xb8;
	[tilespmem:$0x12100] =	vst v63  }
0xea: {  	_ = 	snop  }
0xeb: {  	[tilespmem:s17], [sflag:$0x1] =	stream.indirect_vreg.gather [hbm4b:s3+s2], $0x80, v4, vm0, $0xb8;
	[tilespmem:$0x12100] =	vst v63  }
0xec: {  	v4 =	vld [tilespmem:$0xA0];
	_ =	sdelay $0x4  }
0xed: {  	v5 =	vshll.u32 v4, $0x1  }
0xee: {  	v4 =	vand.u32 $0x7, v4;
	v5 =	vand.u32 $0xFFFFFFF0, v5  }
0xef: {  	v4 =	vor.u32 v4, v5  }
0xf0: {  	v5 =	vperm.xlane v4, v0;
	_ =	sdelay $0x1  }
0xf1: {  	v4 =	vperm.xlane v4, v2;
	v5 =	vadd.s32 v1, v5;
	_ =	sdelay $0x1  }
0xf2: {  	v4 =	vadd.s32 v1, v4;
	_ =	sdelay $0x2  }
0xf3: {  	[tilespmem:s18], [sflag:$0x1] =	stream.indirect_vreg.gather [hbm4b:s3+s2], $0x80, v5, vm0, $0xb8;
	[tilespmem:$0x12100] =	vst v63  }
0xf4: {  	_ = 	snop  }
0xf5: {  	[tilespmem:s19], [sflag:$0x1] =	stream.indirect_vreg.gather [hbm4b:s3+s2], $0x80, v4, vm0, $0xb8;
	[tilespmem:$0x12100] =	vst v63  }
0xf6: {  	v4 =	vld [tilespmem:$0xB0];
	_ =	sdelay $0x4  }
0xf7: {  	v5 =	vshll.u32 v4, $0x1  }
0xf8: {  	v4 =	vand.u32 $0x7, v4;
	v5 =	vand.u32 $0xFFFFFFF0, v5  }
0xf9: {  	v4 =	vor.u32 v4, v5  }
0xfa: {  	v5 =	vperm.xlane v4, v0;
	_ =	sdelay $0x1  }
0xfb: {  	v4 =	vperm.xlane v4, v2;
	v5 =	vadd.s32 v1, v5;
	_ =	sdelay $0x1  }
0xfc: {  	v4 =	vadd.s32 v1, v4;
	_ =	sdelay $0x2  }
0xfd: {  	[tilespmem:s20], [sflag:$0x1] =	stream.indirect_vreg.gather [hbm4b:s3+s2], $0x80, v5, vm0, $0xb8;
	[tilespmem:$0x12100] =	vst v63  }
0xfe: {  	_ = 	snop  }
0xff: {  	[tilespmem:s21], [sflag:$0x1] =	stream.indirect_vreg.gather [hbm4b:s3+s2], $0x80, v4, vm0, $0xb8;
	[tilespmem:$0x12100] =	vst v63  }
0x100: {  	v4 =	vld [tilespmem:$0xC0];
	_ =	sdelay $0x4  }
0x101: {  	v5 =	vshll.u32 v4, $0x1  }
0x102: {  	v4 =	vand.u32 $0x7, v4;
	v5 =	vand.u32 $0xFFFFFFF0, v5  }
0x103: {  	v4 =	vor.u32 v4, v5  }
0x104: {  	v5 =	vperm.xlane v4, v0;
	_ =	sdelay $0x1  }
0x105: {  	v4 =	vperm.xlane v4, v2;
	v5 =	vadd.s32 v1, v5;
	_ =	sdelay $0x1  }
0x106: {  	v4 =	vadd.s32 v1, v4;
	_ =	sdelay $0x2  }
0x107: {  	[tilespmem:s22], [sflag:$0x1] =	stream.indirect_vreg.gather [hbm4b:s3+s2], $0x80, v5, vm0, $0xb8;
	[tilespmem:$0x12100] =	vst v63  }
0x108: {  	_ = 	snop  }
0x109: {  	[tilespmem:s23], [sflag:$0x1] =	stream.indirect_vreg.gather [hbm4b:s3+s2], $0x80, v4, vm0, $0xb8;
	[tilespmem:$0x12100] =	vst v63  }
0x10a: {  	v4 =	vld [tilespmem:$0xD0];
	_ =	sdelay $0x4  }
0x10b: {  	v5 =	vshll.u32 v4, $0x1  }
0x10c: {  	v4 =	vand.u32 $0x7, v4;
	v5 =	vand.u32 $0xFFFFFFF0, v5  }
0x10d: {  	v4 =	vor.u32 v4, v5  }
0x10e: {  	v5 =	vperm.xlane v4, v0;
	_ =	sdelay $0x1  }
0x10f: {  	v4 =	vperm.xlane v4, v2;
	v5 =	vadd.s32 v1, v5;
	_ =	sdelay $0x1  }
0x110: {  	v4 =	vadd.s32 v1, v4;
	_ =	sdelay $0x2  }
0x111: {  	[tilespmem:s24], [sflag:$0x1] =	stream.indirect_vreg.gather [hbm4b:s3+s2], $0x80, v5, vm0, $0xb8;
	[tilespmem:$0x12100] =	vst v63  }
0x112: {  	_ = 	snop  }
0x113: {  	[tilespmem:s25], [sflag:$0x1] =	stream.indirect_vreg.gather [hbm4b:s3+s2], $0x80, v4, vm0, $0xb8;
	[tilespmem:$0x12100] =	vst v63  }
0x114: {  	v4 =	vld [tilespmem:$0xE0];
	_ =	sdelay $0x4  }
0x115: {  	v5 =	vshll.u32 v4, $0x1  }
0x116: {  	v4 =	vand.u32 $0x7, v4;
	v5 =	vand.u32 $0xFFFFFFF0, v5  }
0x117: {  	v4 =	vor.u32 v4, v5  }
0x118: {  	v5 =	vperm.xlane v4, v0;
	_ =	sdelay $0x1  }
0x119: {  	v4 =	vperm.xlane v4, v2;
	v5 =	vadd.s32 v1, v5;
	_ =	sdelay $0x1  }
0x11a: {  	v4 =	vadd.s32 v1, v4;
	_ =	sdelay $0x2  }
0x11b: {  	[tilespmem:s26], [sflag:$0x1] =	stream.indirect_vreg.gather [hbm4b:s3+s2], $0x80, v5, vm0, $0xb8;
	[tilespmem:$0x12100] =	vst v63  }
0x11c: {  	_ = 	snop  }
0x11d: {  	[tilespmem:s28], [sflag:$0x1] =	stream.indirect_vreg.gather [hbm4b:s3+s2], $0x80, v4, vm0, $0xb8;
	[tilespmem:$0x12100] =	vst v63  }
0x11e: {  	v4 =	vld [tilespmem:$0xF0];
	_ =	sdelay $0x4  }
0x11f: {  	v5 =	vshll.u32 v4, $0x1  }
0x120: {  	v4 =	vand.u32 $0x7, v4;
	v5 =	vand.u32 $0xFFFFFFF0, v5  }
0x121: {  	v4 =	vor.u32 v4, v5  }
0x122: {  	v5 =	vperm.xlane v4, v0;
	_ =	sdelay $0x1  }
0x123: {  	v4 =	vperm.xlane v4, v2;
	v5 =	vadd.s32 v1, v5;
	_ =	sdelay $0x1  }
0x124: {  	v4 =	vadd.s32 v1, v4;
	_ =	sdelay $0x2  }
0x125: {  	[tilespmem:s29], [sflag:$0x1] =	stream.indirect_vreg.gather [hbm4b:s3+s2], $0x80, v5, vm0, $0xb8;
	[tilespmem:$0x12100] =	vst v63  }
0x126: {  	_ = 	snop  }
0x127: {  	[tilespmem:s30], [sflag:$0x1] =	stream.indirect_vreg.gather [hbm4b:s3+s2], $0x80, v4, vm0, $0xb8;
	[tilespmem:$0x12100] =	vst v63  }
0x128: {  	_ = 	snop  }
0x129: {  	[tilespmem:s31], [sflag:$0x2] =	stream.linear.gather [hbm4b:s8+s2], $0x8000, $0x38;
	[tilespmem:$0x12100] =	vst v63  }
0x12a: {  	_ =	swait.ge [sflag:s13], $0x8000  }
0x12b: {  	[sflag:s13] =	ssyncset.done $0x0  }
0x12c: {  	[sflag:s13] =	ssyncadd.s32 $0xFFFF8000  }
0x12d: {  	_ =	swait.ge [sflag:s0], $0x8000  }
0x12e: {  	s16 =	sand.u32 $0x7800, s2;
	s2 =	sand.u32 $0x380, s2;
	[sflag:s0] =	ssyncset.done $0x0  }
0x12f: {  	s2 =	sor.u32 s2, s16;
	[sflag:s0] =	ssyncadd.s32 $0xFFFF8000  }
0x130: {  	v4 =	vld [tilespmem:s2+$0x100]  }
0x131: {  	v5 =	vld [tilespmem:s2+$0x110]  }
0x132: {  	v6 =	vld [tilespmem:s2+$0x120]  }
0x133: {  	v7 =	vld [tilespmem:s2+$0x130]  }
0x134: {  	v8 =	vld [tilespmem:s2+$0x140]  }
0x135: {  	v10 =	vld [tilespmem:s2+$0x160]  }
0x136: {  	v12 =	vld [tilespmem:s2+$0x170]  }
0x137: {  	v11 =	vld [tilespmem:s2+$0x8100]  }
0x138: {  	v14 =	vld [tilespmem:s2+$0x8110]  }
0x139: {  	v15 =	vld [tilespmem:s2+$0x8120]  }
0x13a: {  	v16 =	vld [tilespmem:s2+$0x8130]  }
0x13b: {  	v18 =	vld [tilespmem:s2+$0x8140]  }
0x13c: {  	v23 =	vld [tilespmem:s2+$0x8160]  }
0x13d: {  	v24 =	vld [tilespmem:s2+$0x8170]  }
0x13e: {  	v9 =	vld [tilespmem:s2+$0x150]  }
0x13f: {  	v13 =	vld [tilespmem:s2+$0x500];
	v17 =	vsub.f32 v4, v11  }
0x140: {  	v20 =	vld [tilespmem:s2+$0x510];
	v5 =	vsub.f32 v5, v14;
	v6 =	vsub.f32 v6, v15  }
0x141: {  	v21 =	vld [tilespmem:s2+$0x520];
	v7 =	vsub.f32 v7, v16;
	v8 =	vsub.f32 v8, v18  }
0x142: {  	v22 =	vld [tilespmem:s2+$0x8150];
	v10 =	vsub.f32 v10, v23;
	v27 =	vsub.f32 v12, v24  }
0x143: {  	v4 =	vld [tilespmem:s2+$0x530];
	v17 =	vadd.f32 v17, v11;
	v5 =	vadd.f32 v5, v14  }
0x144: {  	v12 =	vld [tilespmem:s2+$0x8530];
	v7 =	vadd.f32 v7, v16;
	v8 =	vadd.f32 v8, v18  }
0x145: {  	v17 =	vsub.f32 v11, v17;
	v11 =	vadd.f32 v6, v15;
	v6 =	vld [tilespmem:s2+$0x540]  }
0x146: {  	v25 =	vsub.f32 v14, v5;
	v14 =	vld [tilespmem:s2+$0x8500];
	v19 =	vsub.f32 v18, v8  }
0x147: {  	v8 =	vadd.f32 v10, v23;
	v26 =	vsub.f32 v15, v11;
	v11 =	vld [tilespmem:s2+$0x8510]  }
0x148: {  	v15 =	vsub.f32 v16, v7;
	v7 =	vsub.f32 v9, v22;
	v9 =	vld [tilespmem:s2+$0x8520]  }
0x149: {  	v5 =	vld [tilespmem:s2+$0x550];
	v10 =	vadd.f32 v27, v24  }
0x14a: {  	[tilespmem:s2+$0x8100] =	vst v17;
	v17 =	vsub.f32 v23, v8;
	v8 =	vld [tilespmem:s2+$0x570];
	v16 =	vadd.f32 v7, v22  }
0x14b: {  	v18 =	vsub.f32 v24, v10;
	v10 =	vld [tilespmem:s2+$0x8540];
	v13 =	vsub.f32 v13, v14  }
0x14c: {  	[tilespmem:s2+$0x8110] =	vst v25;
	v7 =	vld [tilespmem:s2+$0x560];
	v16 =	vsub.f32 v22, v16;
	v22 =	vsub.f32 v20, v11  }
0x14d: {  	s14 =	simm.s32 $0x80;
	s15 =	simm.s32 $0x100;
	[tilespmem:s2+$0x8120] =	vst v26;
	v20 =	vadd.f32 v13, v14;
	v21 =	vsub.f32 v21, v9;
	v13 =	vld [tilespmem:s2+$0x8550]  }
.LBB2_4:
0x14e: {  	s5 =	sand.u32 $0x7800, s15;
	s16 =	sand.u32 $0x380, s14;
	p0 =	sne.s32 s15, $0x7F00;
	[tilespmem:s2+$0x8130] =	vst v15;
	v15 =	vadd.f32 v22, v11;
	v4 =	vsub.f32 v4, v12;
	v22 =	vld [tilespmem:s2+$0x8560]  }
0x14f: {  	s5 =	sor.u32 s16, s5;
	[tilespmem:s2+$0x8140] =	vst v19;
	v14 =	vsub.f32 v14, v20;
	v19 =	vadd.f32 v21, v9;
	v20 =	vld [tilespmem:s2+$0x8570]  }
0x150: {  	v21 =	vld [tilespmem:s5+$0x100];
	[tilespmem:s2+$0x8150] =	vst v16;
	v11 =	vsub.f32 v11, v15;
	v4 =	vadd.f32 v4, v12  }
0x151: {  	v15 =	vld [tilespmem:s5+$0x110];
	[tilespmem:s2+$0x8160] =	vst v17;
	v9 =	vsub.f32 v9, v19;
	v6 =	vsub.f32 v6, v10  }
0x152: {  	v16 =	vld [tilespmem:s5+$0x120];
	[tilespmem:s2+$0x8170] =	vst v18;
	v4 =	vsub.f32 v12, v4;
	v5 =	vsub.f32 v5, v13  }
0x153: {  	v12 =	vld [tilespmem:s5+$0x130];
	[tilespmem:s2+$0x8500] =	vst v14;
	v6 =	vadd.f32 v6, v10;
	v7 =	vsub.f32 v7, v22  }
0x154: {  	v14 =	vld [tilespmem:s5+$0x140];
	[tilespmem:s2+$0x8510] =	vst v11;
	v5 =	vadd.f32 v5, v13;
	v8 =	vsub.f32 v8, v20  }
0x155: {  	v11 =	vld [tilespmem:s5+$0x150];
	[tilespmem:s2+$0x8520] =	vst v9;
	v6 =	vsub.f32 v10, v6;
	v7 =	vadd.f32 v7, v22  }
0x156: {  	v9 =	vld [tilespmem:s5+$0x160];
	[tilespmem:s2+$0x8530] =	vst v4;
	v4 =	vsub.f32 v13, v5;
	v5 =	vadd.f32 v8, v20  }
0x157: {  	v8 =	vld [tilespmem:s5+$0x170];
	[tilespmem:s2+$0x8540] =	vst v6;
	v6 =	vsub.f32 v22, v7  }
0x158: {  	v10 =	vld [tilespmem:s5+$0x500];
	[tilespmem:s2+$0x8550] =	vst v4;
	v4 =	vsub.f32 v20, v5  }
0x159: {  	v13 =	vld [tilespmem:s5+$0x510];
	[tilespmem:s2+$0x8560] =	vst v6  }
0x15a: {  	v5 =	vld [tilespmem:s5+$0x8100];
	[tilespmem:s2+$0x8570] =	vst v4;
	s2 =	smov.u32 s5  }
0x15b: {  	v6 =	vld [tilespmem:s2+$0x8110]  }
0x15c: {  	v7 =	vld [tilespmem:s2+$0x8120]  }
0x15d: {  	v17 =	vld [tilespmem:s2+$0x8130]  }
0x15e: {  	v23 =	vld [tilespmem:s2+$0x520]  }
0x15f: {  	v18 =	vsub.f32 v21, v5;
	v4 =	vld [tilespmem:s2+$0x530]  }
0x160: {  	v15 =	vsub.f32 v15, v6;
	v19 =	vld [tilespmem:s2+$0x8140]  }
0x161: {  	v18 =	vadd.f32 v18, v5;
	v16 =	vsub.f32 v16, v7;
	v20 =	vld [tilespmem:s2+$0x8150]  }
0x162: {  	v15 =	vadd.f32 v15, v6;
	v12 =	vsub.f32 v12, v17;
	v21 =	vld [tilespmem:s2+$0x8160]  }
0x163: {  	v18 =	vsub.f32 v5, v18;
	v5 =	vadd.f32 v16, v7;
	v22 =	vld [tilespmem:s2+$0x8170]  }
0x164: {  	v24 =	vsub.f32 v6, v15;
	v12 =	vadd.f32 v12, v17;
	v6 =	vld [tilespmem:s2+$0x540]  }
0x165: {  	v25 =	vsub.f32 v7, v5;
	v7 =	vsub.f32 v14, v19;
	v5 =	vld [tilespmem:s2+$0x550]  }
0x166: {  	v15 =	vsub.f32 v17, v12;
	v12 =	vsub.f32 v11, v20;
	v14 =	vld [tilespmem:s2+$0x8500]  }
0x167: {  	v7 =	vadd.f32 v7, v19;
	v16 =	vsub.f32 v9, v21;
	v11 =	vld [tilespmem:s2+$0x8510]  }
0x168: {  	v17 =	vadd.f32 v12, v20;
	v8 =	vsub.f32 v8, v22;
	v9 =	vld [tilespmem:s2+$0x8520]  }
.Ltmp1:
0x169: {  	v19 =	vsub.f32 v19, v7;
	v26 =	vadd.f32 v16, v21;
	v12 =	vld [tilespmem:s2+$0x8530];
	(pc) =	sbr.rel @p0 .LBB2_4-.Ltmp1, $4  }
0x16a: {  	v16 =	vsub.f32 v20, v17;
	v20 =	vadd.f32 v8, v22;
	v7 =	vld [tilespmem:s2+$0x560]  }
0x16b: {  	[tilespmem:s2+$0x8100] =	vst v18;
	v17 =	vsub.f32 v21, v26;
	v21 =	vsub.f32 v10, v14;
	v8 =	vld [tilespmem:s2+$0x570]  }
0x16c: {  	[tilespmem:s2+$0x8110] =	vst v24;
	v18 =	vsub.f32 v22, v20;
	v22 =	vsub.f32 v13, v11;
	v10 =	vld [tilespmem:s2+$0x8540]  }
0x16d: {  	s14 =	sadd.s32 $0x80, s14;
	s15 =	sadd.s32 $0x100, s15;
	[tilespmem:s2+$0x8120] =	vst v25;
	v20 =	vadd.f32 v21, v14;
	v21 =	vsub.f32 v23, v9;
	v13 =	vld [tilespmem:s2+$0x8550]  }
0x16e: {  	[tilespmem:s2+$0x8130] =	vst v15;
	v59 =	vadd.f32 v22, v11;
	v4 =	vsub.f32 v4, v12;
	v60 =	vld [tilespmem:s2+$0x8560]  }
0x16f: {  	[tilespmem:s2+$0x8140] =	vst v19;
	v62 =	vld [tilespmem:s2+$0x8570];
	v14 =	vsub.f32 v14, v20;
	v61 =	vadd.f32 v21, v9  }
0x170: {  	[tilespmem:s2+$0x8150] =	vst v16;
	v11 =	vsub.f32 v11, v59;
	v4 =	vadd.f32 v4, v12  }
0x171: {  	[tilespmem:s2+$0x8160] =	vst v17;
	v9 =	vsub.f32 v9, v61;
	v6 =	vsub.f32 v6, v10  }
0x172: {  	[tilespmem:s2+$0x8170] =	vst v18;
	v4 =	vsub.f32 v12, v4;
	v5 =	vsub.f32 v5, v13  }
0x173: {  	[tilespmem:s2+$0x8500] =	vst v14;
	v6 =	vadd.f32 v6, v10;
	v7 =	vsub.f32 v7, v60  }
0x174: {  	[tilespmem:s2+$0x8510] =	vst v11;
	v8 =	vsub.f32 v8, v62;
	v5 =	vadd.f32 v5, v13  }
0x175: {  	[tilespmem:s2+$0x8520] =	vst v9;
	v6 =	vsub.f32 v10, v6;
	v7 =	vadd.f32 v7, v60  }
0x176: {  	[tilespmem:s2+$0x8530] =	vst v4;
	v4 =	vsub.f32 v13, v5;
	v5 =	vadd.f32 v8, v62  }
0x177: {  	[tilespmem:s2+$0x8540] =	vst v6;
	v63 =	vsub.f32 v60, v7  }
0x178: {  	[tilespmem:s2+$0x8550] =	vst v4;
	v4 =	vsub.f32 v62, v5  }
0x179: {  	[tilespmem:s2+$0x8560] =	vst v63  }
0x17a: {  	[tilespmem:s2+$0x8570] =	vst v4  }
0x17b: {  	[hbm4b:s9+s4] =	stream.linear.scatter [tilespmem:s31], [sflag:$0x2], $0x8000, $0x38;
	[tilespmem:$0x12100] =	vst v63  }
0x17c: {  	_ =	swait.ge [sflag:s13], $0x8000  }
0x17d: {  	[sflag:s13] =	ssyncset.done $0x0  }
0x17e: {  	[sflag:s13] =	ssyncadd.s32 $0xFFFF8000  }
0x17f: {  	v4 =	vld [tilespmem:$0x80];
	_ =	sdelay $0x7  }
0x180: {  	[tilespmem:v4+s12+$0x0] =	vst.idx.msk $0xffff, v3  }
0x181: {  	v4 =	vld [tilespmem:$0x90];
	_ =	sdelay $0x7  }
0x182: {  	[tilespmem:v4+s12+$0x0] =	vst.idx.msk $0xffff, v3  }
0x183: {  	v4 =	vld [tilespmem:$0xA0];
	_ =	sdelay $0x7  }
0x184: {  	[tilespmem:v4+s12+$0x0] =	vst.idx.msk $0xffff, v3  }
0x185: {  	v4 =	vld [tilespmem:$0xB0];
	_ =	sdelay $0x7  }
0x186: {  	[tilespmem:v4+s12+$0x0] =	vst.idx.msk $0xffff, v3  }
0x187: {  	v4 =	vld [tilespmem:$0xC0];
	_ =	sdelay $0x7  }
0x188: {  	[tilespmem:v4+s12+$0x0] =	vst.idx.msk $0xffff, v3  }
0x189: {  	v4 =	vld [tilespmem:$0xD0];
	_ =	sdelay $0x7  }
0x18a: {  	[tilespmem:v4+s12+$0x0] =	vst.idx.msk $0xffff, v3  }
0x18b: {  	v4 =	vld [tilespmem:$0xE0];
	_ =	sdelay $0x7  }
0x18c: {  	[tilespmem:v4+s12+$0x0] =	vst.idx.msk $0xffff, v3  }
0x18d: {  	v4 =	vld [tilespmem:$0xF0];
	_ =	sdelay $0x5  }
0x18e: {  	s1 =	sadd.s32 $0x1, s1  }
0x18f: {  	p0 =	sne.s32 s1, s11  }
.Ltmp2:
0x190: {  	s16 =	simm.s32 $0x80;
	s5 =	simm.s32 $0x400;
	[tilespmem:v4+s12+$0x0] =	vst.idx.msk $0xffff, v3;
	(pc) =	sbr.rel @p0 .LBB2_1-.Ltmp2, $4  }
0x191: {  	[hbm4b:s10+s16] =	stream.strided.scatter [tilespmem:s12], [sflag:$0x2], $0x2000, s5, s16, $0x38;
	[tilespmem:$0x12100] =	vst v63  }
0x192: {  	_ =	swait.ge [sflag:s13], $0x2000  }
0x193: {  	[sflag:s13] =	ssyncset.done $0x0  }
0x194: {  	[sflag:s13] =	ssyncadd.s32 $0xFFFFE000  }
0x195: {  	_ =	sfence.sel $0x180000  }
0x196: {  	[bflag:$0x0] =	sbarrier.arrive $0xFFFF  }
0x197: {  	_ =	strace $0x90000050  }
0x198: {  	s0 =	stileid.u32;
	[bflag:$0x2] =	sbarrier.arrive $0xFFFF  }
0x199: {  	p0 =	sne.s32 s0, $0x0;
	s0 =	rddreg [dreg:$0x2]  }
0x19a: {  	s0 =	sadd.s32 @!p0 $0x100000, s0  }
0x19b: {  	[sflag:s0] =	ssyncadd.tile.s32 @!p0 $0x1;
	_ =	shalt  }
.Lfunc_end2:
_tile_overlayer_lowered:
.L_overlay_start_2:
0x19c: {  	(tag) =	ssettag $0x2  }
0x19d: {  	s0 =	rddreg [dreg:$0x0];
	s2 =	stileid.u32  }
0x19e: {  	s1 =	rddreg [dreg:$0x1];
	p0 =	sne.s32 s2, $0x0  }
0x19f: {  	s3 =	rddreg [dreg:$0x2];
	[bflag:$0x3] =	sbarrier.arrive $0xFFFF;
	s2 =	simm.s32 @!p0 $0x1C02  }
0x1a0: {  	[timem:s3], [sflag:s2] =	dma.local @!p0 [hbm:s0], s1  }
0x1a1: {  	s0 =	simm.s32 @!p0 $0x2  }
0x1a2: {  	_ =	swait.ge @!p0 [sflag:s0], s1  }
0x1a3: {  	s1 =	ssub.s32 @!p0 $0x0, s1;
	[sflag:s0] =	ssyncset.done @!p0 $0x0  }
0x1a4: {  	[sflag:s0] =	ssyncadd.s32 @!p0 s1  }
0x1a5: {  	[bflag:$0x3] =	sbarrier.arrive $0xFFFF  }
0x1a6: {  	_ =	shalt  }

</sc_bundles>
